<compile_context>
chip_gen: v7x
topology: tpu7x:2x2x1
jax: 0.10.2.dev20260603
libtpu: 0.0.44.dev20260713+nightly
codegen_flags: <defaults>
</compile_context>

<pallas_src>
import functools

import jax
import jax.numpy as jnp
from jax import lax
from jax.experimental import pallas as pl
from jax.experimental.pallas import tpu as pltpu
from jax.experimental.pallas import tpu_sc as plsc

B = 8
N = 4096
FEAT = 6
NPOINT = 512
K = 16
SL, LN = 32, 128
FPAD = 8

BIGF = 3.0e38


TR = 16


FPI = 8


def _fps_knn_fused(xyzj_ref, knn_ref, distance_s, cen_s, ring_s):
    i = pl.program_id(0)
    x0 = xyzj_ref[0]
    x1 = xyzj_ref[1]
    x2 = xyzj_ref[2]
    jidx = xyzj_ref[3]

    @pl.when(i == 0)
    def _init():
        distance_s[...] = jnp.full((SL, B, LN), 1e10, dtype=jnp.float32)
        cen_s[0:1] = x0[0:1, :, 0:1]
        cen_s[1:2] = x1[0:1, :, 0:1]
        cen_s[2:3] = x2[0:1, :, 0:1]
        ring_s[...] = jnp.zeros(ring_s.shape, dtype=jnp.float32)

    wslot = lax.rem(i, 2)
    rslot = lax.rem(i + 1, 2)

    boff = (lax.broadcasted_iota(jnp.int32, (1, B, 1), 1) * N
            ).astype(jnp.float32)
    for r in range(FPI):
        d = ring_s[rslot, r]
        cols = []
        for _ in range(K):
            mn = jnp.min(d, axis=(0, 2), keepdims=True)
            t = jnp.where(d == mn, jidx, float(N))
            ji = jnp.min(t, axis=(0, 2), keepdims=True)
            d = jnp.where(t == ji, BIGF, d)
            cols.append((ji + boff).astype(jnp.int32))
        knn_ref[pl.ds(r, 1)] = jnp.concatenate(cols, axis=2)

    cx = cen_s[0:1]
    cy = cen_s[1:2]
    cz = cen_s[2:3]
    distance = distance_s[...]
    for s in range(FPI):
        dx = x0 - cx
        dy = x1 - cy
        dz = x2 - cz
        dist = dx * dx + dy * dy + dz * dz
        distance = jnp.minimum(distance, dist)
        ring_s[wslot, s] = dist
        d, px, py, pz, pj = distance, x0, x1, x2, jidx
        n = SL
        while n > 1:
            h = n // 2
            cond = d[:h] >= d[h:n]
            d = jnp.where(cond, d[:h], d[h:n])
            px = jnp.where(cond, px[:h], px[h:n])
            py = jnp.where(cond, py[:h], py[h:n])
            pz = jnp.where(cond, pz[:h], pz[h:n])
            pj = jnp.where(cond, pj[:h], pj[h:n])
            n = h
        mx = jnp.max(d, axis=2, keepdims=True)
        jm = jnp.min(jnp.where(d == mx, pj, BIGF), axis=2, keepdims=True)
        s2 = pj == jm
        cx = jnp.sum(jnp.where(s2, px, 0.0), axis=2, keepdims=True)
        cy = jnp.sum(jnp.where(s2, py, 0.0), axis=2, keepdims=True)
        cz = jnp.sum(jnp.where(s2, pz, 0.0), axis=2, keepdims=True)
    distance_s[...] = distance
    cen_s[0:1] = cx
    cen_s[1:2] = cy
    cen_s[2:3] = cz


def _fps_knn(xyzT):
    jplane = (jnp.arange(SL * LN, dtype=jnp.int32).astype(jnp.float32)
              .reshape(SL, 1, LN))
    xyzj = jnp.concatenate(
        [xyzT, jnp.broadcast_to(jplane, (1, SL, B, LN))], axis=0)
    nstep = NPOINT // FPI
    return pl.pallas_call(
        _fps_knn_fused,
        grid=(nstep + 1,),
        in_specs=[pl.BlockSpec((4, SL, B, LN), lambda i: (0, 0, 0, 0))],
        out_specs=pl.BlockSpec(
            (FPI, B, K), lambda i: (jnp.maximum(i - 1, 0), 0, 0)),
        out_shape=jax.ShapeDtypeStruct((NPOINT, B, K), jnp.int32),
        scratch_shapes=[
            pltpu.VMEM((SL, B, LN), jnp.float32),
            pltpu.VMEM((3, B, 1), jnp.float32),
            pltpu.VMEM((2, FPI, SL, B, LN), jnp.float32),
        ],
    )(xyzj)


def _sc_gather(table, idx):
    info = plsc.get_sparse_core_info()
    nc, ns = info.num_cores, info.num_subcores
    nw = nc * ns
    total = B * NPOINT * K
    ch = total // (nw * 128)

    mesh = plsc.VectorSubcoreMesh(core_axis_name="c", subcore_axis_name="s")

    @functools.partial(
        pl.kernel,
        mesh=mesh,
        out_type=jax.ShapeDtypeStruct((nw, ch, 128, FPAD), jnp.float32),
        scratch_types=[
            pltpu.VMEM((ch, 128), jnp.int32),
            pltpu.VMEM((ch, 128, FPAD), jnp.float32),
            pltpu.SemaphoreType.DMA,
        ],
        compiler_params=pltpu.CompilerParams(use_tc_tiling_on_sc=False),
    )
    def gather_k(tab_hbm, idx_hbm, out_hbm, idx_v, rows_v, sem):
        w = lax.axis_index("s") * nc + lax.axis_index("c")
        pltpu.sync_copy(idx_hbm.at[w], idx_v)
        copies = []
        for c in range(ch):
            copies.append(
                pltpu.async_copy(tab_hbm.at[idx_v.at[c]], rows_v.at[c], sem))
        for cp in copies:
            cp.wait()
        pltpu.sync_copy(rows_v, out_hbm.at[w])

    return gather_k(table, idx)


def kernel(x):
    xyzT = (x[:, :, :3].transpose(2, 0, 1).reshape(3, B, SL, LN)
            .transpose(0, 2, 1, 3))
    knn = _fps_knn(xyzT)

    info = plsc.get_sparse_core_info()
    nw = info.num_cores * info.num_subcores
    total = B * NPOINT * K
    ch = total // (nw * 128)
    idx = knn.transpose(1, 0, 2).reshape(nw, ch, 128)

    table = jnp.pad(x, ((0, 0), (0, 0), (0, FPAD - FEAT))).reshape(B * N, FPAD)
    rows = _sc_gather(table, idx)
    return rows.reshape(B, NPOINT, K, FPAD)[..., :FEAT]

# --- scband reference (transcript-rebuilt; emitter-appended) ---
"""Pipeline reference for scband-develop18-41575283425635 (READ-ONLY COPY).

The authoritative reference and input builder live on the scoring server;
editing this copy changes nothing except your own understanding.
"""

import jax, jax.numpy as jnp
import numpy as np

POINTS = 512
KNN = 16

def farthest_point_sample(xyz, npoint):
    B, N, _ = xyz.shape
    centroids = jnp.zeros((B, npoint), dtype=jnp.int32)
    distance = jnp.full((B, N), 1e10, dtype=xyz.dtype)
    farthest = jnp.zeros((B,), dtype=jnp.int32)
    def body(i, state):
        centroids, distance, farthest = state
        centroids = centroids.at[:, i].set(farthest)
        centroid = jnp.take_along_axis(xyz, farthest[:, None, None], axis=1)
        dist = jnp.sum((xyz - centroid) ** 2, -1)
        distance = jnp.minimum(distance, dist)
        farthest = jnp.argmax(distance, -1).astype(jnp.int32)
        return (centroids, distance, farthest)
    centroids, _, _ = jax.lax.fori_loop(0, npoint, body, (centroids, distance, farthest))
    return centroids

def index_points(points, idx):
    B = points.shape[0]
    raw = idx.shape
    idx2 = idx.reshape(B, -1)
    res = jnp.take_along_axis(points, idx2[..., None], axis=1)
    return res.reshape(*raw, points.shape[-1])

def square_distance(src, dst):
    return jnp.sum((src[:, :, None, :] - dst[:, None, :, :]) ** 2, axis=-1)

def setup_inputs(seed: int = 0):
    key = jax.random.key(seed)
    x = jax.random.normal(key, (8, 4096, 6), dtype=jnp.float32)
    return {"x": x}

def reference(x):
    # FPSKNNGrouper.forward (points=512, knn=16): FPS sample -> pairwise sq dist -> argsort top-k -> gather neighbors
    fps_idx = farthest_point_sample(x[:, :, :3], POINTS)
    sampled = index_points(x, fps_idx)
    distances = square_distance(sampled[:, :, :3], x[:, :, :3])
    knn_idx = jnp.argsort(distances, axis=-1)[:, :, :KNN]
    grouped = index_points(x, knn_idx)
    return grouped

if __name__ == "__main__":
    import jax
    _d = setup_inputs()
    print(jax.jit(kernel)(*tuple(_d.values())))

</pallas_src>

<mosaic_0001>
#map = affine_map<(d0, d1) -> (0, 0)>
#map1 = affine_map<(d0, d1) -> (0, 0, 0)>
#map2 = affine_map<(d0, d1) -> (0, 0, 0, 0)>
module attributes {stable_mosaic.version = 14 : i64} {
  func.func @gather_k(%arg0: i32, %arg1: i32, %arg2: memref<32768x8xf32, #tpu.memory_space<hbm>>, %arg3: memref<32x16x128xi32, #tpu.memory_space<hbm>>, %arg4: memref<32x16x128x8xf32, #tpu.memory_space<hbm>>, %arg5: memref<16x128xi32, #tpu.memory_space<vmem>>, %arg6: memref<16x128x8xf32, #tpu.memory_space<vmem>>, %arg7: memref<!tpu.dma_semaphore, #tpu.memory_space<semaphore_mem>>) attributes {dimension_semantics = [#tpu.dimension_semantics<core_parallel>, #tpu.dimension_semantics<subcore_parallel>], iteration_bounds = array<i64: 2, 16>, scalar_prefetch = 0 : i64, scratch_operands = 3 : i64, tpu.core_type = #tpu.core_type<sc_vector_subcore>, window_params = [{transform_indices = #map}, {transform_indices = #map1}, {transform_indices = #map2}]} {
    %mul3A = arith.constant 2 : i32
    %mul3A_0 = arith.muli %arg1, %mul3A : i32
    %add3A = arith.addi %mul3A_0, %arg0 : i32
    "tpu.region"() ({
      %run_scoped3A = tpu.sem_alloc : memref<!tpu.dma_semaphore, #tpu.memory_space<semaphore_mem>>
      %dma_start3A_383 = arith.constant 0 : i32
      %dma_start3A_384 = arith.constant 0 : i32
      %dma_start3A_385 = tpu.memref_slice %arg3[%add3A, %dma_start3A_383, %dma_start3A_384] : memref<32x16x128xi32, #tpu.memory_space<hbm>> -> memref<1x16x128xi32, #tpu.memory_space<hbm>>
      %dma_start3A_386 = tpu.memref_squeeze %dma_start3A_385 : memref<1x16x128xi32, #tpu.memory_space<hbm>> -> memref<16x128xi32, #tpu.memory_space<hbm>>
      %dma_start3A_387 = arith.constant 0 : i32
      %dma_start3A_388 = arith.constant 0 : i32
      %dma_start3A_389 = tpu.memref_slice %arg3[%add3A, %dma_start3A_387, %dma_start3A_388] : memref<32x16x128xi32, #tpu.memory_space<hbm>> -> memref<1x16x128xi32, #tpu.memory_space<hbm>>
      %dma_start3A_390 = tpu.memref_squeeze %dma_start3A_389 : memref<1x16x128xi32, #tpu.memory_space<hbm>> -> memref<16x128xi32, #tpu.memory_space<hbm>>
      tpu.enqueue_dma source(%dma_start3A_390 : memref<16x128xi32, #tpu.memory_space<hbm>>) target(%arg5 : memref<16x128xi32, #tpu.memory_space<vmem>>) target_semaphore(%run_scoped3A : memref<!tpu.dma_semaphore, #tpu.memory_space<semaphore_mem>>)
      %dma_wait3A_391 = arith.constant 0 : i32
      %dma_wait3A_392 = arith.constant 0 : i32
      %dma_wait3A_393 = tpu.memref_slice %arg3[%add3A, %dma_wait3A_391, %dma_wait3A_392] : memref<32x16x128xi32, #tpu.memory_space<hbm>> -> memref<1x16x128xi32, #tpu.memory_space<hbm>>
      %dma_wait3A_394 = tpu.memref_squeeze %dma_wait3A_393 : memref<1x16x128xi32, #tpu.memory_space<hbm>> -> memref<16x128xi32, #tpu.memory_space<hbm>>
      %dma_wait3A_395 = arith.constant 0 : i32
      %dma_wait3A_396 = arith.constant 0 : i32
      %dma_wait3A_397 = tpu.memref_slice %arg3[%add3A, %dma_wait3A_395, %dma_wait3A_396] : memref<32x16x128xi32, #tpu.memory_space<hbm>> -> memref<1x16x128xi32, #tpu.memory_space<hbm>>
      %dma_wait3A_398 = tpu.memref_squeeze %dma_wait3A_397 : memref<1x16x128xi32, #tpu.memory_space<hbm>> -> memref<16x128xi32, #tpu.memory_space<hbm>>
      tpu.wait_dma2 semaphore(%run_scoped3A : memref<!tpu.dma_semaphore, #tpu.memory_space<semaphore_mem>>) src(%dma_wait3A_398 : memref<16x128xi32, #tpu.memory_space<hbm>>) dst(%arg5 : memref<16x128xi32, #tpu.memory_space<vmem>>)
      tpu.yield
    }) : () -> ()
    %dma_start3A = arith.constant 0 : i32
    %dma_start3A_1 = arith.constant 0 : i32
    %dma_start3A_2 = arith.constant 0 : i32
    %dma_start3A_3 = arith.constant 0 : i32
    %dma_start3A_4 = tpu.memref_slice %arg6[%dma_start3A_1, %dma_start3A_2, %dma_start3A_3] : memref<16x128x8xf32, #tpu.memory_space<vmem>> -> memref<1x128x8xf32, #tpu.memory_space<vmem>>
    %dma_start3A_5 = tpu.memref_squeeze %dma_start3A_4 : memref<1x128x8xf32, #tpu.memory_space<vmem>> -> memref<128x8xf32, #tpu.memory_space<vmem>>
    %dma_start3A_6 = arith.constant 0 : i32
    %dma_start3A_7 = tpu.memref_slice %arg5[%dma_start3A, %dma_start3A_6] : memref<16x128xi32, #tpu.memory_space<vmem>> -> memref<1x128xi32, #tpu.memory_space<vmem>>
    %dma_start3A_8 = tpu.memref_squeeze %dma_start3A_7 : memref<1x128xi32, #tpu.memory_space<vmem>> -> memref<128xi32, #tpu.memory_space<vmem>>
    %dma_start3A_9 = arith.constant 0 : i32
    %dma_start3A_10 = arith.constant 0 : i32
    %dma_start3A_11 = tpu.memref_slice %arg2[%dma_start3A_9, %dma_start3A_10] : memref<32768x8xf32, #tpu.memory_space<hbm>> -> memref<32768x8xf32, #tpu.memory_space<hbm>>
    tpu.enqueue_indirect_dma source(%dma_start3A_11 : memref<32768x8xf32, #tpu.memory_space<hbm>>) target(%dma_start3A_5 : memref<128x8xf32, #tpu.memory_space<vmem>>) offsets(%dma_start3A_8 : memref<128xi32, #tpu.memory_space<vmem>>) semaphore(%arg7 : memref<!tpu.dma_semaphore, #tpu.memory_space<semaphore_mem>>)
    %dma_start3A_12 = arith.constant 1 : i32
    %dma_start3A_13 = arith.constant 1 : i32
    %dma_start3A_14 = arith.constant 0 : i32
    %dma_start3A_15 = arith.constant 0 : i32
    %dma_start3A_16 = tpu.memref_slice %arg6[%dma_start3A_13, %dma_start3A_14, %dma_start3A_15] : memref<16x128x8xf32, #tpu.memory_space<vmem>> -> memref<1x128x8xf32, #tpu.memory_space<vmem>>
    %dma_start3A_17 = tpu.memref_squeeze %dma_start3A_16 : memref<1x128x8xf32, #tpu.memory_space<vmem>> -> memref<128x8xf32, #tpu.memory_space<vmem>>
    %dma_start3A_18 = arith.constant 0 : i32
    %dma_start3A_19 = tpu.memref_slice %arg5[%dma_start3A_12, %dma_start3A_18] : memref<16x128xi32, #tpu.memory_space<vmem>> -> memref<1x128xi32, #tpu.memory_space<vmem>>
    %dma_start3A_20 = tpu.memref_squeeze %dma_start3A_19 : memref<1x128xi32, #tpu.memory_space<vmem>> -> memref<128xi32, #tpu.memory_space<vmem>>
    %dma_start3A_21 = arith.constant 0 : i32
    %dma_start3A_22 = arith.constant 0 : i32
    %dma_start3A_23 = tpu.memref_slice %arg2[%dma_start3A_21, %dma_start3A_22] : memref<32768x8xf32, #tpu.memory_space<hbm>> -> memref<32768x8xf32, #tpu.memory_space<hbm>>
    tpu.enqueue_indirect_dma source(%dma_start3A_23 : memref<32768x8xf32, #tpu.memory_space<hbm>>) target(%dma_start3A_17 : memref<128x8xf32, #tpu.memory_space<vmem>>) offsets(%dma_start3A_20 : memref<128xi32, #tpu.memory_space<vmem>>) semaphore(%arg7 : memref<!tpu.dma_semaphore, #tpu.memory_space<semaphore_mem>>)
    %dma_start3A_24 = arith.constant 2 : i32
    %dma_start3A_25 = arith.constant 2 : i32
    %dma_start3A_26 = arith.constant 0 : i32
    %dma_start3A_27 = arith.constant 0 : i32
    %dma_start3A_28 = tpu.memref_slice %arg6[%dma_start3A_25, %dma_start3A_26, %dma_start3A_27] : memref<16x128x8xf32, #tpu.memory_space<vmem>> -> memref<1x128x8xf32, #tpu.memory_space<vmem>>
    %dma_start3A_29 = tpu.memref_squeeze %dma_start3A_28 : memref<1x128x8xf32, #tpu.memory_space<vmem>> -> memref<128x8xf32, #tpu.memory_space<vmem>>
    %dma_start3A_30 = arith.constant 0 : i32
    %dma_start3A_31 = tpu.memref_slice %arg5[%dma_start3A_24, %dma_start3A_30] : memref<16x128xi32, #tpu.memory_space<vmem>> -> memref<1x128xi32, #tpu.memory_space<vmem>>
    %dma_start3A_32 = tpu.memref_squeeze %dma_start3A_31 : memref<1x128xi32, #tpu.memory_space<vmem>> -> memref<128xi32, #tpu.memory_space<vmem>>
    %dma_start3A_33 = arith.constant 0 : i32
    %dma_start3A_34 = arith.constant 0 : i32
    %dma_start3A_35 = tpu.memref_slice %arg2[%dma_start3A_33, %dma_start3A_34] : memref<32768x8xf32, #tpu.memory_space<hbm>> -> memref<32768x8xf32, #tpu.memory_space<hbm>>
    tpu.enqueue_indirect_dma source(%dma_start3A_35 : memref<32768x8xf32, #tpu.memory_space<hbm>>) target(%dma_start3A_29 : memref<128x8xf32, #tpu.memory_space<vmem>>) offsets(%dma_start3A_32 : memref<128xi32, #tpu.memory_space<vmem>>) semaphore(%arg7 : memref<!tpu.dma_semaphore, #tpu.memory_space<semaphore_mem>>)
    %dma_start3A_36 = arith.constant 3 : i32
    %dma_start3A_37 = arith.constant 3 : i32
    %dma_start3A_38 = arith.constant 0 : i32
    %dma_start3A_39 = arith.constant 0 : i32
    %dma_start3A_40 = tpu.memref_slice %arg6[%dma_start3A_37, %dma_start3A_38, %dma_start3A_39] : memref<16x128x8xf32, #tpu.memory_space<vmem>> -> memref<1x128x8xf32, #tpu.memory_space<vmem>>
    %dma_start3A_41 = tpu.memref_squeeze %dma_start3A_40 : memref<1x128x8xf32, #tpu.memory_space<vmem>> -> memref<128x8xf32, #tpu.memory_space<vmem>>
    %dma_start3A_42 = arith.constant 0 : i32
    %dma_start3A_43 = tpu.memref_slice %arg5[%dma_start3A_36, %dma_start3A_42] : memref<16x128xi32, #tpu.memory_space<vmem>> -> memref<1x128xi32, #tpu.memory_space<vmem>>
    %dma_start3A_44 = tpu.memref_squeeze %dma_start3A_43 : memref<1x128xi32, #tpu.memory_space<vmem>> -> memref<128xi32, #tpu.memory_space<vmem>>
    %dma_start3A_45 = arith.constant 0 : i32
    %dma_start3A_46 = arith.constant 0 : i32
    %dma_start3A_47 = tpu.memref_slice %arg2[%dma_start3A_45, %dma_start3A_46] : memref<32768x8xf32, #tpu.memory_space<hbm>> -> memref<32768x8xf32, #tpu.memory_space<hbm>>
    tpu.enqueue_indirect_dma source(%dma_start3A_47 : memref<32768x8xf32, #tpu.memory_space<hbm>>) target(%dma_start3A_41 : memref<128x8xf32, #tpu.memory_space<vmem>>) offsets(%dma_start3A_44 : memref<128xi32, #tpu.memory_space<vmem>>) semaphore(%arg7 : memref<!tpu.dma_semaphore, #tpu.memory_space<semaphore_mem>>)
    %dma_start3A_48 = arith.constant 4 : i32
    %dma_start3A_49 = arith.constant 4 : i32
    %dma_start3A_50 = arith.constant 0 : i32
    %dma_start3A_51 = arith.constant 0 : i32
    %dma_start3A_52 = tpu.memref_slice %arg6[%dma_start3A_49, %dma_start3A_50, %dma_start3A_51] : memref<16x128x8xf32, #tpu.memory_space<vmem>> -> memref<1x128x8xf32, #tpu.memory_space<vmem>>
    %dma_start3A_53 = tpu.memref_squeeze %dma_start3A_52 : memref<1x128x8xf32, #tpu.memory_space<vmem>> -> memref<128x8xf32, #tpu.memory_space<vmem>>
    %dma_start3A_54 = arith.constant 0 : i32
    %dma_start3A_55 = tpu.memref_slice %arg5[%dma_start3A_48, %dma_start3A_54] : memref<16x128xi32, #tpu.memory_space<vmem>> -> memref<1x128xi32, #tpu.memory_space<vmem>>
    %dma_start3A_56 = tpu.memref_squeeze %dma_start3A_55 : memref<1x128xi32, #tpu.memory_space<vmem>> -> memref<128xi32, #tpu.memory_space<vmem>>
    %dma_start3A_57 = arith.constant 0 : i32
    %dma_start3A_58 = arith.constant 0 : i32
    %dma_start3A_59 = tpu.memref_slice %arg2[%dma_start3A_57, %dma_start3A_58] : memref<32768x8xf32, #tpu.memory_space<hbm>> -> memref<32768x8xf32, #tpu.memory_space<hbm>>
    tpu.enqueue_indirect_dma source(%dma_start3A_59 : memref<32768x8xf32, #tpu.memory_space<hbm>>) target(%dma_start3A_53 : memref<128x8xf32, #tpu.memory_space<vmem>>) offsets(%dma_start3A_56 : memref<128xi32, #tpu.memory_space<vmem>>) semaphore(%arg7 : memref<!tpu.dma_semaphore, #tpu.memory_space<semaphore_mem>>)
    %dma_start3A_60 = arith.constant 5 : i32
    %dma_start3A_61 = arith.constant 5 : i32
    %dma_start3A_62 = arith.constant 0 : i32
    %dma_start3A_63 = arith.constant 0 : i32
    %dma_start3A_64 = tpu.memref_slice %arg6[%dma_start3A_61, %dma_start3A_62, %dma_start3A_63] : memref<16x128x8xf32, #tpu.memory_space<vmem>> -> memref<1x128x8xf32, #tpu.memory_space<vmem>>
    %dma_start3A_65 = tpu.memref_squeeze %dma_start3A_64 : memref<1x128x8xf32, #tpu.memory_space<vmem>> -> memref<128x8xf32, #tpu.memory_space<vmem>>
    %dma_start3A_66 = arith.constant 0 : i32
    %dma_start3A_67 = tpu.memref_slice %arg5[%dma_start3A_60, %dma_start3A_66] : memref<16x128xi32, #tpu.memory_space<vmem>> -> memref<1x128xi32, #tpu.memory_space<vmem>>
    %dma_start3A_68 = tpu.memref_squeeze %dma_start3A_67 : memref<1x128xi32, #tpu.memory_space<vmem>> -> memref<128xi32, #tpu.memory_space<vmem>>
    %dma_start3A_69 = arith.constant 0 : i32
    %dma_start3A_70 = arith.constant 0 : i32
    %dma_start3A_71 = tpu.memref_slice %arg2[%dma_start3A_69, %dma_start3A_70] : memref<32768x8xf32, #tpu.memory_space<hbm>> -> memref<32768x8xf32, #tpu.memory_space<hbm>>
    tpu.enqueue_indirect_dma source(%dma_start3A_71 : memref<32768x8xf32, #tpu.memory_space<hbm>>) target(%dma_start3A_65 : memref<128x8xf32, #tpu.memory_space<vmem>>) offsets(%dma_start3A_68 : memref<128xi32, #tpu.memory_space<vmem>>) semaphore(%arg7 : memref<!tpu.dma_semaphore, #tpu.memory_space<semaphore_mem>>)
    %dma_start3A_72 = arith.constant 6 : i32
    %dma_start3A_73 = arith.constant 6 : i32
    %dma_start3A_74 = arith.constant 0 : i32
    %dma_start3A_75 = arith.constant 0 : i32
    %dma_start3A_76 = tpu.memref_slice %arg6[%dma_start3A_73, %dma_start3A_74, %dma_start3A_75] : memref<16x128x8xf32, #tpu.memory_space<vmem>> -> memref<1x128x8xf32, #tpu.memory_space<vmem>>
    %dma_start3A_77 = tpu.memref_squeeze %dma_start3A_76 : memref<1x128x8xf32, #tpu.memory_space<vmem>> -> memref<128x8xf32, #tpu.memory_space<vmem>>
    %dma_start3A_78 = arith.constant 0 : i32
    %dma_start3A_79 = tpu.memref_slice %arg5[%dma_start3A_72, %dma_start3A_78] : memref<16x128xi32, #tpu.memory_space<vmem>> -> memref<1x128xi32, #tpu.memory_space<vmem>>
    %dma_start3A_80 = tpu.memref_squeeze %dma_start3A_79 : memref<1x128xi32, #tpu.memory_space<vmem>> -> memref<128xi32, #tpu.memory_space<vmem>>
    %dma_start3A_81 = arith.constant 0 : i32
    %dma_start3A_82 = arith.constant 0 : i32
    %dma_start3A_83 = tpu.memref_slice %arg2[%dma_start3A_81, %dma_start3A_82] : memref<32768x8xf32, #tpu.memory_space<hbm>> -> memref<32768x8xf32, #tpu.memory_space<hbm>>
    tpu.enqueue_indirect_dma source(%dma_start3A_83 : memref<32768x8xf32, #tpu.memory_space<hbm>>) target(%dma_start3A_77 : memref<128x8xf32, #tpu.memory_space<vmem>>) offsets(%dma_start3A_80 : memref<128xi32, #tpu.memory_space<vmem>>) semaphore(%arg7 : memref<!tpu.dma_semaphore, #tpu.memory_space<semaphore_mem>>)
    %dma_start3A_84 = arith.constant 7 : i32
    %dma_start3A_85 = arith.constant 7 : i32
    %dma_start3A_86 = arith.constant 0 : i32
    %dma_start3A_87 = arith.constant 0 : i32
    %dma_start3A_88 = tpu.memref_slice %arg6[%dma_start3A_85, %dma_start3A_86, %dma_start3A_87] : memref<16x128x8xf32, #tpu.memory_space<vmem>> -> memref<1x128x8xf32, #tpu.memory_space<vmem>>
    %dma_start3A_89 = tpu.memref_squeeze %dma_start3A_88 : memref<1x128x8xf32, #tpu.memory_space<vmem>> -> memref<128x8xf32, #tpu.memory_space<vmem>>
    %dma_start3A_90 = arith.constant 0 : i32
    %dma_start3A_91 = tpu.memref_slice %arg5[%dma_start3A_84, %dma_start3A_90] : memref<16x128xi32, #tpu.memory_space<vmem>> -> memref<1x128xi32, #tpu.memory_space<vmem>>
    %dma_start3A_92 = tpu.memref_squeeze %dma_start3A_91 : memref<1x128xi32, #tpu.memory_space<vmem>> -> memref<128xi32, #tpu.memory_space<vmem>>
    %dma_start3A_93 = arith.constant 0 : i32
    %dma_start3A_94 = arith.constant 0 : i32
    %dma_start3A_95 = tpu.memref_slice %arg2[%dma_start3A_93, %dma_start3A_94] : memref<32768x8xf32, #tpu.memory_space<hbm>> -> memref<32768x8xf32, #tpu.memory_space<hbm>>
    tpu.enqueue_indirect_dma source(%dma_start3A_95 : memref<32768x8xf32, #tpu.memory_space<hbm>>) target(%dma_start3A_89 : memref<128x8xf32, #tpu.memory_space<vmem>>) offsets(%dma_start3A_92 : memref<128xi32, #tpu.memory_space<vmem>>) semaphore(%arg7 : memref<!tpu.dma_semaphore, #tpu.memory_space<semaphore_mem>>)
    %dma_start3A_96 = arith.constant 8 : i32
    %dma_start3A_97 = arith.constant 8 : i32
    %dma_start3A_98 = arith.constant 0 : i32
    %dma_start3A_99 = arith.constant 0 : i32
    %dma_start3A_100 = tpu.memref_slice %arg6[%dma_start3A_97, %dma_start3A_98, %dma_start3A_99] : memref<16x128x8xf32, #tpu.memory_space<vmem>> -> memref<1x128x8xf32, #tpu.memory_space<vmem>>
    %dma_start3A_101 = tpu.memref_squeeze %dma_start3A_100 : memref<1x128x8xf32, #tpu.memory_space<vmem>> -> memref<128x8xf32, #tpu.memory_space<vmem>>
    %dma_start3A_102 = arith.constant 0 : i32
    %dma_start3A_103 = tpu.memref_slice %arg5[%dma_start3A_96, %dma_start3A_102] : memref<16x128xi32, #tpu.memory_space<vmem>> -> memref<1x128xi32, #tpu.memory_space<vmem>>
    %dma_start3A_104 = tpu.memref_squeeze %dma_start3A_103 : memref<1x128xi32, #tpu.memory_space<vmem>> -> memref<128xi32, #tpu.memory_space<vmem>>
    %dma_start3A_105 = arith.constant 0 : i32
    %dma_start3A_106 = arith.constant 0 : i32
    %dma_start3A_107 = tpu.memref_slice %arg2[%dma_start3A_105, %dma_start3A_106] : memref<32768x8xf32, #tpu.memory_space<hbm>> -> memref<32768x8xf32, #tpu.memory_space<hbm>>
    tpu.enqueue_indirect_dma source(%dma_start3A_107 : memref<32768x8xf32, #tpu.memory_space<hbm>>) target(%dma_start3A_101 : memref<128x8xf32, #tpu.memory_space<vmem>>) offsets(%dma_start3A_104 : memref<128xi32, #tpu.memory_space<vmem>>) semaphore(%arg7 : memref<!tpu.dma_semaphore, #tpu.memory_space<semaphore_mem>>)
    %dma_start3A_108 = arith.constant 9 : i32
    %dma_start3A_109 = arith.constant 9 : i32
    %dma_start3A_110 = arith.constant 0 : i32
    %dma_start3A_111 = arith.constant 0 : i32
    %dma_start3A_112 = tpu.memref_slice %arg6[%dma_start3A_109, %dma_start3A_110, %dma_start3A_111] : memref<16x128x8xf32, #tpu.memory_space<vmem>> -> memref<1x128x8xf32, #tpu.memory_space<vmem>>
    %dma_start3A_113 = tpu.memref_squeeze %dma_start3A_112 : memref<1x128x8xf32, #tpu.memory_space<vmem>> -> memref<128x8xf32, #tpu.memory_space<vmem>>
    %dma_start3A_114 = arith.constant 0 : i32
    %dma_start3A_115 = tpu.memref_slice %arg5[%dma_start3A_108, %dma_start3A_114] : memref<16x128xi32, #tpu.memory_space<vmem>> -> memref<1x128xi32, #tpu.memory_space<vmem>>
    %dma_start3A_116 = tpu.memref_squeeze %dma_start3A_115 : memref<1x128xi32, #tpu.memory_space<vmem>> -> memref<128xi32, #tpu.memory_space<vmem>>
    %dma_start3A_117 = arith.constant 0 : i32
    %dma_start3A_118 = arith.constant 0 : i32
    %dma_start3A_119 = tpu.memref_slice %arg2[%dma_start3A_117, %dma_start3A_118] : memref<32768x8xf32, #tpu.memory_space<hbm>> -> memref<32768x8xf32, #tpu.memory_space<hbm>>
    tpu.enqueue_indirect_dma source(%dma_start3A_119 : memref<32768x8xf32, #tpu.memory_space<hbm>>) target(%dma_start3A_113 : memref<128x8xf32, #tpu.memory_space<vmem>>) offsets(%dma_start3A_116 : memref<128xi32, #tpu.memory_space<vmem>>) semaphore(%arg7 : memref<!tpu.dma_semaphore, #tpu.memory_space<semaphore_mem>>)
    %dma_start3A_120 = arith.constant 10 : i32
    %dma_start3A_121 = arith.constant 10 : i32
    %dma_start3A_122 = arith.constant 0 : i32
    %dma_start3A_123 = arith.constant 0 : i32
    %dma_start3A_124 = tpu.memref_slice %arg6[%dma_start3A_121, %dma_start3A_122, %dma_start3A_123] : memref<16x128x8xf32, #tpu.memory_space<vmem>> -> memref<1x128x8xf32, #tpu.memory_space<vmem>>
    %dma_start3A_125 = tpu.memref_squeeze %dma_start3A_124 : memref<1x128x8xf32, #tpu.memory_space<vmem>> -> memref<128x8xf32, #tpu.memory_space<vmem>>
    %dma_start3A_126 = arith.constant 0 : i32
    %dma_start3A_127 = tpu.memref_slice %arg5[%dma_start3A_120, %dma_start3A_126] : memref<16x128xi32, #tpu.memory_space<vmem>> -> memref<1x128xi32, #tpu.memory_space<vmem>>
    %dma_start3A_128 = tpu.memref_squeeze %dma_start3A_127 : memref<1x128xi32, #tpu.memory_space<vmem>> -> memref<128xi32, #tpu.memory_space<vmem>>
    %dma_start3A_129 = arith.constant 0 : i32
    %dma_start3A_130 = arith.constant 0 : i32
    %dma_start3A_131 = tpu.memref_slice %arg2[%dma_start3A_129, %dma_start3A_130] : memref<32768x8xf32, #tpu.memory_space<hbm>> -> memref<32768x8xf32, #tpu.memory_space<hbm>>
    tpu.enqueue_indirect_dma source(%dma_start3A_131 : memref<32768x8xf32, #tpu.memory_space<hbm>>) target(%dma_start3A_125 : memref<128x8xf32, #tpu.memory_space<vmem>>) offsets(%dma_start3A_128 : memref<128xi32, #tpu.memory_space<vmem>>) semaphore(%arg7 : memref<!tpu.dma_semaphore, #tpu.memory_space<semaphore_mem>>)
    %dma_start3A_132 = arith.constant 11 : i32
    %dma_start3A_133 = arith.constant 11 : i32
    %dma_start3A_134 = arith.constant 0 : i32
    %dma_start3A_135 = arith.constant 0 : i32
    %dma_start3A_136 = tpu.memref_slice %arg6[%dma_start3A_133, %dma_start3A_134, %dma_start3A_135] : memref<16x128x8xf32, #tpu.memory_space<vmem>> -> memref<1x128x8xf32, #tpu.memory_space<vmem>>
    %dma_start3A_137 = tpu.memref_squeeze %dma_start3A_136 : memref<1x128x8xf32, #tpu.memory_space<vmem>> -> memref<128x8xf32, #tpu.memory_space<vmem>>
    %dma_start3A_138 = arith.constant 0 : i32
    %dma_start3A_139 = tpu.memref_slice %arg5[%dma_start3A_132, %dma_start3A_138] : memref<16x128xi32, #tpu.memory_space<vmem>> -> memref<1x128xi32, #tpu.memory_space<vmem>>
    %dma_start3A_140 = tpu.memref_squeeze %dma_start3A_139 : memref<1x128xi32, #tpu.memory_space<vmem>> -> memref<128xi32, #tpu.memory_space<vmem>>
    %dma_start3A_141 = arith.constant 0 : i32
    %dma_start3A_142 = arith.constant 0 : i32
    %dma_start3A_143 = tpu.memref_slice %arg2[%dma_start3A_141, %dma_start3A_142] : memref<32768x8xf32, #tpu.memory_space<hbm>> -> memref<32768x8xf32, #tpu.memory_space<hbm>>
    tpu.enqueue_indirect_dma source(%dma_start3A_143 : memref<32768x8xf32, #tpu.memory_space<hbm>>) target(%dma_start3A_137 : memref<128x8xf32, #tpu.memory_space<vmem>>) offsets(%dma_start3A_140 : memref<128xi32, #tpu.memory_space<vmem>>) semaphore(%arg7 : memref<!tpu.dma_semaphore, #tpu.memory_space<semaphore_mem>>)
    %dma_start3A_144 = arith.constant 12 : i32
    %dma_start3A_145 = arith.constant 12 : i32
    %dma_start3A_146 = arith.constant 0 : i32
    %dma_start3A_147 = arith.constant 0 : i32
    %dma_start3A_148 = tpu.memref_slice %arg6[%dma_start3A_145, %dma_start3A_146, %dma_start3A_147] : memref<16x128x8xf32, #tpu.memory_space<vmem>> -> memref<1x128x8xf32, #tpu.memory_space<vmem>>
    %dma_start3A_149 = tpu.memref_squeeze %dma_start3A_148 : memref<1x128x8xf32, #tpu.memory_space<vmem>> -> memref<128x8xf32, #tpu.memory_space<vmem>>
    %dma_start3A_150 = arith.constant 0 : i32
    %dma_start3A_151 = tpu.memref_slice %arg5[%dma_start3A_144, %dma_start3A_150] : memref<16x128xi32, #tpu.memory_space<vmem>> -> memref<1x128xi32, #tpu.memory_space<vmem>>
    %dma_start3A_152 = tpu.memref_squeeze %dma_start3A_151 : memref<1x128xi32, #tpu.memory_space<vmem>> -> memref<128xi32, #tpu.memory_space<vmem>>
    %dma_start3A_153 = arith.constant 0 : i32
    %dma_start3A_154 = arith.constant 0 : i32
    %dma_start3A_155 = tpu.memref_slice %arg2[%dma_start3A_153, %dma_start3A_154] : memref<32768x8xf32, #tpu.memory_space<hbm>> -> memref<32768x8xf32, #tpu.memory_space<hbm>>
    tpu.enqueue_indirect_dma source(%dma_start3A_155 : memref<32768x8xf32, #tpu.memory_space<hbm>>) target(%dma_start3A_149 : memref<128x8xf32, #tpu.memory_space<vmem>>) offsets(%dma_start3A_152 : memref<128xi32, #tpu.memory_space<vmem>>) semaphore(%arg7 : memref<!tpu.dma_semaphore, #tpu.memory_space<semaphore_mem>>)
    %dma_start3A_156 = arith.constant 13 : i32
    %dma_start3A_157 = arith.constant 13 : i32
    %dma_start3A_158 = arith.constant 0 : i32
    %dma_start3A_159 = arith.constant 0 : i32
    %dma_start3A_160 = tpu.memref_slice %arg6[%dma_start3A_157, %dma_start3A_158, %dma_start3A_159] : memref<16x128x8xf32, #tpu.memory_space<vmem>> -> memref<1x128x8xf32, #tpu.memory_space<vmem>>
    %dma_start3A_161 = tpu.memref_squeeze %dma_start3A_160 : memref<1x128x8xf32, #tpu.memory_space<vmem>> -> memref<128x8xf32, #tpu.memory_space<vmem>>
    %dma_start3A_162 = arith.constant 0 : i32
    %dma_start3A_163 = tpu.memref_slice %arg5[%dma_start3A_156, %dma_start3A_162] : memref<16x128xi32, #tpu.memory_space<vmem>> -> memref<1x128xi32, #tpu.memory_space<vmem>>
    %dma_start3A_164 = tpu.memref_squeeze %dma_start3A_163 : memref<1x128xi32, #tpu.memory_space<vmem>> -> memref<128xi32, #tpu.memory_space<vmem>>
    %dma_start3A_165 = arith.constant 0 : i32
    %dma_start3A_166 = arith.constant 0 : i32
    %dma_start3A_167 = tpu.memref_slice %arg2[%dma_start3A_165, %dma_start3A_166] : memref<32768x8xf32, #tpu.memory_space<hbm>> -> memref<32768x8xf32, #tpu.memory_space<hbm>>
    tpu.enqueue_indirect_dma source(%dma_start3A_167 : memref<32768x8xf32, #tpu.memory_space<hbm>>) target(%dma_start3A_161 : memref<128x8xf32, #tpu.memory_space<vmem>>) offsets(%dma_start3A_164 : memref<128xi32, #tpu.memory_space<vmem>>) semaphore(%arg7 : memref<!tpu.dma_semaphore, #tpu.memory_space<semaphore_mem>>)
    %dma_start3A_168 = arith.constant 14 : i32
    %dma_start3A_169 = arith.constant 14 : i32
    %dma_start3A_170 = arith.constant 0 : i32
    %dma_start3A_171 = arith.constant 0 : i32
    %dma_start3A_172 = tpu.memref_slice %arg6[%dma_start3A_169, %dma_start3A_170, %dma_start3A_171] : memref<16x128x8xf32, #tpu.memory_space<vmem>> -> memref<1x128x8xf32, #tpu.memory_space<vmem>>
    %dma_start3A_173 = tpu.memref_squeeze %dma_start3A_172 : memref<1x128x8xf32, #tpu.memory_space<vmem>> -> memref<128x8xf32, #tpu.memory_space<vmem>>
    %dma_start3A_174 = arith.constant 0 : i32
    %dma_start3A_175 = tpu.memref_slice %arg5[%dma_start3A_168, %dma_start3A_174] : memref<16x128xi32, #tpu.memory_space<vmem>> -> memref<1x128xi32, #tpu.memory_space<vmem>>
    %dma_start3A_176 = tpu.memref_squeeze %dma_start3A_175 : memref<1x128xi32, #tpu.memory_space<vmem>> -> memref<128xi32, #tpu.memory_space<vmem>>
    %dma_start3A_177 = arith.constant 0 : i32
    %dma_start3A_178 = arith.constant 0 : i32
    %dma_start3A_179 = tpu.memref_slice %arg2[%dma_start3A_177, %dma_start3A_178] : memref<32768x8xf32, #tpu.memory_space<hbm>> -> memref<32768x8xf32, #tpu.memory_space<hbm>>
    tpu.enqueue_indirect_dma source(%dma_start3A_179 : memref<32768x8xf32, #tpu.memory_space<hbm>>) target(%dma_start3A_173 : memref<128x8xf32, #tpu.memory_space<vmem>>) offsets(%dma_start3A_176 : memref<128xi32, #tpu.memory_space<vmem>>) semaphore(%arg7 : memref<!tpu.dma_semaphore, #tpu.memory_space<semaphore_mem>>)
    %dma_start3A_180 = arith.constant 15 : i32
    %dma_start3A_181 = arith.constant 15 : i32
    %dma_start3A_182 = arith.constant 0 : i32
    %dma_start3A_183 = arith.constant 0 : i32
    %dma_start3A_184 = tpu.memref_slice %arg6[%dma_start3A_181, %dma_start3A_182, %dma_start3A_183] : memref<16x128x8xf32, #tpu.memory_space<vmem>> -> memref<1x128x8xf32, #tpu.memory_space<vmem>>
    %dma_start3A_185 = tpu.memref_squeeze %dma_start3A_184 : memref<1x128x8xf32, #tpu.memory_space<vmem>> -> memref<128x8xf32, #tpu.memory_space<vmem>>
    %dma_start3A_186 = arith.constant 0 : i32
    %dma_start3A_187 = tpu.memref_slice %arg5[%dma_start3A_180, %dma_start3A_186] : memref<16x128xi32, #tpu.memory_space<vmem>> -> memref<1x128xi32, #tpu.memory_space<vmem>>
    %dma_start3A_188 = tpu.memref_squeeze %dma_start3A_187 : memref<1x128xi32, #tpu.memory_space<vmem>> -> memref<128xi32, #tpu.memory_space<vmem>>
    %dma_start3A_189 = arith.constant 0 : i32
    %dma_start3A_190 = arith.constant 0 : i32
    %dma_start3A_191 = tpu.memref_slice %arg2[%dma_start3A_189, %dma_start3A_190] : memref<32768x8xf32, #tpu.memory_space<hbm>> -> memref<32768x8xf32, #tpu.memory_space<hbm>>
    tpu.enqueue_indirect_dma source(%dma_start3A_191 : memref<32768x8xf32, #tpu.memory_space<hbm>>) target(%dma_start3A_185 : memref<128x8xf32, #tpu.memory_space<vmem>>) offsets(%dma_start3A_188 : memref<128xi32, #tpu.memory_space<vmem>>) semaphore(%arg7 : memref<!tpu.dma_semaphore, #tpu.memory_space<semaphore_mem>>)
    %dma_wait3A = arith.constant 0 : i32
    %dma_wait3A_192 = arith.constant 0 : i32
    %dma_wait3A_193 = arith.constant 0 : i32
    %dma_wait3A_194 = arith.constant 0 : i32
    %dma_wait3A_195 = tpu.memref_slice %arg6[%dma_wait3A_192, %dma_wait3A_193, %dma_wait3A_194] : memref<16x128x8xf32, #tpu.memory_space<vmem>> -> memref<1x128x8xf32, #tpu.memory_space<vmem>>
    %dma_wait3A_196 = tpu.memref_squeeze %dma_wait3A_195 : memref<1x128x8xf32, #tpu.memory_space<vmem>> -> memref<128x8xf32, #tpu.memory_space<vmem>>
    %dma_wait3A_197 = arith.constant 0 : i32
    %dma_wait3A_198 = tpu.memref_slice %arg5[%dma_wait3A, %dma_wait3A_197] : memref<16x128xi32, #tpu.memory_space<vmem>> -> memref<1x128xi32, #tpu.memory_space<vmem>>
    %dma_wait3A_199 = tpu.memref_squeeze %dma_wait3A_198 : memref<1x128xi32, #tpu.memory_space<vmem>> -> memref<128xi32, #tpu.memory_space<vmem>>
    %dma_wait3A_200 = arith.constant 0 : i32
    %dma_wait3A_201 = arith.constant 0 : i32
    %dma_wait3A_202 = tpu.memref_slice %arg2[%dma_wait3A_200, %dma_wait3A_201] : memref<32768x8xf32, #tpu.memory_space<hbm>> -> memref<32768x8xf32, #tpu.memory_space<hbm>>
    tpu.wait_indirect_dma semaphore(%arg7 : memref<!tpu.dma_semaphore, #tpu.memory_space<semaphore_mem>>) src(%dma_wait3A_202 : memref<32768x8xf32, #tpu.memory_space<hbm>>) dst(%dma_wait3A_196 : memref<128x8xf32, #tpu.memory_space<vmem>>)
    %dma_wait3A_203 = arith.constant 1 : i32
    %dma_wait3A_204 = arith.constant 1 : i32
    %dma_wait3A_205 = arith.constant 0 : i32
    %dma_wait3A_206 = arith.constant 0 : i32
    %dma_wait3A_207 = tpu.memref_slice %arg6[%dma_wait3A_204, %dma_wait3A_205, %dma_wait3A_206] : memref<16x128x8xf32, #tpu.memory_space<vmem>> -> memref<1x128x8xf32, #tpu.memory_space<vmem>>
    %dma_wait3A_208 = tpu.memref_squeeze %dma_wait3A_207 : memref<1x128x8xf32, #tpu.memory_space<vmem>> -> memref<128x8xf32, #tpu.memory_space<vmem>>
    %dma_wait3A_209 = arith.constant 0 : i32
    %dma_wait3A_210 = tpu.memref_slice %arg5[%dma_wait3A_203, %dma_wait3A_209] : memref<16x128xi32, #tpu.memory_space<vmem>> -> memref<1x128xi32, #tpu.memory_space<vmem>>
    %dma_wait3A_211 = tpu.memref_squeeze %dma_wait3A_210 : memref<1x128xi32, #tpu.memory_space<vmem>> -> memref<128xi32, #tpu.memory_space<vmem>>
    %dma_wait3A_212 = arith.constant 0 : i32
    %dma_wait3A_213 = arith.constant 0 : i32
    %dma_wait3A_214 = tpu.memref_slice %arg2[%dma_wait3A_212, %dma_wait3A_213] : memref<32768x8xf32, #tpu.memory_space<hbm>> -> memref<32768x8xf32, #tpu.memory_space<hbm>>
    tpu.wait_indirect_dma semaphore(%arg7 : memref<!tpu.dma_semaphore, #tpu.memory_space<semaphore_mem>>) src(%dma_wait3A_214 : memref<32768x8xf32, #tpu.memory_space<hbm>>) dst(%dma_wait3A_208 : memref<128x8xf32, #tpu.memory_space<vmem>>)
    %dma_wait3A_215 = arith.constant 2 : i32
    %dma_wait3A_216 = arith.constant 2 : i32
    %dma_wait3A_217 = arith.constant 0 : i32
    %dma_wait3A_218 = arith.constant 0 : i32
    %dma_wait3A_219 = tpu.memref_slice %arg6[%dma_wait3A_216, %dma_wait3A_217, %dma_wait3A_218] : memref<16x128x8xf32, #tpu.memory_space<vmem>> -> memref<1x128x8xf32, #tpu.memory_space<vmem>>
    %dma_wait3A_220 = tpu.memref_squeeze %dma_wait3A_219 : memref<1x128x8xf32, #tpu.memory_space<vmem>> -> memref<128x8xf32, #tpu.memory_space<vmem>>
    %dma_wait3A_221 = arith.constant 0 : i32
    %dma_wait3A_222 = tpu.memref_slice %arg5[%dma_wait3A_215, %dma_wait3A_221] : memref<16x128xi32, #tpu.memory_space<vmem>> -> memref<1x128xi32, #tpu.memory_space<vmem>>
    %dma_wait3A_223 = tpu.memref_squeeze %dma_wait3A_222 : memref<1x128xi32, #tpu.memory_space<vmem>> -> memref<128xi32, #tpu.memory_space<vmem>>
    %dma_wait3A_224 = arith.constant 0 : i32
    %dma_wait3A_225 = arith.constant 0 : i32
    %dma_wait3A_226 = tpu.memref_slice %arg2[%dma_wait3A_224, %dma_wait3A_225] : memref<32768x8xf32, #tpu.memory_space<hbm>> -> memref<32768x8xf32, #tpu.memory_space<hbm>>
    tpu.wait_indirect_dma semaphore(%arg7 : memref<!tpu.dma_semaphore, #tpu.memory_space<semaphore_mem>>) src(%dma_wait3A_226 : memref<32768x8xf32, #tpu.memory_space<hbm>>) dst(%dma_wait3A_220 : memref<128x8xf32, #tpu.memory_space<vmem>>)
    %dma_wait3A_227 = arith.constant 3 : i32
    %dma_wait3A_228 = arith.constant 3 : i32
    %dma_wait3A_229 = arith.constant 0 : i32
    %dma_wait3A_230 = arith.constant 0 : i32
    %dma_wait3A_231 = tpu.memref_slice %arg6[%dma_wait3A_228, %dma_wait3A_229, %dma_wait3A_230] : memref<16x128x8xf32, #tpu.memory_space<vmem>> -> memref<1x128x8xf32, #tpu.memory_space<vmem>>
    %dma_wait3A_232 = tpu.memref_squeeze %dma_wait3A_231 : memref<1x128x8xf32, #tpu.memory_space<vmem>> -> memref<128x8xf32, #tpu.memory_space<vmem>>
    %dma_wait3A_233 = arith.constant 0 : i32
    %dma_wait3A_234 = tpu.memref_slice %arg5[%dma_wait3A_227, %dma_wait3A_233] : memref<16x128xi32, #tpu.memory_space<vmem>> -> memref<1x128xi32, #tpu.memory_space<vmem>>
    %dma_wait3A_235 = tpu.memref_squeeze %dma_wait3A_234 : memref<1x128xi32, #tpu.memory_space<vmem>> -> memref<128xi32, #tpu.memory_space<vmem>>
    %dma_wait3A_236 = arith.constant 0 : i32
    %dma_wait3A_237 = arith.constant 0 : i32
    %dma_wait3A_238 = tpu.memref_slice %arg2[%dma_wait3A_236, %dma_wait3A_237] : memref<32768x8xf32, #tpu.memory_space<hbm>> -> memref<32768x8xf32, #tpu.memory_space<hbm>>
    tpu.wait_indirect_dma semaphore(%arg7 : memref<!tpu.dma_semaphore, #tpu.memory_space<semaphore_mem>>) src(%dma_wait3A_238 : memref<32768x8xf32, #tpu.memory_space<hbm>>) dst(%dma_wait3A_232 : memref<128x8xf32, #tpu.memory_space<vmem>>)
    %dma_wait3A_239 = arith.constant 4 : i32
    %dma_wait3A_240 = arith.constant 4 : i32
    %dma_wait3A_241 = arith.constant 0 : i32
    %dma_wait3A_242 = arith.constant 0 : i32
    %dma_wait3A_243 = tpu.memref_slice %arg6[%dma_wait3A_240, %dma_wait3A_241, %dma_wait3A_242] : memref<16x128x8xf32, #tpu.memory_space<vmem>> -> memref<1x128x8xf32, #tpu.memory_space<vmem>>
    %dma_wait3A_244 = tpu.memref_squeeze %dma_wait3A_243 : memref<1x128x8xf32, #tpu.memory_space<vmem>> -> memref<128x8xf32, #tpu.memory_space<vmem>>
    %dma_wait3A_245 = arith.constant 0 : i32
    %dma_wait3A_246 = tpu.memref_slice %arg5[%dma_wait3A_239, %dma_wait3A_245] : memref<16x128xi32, #tpu.memory_space<vmem>> -> memref<1x128xi32, #tpu.memory_space<vmem>>
    %dma_wait3A_247 = tpu.memref_squeeze %dma_wait3A_246 : memref<1x128xi32, #tpu.memory_space<vmem>> -> memref<128xi32, #tpu.memory_space<vmem>>
    %dma_wait3A_248 = arith.constant 0 : i32
    %dma_wait3A_249 = arith.constant 0 : i32
    %dma_wait3A_250 = tpu.memref_slice %arg2[%dma_wait3A_248, %dma_wait3A_249] : memref<32768x8xf32, #tpu.memory_space<hbm>> -> memref<32768x8xf32, #tpu.memory_space<hbm>>
    tpu.wait_indirect_dma semaphore(%arg7 : memref<!tpu.dma_semaphore, #tpu.memory_space<semaphore_mem>>) src(%dma_wait3A_250 : memref<32768x8xf32, #tpu.memory_space<hbm>>) dst(%dma_wait3A_244 : memref<128x8xf32, #tpu.memory_space<vmem>>)
    %dma_wait3A_251 = arith.constant 5 : i32
    %dma_wait3A_252 = arith.constant 5 : i32
    %dma_wait3A_253 = arith.constant 0 : i32
    %dma_wait3A_254 = arith.constant 0 : i32
    %dma_wait3A_255 = tpu.memref_slice %arg6[%dma_wait3A_252, %dma_wait3A_253, %dma_wait3A_254] : memref<16x128x8xf32, #tpu.memory_space<vmem>> -> memref<1x128x8xf32, #tpu.memory_space<vmem>>
    %dma_wait3A_256 = tpu.memref_squeeze %dma_wait3A_255 : memref<1x128x8xf32, #tpu.memory_space<vmem>> -> memref<128x8xf32, #tpu.memory_space<vmem>>
    %dma_wait3A_257 = arith.constant 0 : i32
    %dma_wait3A_258 = tpu.memref_slice %arg5[%dma_wait3A_251, %dma_wait3A_257] : memref<16x128xi32, #tpu.memory_space<vmem>> -> memref<1x128xi32, #tpu.memory_space<vmem>>
    %dma_wait3A_259 = tpu.memref_squeeze %dma_wait3A_258 : memref<1x128xi32, #tpu.memory_space<vmem>> -> memref<128xi32, #tpu.memory_space<vmem>>
    %dma_wait3A_260 = arith.constant 0 : i32
    %dma_wait3A_261 = arith.constant 0 : i32
    %dma_wait3A_262 = tpu.memref_slice %arg2[%dma_wait3A_260, %dma_wait3A_261] : memref<32768x8xf32, #tpu.memory_space<hbm>> -> memref<32768x8xf32, #tpu.memory_space<hbm>>
    tpu.wait_indirect_dma semaphore(%arg7 : memref<!tpu.dma_semaphore, #tpu.memory_space<semaphore_mem>>) src(%dma_wait3A_262 : memref<32768x8xf32, #tpu.memory_space<hbm>>) dst(%dma_wait3A_256 : memref<128x8xf32, #tpu.memory_space<vmem>>)
    %dma_wait3A_263 = arith.constant 6 : i32
    %dma_wait3A_264 = arith.constant 6 : i32
    %dma_wait3A_265 = arith.constant 0 : i32
    %dma_wait3A_266 = arith.constant 0 : i32
    %dma_wait3A_267 = tpu.memref_slice %arg6[%dma_wait3A_264, %dma_wait3A_265, %dma_wait3A_266] : memref<16x128x8xf32, #tpu.memory_space<vmem>> -> memref<1x128x8xf32, #tpu.memory_space<vmem>>
    %dma_wait3A_268 = tpu.memref_squeeze %dma_wait3A_267 : memref<1x128x8xf32, #tpu.memory_space<vmem>> -> memref<128x8xf32, #tpu.memory_space<vmem>>
    %dma_wait3A_269 = arith.constant 0 : i32
    %dma_wait3A_270 = tpu.memref_slice %arg5[%dma_wait3A_263, %dma_wait3A_269] : memref<16x128xi32, #tpu.memory_space<vmem>> -> memref<1x128xi32, #tpu.memory_space<vmem>>
    %dma_wait3A_271 = tpu.memref_squeeze %dma_wait3A_270 : memref<1x128xi32, #tpu.memory_space<vmem>> -> memref<128xi32, #tpu.memory_space<vmem>>
    %dma_wait3A_272 = arith.constant 0 : i32
    %dma_wait3A_273 = arith.constant 0 : i32
    %dma_wait3A_274 = tpu.memref_slice %arg2[%dma_wait3A_272, %dma_wait3A_273] : memref<32768x8xf32, #tpu.memory_space<hbm>> -> memref<32768x8xf32, #tpu.memory_space<hbm>>
    tpu.wait_indirect_dma semaphore(%arg7 : memref<!tpu.dma_semaphore, #tpu.memory_space<semaphore_mem>>) src(%dma_wait3A_274 : memref<32768x8xf32, #tpu.memory_space<hbm>>) dst(%dma_wait3A_268 : memref<128x8xf32, #tpu.memory_space<vmem>>)
    %dma_wait3A_275 = arith.constant 7 : i32
    %dma_wait3A_276 = arith.constant 7 : i32
    %dma_wait3A_277 = arith.constant 0 : i32
    %dma_wait3A_278 = arith.constant 0 : i32
    %dma_wait3A_279 = tpu.memref_slice %arg6[%dma_wait3A_276, %dma_wait3A_277, %dma_wait3A_278] : memref<16x128x8xf32, #tpu.memory_space<vmem>> -> memref<1x128x8xf32, #tpu.memory_space<vmem>>
    %dma_wait3A_280 = tpu.memref_squeeze %dma_wait3A_279 : memref<1x128x8xf32, #tpu.memory_space<vmem>> -> memref<128x8xf32, #tpu.memory_space<vmem>>
    %dma_wait3A_281 = arith.constant 0 : i32
    %dma_wait3A_282 = tpu.memref_slice %arg5[%dma_wait3A_275, %dma_wait3A_281] : memref<16x128xi32, #tpu.memory_space<vmem>> -> memref<1x128xi32, #tpu.memory_space<vmem>>
    %dma_wait3A_283 = tpu.memref_squeeze %dma_wait3A_282 : memref<1x128xi32, #tpu.memory_space<vmem>> -> memref<128xi32, #tpu.memory_space<vmem>>
    %dma_wait3A_284 = arith.constant 0 : i32
    %dma_wait3A_285 = arith.constant 0 : i32
    %dma_wait3A_286 = tpu.memref_slice %arg2[%dma_wait3A_284, %dma_wait3A_285] : memref<32768x8xf32, #tpu.memory_space<hbm>> -> memref<32768x8xf32, #tpu.memory_space<hbm>>
    tpu.wait_indirect_dma semaphore(%arg7 : memref<!tpu.dma_semaphore, #tpu.memory_space<semaphore_mem>>) src(%dma_wait3A_286 : memref<32768x8xf32, #tpu.memory_space<hbm>>) dst(%dma_wait3A_280 : memref<128x8xf32, #tpu.memory_space<vmem>>)
    %dma_wait3A_287 = arith.constant 8 : i32
    %dma_wait3A_288 = arith.constant 8 : i32
    %dma_wait3A_289 = arith.constant 0 : i32
    %dma_wait3A_290 = arith.constant 0 : i32
    %dma_wait3A_291 = tpu.memref_slice %arg6[%dma_wait3A_288, %dma_wait3A_289, %dma_wait3A_290] : memref<16x128x8xf32, #tpu.memory_space<vmem>> -> memref<1x128x8xf32, #tpu.memory_space<vmem>>
    %dma_wait3A_292 = tpu.memref_squeeze %dma_wait3A_291 : memref<1x128x8xf32, #tpu.memory_space<vmem>> -> memref<128x8xf32, #tpu.memory_space<vmem>>
    %dma_wait3A_293 = arith.constant 0 : i32
    %dma_wait3A_294 = tpu.memref_slice %arg5[%dma_wait3A_287, %dma_wait3A_293] : memref<16x128xi32, #tpu.memory_space<vmem>> -> memref<1x128xi32, #tpu.memory_space<vmem>>
    %dma_wait3A_295 = tpu.memref_squeeze %dma_wait3A_294 : memref<1x128xi32, #tpu.memory_space<vmem>> -> memref<128xi32, #tpu.memory_space<vmem>>
    %dma_wait3A_296 = arith.constant 0 : i32
    %dma_wait3A_297 = arith.constant 0 : i32
    %dma_wait3A_298 = tpu.memref_slice %arg2[%dma_wait3A_296, %dma_wait3A_297] : memref<32768x8xf32, #tpu.memory_space<hbm>> -> memref<32768x8xf32, #tpu.memory_space<hbm>>
    tpu.wait_indirect_dma semaphore(%arg7 : memref<!tpu.dma_semaphore, #tpu.memory_space<semaphore_mem>>) src(%dma_wait3A_298 : memref<32768x8xf32, #tpu.memory_space<hbm>>) dst(%dma_wait3A_292 : memref<128x8xf32, #tpu.memory_space<vmem>>)
    %dma_wait3A_299 = arith.constant 9 : i32
    %dma_wait3A_300 = arith.constant 9 : i32
    %dma_wait3A_301 = arith.constant 0 : i32
    %dma_wait3A_302 = arith.constant 0 : i32
    %dma_wait3A_303 = tpu.memref_slice %arg6[%dma_wait3A_300, %dma_wait3A_301, %dma_wait3A_302] : memref<16x128x8xf32, #tpu.memory_space<vmem>> -> memref<1x128x8xf32, #tpu.memory_space<vmem>>
    %dma_wait3A_304 = tpu.memref_squeeze %dma_wait3A_303 : memref<1x128x8xf32, #tpu.memory_space<vmem>> -> memref<128x8xf32, #tpu.memory_space<vmem>>
    %dma_wait3A_305 = arith.constant 0 : i32
    %dma_wait3A_306 = tpu.memref_slice %arg5[%dma_wait3A_299, %dma_wait3A_305] : memref<16x128xi32, #tpu.memory_space<vmem>> -> memref<1x128xi32, #tpu.memory_space<vmem>>
    %dma_wait3A_307 = tpu.memref_squeeze %dma_wait3A_306 : memref<1x128xi32, #tpu.memory_space<vmem>> -> memref<128xi32, #tpu.memory_space<vmem>>
    %dma_wait3A_308 = arith.constant 0 : i32
    %dma_wait3A_309 = arith.constant 0 : i32
    %dma_wait3A_310 = tpu.memref_slice %arg2[%dma_wait3A_308, %dma_wait3A_309] : memref<32768x8xf32, #tpu.memory_space<hbm>> -> memref<32768x8xf32, #tpu.memory_space<hbm>>
    tpu.wait_indirect_dma semaphore(%arg7 : memref<!tpu.dma_semaphore, #tpu.memory_space<semaphore_mem>>) src(%dma_wait3A_310 : memref<32768x8xf32, #tpu.memory_space<hbm>>) dst(%dma_wait3A_304 : memref<128x8xf32, #tpu.memory_space<vmem>>)
    %dma_wait3A_311 = arith.constant 10 : i32
    %dma_wait3A_312 = arith.constant 10 : i32
    %dma_wait3A_313 = arith.constant 0 : i32
    %dma_wait3A_314 = arith.constant 0 : i32
    %dma_wait3A_315 = tpu.memref_slice %arg6[%dma_wait3A_312, %dma_wait3A_313, %dma_wait3A_314] : memref<16x128x8xf32, #tpu.memory_space<vmem>> -> memref<1x128x8xf32, #tpu.memory_space<vmem>>
    %dma_wait3A_316 = tpu.memref_squeeze %dma_wait3A_315 : memref<1x128x8xf32, #tpu.memory_space<vmem>> -> memref<128x8xf32, #tpu.memory_space<vmem>>
    %dma_wait3A_317 = arith.constant 0 : i32
    %dma_wait3A_318 = tpu.memref_slice %arg5[%dma_wait3A_311, %dma_wait3A_317] : memref<16x128xi32, #tpu.memory_space<vmem>> -> memref<1x128xi32, #tpu.memory_space<vmem>>
    %dma_wait3A_319 = tpu.memref_squeeze %dma_wait3A_318 : memref<1x128xi32, #tpu.memory_space<vmem>> -> memref<128xi32, #tpu.memory_space<vmem>>
    %dma_wait3A_320 = arith.constant 0 : i32
    %dma_wait3A_321 = arith.constant 0 : i32
    %dma_wait3A_322 = tpu.memref_slice %arg2[%dma_wait3A_320, %dma_wait3A_321] : memref<32768x8xf32, #tpu.memory_space<hbm>> -> memref<32768x8xf32, #tpu.memory_space<hbm>>
    tpu.wait_indirect_dma semaphore(%arg7 : memref<!tpu.dma_semaphore, #tpu.memory_space<semaphore_mem>>) src(%dma_wait3A_322 : memref<32768x8xf32, #tpu.memory_space<hbm>>) dst(%dma_wait3A_316 : memref<128x8xf32, #tpu.memory_space<vmem>>)
    %dma_wait3A_323 = arith.constant 11 : i32
    %dma_wait3A_324 = arith.constant 11 : i32
    %dma_wait3A_325 = arith.constant 0 : i32
    %dma_wait3A_326 = arith.constant 0 : i32
    %dma_wait3A_327 = tpu.memref_slice %arg6[%dma_wait3A_324, %dma_wait3A_325, %dma_wait3A_326] : memref<16x128x8xf32, #tpu.memory_space<vmem>> -> memref<1x128x8xf32, #tpu.memory_space<vmem>>
    %dma_wait3A_328 = tpu.memref_squeeze %dma_wait3A_327 : memref<1x128x8xf32, #tpu.memory_space<vmem>> -> memref<128x8xf32, #tpu.memory_space<vmem>>
    %dma_wait3A_329 = arith.constant 0 : i32
    %dma_wait3A_330 = tpu.memref_slice %arg5[%dma_wait3A_323, %dma_wait3A_329] : memref<16x128xi32, #tpu.memory_space<vmem>> -> memref<1x128xi32, #tpu.memory_space<vmem>>
    %dma_wait3A_331 = tpu.memref_squeeze %dma_wait3A_330 : memref<1x128xi32, #tpu.memory_space<vmem>> -> memref<128xi32, #tpu.memory_space<vmem>>
    %dma_wait3A_332 = arith.constant 0 : i32
    %dma_wait3A_333 = arith.constant 0 : i32
    %dma_wait3A_334 = tpu.memref_slice %arg2[%dma_wait3A_332, %dma_wait3A_333] : memref<32768x8xf32, #tpu.memory_space<hbm>> -> memref<32768x8xf32, #tpu.memory_space<hbm>>
    tpu.wait_indirect_dma semaphore(%arg7 : memref<!tpu.dma_semaphore, #tpu.memory_space<semaphore_mem>>) src(%dma_wait3A_334 : memref<32768x8xf32, #tpu.memory_space<hbm>>) dst(%dma_wait3A_328 : memref<128x8xf32, #tpu.memory_space<vmem>>)
    %dma_wait3A_335 = arith.constant 12 : i32
    %dma_wait3A_336 = arith.constant 12 : i32
    %dma_wait3A_337 = arith.constant 0 : i32
    %dma_wait3A_338 = arith.constant 0 : i32
    %dma_wait3A_339 = tpu.memref_slice %arg6[%dma_wait3A_336, %dma_wait3A_337, %dma_wait3A_338] : memref<16x128x8xf32, #tpu.memory_space<vmem>> -> memref<1x128x8xf32, #tpu.memory_space<vmem>>
    %dma_wait3A_340 = tpu.memref_squeeze %dma_wait3A_339 : memref<1x128x8xf32, #tpu.memory_space<vmem>> -> memref<128x8xf32, #tpu.memory_space<vmem>>
    %dma_wait3A_341 = arith.constant 0 : i32
    %dma_wait3A_342 = tpu.memref_slice %arg5[%dma_wait3A_335, %dma_wait3A_341] : memref<16x128xi32, #tpu.memory_space<vmem>> -> memref<1x128xi32, #tpu.memory_space<vmem>>
    %dma_wait3A_343 = tpu.memref_squeeze %dma_wait3A_342 : memref<1x128xi32, #tpu.memory_space<vmem>> -> memref<128xi32, #tpu.memory_space<vmem>>
    %dma_wait3A_344 = arith.constant 0 : i32
    %dma_wait3A_345 = arith.constant 0 : i32
    %dma_wait3A_346 = tpu.memref_slice %arg2[%dma_wait3A_344, %dma_wait3A_345] : memref<32768x8xf32, #tpu.memory_space<hbm>> -> memref<32768x8xf32, #tpu.memory_space<hbm>>
    tpu.wait_indirect_dma semaphore(%arg7 : memref<!tpu.dma_semaphore, #tpu.memory_space<semaphore_mem>>) src(%dma_wait3A_346 : memref<32768x8xf32, #tpu.memory_space<hbm>>) dst(%dma_wait3A_340 : memref<128x8xf32, #tpu.memory_space<vmem>>)
    %dma_wait3A_347 = arith.constant 13 : i32
    %dma_wait3A_348 = arith.constant 13 : i32
    %dma_wait3A_349 = arith.constant 0 : i32
    %dma_wait3A_350 = arith.constant 0 : i32
    %dma_wait3A_351 = tpu.memref_slice %arg6[%dma_wait3A_348, %dma_wait3A_349, %dma_wait3A_350] : memref<16x128x8xf32, #tpu.memory_space<vmem>> -> memref<1x128x8xf32, #tpu.memory_space<vmem>>
    %dma_wait3A_352 = tpu.memref_squeeze %dma_wait3A_351 : memref<1x128x8xf32, #tpu.memory_space<vmem>> -> memref<128x8xf32, #tpu.memory_space<vmem>>
    %dma_wait3A_353 = arith.constant 0 : i32
    %dma_wait3A_354 = tpu.memref_slice %arg5[%dma_wait3A_347, %dma_wait3A_353] : memref<16x128xi32, #tpu.memory_space<vmem>> -> memref<1x128xi32, #tpu.memory_space<vmem>>
    %dma_wait3A_355 = tpu.memref_squeeze %dma_wait3A_354 : memref<1x128xi32, #tpu.memory_space<vmem>> -> memref<128xi32, #tpu.memory_space<vmem>>
    %dma_wait3A_356 = arith.constant 0 : i32
    %dma_wait3A_357 = arith.constant 0 : i32
    %dma_wait3A_358 = tpu.memref_slice %arg2[%dma_wait3A_356, %dma_wait3A_357] : memref<32768x8xf32, #tpu.memory_space<hbm>> -> memref<32768x8xf32, #tpu.memory_space<hbm>>
    tpu.wait_indirect_dma semaphore(%arg7 : memref<!tpu.dma_semaphore, #tpu.memory_space<semaphore_mem>>) src(%dma_wait3A_358 : memref<32768x8xf32, #tpu.memory_space<hbm>>) dst(%dma_wait3A_352 : memref<128x8xf32, #tpu.memory_space<vmem>>)
    %dma_wait3A_359 = arith.constant 14 : i32
    %dma_wait3A_360 = arith.constant 14 : i32
    %dma_wait3A_361 = arith.constant 0 : i32
    %dma_wait3A_362 = arith.constant 0 : i32
    %dma_wait3A_363 = tpu.memref_slice %arg6[%dma_wait3A_360, %dma_wait3A_361, %dma_wait3A_362] : memref<16x128x8xf32, #tpu.memory_space<vmem>> -> memref<1x128x8xf32, #tpu.memory_space<vmem>>
    %dma_wait3A_364 = tpu.memref_squeeze %dma_wait3A_363 : memref<1x128x8xf32, #tpu.memory_space<vmem>> -> memref<128x8xf32, #tpu.memory_space<vmem>>
    %dma_wait3A_365 = arith.constant 0 : i32
    %dma_wait3A_366 = tpu.memref_slice %arg5[%dma_wait3A_359, %dma_wait3A_365] : memref<16x128xi32, #tpu.memory_space<vmem>> -> memref<1x128xi32, #tpu.memory_space<vmem>>
    %dma_wait3A_367 = tpu.memref_squeeze %dma_wait3A_366 : memref<1x128xi32, #tpu.memory_space<vmem>> -> memref<128xi32, #tpu.memory_space<vmem>>
    %dma_wait3A_368 = arith.constant 0 : i32
    %dma_wait3A_369 = arith.constant 0 : i32
    %dma_wait3A_370 = tpu.memref_slice %arg2[%dma_wait3A_368, %dma_wait3A_369] : memref<32768x8xf32, #tpu.memory_space<hbm>> -> memref<32768x8xf32, #tpu.memory_space<hbm>>
    tpu.wait_indirect_dma semaphore(%arg7 : memref<!tpu.dma_semaphore, #tpu.memory_space<semaphore_mem>>) src(%dma_wait3A_370 : memref<32768x8xf32, #tpu.memory_space<hbm>>) dst(%dma_wait3A_364 : memref<128x8xf32, #tpu.memory_space<vmem>>)
    %dma_wait3A_371 = arith.constant 15 : i32
    %dma_wait3A_372 = arith.constant 15 : i32
    %dma_wait3A_373 = arith.constant 0 : i32
    %dma_wait3A_374 = arith.constant 0 : i32
    %dma_wait3A_375 = tpu.memref_slice %arg6[%dma_wait3A_372, %dma_wait3A_373, %dma_wait3A_374] : memref<16x128x8xf32, #tpu.memory_space<vmem>> -> memref<1x128x8xf32, #tpu.memory_space<vmem>>
    %dma_wait3A_376 = tpu.memref_squeeze %dma_wait3A_375 : memref<1x128x8xf32, #tpu.memory_space<vmem>> -> memref<128x8xf32, #tpu.memory_space<vmem>>
    %dma_wait3A_377 = arith.constant 0 : i32
    %dma_wait3A_378 = tpu.memref_slice %arg5[%dma_wait3A_371, %dma_wait3A_377] : memref<16x128xi32, #tpu.memory_space<vmem>> -> memref<1x128xi32, #tpu.memory_space<vmem>>
    %dma_wait3A_379 = tpu.memref_squeeze %dma_wait3A_378 : memref<1x128xi32, #tpu.memory_space<vmem>> -> memref<128xi32, #tpu.memory_space<vmem>>
    %dma_wait3A_380 = arith.constant 0 : i32
    %dma_wait3A_381 = arith.constant 0 : i32
    %dma_wait3A_382 = tpu.memref_slice %arg2[%dma_wait3A_380, %dma_wait3A_381] : memref<32768x8xf32, #tpu.memory_space<hbm>> -> memref<32768x8xf32, #tpu.memory_space<hbm>>
    tpu.wait_indirect_dma semaphore(%arg7 : memref<!tpu.dma_semaphore, #tpu.memory_space<semaphore_mem>>) src(%dma_wait3A_382 : memref<32768x8xf32, #tpu.memory_space<hbm>>) dst(%dma_wait3A_376 : memref<128x8xf32, #tpu.memory_space<vmem>>)
    "tpu.region"() ({
      %run_scoped3A = tpu.sem_alloc : memref<!tpu.dma_semaphore, #tpu.memory_space<semaphore_mem>>
      %dma_start3A_383 = arith.constant 0 : i32
      %dma_start3A_384 = arith.constant 0 : i32
      %dma_start3A_385 = arith.constant 0 : i32
      %dma_start3A_386 = tpu.memref_slice %arg4[%add3A, %dma_start3A_383, %dma_start3A_384, %dma_start3A_385] : memref<32x16x128x8xf32, #tpu.memory_space<hbm>> -> memref<1x16x128x8xf32, #tpu.memory_space<hbm>>
      %dma_start3A_387 = tpu.memref_squeeze %dma_start3A_386 : memref<1x16x128x8xf32, #tpu.memory_space<hbm>> -> memref<16x128x8xf32, #tpu.memory_space<hbm>>
      %dma_start3A_388 = arith.constant 0 : i32
      %dma_start3A_389 = arith.constant 0 : i32
      %dma_start3A_390 = arith.constant 0 : i32
      %dma_start3A_391 = tpu.memref_slice %arg4[%add3A, %dma_start3A_388, %dma_start3A_389, %dma_start3A_390] : memref<32x16x128x8xf32, #tpu.memory_space<hbm>> -> memref<1x16x128x8xf32, #tpu.memory_space<hbm>>
      %dma_start3A_392 = tpu.memref_squeeze %dma_start3A_391 : memref<1x16x128x8xf32, #tpu.memory_space<hbm>> -> memref<16x128x8xf32, #tpu.memory_space<hbm>>
      tpu.enqueue_dma source(%arg6 : memref<16x128x8xf32, #tpu.memory_space<vmem>>) target(%dma_start3A_392 : memref<16x128x8xf32, #tpu.memory_space<hbm>>) target_semaphore(%run_scoped3A : memref<!tpu.dma_semaphore, #tpu.memory_space<semaphore_mem>>)
      %dma_wait3A_393 = arith.constant 0 : i32
      %dma_wait3A_394 = arith.constant 0 : i32
      %dma_wait3A_395 = arith.constant 0 : i32
      %dma_wait3A_396 = tpu.memref_slice %arg4[%add3A, %dma_wait3A_393, %dma_wait3A_394, %dma_wait3A_395] : memref<32x16x128x8xf32, #tpu.memory_space<hbm>> -> memref<1x16x128x8xf32, #tpu.memory_space<hbm>>
      %dma_wait3A_397 = tpu.memref_squeeze %dma_wait3A_396 : memref<1x16x128x8xf32, #tpu.memory_space<hbm>> -> memref<16x128x8xf32, #tpu.memory_space<hbm>>
      %dma_wait3A_398 = arith.constant 0 : i32
      %dma_wait3A_399 = arith.constant 0 : i32
      %dma_wait3A_400 = arith.constant 0 : i32
      %dma_wait3A_401 = tpu.memref_slice %arg4[%add3A, %dma_wait3A_398, %dma_wait3A_399, %dma_wait3A_400] : memref<32x16x128x8xf32, #tpu.memory_space<hbm>> -> memref<1x16x128x8xf32, #tpu.memory_space<hbm>>
      %dma_wait3A_402 = tpu.memref_squeeze %dma_wait3A_401 : memref<1x16x128x8xf32, #tpu.memory_space<hbm>> -> memref<16x128x8xf32, #tpu.memory_space<hbm>>
      tpu.wait_dma2 semaphore(%run_scoped3A : memref<!tpu.dma_semaphore, #tpu.memory_space<semaphore_mem>>) src(%arg6 : memref<16x128x8xf32, #tpu.memory_space<vmem>>) dst(%dma_wait3A_402 : memref<16x128x8xf32, #tpu.memory_space<hbm>>)
      tpu.yield
    }) : () -> ()
    return
  }
}

module attributes {stable_mosaic.version = 14 : i64} {
  func.func @_fps_knn_fused(%arg0: i32, %arg1: memref<4x32x8x128xf32, #tpu.memory_space<vmem>>, %arg2: memref<8x8x16xi32, #tpu.memory_space<vmem>>, %arg3: memref<32x8x128xf32, #tpu.memory_space<vmem>>, %arg4: memref<3x8x1xf32, #tpu.memory_space<vmem>>, %arg5: memref<2x8x32x8x128xf32, #tpu.memory_space<vmem>>) attributes {dimension_semantics = [#tpu.dimension_semantics<arbitrary>], iteration_bounds = array<i64: 65>, scalar_prefetch = 0 : i64, scratch_operands = 3 : i64, tpu.core_type = #tpu.core_type<tc>, window_params = [{pipeline_mode = #tpu.pipeline_mode<synchronous>, transform_indices = @transform_0, window_bounds = array<i64: 4, 32, 8, 128>}, {transform_indices = @transform_1, window_bounds = array<i64: 8, 8, 16>}]} {
    %get3A = arith.constant 0 : index
    %get3A_0 = arith.constant 0 : index
    %get3A_1 = arith.constant 0 : index
    %get3A_2 = arith.constant 0 : index
    %get3A_3 = vector.load %arg1[%get3A, %get3A_0, %get3A_1, %get3A_2] : memref<4x32x8x128xf32, #tpu.memory_space<vmem>>, vector<1x32x8x128xf32>
    %get3A_4 = vector.shape_cast %get3A_3 : vector<1x32x8x128xf32> to vector<32x8x128xf32>
    %get3A_5 = arith.constant 1 : index
    %get3A_6 = arith.constant 0 : index
    %get3A_7 = arith.constant 0 : index
    %get3A_8 = arith.constant 0 : index
    %get3A_9 = vector.load %arg1[%get3A_5, %get3A_6, %get3A_7, %get3A_8] : memref<4x32x8x128xf32, #tpu.memory_space<vmem>>, vector<1x32x8x128xf32>
    %get3A_10 = vector.shape_cast %get3A_9 : vector<1x32x8x128xf32> to vector<32x8x128xf32>
    %get3A_11 = arith.constant 2 : index
    %get3A_12 = arith.constant 0 : index
    %get3A_13 = arith.constant 0 : index
    %get3A_14 = arith.constant 0 : index
    %get3A_15 = vector.load %arg1[%get3A_11, %get3A_12, %get3A_13, %get3A_14] : memref<4x32x8x128xf32, #tpu.memory_space<vmem>>, vector<1x32x8x128xf32>
    %get3A_16 = vector.shape_cast %get3A_15 : vector<1x32x8x128xf32> to vector<32x8x128xf32>
    %get3A_17 = arith.constant 3 : index
    %get3A_18 = arith.constant 0 : index
    %get3A_19 = arith.constant 0 : index
    %get3A_20 = arith.constant 0 : index
    %get3A_21 = vector.load %arg1[%get3A_17, %get3A_18, %get3A_19, %get3A_20] : memref<4x32x8x128xf32, #tpu.memory_space<vmem>>, vector<1x32x8x128xf32>
    %get3A_22 = vector.shape_cast %get3A_21 : vector<1x32x8x128xf32> to vector<32x8x128xf32>
    %eq3A = arith.constant 0 : i32
    %eq3A_23 = arith.cmpi eq, %arg0, %eq3A : i32
    %convert_element_type3A = arith.extui %eq3A_23 : i1 to i32
    %cond3A = arith.constant 0 : i32
    %cond3A_24 = arith.cmpi ne, %convert_element_type3A, %cond3A : i32
    scf.if %cond3A_24 {
      %broadcast_in_dim3A_3540 = arith.constant 1.000000e+10 : f32
      %broadcast_in_dim3A_3541 = vector.broadcast %broadcast_in_dim3A_3540 : f32 to vector<32x8x128xf32>
      %swap3A_3542 = arith.constant 0 : index
      %swap3A_3543 = arith.constant 0 : index
      %swap3A_3544 = arith.constant 0 : index
      %swap3A_3545 = vector.load %arg3[%swap3A_3542, %swap3A_3543, %swap3A_3544] : memref<32x8x128xf32, #tpu.memory_space<vmem>>, vector<32x8x128xf32>
      tpu.vector_store %arg3[%swap3A_3542, %swap3A_3543, %swap3A_3544], %broadcast_in_dim3A_3541 {strides = array<i32>} : memref<32x8x128xf32, #tpu.memory_space<vmem>>, vector<32x8x128xf32>,
      %slice3A_3546 = vector.extract_strided_slice %get3A_4 {offsets = [0, 0, 0], sizes = [1, 8, 1], strides = [1, 1, 1]} : vector<32x8x128xf32> to vector<1x8x1xf32>
      %swap3A_3547 = arith.constant 0 : index
      %swap3A_3548 = arith.constant 0 : index
      %swap3A_3549 = arith.constant 0 : index
      %swap3A_3550 = vector.load %arg4[%swap3A_3547, %swap3A_3548, %swap3A_3549] : memref<3x8x1xf32, #tpu.memory_space<vmem>>, vector<1x8x1xf32>
      tpu.vector_store %arg4[%swap3A_3547, %swap3A_3548, %swap3A_3549], %slice3A_3546 {strides = array<i32>} : memref<3x8x1xf32, #tpu.memory_space<vmem>>, vector<1x8x1xf32>,
      %slice3A_3551 = vector.extract_strided_slice %get3A_10 {offsets = [0, 0, 0], sizes = [1, 8, 1], strides = [1, 1, 1]} : vector<32x8x128xf32> to vector<1x8x1xf32>
      %swap3A_3552 = arith.constant 1 : index
      %swap3A_3553 = arith.constant 0 : index
      %swap3A_3554 = arith.constant 0 : index
      %swap3A_3555 = vector.load %arg4[%swap3A_3552, %swap3A_3553, %swap3A_3554] : memref<3x8x1xf32, #tpu.memory_space<vmem>>, vector<1x8x1xf32>
      tpu.vector_store %arg4[%swap3A_3552, %swap3A_3553, %swap3A_3554], %slice3A_3551 {strides = array<i32>} : memref<3x8x1xf32, #tpu.memory_space<vmem>>, vector<1x8x1xf32>,
      %slice3A_3556 = vector.extract_strided_slice %get3A_16 {offsets = [0, 0, 0], sizes = [1, 8, 1], strides = [1, 1, 1]} : vector<32x8x128xf32> to vector<1x8x1xf32>
      %swap3A_3557 = arith.constant 2 : index
      %swap3A_3558 = arith.constant 0 : index
      %swap3A_3559 = arith.constant 0 : index
      %swap3A_3560 = vector.load %arg4[%swap3A_3557, %swap3A_3558, %swap3A_3559] : memref<3x8x1xf32, #tpu.memory_space<vmem>>, vector<1x8x1xf32>
      tpu.vector_store %arg4[%swap3A_3557, %swap3A_3558, %swap3A_3559], %slice3A_3556 {strides = array<i32>} : memref<3x8x1xf32, #tpu.memory_space<vmem>>, vector<1x8x1xf32>,
      %broadcast_in_dim3A_3561 = arith.constant 0.000000e+00 : f32
      %broadcast_in_dim3A_3562 = vector.broadcast %broadcast_in_dim3A_3561 : f32 to vector<2x8x32x8x128xf32>
      %swap3A_3563 = arith.constant 0 : index
      %swap3A_3564 = arith.constant 0 : index
      %swap3A_3565 = arith.constant 0 : index
      %swap3A_3566 = arith.constant 0 : index
      %swap3A_3567 = arith.constant 0 : index
      %swap3A_3568 = vector.load %arg5[%swap3A_3563, %swap3A_3564, %swap3A_3565, %swap3A_3566, %swap3A_3567] : memref<2x8x32x8x128xf32, #tpu.memory_space<vmem>>, vector<2x8x32x8x128xf32>
      tpu.vector_store %arg5[%swap3A_3563, %swap3A_3564, %swap3A_3565, %swap3A_3566, %swap3A_3567], %broadcast_in_dim3A_3562 {strides = array<i32>} : memref<2x8x32x8x128xf32, #tpu.memory_space<vmem>>, vector<2x8x32x8x128xf32>,
    } else {
    }
    %rem3A = arith.constant 2 : i32
    %rem3A_25 = arith.remsi %arg0, %rem3A : i32
    %add3A = arith.constant 1 : i32
    %add3A_26 = arith.addi %arg0, %add3A : i32
    %rem3A_27 = arith.constant 2 : i32
    %rem3A_28 = arith.remsi %add3A_26, %rem3A_27 : i32
    %iota3A = tpu.iota {dimensions = array<i32: 1>} : vector<1x8x1xi32>
    %mul3A = arith.constant 4096 : i32
    %mul3A_29 = vector.broadcast %mul3A : i32 to vector<1x8x1xi32>
    %mul3A_30 = arith.muli %iota3A, %mul3A_29 : vector<1x8x1xi32>
    %convert_element_type3A_31 = arith.sitofp %mul3A_30 : vector<1x8x1xi32> to vector<1x8x1xf32>
    %get3A_32 = arith.index_cast %rem3A_28 : i32 to index
    %get3A_33 = arith.constant 0 : index
    %get3A_34 = arith.constant 0 : index
    %get3A_35 = arith.constant 0 : index
    %get3A_36 = arith.constant 0 : index
    %get3A_37 = vector.load %arg5[%get3A_32, %get3A_33, %get3A_34, %get3A_35, %get3A_36] : memref<2x8x32x8x128xf32, #tpu.memory_space<vmem>>, vector<1x1x32x8x128xf32>
    %get3A_38 = vector.shape_cast %get3A_37 : vector<1x1x32x8x128xf32> to vector<32x8x128xf32>
    %reduce_min3A = arith.constant dense<0x7F800000> : vector<8xf32>
    %reduce_min3A_39 = vector.multi_reduction <minimumf>, %get3A_38, %reduce_min3A [0, 2] : vector<32x8x128xf32> to vector<8xf32>
    %broadcast_in_dim3A = vector.shape_cast %reduce_min3A_39 : vector<8xf32> to vector<1x8x1xf32>
    %eq3A_40 = vector.broadcast %broadcast_in_dim3A : vector<1x8x1xf32> to vector<32x8x128xf32>
    %eq3A_41 = arith.cmpf oeq, %get3A_38, %eq3A_40 : vector<32x8x128xf32>
    %jit3A = arith.constant 4.096000e+03 : f32
    %broadcast_in_dim3A_42 = vector.broadcast %jit3A : f32 to vector<32x8x128xf32>
    %select_n3A = arith.select %eq3A_41, %get3A_22, %broadcast_in_dim3A_42 : vector<32x8x128xi1>, vector<32x8x128xf32>
    %reduce_min3A_43 = arith.constant dense<0x7F800000> : vector<8xf32>
    %reduce_min3A_44 = vector.multi_reduction <minimumf>, %select_n3A, %reduce_min3A_43 [0, 2] : vector<32x8x128xf32> to vector<8xf32>
    %broadcast_in_dim3A_45 = vector.shape_cast %reduce_min3A_44 : vector<8xf32> to vector<1x8x1xf32>
    %eq3A_46 = vector.broadcast %broadcast_in_dim3A_45 : vector<1x8x1xf32> to vector<32x8x128xf32>
    %eq3A_47 = arith.cmpf oeq, %select_n3A, %eq3A_46 : vector<32x8x128xf32>
    %jit3A_48 = arith.constant 3.000000e+38 : f32
    %broadcast_in_dim3A_49 = vector.broadcast %jit3A_48 : f32 to vector<32x8x128xf32>
    %select_n3A_50 = arith.select %eq3A_47, %broadcast_in_dim3A_49, %get3A_38 : vector<32x8x128xi1>, vector<32x8x128xf32>
    %add3A_51 = arith.addf %broadcast_in_dim3A_45, %convert_element_type3A_31 : vector<1x8x1xf32>
    %convert_element_type3A_52 = arith.fptosi %add3A_51 : vector<1x8x1xf32> to vector<1x8x1xi32>
    %reduce_min3A_53 = arith.constant dense<0x7F800000> : vector<8xf32>
    %reduce_min3A_54 = vector.multi_reduction <minimumf>, %select_n3A_50, %reduce_min3A_53 [0, 2] : vector<32x8x128xf32> to vector<8xf32>
    %broadcast_in_dim3A_55 = vector.shape_cast %reduce_min3A_54 : vector<8xf32> to vector<1x8x1xf32>
    %eq3A_56 = vector.broadcast %broadcast_in_dim3A_55 : vector<1x8x1xf32> to vector<32x8x128xf32>
    %eq3A_57 = arith.cmpf oeq, %select_n3A_50, %eq3A_56 : vector<32x8x128xf32>
    %jit3A_58 = arith.constant 4.096000e+03 : f32
    %broadcast_in_dim3A_59 = vector.broadcast %jit3A_58 : f32 to vector<32x8x128xf32>
    %select_n3A_60 = arith.select %eq3A_57, %get3A_22, %broadcast_in_dim3A_59 : vector<32x8x128xi1>, vector<32x8x128xf32>
    %reduce_min3A_61 = arith.constant dense<0x7F800000> : vector<8xf32>
    %reduce_min3A_62 = vector.multi_reduction <minimumf>, %select_n3A_60, %reduce_min3A_61 [0, 2] : vector<32x8x128xf32> to vector<8xf32>
    %broadcast_in_dim3A_63 = vector.shape_cast %reduce_min3A_62 : vector<8xf32> to vector<1x8x1xf32>
    %eq3A_64 = vector.broadcast %broadcast_in_dim3A_63 : vector<1x8x1xf32> to vector<32x8x128xf32>
    %eq3A_65 = arith.cmpf oeq, %select_n3A_60, %eq3A_64 : vector<32x8x128xf32>
    %jit3A_66 = arith.constant 3.000000e+38 : f32
    %broadcast_in_dim3A_67 = vector.broadcast %jit3A_66 : f32 to vector<32x8x128xf32>
    %select_n3A_68 = arith.select %eq3A_65, %broadcast_in_dim3A_67, %select_n3A_50 : vector<32x8x128xi1>, vector<32x8x128xf32>
    %add3A_69 = arith.addf %broadcast_in_dim3A_63, %convert_element_type3A_31 : vector<1x8x1xf32>
    %convert_element_type3A_70 = arith.fptosi %add3A_69 : vector<1x8x1xf32> to vector<1x8x1xi32>
    %reduce_min3A_71 = arith.constant dense<0x7F800000> : vector<8xf32>
    %reduce_min3A_72 = vector.multi_reduction <minimumf>, %select_n3A_68, %reduce_min3A_71 [0, 2] : vector<32x8x128xf32> to vector<8xf32>
    %broadcast_in_dim3A_73 = vector.shape_cast %reduce_min3A_72 : vector<8xf32> to vector<1x8x1xf32>
    %eq3A_74 = vector.broadcast %broadcast_in_dim3A_73 : vector<1x8x1xf32> to vector<32x8x128xf32>
    %eq3A_75 = arith.cmpf oeq, %select_n3A_68, %eq3A_74 : vector<32x8x128xf32>
    %jit3A_76 = arith.constant 4.096000e+03 : f32
    %broadcast_in_dim3A_77 = vector.broadcast %jit3A_76 : f32 to vector<32x8x128xf32>
    %select_n3A_78 = arith.select %eq3A_75, %get3A_22, %broadcast_in_dim3A_77 : vector<32x8x128xi1>, vector<32x8x128xf32>
    %reduce_min3A_79 = arith.constant dense<0x7F800000> : vector<8xf32>
    %reduce_min3A_80 = vector.multi_reduction <minimumf>, %select_n3A_78, %reduce_min3A_79 [0, 2] : vector<32x8x128xf32> to vector<8xf32>
    %broadcast_in_dim3A_81 = vector.shape_cast %reduce_min3A_80 : vector<8xf32> to vector<1x8x1xf32>
    %eq3A_82 = vector.broadcast %broadcast_in_dim3A_81 : vector<1x8x1xf32> to vector<32x8x128xf32>
    %eq3A_83 = arith.cmpf oeq, %select_n3A_78, %eq3A_82 : vector<32x8x128xf32>
    %jit3A_84 = arith.constant 3.000000e+38 : f32
    %broadcast_in_dim3A_85 = vector.broadcast %jit3A_84 : f32 to vector<32x8x128xf32>
    %select_n3A_86 = arith.select %eq3A_83, %broadcast_in_dim3A_85, %select_n3A_68 : vector<32x8x128xi1>, vector<32x8x128xf32>
    %add3A_87 = arith.addf %broadcast_in_dim3A_81, %convert_element_type3A_31 : vector<1x8x1xf32>
    %convert_element_type3A_88 = arith.fptosi %add3A_87 : vector<1x8x1xf32> to vector<1x8x1xi32>
    %reduce_min3A_89 = arith.constant dense<0x7F800000> : vector<8xf32>
    %reduce_min3A_90 = vector.multi_reduction <minimumf>, %select_n3A_86, %reduce_min3A_89 [0, 2] : vector<32x8x128xf32> to vector<8xf32>
    %broadcast_in_dim3A_91 = vector.shape_cast %reduce_min3A_90 : vector<8xf32> to vector<1x8x1xf32>
    %eq3A_92 = vector.broadcast %broadcast_in_dim3A_91 : vector<1x8x1xf32> to vector<32x8x128xf32>
    %eq3A_93 = arith.cmpf oeq, %select_n3A_86, %eq3A_92 : vector<32x8x128xf32>
    %jit3A_94 = arith.constant 4.096000e+03 : f32
    %broadcast_in_dim3A_95 = vector.broadcast %jit3A_94 : f32 to vector<32x8x128xf32>
    %select_n3A_96 = arith.select %eq3A_93, %get3A_22, %broadcast_in_dim3A_95 : vector<32x8x128xi1>, vector<32x8x128xf32>
    %reduce_min3A_97 = arith.constant dense<0x7F800000> : vector<8xf32>
    %reduce_min3A_98 = vector.multi_reduction <minimumf>, %select_n3A_96, %reduce_min3A_97 [0, 2] : vector<32x8x128xf32> to vector<8xf32>
    %broadcast_in_dim3A_99 = vector.shape_cast %reduce_min3A_98 : vector<8xf32> to vector<1x8x1xf32>
    %eq3A_100 = vector.broadcast %broadcast_in_dim3A_99 : vector<1x8x1xf32> to vector<32x8x128xf32>
    %eq3A_101 = arith.cmpf oeq, %select_n3A_96, %eq3A_100 : vector<32x8x128xf32>
    %jit3A_102 = arith.constant 3.000000e+38 : f32
    %broadcast_in_dim3A_103 = vector.broadcast %jit3A_102 : f32 to vector<32x8x128xf32>
    %select_n3A_104 = arith.select %eq3A_101, %broadcast_in_dim3A_103, %select_n3A_86 : vector<32x8x128xi1>, vector<32x8x128xf32>
    %add3A_105 = arith.addf %broadcast_in_dim3A_99, %convert_element_type3A_31 : vector<1x8x1xf32>
    %convert_element_type3A_106 = arith.fptosi %add3A_105 : vector<1x8x1xf32> to vector<1x8x1xi32>
    %reduce_min3A_107 = arith.constant dense<0x7F800000> : vector<8xf32>
    %reduce_min3A_108 = vector.multi_reduction <minimumf>, %select_n3A_104, %reduce_min3A_107 [0, 2] : vector<32x8x128xf32> to vector<8xf32>
    %broadcast_in_dim3A_109 = vector.shape_cast %reduce_min3A_108 : vector<8xf32> to vector<1x8x1xf32>
    %eq3A_110 = vector.broadcast %broadcast_in_dim3A_109 : vector<1x8x1xf32> to vector<32x8x128xf32>
    %eq3A_111 = arith.cmpf oeq, %select_n3A_104, %eq3A_110 : vector<32x8x128xf32>
    %jit3A_112 = arith.constant 4.096000e+03 : f32
    %broadcast_in_dim3A_113 = vector.broadcast %jit3A_112 : f32 to vector<32x8x128xf32>
    %select_n3A_114 = arith.select %eq3A_111, %get3A_22, %broadcast_in_dim3A_113 : vector<32x8x128xi1>, vector<32x8x128xf32>
    %reduce_min3A_115 = arith.constant dense<0x7F800000> : vector<8xf32>
    %reduce_min3A_116 = vector.multi_reduction <minimumf>, %select_n3A_114, %reduce_min3A_115 [0, 2] : vector<32x8x128xf32> to vector<8xf32>
    %broadcast_in_dim3A_117 = vector.shape_cast %reduce_min3A_116 : vector<8xf32> to vector<1x8x1xf32>
    %eq3A_118 = vector.broadcast %broadcast_in_dim3A_117 : vector<1x8x1xf32> to vector<32x8x128xf32>
    %eq3A_119 = arith.cmpf oeq, %select_n3A_114, %eq3A_118 : vector<32x8x128xf32>
    %jit3A_120 = arith.constant 3.000000e+38 : f32
    %broadcast_in_dim3A_121 = vector.broadcast %jit3A_120 : f32 to vector<32x8x128xf32>
    %select_n3A_122 = arith.select %eq3A_119, %broadcast_in_dim3A_121, %select_n3A_104 : vector<32x8x128xi1>, vector<32x8x128xf32>
    %add3A_123 = arith.addf %broadcast_in_dim3A_117, %convert_element_type3A_31 : vector<1x8x1xf32>
    %convert_element_type3A_124 = arith.fptosi %add3A_123 : vector<1x8x1xf32> to vector<1x8x1xi32>
    %reduce_min3A_125 = arith.constant dense<0x7F800000> : vector<8xf32>
    %reduce_min3A_126 = vector.multi_reduction <minimumf>, %select_n3A_122, %reduce_min3A_125 [0, 2] : vector<32x8x128xf32> to vector<8xf32>
    %broadcast_in_dim3A_127 = vector.shape_cast %reduce_min3A_126 : vector<8xf32> to vector<1x8x1xf32>
    %eq3A_128 = vector.broadcast %broadcast_in_dim3A_127 : vector<1x8x1xf32> to vector<32x8x128xf32>
    %eq3A_129 = arith.cmpf oeq, %select_n3A_122, %eq3A_128 : vector<32x8x128xf32>
    %jit3A_130 = arith.constant 4.096000e+03 : f32
    %broadcast_in_dim3A_131 = vector.broadcast %jit3A_130 : f32 to vector<32x8x128xf32>
    %select_n3A_132 = arith.select %eq3A_129, %get3A_22, %broadcast_in_dim3A_131 : vector<32x8x128xi1>, vector<32x8x128xf32>
    %reduce_min3A_133 = arith.constant dense<0x7F800000> : vector<8xf32>
    %reduce_min3A_134 = vector.multi_reduction <minimumf>, %select_n3A_132, %reduce_min3A_133 [0, 2] : vector<32x8x128xf32> to vector<8xf32>
    %broadcast_in_dim3A_135 = vector.shape_cast %reduce_min3A_134 : vector<8xf32> to vector<1x8x1xf32>
    %eq3A_136 = vector.broadcast %broadcast_in_dim3A_135 : vector<1x8x1xf32> to vector<32x8x128xf32>
    %eq3A_137 = arith.cmpf oeq, %select_n3A_132, %eq3A_136 : vector<32x8x128xf32>
    %jit3A_138 = arith.constant 3.000000e+38 : f32
    %broadcast_in_dim3A_139 = vector.broadcast %jit3A_138 : f32 to vector<32x8x128xf32>
    %select_n3A_140 = arith.select %eq3A_137, %broadcast_in_dim3A_139, %select_n3A_122 : vector<32x8x128xi1>, vector<32x8x128xf32>
    %add3A_141 = arith.addf %broadcast_in_dim3A_135, %convert_element_type3A_31 : vector<1x8x1xf32>
    %convert_element_type3A_142 = arith.fptosi %add3A_141 : vector<1x8x1xf32> to vector<1x8x1xi32>
    %reduce_min3A_143 = arith.constant dense<0x7F800000> : vector<8xf32>
    %reduce_min3A_144 = vector.multi_reduction <minimumf>, %select_n3A_140, %reduce_min3A_143 [0, 2] : vector<32x8x128xf32> to vector<8xf32>
    %broadcast_in_dim3A_145 = vector.shape_cast %reduce_min3A_144 : vector<8xf32> to vector<1x8x1xf32>
    %eq3A_146 = vector.broadcast %broadcast_in_dim3A_145 : vector<1x8x1xf32> to vector<32x8x128xf32>
    %eq3A_147 = arith.cmpf oeq, %select_n3A_140, %eq3A_146 : vector<32x8x128xf32>
    %jit3A_148 = arith.constant 4.096000e+03 : f32
    %broadcast_in_dim3A_149 = vector.broadcast %jit3A_148 : f32 to vector<32x8x128xf32>
    %select_n3A_150 = arith.select %eq3A_147, %get3A_22, %broadcast_in_dim3A_149 : vector<32x8x128xi1>, vector<32x8x128xf32>
    %reduce_min3A_151 = arith.constant dense<0x7F800000> : vector<8xf32>
    %reduce_min3A_152 = vector.multi_reduction <minimumf>, %select_n3A_150, %reduce_min3A_151 [0, 2] : vector<32x8x128xf32> to vector<8xf32>
    %broadcast_in_dim3A_153 = vector.shape_cast %reduce_min3A_152 : vector<8xf32> to vector<1x8x1xf32>
    %eq3A_154 = vector.broadcast %broadcast_in_dim3A_153 : vector<1x8x1xf32> to vector<32x8x128xf32>
    %eq3A_155 = arith.cmpf oeq, %select_n3A_150, %eq3A_154 : vector<32x8x128xf32>
    %jit3A_156 = arith.constant 3.000000e+38 : f32
    %broadcast_in_dim3A_157 = vector.broadcast %jit3A_156 : f32 to vector<32x8x128xf32>
    %select_n3A_158 = arith.select %eq3A_155, %broadcast_in_dim3A_157, %select_n3A_140 : vector<32x8x128xi1>, vector<32x8x128xf32>
    %add3A_159 = arith.addf %broadcast_in_dim3A_153, %convert_element_type3A_31 : vector<1x8x1xf32>
    %convert_element_type3A_160 = arith.fptosi %add3A_159 : vector<1x8x1xf32> to vector<1x8x1xi32>
    %reduce_min3A_161 = arith.constant dense<0x7F800000> : vector<8xf32>
    %reduce_min3A_162 = vector.multi_reduction <minimumf>, %select_n3A_158, %reduce_min3A_161 [0, 2] : vector<32x8x128xf32> to vector<8xf32>
    %broadcast_in_dim3A_163 = vector.shape_cast %reduce_min3A_162 : vector<8xf32> to vector<1x8x1xf32>
    %eq3A_164 = vector.broadcast %broadcast_in_dim3A_163 : vector<1x8x1xf32> to vector<32x8x128xf32>
    %eq3A_165 = arith.cmpf oeq, %select_n3A_158, %eq3A_164 : vector<32x8x128xf32>
    %jit3A_166 = arith.constant 4.096000e+03 : f32
    %broadcast_in_dim3A_167 = vector.broadcast %jit3A_166 : f32 to vector<32x8x128xf32>
    %select_n3A_168 = arith.select %eq3A_165, %get3A_22, %broadcast_in_dim3A_167 : vector<32x8x128xi1>, vector<32x8x128xf32>
    %reduce_min3A_169 = arith.constant dense<0x7F800000> : vector<8xf32>
    %reduce_min3A_170 = vector.multi_reduction <minimumf>, %select_n3A_168, %reduce_min3A_169 [0, 2] : vector<32x8x128xf32> to vector<8xf32>
    %broadcast_in_dim3A_171 = vector.shape_cast %reduce_min3A_170 : vector<8xf32> to vector<1x8x1xf32>
    %eq3A_172 = vector.broadcast %broadcast_in_dim3A_171 : vector<1x8x1xf32> to vector<32x8x128xf32>
    %eq3A_173 = arith.cmpf oeq, %select_n3A_168, %eq3A_172 : vector<32x8x128xf32>
    %jit3A_174 = arith.constant 3.000000e+38 : f32
    %broadcast_in_dim3A_175 = vector.broadcast %jit3A_174 : f32 to vector<32x8x128xf32>
    %select_n3A_176 = arith.select %eq3A_173, %broadcast_in_dim3A_175, %select_n3A_158 : vector<32x8x128xi1>, vector<32x8x128xf32>
    %add3A_177 = arith.addf %broadcast_in_dim3A_171, %convert_element_type3A_31 : vector<1x8x1xf32>
    %convert_element_type3A_178 = arith.fptosi %add3A_177 : vector<1x8x1xf32> to vector<1x8x1xi32>
    %reduce_min3A_179 = arith.constant dense<0x7F800000> : vector<8xf32>
    %reduce_min3A_180 = vector.multi_reduction <minimumf>, %select_n3A_176, %reduce_min3A_179 [0, 2] : vector<32x8x128xf32> to vector<8xf32>
    %broadcast_in_dim3A_181 = vector.shape_cast %reduce_min3A_180 : vector<8xf32> to vector<1x8x1xf32>
    %eq3A_182 = vector.broadcast %broadcast_in_dim3A_181 : vector<1x8x1xf32> to vector<32x8x128xf32>
    %eq3A_183 = arith.cmpf oeq, %select_n3A_176, %eq3A_182 : vector<32x8x128xf32>
    %jit3A_184 = arith.constant 4.096000e+03 : f32
    %broadcast_in_dim3A_185 = vector.broadcast %jit3A_184 : f32 to vector<32x8x128xf32>
    %select_n3A_186 = arith.select %eq3A_183, %get3A_22, %broadcast_in_dim3A_185 : vector<32x8x128xi1>, vector<32x8x128xf32>
    %reduce_min3A_187 = arith.constant dense<0x7F800000> : vector<8xf32>
    %reduce_min3A_188 = vector.multi_reduction <minimumf>, %select_n3A_186, %reduce_min3A_187 [0, 2] : vector<32x8x128xf32> to vector<8xf32>
    %broadcast_in_dim3A_189 = vector.shape_cast %reduce_min3A_188 : vector<8xf32> to vector<1x8x1xf32>
    %eq3A_190 = vector.broadcast %broadcast_in_dim3A_189 : vector<1x8x1xf32> to vector<32x8x128xf32>
    %eq3A_191 = arith.cmpf oeq, %select_n3A_186, %eq3A_190 : vector<32x8x128xf32>
    %jit3A_192 = arith.constant 3.000000e+38 : f32
    %broadcast_in_dim3A_193 = vector.broadcast %jit3A_192 : f32 to vector<32x8x128xf32>
    %select_n3A_194 = arith.select %eq3A_191, %broadcast_in_dim3A_193, %select_n3A_176 : vector<32x8x128xi1>, vector<32x8x128xf32>
    %add3A_195 = arith.addf %broadcast_in_dim3A_189, %convert_element_type3A_31 : vector<1x8x1xf32>
    %convert_element_type3A_196 = arith.fptosi %add3A_195 : vector<1x8x1xf32> to vector<1x8x1xi32>
    %reduce_min3A_197 = arith.constant dense<0x7F800000> : vector<8xf32>
    %reduce_min3A_198 = vector.multi_reduction <minimumf>, %select_n3A_194, %reduce_min3A_197 [0, 2] : vector<32x8x128xf32> to vector<8xf32>
    %broadcast_in_dim3A_199 = vector.shape_cast %reduce_min3A_198 : vector<8xf32> to vector<1x8x1xf32>
    %eq3A_200 = vector.broadcast %broadcast_in_dim3A_199 : vector<1x8x1xf32> to vector<32x8x128xf32>
    %eq3A_201 = arith.cmpf oeq, %select_n3A_194, %eq3A_200 : vector<32x8x128xf32>
    %jit3A_202 = arith.constant 4.096000e+03 : f32
    %broadcast_in_dim3A_203 = vector.broadcast %jit3A_202 : f32 to vector<32x8x128xf32>
    %select_n3A_204 = arith.select %eq3A_201, %get3A_22, %broadcast_in_dim3A_203 : vector<32x8x128xi1>, vector<32x8x128xf32>
    %reduce_min3A_205 = arith.constant dense<0x7F800000> : vector<8xf32>
    %reduce_min3A_206 = vector.multi_reduction <minimumf>, %select_n3A_204, %reduce_min3A_205 [0, 2] : vector<32x8x128xf32> to vector<8xf32>
    %broadcast_in_dim3A_207 = vector.shape_cast %reduce_min3A_206 : vector<8xf32> to vector<1x8x1xf32>
    %eq3A_208 = vector.broadcast %broadcast_in_dim3A_207 : vector<1x8x1xf32> to vector<32x8x128xf32>
    %eq3A_209 = arith.cmpf oeq, %select_n3A_204, %eq3A_208 : vector<32x8x128xf32>
    %jit3A_210 = arith.constant 3.000000e+38 : f32
    %broadcast_in_dim3A_211 = vector.broadcast %jit3A_210 : f32 to vector<32x8x128xf32>
    %select_n3A_212 = arith.select %eq3A_209, %broadcast_in_dim3A_211, %select_n3A_194 : vector<32x8x128xi1>, vector<32x8x128xf32>
    %add3A_213 = arith.addf %broadcast_in_dim3A_207, %convert_element_type3A_31 : vector<1x8x1xf32>
    %convert_element_type3A_214 = arith.fptosi %add3A_213 : vector<1x8x1xf32> to vector<1x8x1xi32>
    %reduce_min3A_215 = arith.constant dense<0x7F800000> : vector<8xf32>
    %reduce_min3A_216 = vector.multi_reduction <minimumf>, %select_n3A_212, %reduce_min3A_215 [0, 2] : vector<32x8x128xf32> to vector<8xf32>
    %broadcast_in_dim3A_217 = vector.shape_cast %reduce_min3A_216 : vector<8xf32> to vector<1x8x1xf32>
    %eq3A_218 = vector.broadcast %broadcast_in_dim3A_217 : vector<1x8x1xf32> to vector<32x8x128xf32>
    %eq3A_219 = arith.cmpf oeq, %select_n3A_212, %eq3A_218 : vector<32x8x128xf32>
    %jit3A_220 = arith.constant 4.096000e+03 : f32
    %broadcast_in_dim3A_221 = vector.broadcast %jit3A_220 : f32 to vector<32x8x128xf32>
    %select_n3A_222 = arith.select %eq3A_219, %get3A_22, %broadcast_in_dim3A_221 : vector<32x8x128xi1>, vector<32x8x128xf32>
    %reduce_min3A_223 = arith.constant dense<0x7F800000> : vector<8xf32>
    %reduce_min3A_224 = vector.multi_reduction <minimumf>, %select_n3A_222, %reduce_min3A_223 [0, 2] : vector<32x8x128xf32> to vector<8xf32>
    %broadcast_in_dim3A_225 = vector.shape_cast %reduce_min3A_224 : vector<8xf32> to vector<1x8x1xf32>
    %eq3A_226 = vector.broadcast %broadcast_in_dim3A_225 : vector<1x8x1xf32> to vector<32x8x128xf32>
    %eq3A_227 = arith.cmpf oeq, %select_n3A_222, %eq3A_226 : vector<32x8x128xf32>
    %jit3A_228 = arith.constant 3.000000e+38 : f32
    %broadcast_in_dim3A_229 = vector.broadcast %jit3A_228 : f32 to vector<32x8x128xf32>
    %select_n3A_230 = arith.select %eq3A_227, %broadcast_in_dim3A_229, %select_n3A_212 : vector<32x8x128xi1>, vector<32x8x128xf32>
    %add3A_231 = arith.addf %broadcast_in_dim3A_225, %convert_element_type3A_31 : vector<1x8x1xf32>
    %convert_element_type3A_232 = arith.fptosi %add3A_231 : vector<1x8x1xf32> to vector<1x8x1xi32>
    %reduce_min3A_233 = arith.constant dense<0x7F800000> : vector<8xf32>
    %reduce_min3A_234 = vector.multi_reduction <minimumf>, %select_n3A_230, %reduce_min3A_233 [0, 2] : vector<32x8x128xf32> to vector<8xf32>
    %broadcast_in_dim3A_235 = vector.shape_cast %reduce_min3A_234 : vector<8xf32> to vector<1x8x1xf32>
    %eq3A_236 = vector.broadcast %broadcast_in_dim3A_235 : vector<1x8x1xf32> to vector<32x8x128xf32>
    %eq3A_237 = arith.cmpf oeq, %select_n3A_230, %eq3A_236 : vector<32x8x128xf32>
    %jit3A_238 = arith.constant 4.096000e+03 : f32
    %broadcast_in_dim3A_239 = vector.broadcast %jit3A_238 : f32 to vector<32x8x128xf32>
    %select_n3A_240 = arith.select %eq3A_237, %get3A_22, %broadcast_in_dim3A_239 : vector<32x8x128xi1>, vector<32x8x128xf32>
    %reduce_min3A_241 = arith.constant dense<0x7F800000> : vector<8xf32>
    %reduce_min3A_242 = vector.multi_reduction <minimumf>, %select_n3A_240, %reduce_min3A_241 [0, 2] : vector<32x8x128xf32> to vector<8xf32>
    %broadcast_in_dim3A_243 = vector.shape_cast %reduce_min3A_242 : vector<8xf32> to vector<1x8x1xf32>
    %eq3A_244 = vector.broadcast %broadcast_in_dim3A_243 : vector<1x8x1xf32> to vector<32x8x128xf32>
    %eq3A_245 = arith.cmpf oeq, %select_n3A_240, %eq3A_244 : vector<32x8x128xf32>
    %jit3A_246 = arith.constant 3.000000e+38 : f32
    %broadcast_in_dim3A_247 = vector.broadcast %jit3A_246 : f32 to vector<32x8x128xf32>
    %select_n3A_248 = arith.select %eq3A_245, %broadcast_in_dim3A_247, %select_n3A_230 : vector<32x8x128xi1>, vector<32x8x128xf32>
    %add3A_249 = arith.addf %broadcast_in_dim3A_243, %convert_element_type3A_31 : vector<1x8x1xf32>
    %convert_element_type3A_250 = arith.fptosi %add3A_249 : vector<1x8x1xf32> to vector<1x8x1xi32>
    %reduce_min3A_251 = arith.constant dense<0x7F800000> : vector<8xf32>
    %reduce_min3A_252 = vector.multi_reduction <minimumf>, %select_n3A_248, %reduce_min3A_251 [0, 2] : vector<32x8x128xf32> to vector<8xf32>
    %broadcast_in_dim3A_253 = vector.shape_cast %reduce_min3A_252 : vector<8xf32> to vector<1x8x1xf32>
    %eq3A_254 = vector.broadcast %broadcast_in_dim3A_253 : vector<1x8x1xf32> to vector<32x8x128xf32>
    %eq3A_255 = arith.cmpf oeq, %select_n3A_248, %eq3A_254 : vector<32x8x128xf32>
    %jit3A_256 = arith.constant 4.096000e+03 : f32
    %broadcast_in_dim3A_257 = vector.broadcast %jit3A_256 : f32 to vector<32x8x128xf32>
    %select_n3A_258 = arith.select %eq3A_255, %get3A_22, %broadcast_in_dim3A_257 : vector<32x8x128xi1>, vector<32x8x128xf32>
    %reduce_min3A_259 = arith.constant dense<0x7F800000> : vector<8xf32>
    %reduce_min3A_260 = vector.multi_reduction <minimumf>, %select_n3A_258, %reduce_min3A_259 [0, 2] : vector<32x8x128xf32> to vector<8xf32>
    %broadcast_in_dim3A_261 = vector.shape_cast %reduce_min3A_260 : vector<8xf32> to vector<1x8x1xf32>
    %eq3A_262 = vector.broadcast %broadcast_in_dim3A_261 : vector<1x8x1xf32> to vector<32x8x128xf32>
    %eq3A_263 = arith.cmpf oeq, %select_n3A_258, %eq3A_262 : vector<32x8x128xf32>
    %jit3A_264 = arith.constant 3.000000e+38 : f32
    %broadcast_in_dim3A_265 = vector.broadcast %jit3A_264 : f32 to vector<32x8x128xf32>
    %select_n3A_266 = arith.select %eq3A_263, %broadcast_in_dim3A_265, %select_n3A_248 : vector<32x8x128xi1>, vector<32x8x128xf32>
    %add3A_267 = arith.addf %broadcast_in_dim3A_261, %convert_element_type3A_31 : vector<1x8x1xf32>
    %convert_element_type3A_268 = arith.fptosi %add3A_267 : vector<1x8x1xf32> to vector<1x8x1xi32>
    %reduce_min3A_269 = arith.constant dense<0x7F800000> : vector<8xf32>
    %reduce_min3A_270 = vector.multi_reduction <minimumf>, %select_n3A_266, %reduce_min3A_269 [0, 2] : vector<32x8x128xf32> to vector<8xf32>
    %broadcast_in_dim3A_271 = vector.shape_cast %reduce_min3A_270 : vector<8xf32> to vector<1x8x1xf32>
    %eq3A_272 = vector.broadcast %broadcast_in_dim3A_271 : vector<1x8x1xf32> to vector<32x8x128xf32>
    %eq3A_273 = arith.cmpf oeq, %select_n3A_266, %eq3A_272 : vector<32x8x128xf32>
    %jit3A_274 = arith.constant 4.096000e+03 : f32
    %broadcast_in_dim3A_275 = vector.broadcast %jit3A_274 : f32 to vector<32x8x128xf32>
    %select_n3A_276 = arith.select %eq3A_273, %get3A_22, %broadcast_in_dim3A_275 : vector<32x8x128xi1>, vector<32x8x128xf32>
    %reduce_min3A_277 = arith.constant dense<0x7F800000> : vector<8xf32>
    %reduce_min3A_278 = vector.multi_reduction <minimumf>, %select_n3A_276, %reduce_min3A_277 [0, 2] : vector<32x8x128xf32> to vector<8xf32>
    %broadcast_in_dim3A_279 = vector.shape_cast %reduce_min3A_278 : vector<8xf32> to vector<1x8x1xf32>
    %eq3A_280 = vector.broadcast %broadcast_in_dim3A_279 : vector<1x8x1xf32> to vector<32x8x128xf32>
    %eq3A_281 = arith.cmpf oeq, %select_n3A_276, %eq3A_280 : vector<32x8x128xf32>
    %jit3A_282 = arith.constant 3.000000e+38 : f32
    %broadcast_in_dim3A_283 = vector.broadcast %jit3A_282 : f32 to vector<32x8x128xf32>
    %select_n3A_284 = arith.select %eq3A_281, %broadcast_in_dim3A_283, %select_n3A_266 : vector<32x8x128xi1>, vector<32x8x128xf32>
    %add3A_285 = arith.addf %broadcast_in_dim3A_279, %convert_element_type3A_31 : vector<1x8x1xf32>
    %convert_element_type3A_286 = arith.fptosi %add3A_285 : vector<1x8x1xf32> to vector<1x8x1xi32>
    %reduce_min3A_287 = arith.constant dense<0x7F800000> : vector<8xf32>
    %reduce_min3A_288 = vector.multi_reduction <minimumf>, %select_n3A_284, %reduce_min3A_287 [0, 2] : vector<32x8x128xf32> to vector<8xf32>
    %broadcast_in_dim3A_289 = vector.shape_cast %reduce_min3A_288 : vector<8xf32> to vector<1x8x1xf32>
    %eq3A_290 = vector.broadcast %broadcast_in_dim3A_289 : vector<1x8x1xf32> to vector<32x8x128xf32>
    %eq3A_291 = arith.cmpf oeq, %select_n3A_284, %eq3A_290 : vector<32x8x128xf32>
    %jit3A_292 = arith.constant 4.096000e+03 : f32
    %broadcast_in_dim3A_293 = vector.broadcast %jit3A_292 : f32 to vector<32x8x128xf32>
    %select_n3A_294 = arith.select %eq3A_291, %get3A_22, %broadcast_in_dim3A_293 : vector<32x8x128xi1>, vector<32x8x128xf32>
    %reduce_min3A_295 = arith.constant dense<0x7F800000> : vector<8xf32>
    %reduce_min3A_296 = vector.multi_reduction <minimumf>, %select_n3A_294, %reduce_min3A_295 [0, 2] : vector<32x8x128xf32> to vector<8xf32>
    %broadcast_in_dim3A_297 = vector.shape_cast %reduce_min3A_296 : vector<8xf32> to vector<1x8x1xf32>
    %eq3A_298 = vector.broadcast %broadcast_in_dim3A_297 : vector<1x8x1xf32> to vector<32x8x128xf32>
    %eq3A_299 = arith.cmpf oeq, %select_n3A_294, %eq3A_298 : vector<32x8x128xf32>
    %jit3A_300 = arith.constant 3.000000e+38 : f32
    %broadcast_in_dim3A_301 = vector.broadcast %jit3A_300 : f32 to vector<32x8x128xf32>
    %select_n3A_302 = arith.select %eq3A_299, %broadcast_in_dim3A_301, %select_n3A_284 : vector<32x8x128xi1>, vector<32x8x128xf32>
    %add3A_303 = arith.addf %broadcast_in_dim3A_297, %convert_element_type3A_31 : vector<1x8x1xf32>
    %convert_element_type3A_304 = arith.fptosi %add3A_303 : vector<1x8x1xf32> to vector<1x8x1xi32>
    %reduce_min3A_305 = arith.constant dense<0x7F800000> : vector<8xf32>
    %reduce_min3A_306 = vector.multi_reduction <minimumf>, %select_n3A_302, %reduce_min3A_305 [0, 2] : vector<32x8x128xf32> to vector<8xf32>
    %broadcast_in_dim3A_307 = vector.shape_cast %reduce_min3A_306 : vector<8xf32> to vector<1x8x1xf32>
    %eq3A_308 = vector.broadcast %broadcast_in_dim3A_307 : vector<1x8x1xf32> to vector<32x8x128xf32>
    %eq3A_309 = arith.cmpf oeq, %select_n3A_302, %eq3A_308 : vector<32x8x128xf32>
    %jit3A_310 = arith.constant 4.096000e+03 : f32
    %broadcast_in_dim3A_311 = vector.broadcast %jit3A_310 : f32 to vector<32x8x128xf32>
    %select_n3A_312 = arith.select %eq3A_309, %get3A_22, %broadcast_in_dim3A_311 : vector<32x8x128xi1>, vector<32x8x128xf32>
    %reduce_min3A_313 = arith.constant dense<0x7F800000> : vector<8xf32>
    %reduce_min3A_314 = vector.multi_reduction <minimumf>, %select_n3A_312, %reduce_min3A_313 [0, 2] : vector<32x8x128xf32> to vector<8xf32>
    %broadcast_in_dim3A_315 = vector.shape_cast %reduce_min3A_314 : vector<8xf32> to vector<1x8x1xf32>
    %add3A_316 = arith.addf %broadcast_in_dim3A_315, %convert_element_type3A_31 : vector<1x8x1xf32>
    %convert_element_type3A_317 = arith.fptosi %add3A_316 : vector<1x8x1xf32> to vector<1x8x1xi32>
    %concatenate3A = tpu.concatenate %convert_element_type3A_52, %convert_element_type3A_70, %convert_element_type3A_88, %convert_element_type3A_106, %convert_element_type3A_124, %convert_element_type3A_142, %convert_element_type3A_160, %convert_element_type3A_178, %convert_element_type3A_196, %convert_element_type3A_214, %convert_element_type3A_232, %convert_element_type3A_250, %convert_element_type3A_268, %convert_element_type3A_286, %convert_element_type3A_304, %convert_element_type3A_317 in 2 : vector<1x8x1xi32>, vector<1x8x1xi32>, vector<1x8x1xi32>, vector<1x8x1xi32>, vector<1x8x1xi32>, vector<1x8x1xi32>, vector<1x8x1xi32>, vector<1x8x1xi32>, vector<1x8x1xi32>, vector<1x8x1xi32>, vector<1x8x1xi32>, vector<1x8x1xi32>, vector<1x8x1xi32>, vector<1x8x1xi32>, vector<1x8x1xi32>, vector<1x8x1xi32> -> vector<1x8x16xi32>
    %swap3A = arith.constant 0 : index
    %swap3A_318 = arith.constant 0 : index
    %swap3A_319 = arith.constant 0 : index
    %swap3A_320 = vector.load %arg2[%swap3A, %swap3A_318, %swap3A_319] : memref<8x8x16xi32, #tpu.memory_space<vmem>>, vector<1x8x16xi32>
    tpu.vector_store %arg2[%swap3A, %swap3A_318, %swap3A_319], %concatenate3A {strides = array<i32>} : memref<8x8x16xi32, #tpu.memory_space<vmem>>, vector<1x8x16xi32>,
    %get3A_321 = arith.index_cast %rem3A_28 : i32 to index
    %get3A_322 = arith.constant 1 : index
    %get3A_323 = arith.constant 0 : index
    %get3A_324 = arith.constant 0 : index
    %get3A_325 = arith.constant 0 : index
    %get3A_326 = vector.load %arg5[%get3A_321, %get3A_322, %get3A_323, %get3A_324, %get3A_325] : memref<2x8x32x8x128xf32, #tpu.memory_space<vmem>>, vector<1x1x32x8x128xf32>
    %get3A_327 = vector.shape_cast %get3A_326 : vector<1x1x32x8x128xf32> to vector<32x8x128xf32>
    %reduce_min3A_328 = arith.constant dense<0x7F800000> : vector<8xf32>
    %reduce_min3A_329 = vector.multi_reduction <minimumf>, %get3A_327, %reduce_min3A_328 [0, 2] : vector<32x8x128xf32> to vector<8xf32>
    %broadcast_in_dim3A_330 = vector.shape_cast %reduce_min3A_329 : vector<8xf32> to vector<1x8x1xf32>
    %eq3A_331 = vector.broadcast %broadcast_in_dim3A_330 : vector<1x8x1xf32> to vector<32x8x128xf32>
    %eq3A_332 = arith.cmpf oeq, %get3A_327, %eq3A_331 : vector<32x8x128xf32>
    %jit3A_333 = arith.constant 4.096000e+03 : f32
    %broadcast_in_dim3A_334 = vector.broadcast %jit3A_333 : f32 to vector<32x8x128xf32>
    %select_n3A_335 = arith.select %eq3A_332, %get3A_22, %broadcast_in_dim3A_334 : vector<32x8x128xi1>, vector<32x8x128xf32>
    %reduce_min3A_336 = arith.constant dense<0x7F800000> : vector<8xf32>
    %reduce_min3A_337 = vector.multi_reduction <minimumf>, %select_n3A_335, %reduce_min3A_336 [0, 2] : vector<32x8x128xf32> to vector<8xf32>
    %broadcast_in_dim3A_338 = vector.shape_cast %reduce_min3A_337 : vector<8xf32> to vector<1x8x1xf32>
    %eq3A_339 = vector.broadcast %broadcast_in_dim3A_338 : vector<1x8x1xf32> to vector<32x8x128xf32>
    %eq3A_340 = arith.cmpf oeq, %select_n3A_335, %eq3A_339 : vector<32x8x128xf32>
    %jit3A_341 = arith.constant 3.000000e+38 : f32
    %broadcast_in_dim3A_342 = vector.broadcast %jit3A_341 : f32 to vector<32x8x128xf32>
    %select_n3A_343 = arith.select %eq3A_340, %broadcast_in_dim3A_342, %get3A_327 : vector<32x8x128xi1>, vector<32x8x128xf32>
    %add3A_344 = arith.addf %broadcast_in_dim3A_338, %convert_element_type3A_31 : vector<1x8x1xf32>
    %convert_element_type3A_345 = arith.fptosi %add3A_344 : vector<1x8x1xf32> to vector<1x8x1xi32>
    %reduce_min3A_346 = arith.constant dense<0x7F800000> : vector<8xf32>
    %reduce_min3A_347 = vector.multi_reduction <minimumf>, %select_n3A_343, %reduce_min3A_346 [0, 2] : vector<32x8x128xf32> to vector<8xf32>
    %broadcast_in_dim3A_348 = vector.shape_cast %reduce_min3A_347 : vector<8xf32> to vector<1x8x1xf32>
    %eq3A_349 = vector.broadcast %broadcast_in_dim3A_348 : vector<1x8x1xf32> to vector<32x8x128xf32>
    %eq3A_350 = arith.cmpf oeq, %select_n3A_343, %eq3A_349 : vector<32x8x128xf32>
    %jit3A_351 = arith.constant 4.096000e+03 : f32
    %broadcast_in_dim3A_352 = vector.broadcast %jit3A_351 : f32 to vector<32x8x128xf32>
    %select_n3A_353 = arith.select %eq3A_350, %get3A_22, %broadcast_in_dim3A_352 : vector<32x8x128xi1>, vector<32x8x128xf32>
    %reduce_min3A_354 = arith.constant dense<0x7F800000> : vector<8xf32>
    %reduce_min3A_355 = vector.multi_reduction <minimumf>, %select_n3A_353, %reduce_min3A_354 [0, 2] : vector<32x8x128xf32> to vector<8xf32>
    %broadcast_in_dim3A_356 = vector.shape_cast %reduce_min3A_355 : vector<8xf32> to vector<1x8x1xf32>
    %eq3A_357 = vector.broadcast %broadcast_in_dim3A_356 : vector<1x8x1xf32> to vector<32x8x128xf32>
    %eq3A_358 = arith.cmpf oeq, %select_n3A_353, %eq3A_357 : vector<32x8x128xf32>
    %jit3A_359 = arith.constant 3.000000e+38 : f32
    %broadcast_in_dim3A_360 = vector.broadcast %jit3A_359 : f32 to vector<32x8x128xf32>
    %select_n3A_361 = arith.select %eq3A_358, %broadcast_in_dim3A_360, %select_n3A_343 : vector<32x8x128xi1>, vector<32x8x128xf32>
    %add3A_362 = arith.addf %broadcast_in_dim3A_356, %convert_element_type3A_31 : vector<1x8x1xf32>
    %convert_element_type3A_363 = arith.fptosi %add3A_362 : vector<1x8x1xf32> to vector<1x8x1xi32>
    %reduce_min3A_364 = arith.constant dense<0x7F800000> : vector<8xf32>
    %reduce_min3A_365 = vector.multi_reduction <minimumf>, %select_n3A_361, %reduce_min3A_364 [0, 2] : vector<32x8x128xf32> to vector<8xf32>
    %broadcast_in_dim3A_366 = vector.shape_cast %reduce_min3A_365 : vector<8xf32> to vector<1x8x1xf32>
    %eq3A_367 = vector.broadcast %broadcast_in_dim3A_366 : vector<1x8x1xf32> to vector<32x8x128xf32>
    %eq3A_368 = arith.cmpf oeq, %select_n3A_361, %eq3A_367 : vector<32x8x128xf32>
    %jit3A_369 = arith.constant 4.096000e+03 : f32
    %broadcast_in_dim3A_370 = vector.broadcast %jit3A_369 : f32 to vector<32x8x128xf32>
    %select_n3A_371 = arith.select %eq3A_368, %get3A_22, %broadcast_in_dim3A_370 : vector<32x8x128xi1>, vector<32x8x128xf32>
    %reduce_min3A_372 = arith.constant dense<0x7F800000> : vector<8xf32>
    %reduce_min3A_373 = vector.multi_reduction <minimumf>, %select_n3A_371, %reduce_min3A_372 [0, 2] : vector<32x8x128xf32> to vector<8xf32>
    %broadcast_in_dim3A_374 = vector.shape_cast %reduce_min3A_373 : vector<8xf32> to vector<1x8x1xf32>
    %eq3A_375 = vector.broadcast %broadcast_in_dim3A_374 : vector<1x8x1xf32> to vector<32x8x128xf32>
    %eq3A_376 = arith.cmpf oeq, %select_n3A_371, %eq3A_375 : vector<32x8x128xf32>
    %jit3A_377 = arith.constant 3.000000e+38 : f32
    %broadcast_in_dim3A_378 = vector.broadcast %jit3A_377 : f32 to vector<32x8x128xf32>
    %select_n3A_379 = arith.select %eq3A_376, %broadcast_in_dim3A_378, %select_n3A_361 : vector<32x8x128xi1>, vector<32x8x128xf32>
    %add3A_380 = arith.addf %broadcast_in_dim3A_374, %convert_element_type3A_31 : vector<1x8x1xf32>
    %convert_element_type3A_381 = arith.fptosi %add3A_380 : vector<1x8x1xf32> to vector<1x8x1xi32>
    %reduce_min3A_382 = arith.constant dense<0x7F800000> : vector<8xf32>
    %reduce_min3A_383 = vector.multi_reduction <minimumf>, %select_n3A_379, %reduce_min3A_382 [0, 2] : vector<32x8x128xf32> to vector<8xf32>
    %broadcast_in_dim3A_384 = vector.shape_cast %reduce_min3A_383 : vector<8xf32> to vector<1x8x1xf32>
    %eq3A_385 = vector.broadcast %broadcast_in_dim3A_384 : vector<1x8x1xf32> to vector<32x8x128xf32>
    %eq3A_386 = arith.cmpf oeq, %select_n3A_379, %eq3A_385 : vector<32x8x128xf32>
    %jit3A_387 = arith.constant 4.096000e+03 : f32
    %broadcast_in_dim3A_388 = vector.broadcast %jit3A_387 : f32 to vector<32x8x128xf32>
    %select_n3A_389 = arith.select %eq3A_386, %get3A_22, %broadcast_in_dim3A_388 : vector<32x8x128xi1>, vector<32x8x128xf32>
    %reduce_min3A_390 = arith.constant dense<0x7F800000> : vector<8xf32>
    %reduce_min3A_391 = vector.multi_reduction <minimumf>, %select_n3A_389, %reduce_min3A_390 [0, 2] : vector<32x8x128xf32> to vector<8xf32>
    %broadcast_in_dim3A_392 = vector.shape_cast %reduce_min3A_391 : vector<8xf32> to vector<1x8x1xf32>
    %eq3A_393 = vector.broadcast %broadcast_in_dim3A_392 : vector<1x8x1xf32> to vector<32x8x128xf32>
    %eq3A_394 = arith.cmpf oeq, %select_n3A_389, %eq3A_393 : vector<32x8x128xf32>
    %jit3A_395 = arith.constant 3.000000e+38 : f32
    %broadcast_in_dim3A_396 = vector.broadcast %jit3A_395 : f32 to vector<32x8x128xf32>
    %select_n3A_397 = arith.select %eq3A_394, %broadcast_in_dim3A_396, %select_n3A_379 : vector<32x8x128xi1>, vector<32x8x128xf32>
    %add3A_398 = arith.addf %broadcast_in_dim3A_392, %convert_element_type3A_31 : vector<1x8x1xf32>
    %convert_element_type3A_399 = arith.fptosi %add3A_398 : vector<1x8x1xf32> to vector<1x8x1xi32>
    %reduce_min3A_400 = arith.constant dense<0x7F800000> : vector<8xf32>
    %reduce_min3A_401 = vector.multi_reduction <minimumf>, %select_n3A_397, %reduce_min3A_400 [0, 2] : vector<32x8x128xf32> to vector<8xf32>
    %broadcast_in_dim3A_402 = vector.shape_cast %reduce_min3A_401 : vector<8xf32> to vector<1x8x1xf32>
    %eq3A_403 = vector.broadcast %broadcast_in_dim3A_402 : vector<1x8x1xf32> to vector<32x8x128xf32>
    %eq3A_404 = arith.cmpf oeq, %select_n3A_397, %eq3A_403 : vector<32x8x128xf32>
    %jit3A_405 = arith.constant 4.096000e+03 : f32
    %broadcast_in_dim3A_406 = vector.broadcast %jit3A_405 : f32 to vector<32x8x128xf32>
    %select_n3A_407 = arith.select %eq3A_404, %get3A_22, %broadcast_in_dim3A_406 : vector<32x8x128xi1>, vector<32x8x128xf32>
    %reduce_min3A_408 = arith.constant dense<0x7F800000> : vector<8xf32>
    %reduce_min3A_409 = vector.multi_reduction <minimumf>, %select_n3A_407, %reduce_min3A_408 [0, 2] : vector<32x8x128xf32> to vector<8xf32>
    %broadcast_in_dim3A_410 = vector.shape_cast %reduce_min3A_409 : vector<8xf32> to vector<1x8x1xf32>
    %eq3A_411 = vector.broadcast %broadcast_in_dim3A_410 : vector<1x8x1xf32> to vector<32x8x128xf32>
    %eq3A_412 = arith.cmpf oeq, %select_n3A_407, %eq3A_411 : vector<32x8x128xf32>
    %jit3A_413 = arith.constant 3.000000e+38 : f32
    %broadcast_in_dim3A_414 = vector.broadcast %jit3A_413 : f32 to vector<32x8x128xf32>
    %select_n3A_415 = arith.select %eq3A_412, %broadcast_in_dim3A_414, %select_n3A_397 : vector<32x8x128xi1>, vector<32x8x128xf32>
    %add3A_416 = arith.addf %broadcast_in_dim3A_410, %convert_element_type3A_31 : vector<1x8x1xf32>
    %convert_element_type3A_417 = arith.fptosi %add3A_416 : vector<1x8x1xf32> to vector<1x8x1xi32>
    %reduce_min3A_418 = arith.constant dense<0x7F800000> : vector<8xf32>
    %reduce_min3A_419 = vector.multi_reduction <minimumf>, %select_n3A_415, %reduce_min3A_418 [0, 2] : vector<32x8x128xf32> to vector<8xf32>
    %broadcast_in_dim3A_420 = vector.shape_cast %reduce_min3A_419 : vector<8xf32> to vector<1x8x1xf32>
    %eq3A_421 = vector.broadcast %broadcast_in_dim3A_420 : vector<1x8x1xf32> to vector<32x8x128xf32>
    %eq3A_422 = arith.cmpf oeq, %select_n3A_415, %eq3A_421 : vector<32x8x128xf32>
    %jit3A_423 = arith.constant 4.096000e+03 : f32
    %broadcast_in_dim3A_424 = vector.broadcast %jit3A_423 : f32 to vector<32x8x128xf32>
    %select_n3A_425 = arith.select %eq3A_422, %get3A_22, %broadcast_in_dim3A_424 : vector<32x8x128xi1>, vector<32x8x128xf32>
    %reduce_min3A_426 = arith.constant dense<0x7F800000> : vector<8xf32>
    %reduce_min3A_427 = vector.multi_reduction <minimumf>, %select_n3A_425, %reduce_min3A_426 [0, 2] : vector<32x8x128xf32> to vector<8xf32>
    %broadcast_in_dim3A_428 = vector.shape_cast %reduce_min3A_427 : vector<8xf32> to vector<1x8x1xf32>
    %eq3A_429 = vector.broadcast %broadcast_in_dim3A_428 : vector<1x8x1xf32> to vector<32x8x128xf32>
    %eq3A_430 = arith.cmpf oeq, %select_n3A_425, %eq3A_429 : vector<32x8x128xf32>
    %jit3A_431 = arith.constant 3.000000e+38 : f32
    %broadcast_in_dim3A_432 = vector.broadcast %jit3A_431 : f32 to vector<32x8x128xf32>
    %select_n3A_433 = arith.select %eq3A_430, %broadcast_in_dim3A_432, %select_n3A_415 : vector<32x8x128xi1>, vector<32x8x128xf32>
    %add3A_434 = arith.addf %broadcast_in_dim3A_428, %convert_element_type3A_31 : vector<1x8x1xf32>
    %convert_element_type3A_435 = arith.fptosi %add3A_434 : vector<1x8x1xf32> to vector<1x8x1xi32>
    %reduce_min3A_436 = arith.constant dense<0x7F800000> : vector<8xf32>
    %reduce_min3A_437 = vector.multi_reduction <minimumf>, %select_n3A_433, %reduce_min3A_436 [0, 2] : vector<32x8x128xf32> to vector<8xf32>
    %broadcast_in_dim3A_438 = vector.shape_cast %reduce_min3A_437 : vector<8xf32> to vector<1x8x1xf32>
    %eq3A_439 = vector.broadcast %broadcast_in_dim3A_438 : vector<1x8x1xf32> to vector<32x8x128xf32>
    %eq3A_440 = arith.cmpf oeq, %select_n3A_433, %eq3A_439 : vector<32x8x128xf32>
    %jit3A_441 = arith.constant 4.096000e+03 : f32
    %broadcast_in_dim3A_442 = vector.broadcast %jit3A_441 : f32 to vector<32x8x128xf32>
    %select_n3A_443 = arith.select %eq3A_440, %get3A_22, %broadcast_in_dim3A_442 : vector<32x8x128xi1>, vector<32x8x128xf32>
    %reduce_min3A_444 = arith.constant dense<0x7F800000> : vector<8xf32>
    %reduce_min3A_445 = vector.multi_reduction <minimumf>, %select_n3A_443, %reduce_min3A_444 [0, 2] : vector<32x8x128xf32> to vector<8xf32>
    %broadcast_in_dim3A_446 = vector.shape_cast %reduce_min3A_445 : vector<8xf32> to vector<1x8x1xf32>
    %eq3A_447 = vector.broadcast %broadcast_in_dim3A_446 : vector<1x8x1xf32> to vector<32x8x128xf32>
    %eq3A_448 = arith.cmpf oeq, %select_n3A_443, %eq3A_447 : vector<32x8x128xf32>
    %jit3A_449 = arith.constant 3.000000e+38 : f32
    %broadcast_in_dim3A_450 = vector.broadcast %jit3A_449 : f32 to vector<32x8x128xf32>
    %select_n3A_451 = arith.select %eq3A_448, %broadcast_in_dim3A_450, %select_n3A_433 : vector<32x8x128xi1>, vector<32x8x128xf32>
    %add3A_452 = arith.addf %broadcast_in_dim3A_446, %convert_element_type3A_31 : vector<1x8x1xf32>
    %convert_element_type3A_453 = arith.fptosi %add3A_452 : vector<1x8x1xf32> to vector<1x8x1xi32>
    %reduce_min3A_454 = arith.constant dense<0x7F800000> : vector<8xf32>
    %reduce_min3A_455 = vector.multi_reduction <minimumf>, %select_n3A_451, %reduce_min3A_454 [0, 2] : vector<32x8x128xf32> to vector<8xf32>
    %broadcast_in_dim3A_456 = vector.shape_cast %reduce_min3A_455 : vector<8xf32> to vector<1x8x1xf32>
    %eq3A_457 = vector.broadcast %broadcast_in_dim3A_456 : vector<1x8x1xf32> to vector<32x8x128xf32>
    %eq3A_458 = arith.cmpf oeq, %select_n3A_451, %eq3A_457 : vector<32x8x128xf32>
    %jit3A_459 = arith.constant 4.096000e+03 : f32
    %broadcast_in_dim3A_460 = vector.broadcast %jit3A_459 : f32 to vector<32x8x128xf32>
    %select_n3A_461 = arith.select %eq3A_458, %get3A_22, %broadcast_in_dim3A_460 : vector<32x8x128xi1>, vector<32x8x128xf32>
    %reduce_min3A_462 = arith.constant dense<0x7F800000> : vector<8xf32>
    %reduce_min3A_463 = vector.multi_reduction <minimumf>, %select_n3A_461, %reduce_min3A_462 [0, 2] : vector<32x8x128xf32> to vector<8xf32>
    %broadcast_in_dim3A_464 = vector.shape_cast %reduce_min3A_463 : vector<8xf32> to vector<1x8x1xf32>
    %eq3A_465 = vector.broadcast %broadcast_in_dim3A_464 : vector<1x8x1xf32> to vector<32x8x128xf32>
    %eq3A_466 = arith.cmpf oeq, %select_n3A_461, %eq3A_465 : vector<32x8x128xf32>
    %jit3A_467 = arith.constant 3.000000e+38 : f32
    %broadcast_in_dim3A_468 = vector.broadcast %jit3A_467 : f32 to vector<32x8x128xf32>
    %select_n3A_469 = arith.select %eq3A_466, %broadcast_in_dim3A_468, %select_n3A_451 : vector<32x8x128xi1>, vector<32x8x128xf32>
    %add3A_470 = arith.addf %broadcast_in_dim3A_464, %convert_element_type3A_31 : vector<1x8x1xf32>
    %convert_element_type3A_471 = arith.fptosi %add3A_470 : vector<1x8x1xf32> to vector<1x8x1xi32>
    %reduce_min3A_472 = arith.constant dense<0x7F800000> : vector<8xf32>
    %reduce_min3A_473 = vector.multi_reduction <minimumf>, %select_n3A_469, %reduce_min3A_472 [0, 2] : vector<32x8x128xf32> to vector<8xf32>
    %broadcast_in_dim3A_474 = vector.shape_cast %reduce_min3A_473 : vector<8xf32> to vector<1x8x1xf32>
    %eq3A_475 = vector.broadcast %broadcast_in_dim3A_474 : vector<1x8x1xf32> to vector<32x8x128xf32>
    %eq3A_476 = arith.cmpf oeq, %select_n3A_469, %eq3A_475 : vector<32x8x128xf32>
    %jit3A_477 = arith.constant 4.096000e+03 : f32
    %broadcast_in_dim3A_478 = vector.broadcast %jit3A_477 : f32 to vector<32x8x128xf32>
    %select_n3A_479 = arith.select %eq3A_476, %get3A_22, %broadcast_in_dim3A_478 : vector<32x8x128xi1>, vector<32x8x128xf32>
    %reduce_min3A_480 = arith.constant dense<0x7F800000> : vector<8xf32>
    %reduce_min3A_481 = vector.multi_reduction <minimumf>, %select_n3A_479, %reduce_min3A_480 [0, 2] : vector<32x8x128xf32> to vector<8xf32>
    %broadcast_in_dim3A_482 = vector.shape_cast %reduce_min3A_481 : vector<8xf32> to vector<1x8x1xf32>
    %eq3A_483 = vector.broadcast %broadcast_in_dim3A_482 : vector<1x8x1xf32> to vector<32x8x128xf32>
    %eq3A_484 = arith.cmpf oeq, %select_n3A_479, %eq3A_483 : vector<32x8x128xf32>
    %jit3A_485 = arith.constant 3.000000e+38 : f32
    %broadcast_in_dim3A_486 = vector.broadcast %jit3A_485 : f32 to vector<32x8x128xf32>
    %select_n3A_487 = arith.select %eq3A_484, %broadcast_in_dim3A_486, %select_n3A_469 : vector<32x8x128xi1>, vector<32x8x128xf32>
    %add3A_488 = arith.addf %broadcast_in_dim3A_482, %convert_element_type3A_31 : vector<1x8x1xf32>
    %convert_element_type3A_489 = arith.fptosi %add3A_488 : vector<1x8x1xf32> to vector<1x8x1xi32>
    %reduce_min3A_490 = arith.constant dense<0x7F800000> : vector<8xf32>
    %reduce_min3A_491 = vector.multi_reduction <minimumf>, %select_n3A_487, %reduce_min3A_490 [0, 2] : vector<32x8x128xf32> to vector<8xf32>
    %broadcast_in_dim3A_492 = vector.shape_cast %reduce_min3A_491 : vector<8xf32> to vector<1x8x1xf32>
    %eq3A_493 = vector.broadcast %broadcast_in_dim3A_492 : vector<1x8x1xf32> to vector<32x8x128xf32>
    %eq3A_494 = arith.cmpf oeq, %select_n3A_487, %eq3A_493 : vector<32x8x128xf32>
    %jit3A_495 = arith.constant 4.096000e+03 : f32
    %broadcast_in_dim3A_496 = vector.broadcast %jit3A_495 : f32 to vector<32x8x128xf32>
    %select_n3A_497 = arith.select %eq3A_494, %get3A_22, %broadcast_in_dim3A_496 : vector<32x8x128xi1>, vector<32x8x128xf32>
    %reduce_min3A_498 = arith.constant dense<0x7F800000> : vector<8xf32>
    %reduce_min3A_499 = vector.multi_reduction <minimumf>, %select_n3A_497, %reduce_min3A_498 [0, 2] : vector<32x8x128xf32> to vector<8xf32>
    %broadcast_in_dim3A_500 = vector.shape_cast %reduce_min3A_499 : vector<8xf32> to vector<1x8x1xf32>
    %eq3A_501 = vector.broadcast %broadcast_in_dim3A_500 : vector<1x8x1xf32> to vector<32x8x128xf32>
    %eq3A_502 = arith.cmpf oeq, %select_n3A_497, %eq3A_501 : vector<32x8x128xf32>
    %jit3A_503 = arith.constant 3.000000e+38 : f32
    %broadcast_in_dim3A_504 = vector.broadcast %jit3A_503 : f32 to vector<32x8x128xf32>
    %select_n3A_505 = arith.select %eq3A_502, %broadcast_in_dim3A_504, %select_n3A_487 : vector<32x8x128xi1>, vector<32x8x128xf32>
    %add3A_506 = arith.addf %broadcast_in_dim3A_500, %convert_element_type3A_31 : vector<1x8x1xf32>
    %convert_element_type3A_507 = arith.fptosi %add3A_506 : vector<1x8x1xf32> to vector<1x8x1xi32>
    %reduce_min3A_508 = arith.constant dense<0x7F800000> : vector<8xf32>
    %reduce_min3A_509 = vector.multi_reduction <minimumf>, %select_n3A_505, %reduce_min3A_508 [0, 2] : vector<32x8x128xf32> to vector<8xf32>
    %broadcast_in_dim3A_510 = vector.shape_cast %reduce_min3A_509 : vector<8xf32> to vector<1x8x1xf32>
    %eq3A_511 = vector.broadcast %broadcast_in_dim3A_510 : vector<1x8x1xf32> to vector<32x8x128xf32>
    %eq3A_512 = arith.cmpf oeq, %select_n3A_505, %eq3A_511 : vector<32x8x128xf32>
    %jit3A_513 = arith.constant 4.096000e+03 : f32
    %broadcast_in_dim3A_514 = vector.broadcast %jit3A_513 : f32 to vector<32x8x128xf32>
    %select_n3A_515 = arith.select %eq3A_512, %get3A_22, %broadcast_in_dim3A_514 : vector<32x8x128xi1>, vector<32x8x128xf32>
    %reduce_min3A_516 = arith.constant dense<0x7F800000> : vector<8xf32>
    %reduce_min3A_517 = vector.multi_reduction <minimumf>, %select_n3A_515, %reduce_min3A_516 [0, 2] : vector<32x8x128xf32> to vector<8xf32>
    %broadcast_in_dim3A_518 = vector.shape_cast %reduce_min3A_517 : vector<8xf32> to vector<1x8x1xf32>
    %eq3A_519 = vector.broadcast %broadcast_in_dim3A_518 : vector<1x8x1xf32> to vector<32x8x128xf32>
    %eq3A_520 = arith.cmpf oeq, %select_n3A_515, %eq3A_519 : vector<32x8x128xf32>
    %jit3A_521 = arith.constant 3.000000e+38 : f32
    %broadcast_in_dim3A_522 = vector.broadcast %jit3A_521 : f32 to vector<32x8x128xf32>
    %select_n3A_523 = arith.select %eq3A_520, %broadcast_in_dim3A_522, %select_n3A_505 : vector<32x8x128xi1>, vector<32x8x128xf32>
    %add3A_524 = arith.addf %broadcast_in_dim3A_518, %convert_element_type3A_31 : vector<1x8x1xf32>
    %convert_element_type3A_525 = arith.fptosi %add3A_524 : vector<1x8x1xf32> to vector<1x8x1xi32>
    %reduce_min3A_526 = arith.constant dense<0x7F800000> : vector<8xf32>
    %reduce_min3A_527 = vector.multi_reduction <minimumf>, %select_n3A_523, %reduce_min3A_526 [0, 2] : vector<32x8x128xf32> to vector<8xf32>
    %broadcast_in_dim3A_528 = vector.shape_cast %reduce_min3A_527 : vector<8xf32> to vector<1x8x1xf32>
    %eq3A_529 = vector.broadcast %broadcast_in_dim3A_528 : vector<1x8x1xf32> to vector<32x8x128xf32>
    %eq3A_530 = arith.cmpf oeq, %select_n3A_523, %eq3A_529 : vector<32x8x128xf32>
    %jit3A_531 = arith.constant 4.096000e+03 : f32
    %broadcast_in_dim3A_532 = vector.broadcast %jit3A_531 : f32 to vector<32x8x128xf32>
    %select_n3A_533 = arith.select %eq3A_530, %get3A_22, %broadcast_in_dim3A_532 : vector<32x8x128xi1>, vector<32x8x128xf32>
    %reduce_min3A_534 = arith.constant dense<0x7F800000> : vector<8xf32>
    %reduce_min3A_535 = vector.multi_reduction <minimumf>, %select_n3A_533, %reduce_min3A_534 [0, 2] : vector<32x8x128xf32> to vector<8xf32>
    %broadcast_in_dim3A_536 = vector.shape_cast %reduce_min3A_535 : vector<8xf32> to vector<1x8x1xf32>
    %eq3A_537 = vector.broadcast %broadcast_in_dim3A_536 : vector<1x8x1xf32> to vector<32x8x128xf32>
    %eq3A_538 = arith.cmpf oeq, %select_n3A_533, %eq3A_537 : vector<32x8x128xf32>
    %jit3A_539 = arith.constant 3.000000e+38 : f32
    %broadcast_in_dim3A_540 = vector.broadcast %jit3A_539 : f32 to vector<32x8x128xf32>
    %select_n3A_541 = arith.select %eq3A_538, %broadcast_in_dim3A_540, %select_n3A_523 : vector<32x8x128xi1>, vector<32x8x128xf32>
    %add3A_542 = arith.addf %broadcast_in_dim3A_536, %convert_element_type3A_31 : vector<1x8x1xf32>
    %convert_element_type3A_543 = arith.fptosi %add3A_542 : vector<1x8x1xf32> to vector<1x8x1xi32>
    %reduce_min3A_544 = arith.constant dense<0x7F800000> : vector<8xf32>
    %reduce_min3A_545 = vector.multi_reduction <minimumf>, %select_n3A_541, %reduce_min3A_544 [0, 2] : vector<32x8x128xf32> to vector<8xf32>
    %broadcast_in_dim3A_546 = vector.shape_cast %reduce_min3A_545 : vector<8xf32> to vector<1x8x1xf32>
    %eq3A_547 = vector.broadcast %broadcast_in_dim3A_546 : vector<1x8x1xf32> to vector<32x8x128xf32>
    %eq3A_548 = arith.cmpf oeq, %select_n3A_541, %eq3A_547 : vector<32x8x128xf32>
    %jit3A_549 = arith.constant 4.096000e+03 : f32
    %broadcast_in_dim3A_550 = vector.broadcast %jit3A_549 : f32 to vector<32x8x128xf32>
    %select_n3A_551 = arith.select %eq3A_548, %get3A_22, %broadcast_in_dim3A_550 : vector<32x8x128xi1>, vector<32x8x128xf32>
    %reduce_min3A_552 = arith.constant dense<0x7F800000> : vector<8xf32>
    %reduce_min3A_553 = vector.multi_reduction <minimumf>, %select_n3A_551, %reduce_min3A_552 [0, 2] : vector<32x8x128xf32> to vector<8xf32>
    %broadcast_in_dim3A_554 = vector.shape_cast %reduce_min3A_553 : vector<8xf32> to vector<1x8x1xf32>
    %eq3A_555 = vector.broadcast %broadcast_in_dim3A_554 : vector<1x8x1xf32> to vector<32x8x128xf32>
    %eq3A_556 = arith.cmpf oeq, %select_n3A_551, %eq3A_555 : vector<32x8x128xf32>
    %jit3A_557 = arith.constant 3.000000e+38 : f32
    %broadcast_in_dim3A_558 = vector.broadcast %jit3A_557 : f32 to vector<32x8x128xf32>
    %select_n3A_559 = arith.select %eq3A_556, %broadcast_in_dim3A_558, %select_n3A_541 : vector<32x8x128xi1>, vector<32x8x128xf32>
    %add3A_560 = arith.addf %broadcast_in_dim3A_554, %convert_element_type3A_31 : vector<1x8x1xf32>
    %convert_element_type3A_561 = arith.fptosi %add3A_560 : vector<1x8x1xf32> to vector<1x8x1xi32>
    %reduce_min3A_562 = arith.constant dense<0x7F800000> : vector<8xf32>
    %reduce_min3A_563 = vector.multi_reduction <minimumf>, %select_n3A_559, %reduce_min3A_562 [0, 2] : vector<32x8x128xf32> to vector<8xf32>
    %broadcast_in_dim3A_564 = vector.shape_cast %reduce_min3A_563 : vector<8xf32> to vector<1x8x1xf32>
    %eq3A_565 = vector.broadcast %broadcast_in_dim3A_564 : vector<1x8x1xf32> to vector<32x8x128xf32>
    %eq3A_566 = arith.cmpf oeq, %select_n3A_559, %eq3A_565 : vector<32x8x128xf32>
    %jit3A_567 = arith.constant 4.096000e+03 : f32
    %broadcast_in_dim3A_568 = vector.broadcast %jit3A_567 : f32 to vector<32x8x128xf32>
    %select_n3A_569 = arith.select %eq3A_566, %get3A_22, %broadcast_in_dim3A_568 : vector<32x8x128xi1>, vector<32x8x128xf32>
    %reduce_min3A_570 = arith.constant dense<0x7F800000> : vector<8xf32>
    %reduce_min3A_571 = vector.multi_reduction <minimumf>, %select_n3A_569, %reduce_min3A_570 [0, 2] : vector<32x8x128xf32> to vector<8xf32>
    %broadcast_in_dim3A_572 = vector.shape_cast %reduce_min3A_571 : vector<8xf32> to vector<1x8x1xf32>
    %eq3A_573 = vector.broadcast %broadcast_in_dim3A_572 : vector<1x8x1xf32> to vector<32x8x128xf32>
    %eq3A_574 = arith.cmpf oeq, %select_n3A_569, %eq3A_573 : vector<32x8x128xf32>
    %jit3A_575 = arith.constant 3.000000e+38 : f32
    %broadcast_in_dim3A_576 = vector.broadcast %jit3A_575 : f32 to vector<32x8x128xf32>
    %select_n3A_577 = arith.select %eq3A_574, %broadcast_in_dim3A_576, %select_n3A_559 : vector<32x8x128xi1>, vector<32x8x128xf32>
    %add3A_578 = arith.addf %broadcast_in_dim3A_572, %convert_element_type3A_31 : vector<1x8x1xf32>
    %convert_element_type3A_579 = arith.fptosi %add3A_578 : vector<1x8x1xf32> to vector<1x8x1xi32>
    %reduce_min3A_580 = arith.constant dense<0x7F800000> : vector<8xf32>
    %reduce_min3A_581 = vector.multi_reduction <minimumf>, %select_n3A_577, %reduce_min3A_580 [0, 2] : vector<32x8x128xf32> to vector<8xf32>
    %broadcast_in_dim3A_582 = vector.shape_cast %reduce_min3A_581 : vector<8xf32> to vector<1x8x1xf32>
    %eq3A_583 = vector.broadcast %broadcast_in_dim3A_582 : vector<1x8x1xf32> to vector<32x8x128xf32>
    %eq3A_584 = arith.cmpf oeq, %select_n3A_577, %eq3A_583 : vector<32x8x128xf32>
    %jit3A_585 = arith.constant 4.096000e+03 : f32
    %broadcast_in_dim3A_586 = vector.broadcast %jit3A_585 : f32 to vector<32x8x128xf32>
    %select_n3A_587 = arith.select %eq3A_584, %get3A_22, %broadcast_in_dim3A_586 : vector<32x8x128xi1>, vector<32x8x128xf32>
    %reduce_min3A_588 = arith.constant dense<0x7F800000> : vector<8xf32>
    %reduce_min3A_589 = vector.multi_reduction <minimumf>, %select_n3A_587, %reduce_min3A_588 [0, 2] : vector<32x8x128xf32> to vector<8xf32>
    %broadcast_in_dim3A_590 = vector.shape_cast %reduce_min3A_589 : vector<8xf32> to vector<1x8x1xf32>
    %eq3A_591 = vector.broadcast %broadcast_in_dim3A_590 : vector<1x8x1xf32> to vector<32x8x128xf32>
    %eq3A_592 = arith.cmpf oeq, %select_n3A_587, %eq3A_591 : vector<32x8x128xf32>
    %jit3A_593 = arith.constant 3.000000e+38 : f32
    %broadcast_in_dim3A_594 = vector.broadcast %jit3A_593 : f32 to vector<32x8x128xf32>
    %select_n3A_595 = arith.select %eq3A_592, %broadcast_in_dim3A_594, %select_n3A_577 : vector<32x8x128xi1>, vector<32x8x128xf32>
    %add3A_596 = arith.addf %broadcast_in_dim3A_590, %convert_element_type3A_31 : vector<1x8x1xf32>
    %convert_element_type3A_597 = arith.fptosi %add3A_596 : vector<1x8x1xf32> to vector<1x8x1xi32>
    %reduce_min3A_598 = arith.constant dense<0x7F800000> : vector<8xf32>
    %reduce_min3A_599 = vector.multi_reduction <minimumf>, %select_n3A_595, %reduce_min3A_598 [0, 2] : vector<32x8x128xf32> to vector<8xf32>
    %broadcast_in_dim3A_600 = vector.shape_cast %reduce_min3A_599 : vector<8xf32> to vector<1x8x1xf32>
    %eq3A_601 = vector.broadcast %broadcast_in_dim3A_600 : vector<1x8x1xf32> to vector<32x8x128xf32>
    %eq3A_602 = arith.cmpf oeq, %select_n3A_595, %eq3A_601 : vector<32x8x128xf32>
    %jit3A_603 = arith.constant 4.096000e+03 : f32
    %broadcast_in_dim3A_604 = vector.broadcast %jit3A_603 : f32 to vector<32x8x128xf32>
    %select_n3A_605 = arith.select %eq3A_602, %get3A_22, %broadcast_in_dim3A_604 : vector<32x8x128xi1>, vector<32x8x128xf32>
    %reduce_min3A_606 = arith.constant dense<0x7F800000> : vector<8xf32>
    %reduce_min3A_607 = vector.multi_reduction <minimumf>, %select_n3A_605, %reduce_min3A_606 [0, 2] : vector<32x8x128xf32> to vector<8xf32>
    %broadcast_in_dim3A_608 = vector.shape_cast %reduce_min3A_607 : vector<8xf32> to vector<1x8x1xf32>
    %add3A_609 = arith.addf %broadcast_in_dim3A_608, %convert_element_type3A_31 : vector<1x8x1xf32>
    %convert_element_type3A_610 = arith.fptosi %add3A_609 : vector<1x8x1xf32> to vector<1x8x1xi32>
    %concatenate3A_611 = tpu.concatenate %convert_element_type3A_345, %convert_element_type3A_363, %convert_element_type3A_381, %convert_element_type3A_399, %convert_element_type3A_417, %convert_element_type3A_435, %convert_element_type3A_453, %convert_element_type3A_471, %convert_element_type3A_489, %convert_element_type3A_507, %convert_element_type3A_525, %convert_element_type3A_543, %convert_element_type3A_561, %convert_element_type3A_579, %convert_element_type3A_597, %convert_element_type3A_610 in 2 : vector<1x8x1xi32>, vector<1x8x1xi32>, vector<1x8x1xi32>, vector<1x8x1xi32>, vector<1x8x1xi32>, vector<1x8x1xi32>, vector<1x8x1xi32>, vector<1x8x1xi32>, vector<1x8x1xi32>, vector<1x8x1xi32>, vector<1x8x1xi32>, vector<1x8x1xi32>, vector<1x8x1xi32>, vector<1x8x1xi32>, vector<1x8x1xi32>, vector<1x8x1xi32> -> vector<1x8x16xi32>
    %swap3A_612 = arith.constant 1 : index
    %swap3A_613 = arith.constant 0 : index
    %swap3A_614 = arith.constant 0 : index
    %swap3A_615 = vector.load %arg2[%swap3A_612, %swap3A_613, %swap3A_614] : memref<8x8x16xi32, #tpu.memory_space<vmem>>, vector<1x8x16xi32>
    tpu.vector_store %arg2[%swap3A_612, %swap3A_613, %swap3A_614], %concatenate3A_611 {strides = array<i32>} : memref<8x8x16xi32, #tpu.memory_space<vmem>>, vector<1x8x16xi32>,
    %get3A_616 = arith.index_cast %rem3A_28 : i32 to index
    %get3A_617 = arith.constant 2 : index
    %get3A_618 = arith.constant 0 : index
    %get3A_619 = arith.constant 0 : index
    %get3A_620 = arith.constant 0 : index
    %get3A_621 = vector.load %arg5[%get3A_616, %get3A_617, %get3A_618, %get3A_619, %get3A_620] : memref<2x8x32x8x128xf32, #tpu.memory_space<vmem>>, vector<1x1x32x8x128xf32>
    %get3A_622 = vector.shape_cast %get3A_621 : vector<1x1x32x8x128xf32> to vector<32x8x128xf32>
    %reduce_min3A_623 = arith.constant dense<0x7F800000> : vector<8xf32>
    %reduce_min3A_624 = vector.multi_reduction <minimumf>, %get3A_622, %reduce_min3A_623 [0, 2] : vector<32x8x128xf32> to vector<8xf32>
    %broadcast_in_dim3A_625 = vector.shape_cast %reduce_min3A_624 : vector<8xf32> to vector<1x8x1xf32>
    %eq3A_626 = vector.broadcast %broadcast_in_dim3A_625 : vector<1x8x1xf32> to vector<32x8x128xf32>
    %eq3A_627 = arith.cmpf oeq, %get3A_622, %eq3A_626 : vector<32x8x128xf32>
    %jit3A_628 = arith.constant 4.096000e+03 : f32
    %broadcast_in_dim3A_629 = vector.broadcast %jit3A_628 : f32 to vector<32x8x128xf32>
    %select_n3A_630 = arith.select %eq3A_627, %get3A_22, %broadcast_in_dim3A_629 : vector<32x8x128xi1>, vector<32x8x128xf32>
    %reduce_min3A_631 = arith.constant dense<0x7F800000> : vector<8xf32>
    %reduce_min3A_632 = vector.multi_reduction <minimumf>, %select_n3A_630, %reduce_min3A_631 [0, 2] : vector<32x8x128xf32> to vector<8xf32>
    %broadcast_in_dim3A_633 = vector.shape_cast %reduce_min3A_632 : vector<8xf32> to vector<1x8x1xf32>
    %eq3A_634 = vector.broadcast %broadcast_in_dim3A_633 : vector<1x8x1xf32> to vector<32x8x128xf32>
    %eq3A_635 = arith.cmpf oeq, %select_n3A_630, %eq3A_634 : vector<32x8x128xf32>
    %jit3A_636 = arith.constant 3.000000e+38 : f32
    %broadcast_in_dim3A_637 = vector.broadcast %jit3A_636 : f32 to vector<32x8x128xf32>
    %select_n3A_638 = arith.select %eq3A_635, %broadcast_in_dim3A_637, %get3A_622 : vector<32x8x128xi1>, vector<32x8x128xf32>
    %add3A_639 = arith.addf %broadcast_in_dim3A_633, %convert_element_type3A_31 : vector<1x8x1xf32>
    %convert_element_type3A_640 = arith.fptosi %add3A_639 : vector<1x8x1xf32> to vector<1x8x1xi32>
    %reduce_min3A_641 = arith.constant dense<0x7F800000> : vector<8xf32>
    %reduce_min3A_642 = vector.multi_reduction <minimumf>, %select_n3A_638, %reduce_min3A_641 [0, 2] : vector<32x8x128xf32> to vector<8xf32>
    %broadcast_in_dim3A_643 = vector.shape_cast %reduce_min3A_642 : vector<8xf32> to vector<1x8x1xf32>
    %eq3A_644 = vector.broadcast %broadcast_in_dim3A_643 : vector<1x8x1xf32> to vector<32x8x128xf32>
    %eq3A_645 = arith.cmpf oeq, %select_n3A_638, %eq3A_644 : vector<32x8x128xf32>
    %jit3A_646 = arith.constant 4.096000e+03 : f32
    %broadcast_in_dim3A_647 = vector.broadcast %jit3A_646 : f32 to vector<32x8x128xf32>
    %select_n3A_648 = arith.select %eq3A_645, %get3A_22, %broadcast_in_dim3A_647 : vector<32x8x128xi1>, vector<32x8x128xf32>
    %reduce_min3A_649 = arith.constant dense<0x7F800000> : vector<8xf32>
    %reduce_min3A_650 = vector.multi_reduction <minimumf>, %select_n3A_648, %reduce_min3A_649 [0, 2] : vector<32x8x128xf32> to vector<8xf32>
    %broadcast_in_dim3A_651 = vector.shape_cast %reduce_min3A_650 : vector<8xf32> to vector<1x8x1xf32>
    %eq3A_652 = vector.broadcast %broadcast_in_dim3A_651 : vector<1x8x1xf32> to vector<32x8x128xf32>
    %eq3A_653 = arith.cmpf oeq, %select_n3A_648, %eq3A_652 : vector<32x8x128xf32>
    %jit3A_654 = arith.constant 3.000000e+38 : f32
    %broadcast_in_dim3A_655 = vector.broadcast %jit3A_654 : f32 to vector<32x8x128xf32>
    %select_n3A_656 = arith.select %eq3A_653, %broadcast_in_dim3A_655, %select_n3A_638 : vector<32x8x128xi1>, vector<32x8x128xf32>
    %add3A_657 = arith.addf %broadcast_in_dim3A_651, %convert_element_type3A_31 : vector<1x8x1xf32>
    %convert_element_type3A_658 = arith.fptosi %add3A_657 : vector<1x8x1xf32> to vector<1x8x1xi32>
    %reduce_min3A_659 = arith.constant dense<0x7F800000> : vector<8xf32>
    %reduce_min3A_660 = vector.multi_reduction <minimumf>, %select_n3A_656, %reduce_min3A_659 [0, 2] : vector<32x8x128xf32> to vector<8xf32>
    %broadcast_in_dim3A_661 = vector.shape_cast %reduce_min3A_660 : vector<8xf32> to vector<1x8x1xf32>
    %eq3A_662 = vector.broadcast %broadcast_in_dim3A_661 : vector<1x8x1xf32> to vector<32x8x128xf32>
    %eq3A_663 = arith.cmpf oeq, %select_n3A_656, %eq3A_662 : vector<32x8x128xf32>
    %jit3A_664 = arith.constant 4.096000e+03 : f32
    %broadcast_in_dim3A_665 = vector.broadcast %jit3A_664 : f32 to vector<32x8x128xf32>
    %select_n3A_666 = arith.select %eq3A_663, %get3A_22, %broadcast_in_dim3A_665 : vector<32x8x128xi1>, vector<32x8x128xf32>
    %reduce_min3A_667 = arith.constant dense<0x7F800000> : vector<8xf32>
    %reduce_min3A_668 = vector.multi_reduction <minimumf>, %select_n3A_666, %reduce_min3A_667 [0, 2] : vector<32x8x128xf32> to vector<8xf32>
    %broadcast_in_dim3A_669 = vector.shape_cast %reduce_min3A_668 : vector<8xf32> to vector<1x8x1xf32>
    %eq3A_670 = vector.broadcast %broadcast_in_dim3A_669 : vector<1x8x1xf32> to vector<32x8x128xf32>
    %eq3A_671 = arith.cmpf oeq, %select_n3A_666, %eq3A_670 : vector<32x8x128xf32>
    %jit3A_672 = arith.constant 3.000000e+38 : f32
    %broadcast_in_dim3A_673 = vector.broadcast %jit3A_672 : f32 to vector<32x8x128xf32>
    %select_n3A_674 = arith.select %eq3A_671, %broadcast_in_dim3A_673, %select_n3A_656 : vector<32x8x128xi1>, vector<32x8x128xf32>
    %add3A_675 = arith.addf %broadcast_in_dim3A_669, %convert_element_type3A_31 : vector<1x8x1xf32>
    %convert_element_type3A_676 = arith.fptosi %add3A_675 : vector<1x8x1xf32> to vector<1x8x1xi32>
    %reduce_min3A_677 = arith.constant dense<0x7F800000> : vector<8xf32>
    %reduce_min3A_678 = vector.multi_reduction <minimumf>, %select_n3A_674, %reduce_min3A_677 [0, 2] : vector<32x8x128xf32> to vector<8xf32>
    %broadcast_in_dim3A_679 = vector.shape_cast %reduce_min3A_678 : vector<8xf32> to vector<1x8x1xf32>
    %eq3A_680 = vector.broadcast %broadcast_in_dim3A_679 : vector<1x8x1xf32> to vector<32x8x128xf32>
    %eq3A_681 = arith.cmpf oeq, %select_n3A_674, %eq3A_680 : vector<32x8x128xf32>
    %jit3A_682 = arith.constant 4.096000e+03 : f32
    %broadcast_in_dim3A_683 = vector.broadcast %jit3A_682 : f32 to vector<32x8x128xf32>
    %select_n3A_684 = arith.select %eq3A_681, %get3A_22, %broadcast_in_dim3A_683 : vector<32x8x128xi1>, vector<32x8x128xf32>
    %reduce_min3A_685 = arith.constant dense<0x7F800000> : vector<8xf32>
    %reduce_min3A_686 = vector.multi_reduction <minimumf>, %select_n3A_684, %reduce_min3A_685 [0, 2] : vector<32x8x128xf32> to vector<8xf32>
    %broadcast_in_dim3A_687 = vector.shape_cast %reduce_min3A_686 : vector<8xf32> to vector<1x8x1xf32>
    %eq3A_688 = vector.broadcast %broadcast_in_dim3A_687 : vector<1x8x1xf32> to vector<32x8x128xf32>
    %eq3A_689 = arith.cmpf oeq, %select_n3A_684, %eq3A_688 : vector<32x8x128xf32>
    %jit3A_690 = arith.constant 3.000000e+38 : f32
    %broadcast_in_dim3A_691 = vector.broadcast %jit3A_690 : f32 to vector<32x8x128xf32>
    %select_n3A_692 = arith.select %eq3A_689, %broadcast_in_dim3A_691, %select_n3A_674 : vector<32x8x128xi1>, vector<32x8x128xf32>
    %add3A_693 = arith.addf %broadcast_in_dim3A_687, %convert_element_type3A_31 : vector<1x8x1xf32>
    %convert_element_type3A_694 = arith.fptosi %add3A_693 : vector<1x8x1xf32> to vector<1x8x1xi32>
    %reduce_min3A_695 = arith.constant dense<0x7F800000> : vector<8xf32>
    %reduce_min3A_696 = vector.multi_reduction <minimumf>, %select_n3A_692, %reduce_min3A_695 [0, 2] : vector<32x8x128xf32> to vector<8xf32>
    %broadcast_in_dim3A_697 = vector.shape_cast %reduce_min3A_696 : vector<8xf32> to vector<1x8x1xf32>
    %eq3A_698 = vector.broadcast %broadcast_in_dim3A_697 : vector<1x8x1xf32> to vector<32x8x128xf32>
    %eq3A_699 = arith.cmpf oeq, %select_n3A_692, %eq3A_698 : vector<32x8x128xf32>
    %jit3A_700 = arith.constant 4.096000e+03 : f32
    %broadcast_in_dim3A_701 = vector.broadcast %jit3A_700 : f32 to vector<32x8x128xf32>
    %select_n3A_702 = arith.select %eq3A_699, %get3A_22, %broadcast_in_dim3A_701 : vector<32x8x128xi1>, vector<32x8x128xf32>
    %reduce_min3A_703 = arith.constant dense<0x7F800000> : vector<8xf32>
    %reduce_min3A_704 = vector.multi_reduction <minimumf>, %select_n3A_702, %reduce_min3A_703 [0, 2] : vector<32x8x128xf32> to vector<8xf32>
    %broadcast_in_dim3A_705 = vector.shape_cast %reduce_min3A_704 : vector<8xf32> to vector<1x8x1xf32>
    %eq3A_706 = vector.broadcast %broadcast_in_dim3A_705 : vector<1x8x1xf32> to vector<32x8x128xf32>
    %eq3A_707 = arith.cmpf oeq, %select_n3A_702, %eq3A_706 : vector<32x8x128xf32>
    %jit3A_708 = arith.constant 3.000000e+38 : f32
    %broadcast_in_dim3A_709 = vector.broadcast %jit3A_708 : f32 to vector<32x8x128xf32>
    %select_n3A_710 = arith.select %eq3A_707, %broadcast_in_dim3A_709, %select_n3A_692 : vector<32x8x128xi1>, vector<32x8x128xf32>
    %add3A_711 = arith.addf %broadcast_in_dim3A_705, %convert_element_type3A_31 : vector<1x8x1xf32>
    %convert_element_type3A_712 = arith.fptosi %add3A_711 : vector<1x8x1xf32> to vector<1x8x1xi32>
    %reduce_min3A_713 = arith.constant dense<0x7F800000> : vector<8xf32>
    %reduce_min3A_714 = vector.multi_reduction <minimumf>, %select_n3A_710, %reduce_min3A_713 [0, 2] : vector<32x8x128xf32> to vector<8xf32>
    %broadcast_in_dim3A_715 = vector.shape_cast %reduce_min3A_714 : vector<8xf32> to vector<1x8x1xf32>
    %eq3A_716 = vector.broadcast %broadcast_in_dim3A_715 : vector<1x8x1xf32> to vector<32x8x128xf32>
    %eq3A_717 = arith.cmpf oeq, %select_n3A_710, %eq3A_716 : vector<32x8x128xf32>
    %jit3A_718 = arith.constant 4.096000e+03 : f32
    %broadcast_in_dim3A_719 = vector.broadcast %jit3A_718 : f32 to vector<32x8x128xf32>
    %select_n3A_720 = arith.select %eq3A_717, %get3A_22, %broadcast_in_dim3A_719 : vector<32x8x128xi1>, vector<32x8x128xf32>
    %reduce_min3A_721 = arith.constant dense<0x7F800000> : vector<8xf32>
    %reduce_min3A_722 = vector.multi_reduction <minimumf>, %select_n3A_720, %reduce_min3A_721 [0, 2] : vector<32x8x128xf32> to vector<8xf32>
    %broadcast_in_dim3A_723 = vector.shape_cast %reduce_min3A_722 : vector<8xf32> to vector<1x8x1xf32>
    %eq3A_724 = vector.broadcast %broadcast_in_dim3A_723 : vector<1x8x1xf32> to vector<32x8x128xf32>
    %eq3A_725 = arith.cmpf oeq, %select_n3A_720, %eq3A_724 : vector<32x8x128xf32>
    %jit3A_726 = arith.constant 3.000000e+38 : f32
    %broadcast_in_dim3A_727 = vector.broadcast %jit3A_726 : f32 to vector<32x8x128xf32>
    %select_n3A_728 = arith.select %eq3A_725, %broadcast_in_dim3A_727, %select_n3A_710 : vector<32x8x128xi1>, vector<32x8x128xf32>
    %add3A_729 = arith.addf %broadcast_in_dim3A_723, %convert_element_type3A_31 : vector<1x8x1xf32>
    %convert_element_type3A_730 = arith.fptosi %add3A_729 : vector<1x8x1xf32> to vector<1x8x1xi32>
    %reduce_min3A_731 = arith.constant dense<0x7F800000> : vector<8xf32>
    %reduce_min3A_732 = vector.multi_reduction <minimumf>, %select_n3A_728, %reduce_min3A_731 [0, 2] : vector<32x8x128xf32> to vector<8xf32>
    %broadcast_in_dim3A_733 = vector.shape_cast %reduce_min3A_732 : vector<8xf32> to vector<1x8x1xf32>
    %eq3A_734 = vector.broadcast %broadcast_in_dim3A_733 : vector<1x8x1xf32> to vector<32x8x128xf32>
    %eq3A_735 = arith.cmpf oeq, %select_n3A_728, %eq3A_734 : vector<32x8x128xf32>
    %jit3A_736 = arith.constant 4.096000e+03 : f32
    %broadcast_in_dim3A_737 = vector.broadcast %jit3A_736 : f32 to vector<32x8x128xf32>
    %select_n3A_738 = arith.select %eq3A_735, %get3A_22, %broadcast_in_dim3A_737 : vector<32x8x128xi1>, vector<32x8x128xf32>
    %reduce_min3A_739 = arith.constant dense<0x7F800000> : vector<8xf32>
    %reduce_min3A_740 = vector.multi_reduction <minimumf>, %select_n3A_738, %reduce_min3A_739 [0, 2] : vector<32x8x128xf32> to vector<8xf32>
    %broadcast_in_dim3A_741 = vector.shape_cast %reduce_min3A_740 : vector<8xf32> to vector<1x8x1xf32>
    %eq3A_742 = vector.broadcast %broadcast_in_dim3A_741 : vector<1x8x1xf32> to vector<32x8x128xf32>
    %eq3A_743 = arith.cmpf oeq, %select_n3A_738, %eq3A_742 : vector<32x8x128xf32>
    %jit3A_744 = arith.constant 3.000000e+38 : f32
    %broadcast_in_dim3A_745 = vector.broadcast %jit3A_744 : f32 to vector<32x8x128xf32>
    %select_n3A_746 = arith.select %eq3A_743, %broadcast_in_dim3A_745, %select_n3A_728 : vector<32x8x128xi1>, vector<32x8x128xf32>
    %add3A_747 = arith.addf %broadcast_in_dim3A_741, %convert_element_type3A_31 : vector<1x8x1xf32>
    %convert_element_type3A_748 = arith.fptosi %add3A_747 : vector<1x8x1xf32> to vector<1x8x1xi32>
    %reduce_min3A_749 = arith.constant dense<0x7F800000> : vector<8xf32>
    %reduce_min3A_750 = vector.multi_reduction <minimumf>, %select_n3A_746, %reduce_min3A_749 [0, 2] : vector<32x8x128xf32> to vector<8xf32>
    %broadcast_in_dim3A_751 = vector.shape_cast %reduce_min3A_750 : vector<8xf32> to vector<1x8x1xf32>
    %eq3A_752 = vector.broadcast %broadcast_in_dim3A_751 : vector<1x8x1xf32> to vector<32x8x128xf32>
    %eq3A_753 = arith.cmpf oeq, %select_n3A_746, %eq3A_752 : vector<32x8x128xf32>
    %jit3A_754 = arith.constant 4.096000e+03 : f32
    %broadcast_in_dim3A_755 = vector.broadcast %jit3A_754 : f32 to vector<32x8x128xf32>
    %select_n3A_756 = arith.select %eq3A_753, %get3A_22, %broadcast_in_dim3A_755 : vector<32x8x128xi1>, vector<32x8x128xf32>
    %reduce_min3A_757 = arith.constant dense<0x7F800000> : vector<8xf32>
    %reduce_min3A_758 = vector.multi_reduction <minimumf>, %select_n3A_756, %reduce_min3A_757 [0, 2] : vector<32x8x128xf32> to vector<8xf32>
    %broadcast_in_dim3A_759 = vector.shape_cast %reduce_min3A_758 : vector<8xf32> to vector<1x8x1xf32>
    %eq3A_760 = vector.broadcast %broadcast_in_dim3A_759 : vector<1x8x1xf32> to vector<32x8x128xf32>
    %eq3A_761 = arith.cmpf oeq, %select_n3A_756, %eq3A_760 : vector<32x8x128xf32>
    %jit3A_762 = arith.constant 3.000000e+38 : f32
    %broadcast_in_dim3A_763 = vector.broadcast %jit3A_762 : f32 to vector<32x8x128xf32>
    %select_n3A_764 = arith.select %eq3A_761, %broadcast_in_dim3A_763, %select_n3A_746 : vector<32x8x128xi1>, vector<32x8x128xf32>
    %add3A_765 = arith.addf %broadcast_in_dim3A_759, %convert_element_type3A_31 : vector<1x8x1xf32>
    %convert_element_type3A_766 = arith.fptosi %add3A_765 : vector<1x8x1xf32> to vector<1x8x1xi32>
    %reduce_min3A_767 = arith.constant dense<0x7F800000> : vector<8xf32>
    %reduce_min3A_768 = vector.multi_reduction <minimumf>, %select_n3A_764, %reduce_min3A_767 [0, 2] : vector<32x8x128xf32> to vector<8xf32>
    %broadcast_in_dim3A_769 = vector.shape_cast %reduce_min3A_768 : vector<8xf32> to vector<1x8x1xf32>
    %eq3A_770 = vector.broadcast %broadcast_in_dim3A_769 : vector<1x8x1xf32> to vector<32x8x128xf32>
    %eq3A_771 = arith.cmpf oeq, %select_n3A_764, %eq3A_770 : vector<32x8x128xf32>
    %jit3A_772 = arith.constant 4.096000e+03 : f32
    %broadcast_in_dim3A_773 = vector.broadcast %jit3A_772 : f32 to vector<32x8x128xf32>
    %select_n3A_774 = arith.select %eq3A_771, %get3A_22, %broadcast_in_dim3A_773 : vector<32x8x128xi1>, vector<32x8x128xf32>
    %reduce_min3A_775 = arith.constant dense<0x7F800000> : vector<8xf32>
    %reduce_min3A_776 = vector.multi_reduction <minimumf>, %select_n3A_774, %reduce_min3A_775 [0, 2] : vector<32x8x128xf32> to vector<8xf32>
    %broadcast_in_dim3A_777 = vector.shape_cast %reduce_min3A_776 : vector<8xf32> to vector<1x8x1xf32>
    %eq3A_778 = vector.broadcast %broadcast_in_dim3A_777 : vector<1x8x1xf32> to vector<32x8x128xf32>
    %eq3A_779 = arith.cmpf oeq, %select_n3A_774, %eq3A_778 : vector<32x8x128xf32>
    %jit3A_780 = arith.constant 3.000000e+38 : f32
    %broadcast_in_dim3A_781 = vector.broadcast %jit3A_780 : f32 to vector<32x8x128xf32>
    %select_n3A_782 = arith.select %eq3A_779, %broadcast_in_dim3A_781, %select_n3A_764 : vector<32x8x128xi1>, vector<32x8x128xf32>
    %add3A_783 = arith.addf %broadcast_in_dim3A_777, %convert_element_type3A_31 : vector<1x8x1xf32>
    %convert_element_type3A_784 = arith.fptosi %add3A_783 : vector<1x8x1xf32> to vector<1x8x1xi32>
    %reduce_min3A_785 = arith.constant dense<0x7F800000> : vector<8xf32>
    %reduce_min3A_786 = vector.multi_reduction <minimumf>, %select_n3A_782, %reduce_min3A_785 [0, 2] : vector<32x8x128xf32> to vector<8xf32>
    %broadcast_in_dim3A_787 = vector.shape_cast %reduce_min3A_786 : vector<8xf32> to vector<1x8x1xf32>
    %eq3A_788 = vector.broadcast %broadcast_in_dim3A_787 : vector<1x8x1xf32> to vector<32x8x128xf32>
    %eq3A_789 = arith.cmpf oeq, %select_n3A_782, %eq3A_788 : vector<32x8x128xf32>
    %jit3A_790 = arith.constant 4.096000e+03 : f32
    %broadcast_in_dim3A_791 = vector.broadcast %jit3A_790 : f32 to vector<32x8x128xf32>
    %select_n3A_792 = arith.select %eq3A_789, %get3A_22, %broadcast_in_dim3A_791 : vector<32x8x128xi1>, vector<32x8x128xf32>
    %reduce_min3A_793 = arith.constant dense<0x7F800000> : vector<8xf32>
    %reduce_min3A_794 = vector.multi_reduction <minimumf>, %select_n3A_792, %reduce_min3A_793 [0, 2] : vector<32x8x128xf32> to vector<8xf32>
    %broadcast_in_dim3A_795 = vector.shape_cast %reduce_min3A_794 : vector<8xf32> to vector<1x8x1xf32>
    %eq3A_796 = vector.broadcast %broadcast_in_dim3A_795 : vector<1x8x1xf32> to vector<32x8x128xf32>
    %eq3A_797 = arith.cmpf oeq, %select_n3A_792, %eq3A_796 : vector<32x8x128xf32>
    %jit3A_798 = arith.constant 3.000000e+38 : f32
    %broadcast_in_dim3A_799 = vector.broadcast %jit3A_798 : f32 to vector<32x8x128xf32>
    %select_n3A_800 = arith.select %eq3A_797, %broadcast_in_dim3A_799, %select_n3A_782 : vector<32x8x128xi1>, vector<32x8x128xf32>
    %add3A_801 = arith.addf %broadcast_in_dim3A_795, %convert_element_type3A_31 : vector<1x8x1xf32>
    %convert_element_type3A_802 = arith.fptosi %add3A_801 : vector<1x8x1xf32> to vector<1x8x1xi32>
    %reduce_min3A_803 = arith.constant dense<0x7F800000> : vector<8xf32>
    %reduce_min3A_804 = vector.multi_reduction <minimumf>, %select_n3A_800, %reduce_min3A_803 [0, 2] : vector<32x8x128xf32> to vector<8xf32>
    %broadcast_in_dim3A_805 = vector.shape_cast %reduce_min3A_804 : vector<8xf32> to vector<1x8x1xf32>
    %eq3A_806 = vector.broadcast %broadcast_in_dim3A_805 : vector<1x8x1xf32> to vector<32x8x128xf32>
    %eq3A_807 = arith.cmpf oeq, %select_n3A_800, %eq3A_806 : vector<32x8x128xf32>
    %jit3A_808 = arith.constant 4.096000e+03 : f32
    %broadcast_in_dim3A_809 = vector.broadcast %jit3A_808 : f32 to vector<32x8x128xf32>
    %select_n3A_810 = arith.select %eq3A_807, %get3A_22, %broadcast_in_dim3A_809 : vector<32x8x128xi1>, vector<32x8x128xf32>
    %reduce_min3A_811 = arith.constant dense<0x7F800000> : vector<8xf32>
    %reduce_min3A_812 = vector.multi_reduction <minimumf>, %select_n3A_810, %reduce_min3A_811 [0, 2] : vector<32x8x128xf32> to vector<8xf32>
    %broadcast_in_dim3A_813 = vector.shape_cast %reduce_min3A_812 : vector<8xf32> to vector<1x8x1xf32>
    %eq3A_814 = vector.broadcast %broadcast_in_dim3A_813 : vector<1x8x1xf32> to vector<32x8x128xf32>
    %eq3A_815 = arith.cmpf oeq, %select_n3A_810, %eq3A_814 : vector<32x8x128xf32>
    %jit3A_816 = arith.constant 3.000000e+38 : f32
    %broadcast_in_dim3A_817 = vector.broadcast %jit3A_816 : f32 to vector<32x8x128xf32>
    %select_n3A_818 = arith.select %eq3A_815, %broadcast_in_dim3A_817, %select_n3A_800 : vector<32x8x128xi1>, vector<32x8x128xf32>
    %add3A_819 = arith.addf %broadcast_in_dim3A_813, %convert_element_type3A_31 : vector<1x8x1xf32>
    %convert_element_type3A_820 = arith.fptosi %add3A_819 : vector<1x8x1xf32> to vector<1x8x1xi32>
    %reduce_min3A_821 = arith.constant dense<0x7F800000> : vector<8xf32>
    %reduce_min3A_822 = vector.multi_reduction <minimumf>, %select_n3A_818, %reduce_min3A_821 [0, 2] : vector<32x8x128xf32> to vector<8xf32>
    %broadcast_in_dim3A_823 = vector.shape_cast %reduce_min3A_822 : vector<8xf32> to vector<1x8x1xf32>
    %eq3A_824 = vector.broadcast %broadcast_in_dim3A_823 : vector<1x8x1xf32> to vector<32x8x128xf32>
    %eq3A_825 = arith.cmpf oeq, %select_n3A_818, %eq3A_824 : vector<32x8x128xf32>
    %jit3A_826 = arith.constant 4.096000e+03 : f32
    %broadcast_in_dim3A_827 = vector.broadcast %jit3A_826 : f32 to vector<32x8x128xf32>
    %select_n3A_828 = arith.select %eq3A_825, %get3A_22, %broadcast_in_dim3A_827 : vector<32x8x128xi1>, vector<32x8x128xf32>
    %reduce_min3A_829 = arith.constant dense<0x7F800000> : vector<8xf32>
    %reduce_min3A_830 = vector.multi_reduction <minimumf>, %select_n3A_828, %reduce_min3A_829 [0, 2] : vector<32x8x128xf32> to vector<8xf32>
    %broadcast_in_dim3A_831 = vector.shape_cast %reduce_min3A_830 : vector<8xf32> to vector<1x8x1xf32>
    %eq3A_832 = vector.broadcast %broadcast_in_dim3A_831 : vector<1x8x1xf32> to vector<32x8x128xf32>
    %eq3A_833 = arith.cmpf oeq, %select_n3A_828, %eq3A_832 : vector<32x8x128xf32>
    %jit3A_834 = arith.constant 3.000000e+38 : f32
    %broadcast_in_dim3A_835 = vector.broadcast %jit3A_834 : f32 to vector<32x8x128xf32>
    %select_n3A_836 = arith.select %eq3A_833, %broadcast_in_dim3A_835, %select_n3A_818 : vector<32x8x128xi1>, vector<32x8x128xf32>
    %add3A_837 = arith.addf %broadcast_in_dim3A_831, %convert_element_type3A_31 : vector<1x8x1xf32>
    %convert_element_type3A_838 = arith.fptosi %add3A_837 : vector<1x8x1xf32> to vector<1x8x1xi32>
    %reduce_min3A_839 = arith.constant dense<0x7F800000> : vector<8xf32>
    %reduce_min3A_840 = vector.multi_reduction <minimumf>, %select_n3A_836, %reduce_min3A_839 [0, 2] : vector<32x8x128xf32> to vector<8xf32>
    %broadcast_in_dim3A_841 = vector.shape_cast %reduce_min3A_840 : vector<8xf32> to vector<1x8x1xf32>
    %eq3A_842 = vector.broadcast %broadcast_in_dim3A_841 : vector<1x8x1xf32> to vector<32x8x128xf32>
    %eq3A_843 = arith.cmpf oeq, %select_n3A_836, %eq3A_842 : vector<32x8x128xf32>
    %jit3A_844 = arith.constant 4.096000e+03 : f32
    %broadcast_in_dim3A_845 = vector.broadcast %jit3A_844 : f32 to vector<32x8x128xf32>
    %select_n3A_846 = arith.select %eq3A_843, %get3A_22, %broadcast_in_dim3A_845 : vector<32x8x128xi1>, vector<32x8x128xf32>
    %reduce_min3A_847 = arith.constant dense<0x7F800000> : vector<8xf32>
    %reduce_min3A_848 = vector.multi_reduction <minimumf>, %select_n3A_846, %reduce_min3A_847 [0, 2] : vector<32x8x128xf32> to vector<8xf32>
    %broadcast_in_dim3A_849 = vector.shape_cast %reduce_min3A_848 : vector<8xf32> to vector<1x8x1xf32>
    %eq3A_850 = vector.broadcast %broadcast_in_dim3A_849 : vector<1x8x1xf32> to vector<32x8x128xf32>
    %eq3A_851 = arith.cmpf oeq, %select_n3A_846, %eq3A_850 : vector<32x8x128xf32>
    %jit3A_852 = arith.constant 3.000000e+38 : f32
    %broadcast_in_dim3A_853 = vector.broadcast %jit3A_852 : f32 to vector<32x8x128xf32>
    %select_n3A_854 = arith.select %eq3A_851, %broadcast_in_dim3A_853, %select_n3A_836 : vector<32x8x128xi1>, vector<32x8x128xf32>
    %add3A_855 = arith.addf %broadcast_in_dim3A_849, %convert_element_type3A_31 : vector<1x8x1xf32>
    %convert_element_type3A_856 = arith.fptosi %add3A_855 : vector<1x8x1xf32> to vector<1x8x1xi32>
    %reduce_min3A_857 = arith.constant dense<0x7F800000> : vector<8xf32>
    %reduce_min3A_858 = vector.multi_reduction <minimumf>, %select_n3A_854, %reduce_min3A_857 [0, 2] : vector<32x8x128xf32> to vector<8xf32>
    %broadcast_in_dim3A_859 = vector.shape_cast %reduce_min3A_858 : vector<8xf32> to vector<1x8x1xf32>
    %eq3A_860 = vector.broadcast %broadcast_in_dim3A_859 : vector<1x8x1xf32> to vector<32x8x128xf32>
    %eq3A_861 = arith.cmpf oeq, %select_n3A_854, %eq3A_860 : vector<32x8x128xf32>
    %jit3A_862 = arith.constant 4.096000e+03 : f32
    %broadcast_in_dim3A_863 = vector.broadcast %jit3A_862 : f32 to vector<32x8x128xf32>
    %select_n3A_864 = arith.select %eq3A_861, %get3A_22, %broadcast_in_dim3A_863 : vector<32x8x128xi1>, vector<32x8x128xf32>
    %reduce_min3A_865 = arith.constant dense<0x7F800000> : vector<8xf32>
    %reduce_min3A_866 = vector.multi_reduction <minimumf>, %select_n3A_864, %reduce_min3A_865 [0, 2] : vector<32x8x128xf32> to vector<8xf32>
    %broadcast_in_dim3A_867 = vector.shape_cast %reduce_min3A_866 : vector<8xf32> to vector<1x8x1xf32>
    %eq3A_868 = vector.broadcast %broadcast_in_dim3A_867 : vector<1x8x1xf32> to vector<32x8x128xf32>
    %eq3A_869 = arith.cmpf oeq, %select_n3A_864, %eq3A_868 : vector<32x8x128xf32>
    %jit3A_870 = arith.constant 3.000000e+38 : f32
    %broadcast_in_dim3A_871 = vector.broadcast %jit3A_870 : f32 to vector<32x8x128xf32>
    %select_n3A_872 = arith.select %eq3A_869, %broadcast_in_dim3A_871, %select_n3A_854 : vector<32x8x128xi1>, vector<32x8x128xf32>
    %add3A_873 = arith.addf %broadcast_in_dim3A_867, %convert_element_type3A_31 : vector<1x8x1xf32>
    %convert_element_type3A_874 = arith.fptosi %add3A_873 : vector<1x8x1xf32> to vector<1x8x1xi32>
    %reduce_min3A_875 = arith.constant dense<0x7F800000> : vector<8xf32>
    %reduce_min3A_876 = vector.multi_reduction <minimumf>, %select_n3A_872, %reduce_min3A_875 [0, 2] : vector<32x8x128xf32> to vector<8xf32>
    %broadcast_in_dim3A_877 = vector.shape_cast %reduce_min3A_876 : vector<8xf32> to vector<1x8x1xf32>
    %eq3A_878 = vector.broadcast %broadcast_in_dim3A_877 : vector<1x8x1xf32> to vector<32x8x128xf32>
    %eq3A_879 = arith.cmpf oeq, %select_n3A_872, %eq3A_878 : vector<32x8x128xf32>
    %jit3A_880 = arith.constant 4.096000e+03 : f32
    %broadcast_in_dim3A_881 = vector.broadcast %jit3A_880 : f32 to vector<32x8x128xf32>
    %select_n3A_882 = arith.select %eq3A_879, %get3A_22, %broadcast_in_dim3A_881 : vector<32x8x128xi1>, vector<32x8x128xf32>
    %reduce_min3A_883 = arith.constant dense<0x7F800000> : vector<8xf32>
    %reduce_min3A_884 = vector.multi_reduction <minimumf>, %select_n3A_882, %reduce_min3A_883 [0, 2] : vector<32x8x128xf32> to vector<8xf32>
    %broadcast_in_dim3A_885 = vector.shape_cast %reduce_min3A_884 : vector<8xf32> to vector<1x8x1xf32>
    %eq3A_886 = vector.broadcast %broadcast_in_dim3A_885 : vector<1x8x1xf32> to vector<32x8x128xf32>
    %eq3A_887 = arith.cmpf oeq, %select_n3A_882, %eq3A_886 : vector<32x8x128xf32>
    %jit3A_888 = arith.constant 3.000000e+38 : f32
    %broadcast_in_dim3A_889 = vector.broadcast %jit3A_888 : f32 to vector<32x8x128xf32>
    %select_n3A_890 = arith.select %eq3A_887, %broadcast_in_dim3A_889, %select_n3A_872 : vector<32x8x128xi1>, vector<32x8x128xf32>
    %add3A_891 = arith.addf %broadcast_in_dim3A_885, %convert_element_type3A_31 : vector<1x8x1xf32>
    %convert_element_type3A_892 = arith.fptosi %add3A_891 : vector<1x8x1xf32> to vector<1x8x1xi32>
    %reduce_min3A_893 = arith.constant dense<0x7F800000> : vector<8xf32>
    %reduce_min3A_894 = vector.multi_reduction <minimumf>, %select_n3A_890, %reduce_min3A_893 [0, 2] : vector<32x8x128xf32> to vector<8xf32>
    %broadcast_in_dim3A_895 = vector.shape_cast %reduce_min3A_894 : vector<8xf32> to vector<1x8x1xf32>
    %eq3A_896 = vector.broadcast %broadcast_in_dim3A_895 : vector<1x8x1xf32> to vector<32x8x128xf32>
    %eq3A_897 = arith.cmpf oeq, %select_n3A_890, %eq3A_896 : vector<32x8x128xf32>
    %jit3A_898 = arith.constant 4.096000e+03 : f32
    %broadcast_in_dim3A_899 = vector.broadcast %jit3A_898 : f32 to vector<32x8x128xf32>
    %select_n3A_900 = arith.select %eq3A_897, %get3A_22, %broadcast_in_dim3A_899 : vector<32x8x128xi1>, vector<32x8x128xf32>
    %reduce_min3A_901 = arith.constant dense<0x7F800000> : vector<8xf32>
    %reduce_min3A_902 = vector.multi_reduction <minimumf>, %select_n3A_900, %reduce_min3A_901 [0, 2] : vector<32x8x128xf32> to vector<8xf32>
    %broadcast_in_dim3A_903 = vector.shape_cast %reduce_min3A_902 : vector<8xf32> to vector<1x8x1xf32>
    %add3A_904 = arith.addf %broadcast_in_dim3A_903, %convert_element_type3A_31 : vector<1x8x1xf32>
    %convert_element_type3A_905 = arith.fptosi %add3A_904 : vector<1x8x1xf32> to vector<1x8x1xi32>
    %concatenate3A_906 = tpu.concatenate %convert_element_type3A_640, %convert_element_type3A_658, %convert_element_type3A_676, %convert_element_type3A_694, %convert_element_type3A_712, %convert_element_type3A_730, %convert_element_type3A_748, %convert_element_type3A_766, %convert_element_type3A_784, %convert_element_type3A_802, %convert_element_type3A_820, %convert_element_type3A_838, %convert_element_type3A_856, %convert_element_type3A_874, %convert_element_type3A_892, %convert_element_type3A_905 in 2 : vector<1x8x1xi32>, vector<1x8x1xi32>, vector<1x8x1xi32>, vector<1x8x1xi32>, vector<1x8x1xi32>, vector<1x8x1xi32>, vector<1x8x1xi32>, vector<1x8x1xi32>, vector<1x8x1xi32>, vector<1x8x1xi32>, vector<1x8x1xi32>, vector<1x8x1xi32>, vector<1x8x1xi32>, vector<1x8x1xi32>, vector<1x8x1xi32>, vector<1x8x1xi32> -> vector<1x8x16xi32>
    %swap3A_907 = arith.constant 2 : index
    %swap3A_908 = arith.constant 0 : index
    %swap3A_909 = arith.constant 0 : index
    %swap3A_910 = vector.load %arg2[%swap3A_907, %swap3A_908, %swap3A_909] : memref<8x8x16xi32, #tpu.memory_space<vmem>>, vector<1x8x16xi32>
    tpu.vector_store %arg2[%swap3A_907, %swap3A_908, %swap3A_909], %concatenate3A_906 {strides = array<i32>} : memref<8x8x16xi32, #tpu.memory_space<vmem>>, vector<1x8x16xi32>,
    %get3A_911 = arith.index_cast %rem3A_28 : i32 to index
    %get3A_912 = arith.constant 3 : index
    %get3A_913 = arith.constant 0 : index
    %get3A_914 = arith.constant 0 : index
    %get3A_915 = arith.constant 0 : index
    %get3A_916 = vector.load %arg5[%get3A_911, %get3A_912, %get3A_913, %get3A_914, %get3A_915] : memref<2x8x32x8x128xf32, #tpu.memory_space<vmem>>, vector<1x1x32x8x128xf32>
    %get3A_917 = vector.shape_cast %get3A_916 : vector<1x1x32x8x128xf32> to vector<32x8x128xf32>
    %reduce_min3A_918 = arith.constant dense<0x7F800000> : vector<8xf32>
    %reduce_min3A_919 = vector.multi_reduction <minimumf>, %get3A_917, %reduce_min3A_918 [0, 2] : vector<32x8x128xf32> to vector<8xf32>
    %broadcast_in_dim3A_920 = vector.shape_cast %reduce_min3A_919 : vector<8xf32> to vector<1x8x1xf32>
    %eq3A_921 = vector.broadcast %broadcast_in_dim3A_920 : vector<1x8x1xf32> to vector<32x8x128xf32>
    %eq3A_922 = arith.cmpf oeq, %get3A_917, %eq3A_921 : vector<32x8x128xf32>
    %jit3A_923 = arith.constant 4.096000e+03 : f32
    %broadcast_in_dim3A_924 = vector.broadcast %jit3A_923 : f32 to vector<32x8x128xf32>
    %select_n3A_925 = arith.select %eq3A_922, %get3A_22, %broadcast_in_dim3A_924 : vector<32x8x128xi1>, vector<32x8x128xf32>
    %reduce_min3A_926 = arith.constant dense<0x7F800000> : vector<8xf32>
    %reduce_min3A_927 = vector.multi_reduction <minimumf>, %select_n3A_925, %reduce_min3A_926 [0, 2] : vector<32x8x128xf32> to vector<8xf32>
    %broadcast_in_dim3A_928 = vector.shape_cast %reduce_min3A_927 : vector<8xf32> to vector<1x8x1xf32>
    %eq3A_929 = vector.broadcast %broadcast_in_dim3A_928 : vector<1x8x1xf32> to vector<32x8x128xf32>
    %eq3A_930 = arith.cmpf oeq, %select_n3A_925, %eq3A_929 : vector<32x8x128xf32>
    %jit3A_931 = arith.constant 3.000000e+38 : f32
    %broadcast_in_dim3A_932 = vector.broadcast %jit3A_931 : f32 to vector<32x8x128xf32>
    %select_n3A_933 = arith.select %eq3A_930, %broadcast_in_dim3A_932, %get3A_917 : vector<32x8x128xi1>, vector<32x8x128xf32>
    %add3A_934 = arith.addf %broadcast_in_dim3A_928, %convert_element_type3A_31 : vector<1x8x1xf32>
    %convert_element_type3A_935 = arith.fptosi %add3A_934 : vector<1x8x1xf32> to vector<1x8x1xi32>
    %reduce_min3A_936 = arith.constant dense<0x7F800000> : vector<8xf32>
    %reduce_min3A_937 = vector.multi_reduction <minimumf>, %select_n3A_933, %reduce_min3A_936 [0, 2] : vector<32x8x128xf32> to vector<8xf32>
    %broadcast_in_dim3A_938 = vector.shape_cast %reduce_min3A_937 : vector<8xf32> to vector<1x8x1xf32>
    %eq3A_939 = vector.broadcast %broadcast_in_dim3A_938 : vector<1x8x1xf32> to vector<32x8x128xf32>
    %eq3A_940 = arith.cmpf oeq, %select_n3A_933, %eq3A_939 : vector<32x8x128xf32>
    %jit3A_941 = arith.constant 4.096000e+03 : f32
    %broadcast_in_dim3A_942 = vector.broadcast %jit3A_941 : f32 to vector<32x8x128xf32>
    %select_n3A_943 = arith.select %eq3A_940, %get3A_22, %broadcast_in_dim3A_942 : vector<32x8x128xi1>, vector<32x8x128xf32>
    %reduce_min3A_944 = arith.constant dense<0x7F800000> : vector<8xf32>
    %reduce_min3A_945 = vector.multi_reduction <minimumf>, %select_n3A_943, %reduce_min3A_944 [0, 2] : vector<32x8x128xf32> to vector<8xf32>
    %broadcast_in_dim3A_946 = vector.shape_cast %reduce_min3A_945 : vector<8xf32> to vector<1x8x1xf32>
    %eq3A_947 = vector.broadcast %broadcast_in_dim3A_946 : vector<1x8x1xf32> to vector<32x8x128xf32>
    %eq3A_948 = arith.cmpf oeq, %select_n3A_943, %eq3A_947 : vector<32x8x128xf32>
    %jit3A_949 = arith.constant 3.000000e+38 : f32
    %broadcast_in_dim3A_950 = vector.broadcast %jit3A_949 : f32 to vector<32x8x128xf32>
    %select_n3A_951 = arith.select %eq3A_948, %broadcast_in_dim3A_950, %select_n3A_933 : vector<32x8x128xi1>, vector<32x8x128xf32>
    %add3A_952 = arith.addf %broadcast_in_dim3A_946, %convert_element_type3A_31 : vector<1x8x1xf32>
    %convert_element_type3A_953 = arith.fptosi %add3A_952 : vector<1x8x1xf32> to vector<1x8x1xi32>
    %reduce_min3A_954 = arith.constant dense<0x7F800000> : vector<8xf32>
    %reduce_min3A_955 = vector.multi_reduction <minimumf>, %select_n3A_951, %reduce_min3A_954 [0, 2] : vector<32x8x128xf32> to vector<8xf32>
    %broadcast_in_dim3A_956 = vector.shape_cast %reduce_min3A_955 : vector<8xf32> to vector<1x8x1xf32>
    %eq3A_957 = vector.broadcast %broadcast_in_dim3A_956 : vector<1x8x1xf32> to vector<32x8x128xf32>
    %eq3A_958 = arith.cmpf oeq, %select_n3A_951, %eq3A_957 : vector<32x8x128xf32>
    %jit3A_959 = arith.constant 4.096000e+03 : f32
    %broadcast_in_dim3A_960 = vector.broadcast %jit3A_959 : f32 to vector<32x8x128xf32>
    %select_n3A_961 = arith.select %eq3A_958, %get3A_22, %broadcast_in_dim3A_960 : vector<32x8x128xi1>, vector<32x8x128xf32>
    %reduce_min3A_962 = arith.constant dense<0x7F800000> : vector<8xf32>
    %reduce_min3A_963 = vector.multi_reduction <minimumf>, %select_n3A_961, %reduce_min3A_962 [0, 2] : vector<32x8x128xf32> to vector<8xf32>
    %broadcast_in_dim3A_964 = vector.shape_cast %reduce_min3A_963 : vector<8xf32> to vector<1x8x1xf32>
    %eq3A_965 = vector.broadcast %broadcast_in_dim3A_964 : vector<1x8x1xf32> to vector<32x8x128xf32>
    %eq3A_966 = arith.cmpf oeq, %select_n3A_961, %eq3A_965 : vector<32x8x128xf32>
    %jit3A_967 = arith.constant 3.000000e+38 : f32
    %broadcast_in_dim3A_968 = vector.broadcast %jit3A_967 : f32 to vector<32x8x128xf32>
    %select_n3A_969 = arith.select %eq3A_966, %broadcast_in_dim3A_968, %select_n3A_951 : vector<32x8x128xi1>, vector<32x8x128xf32>
    %add3A_970 = arith.addf %broadcast_in_dim3A_964, %convert_element_type3A_31 : vector<1x8x1xf32>
    %convert_element_type3A_971 = arith.fptosi %add3A_970 : vector<1x8x1xf32> to vector<1x8x1xi32>
    %reduce_min3A_972 = arith.constant dense<0x7F800000> : vector<8xf32>
    %reduce_min3A_973 = vector.multi_reduction <minimumf>, %select_n3A_969, %reduce_min3A_972 [0, 2] : vector<32x8x128xf32> to vector<8xf32>
    %broadcast_in_dim3A_974 = vector.shape_cast %reduce_min3A_973 : vector<8xf32> to vector<1x8x1xf32>
    %eq3A_975 = vector.broadcast %broadcast_in_dim3A_974 : vector<1x8x1xf32> to vector<32x8x128xf32>
    %eq3A_976 = arith.cmpf oeq, %select_n3A_969, %eq3A_975 : vector<32x8x128xf32>
    %jit3A_977 = arith.constant 4.096000e+03 : f32
    %broadcast_in_dim3A_978 = vector.broadcast %jit3A_977 : f32 to vector<32x8x128xf32>
    %select_n3A_979 = arith.select %eq3A_976, %get3A_22, %broadcast_in_dim3A_978 : vector<32x8x128xi1>, vector<32x8x128xf32>
    %reduce_min3A_980 = arith.constant dense<0x7F800000> : vector<8xf32>
    %reduce_min3A_981 = vector.multi_reduction <minimumf>, %select_n3A_979, %reduce_min3A_980 [0, 2] : vector<32x8x128xf32> to vector<8xf32>
    %broadcast_in_dim3A_982 = vector.shape_cast %reduce_min3A_981 : vector<8xf32> to vector<1x8x1xf32>
    %eq3A_983 = vector.broadcast %broadcast_in_dim3A_982 : vector<1x8x1xf32> to vector<32x8x128xf32>
    %eq3A_984 = arith.cmpf oeq, %select_n3A_979, %eq3A_983 : vector<32x8x128xf32>
    %jit3A_985 = arith.constant 3.000000e+38 : f32
    %broadcast_in_dim3A_986 = vector.broadcast %jit3A_985 : f32 to vector<32x8x128xf32>
    %select_n3A_987 = arith.select %eq3A_984, %broadcast_in_dim3A_986, %select_n3A_969 : vector<32x8x128xi1>, vector<32x8x128xf32>
    %add3A_988 = arith.addf %broadcast_in_dim3A_982, %convert_element_type3A_31 : vector<1x8x1xf32>
    %convert_element_type3A_989 = arith.fptosi %add3A_988 : vector<1x8x1xf32> to vector<1x8x1xi32>
    %reduce_min3A_990 = arith.constant dense<0x7F800000> : vector<8xf32>
    %reduce_min3A_991 = vector.multi_reduction <minimumf>, %select_n3A_987, %reduce_min3A_990 [0, 2] : vector<32x8x128xf32> to vector<8xf32>
    %broadcast_in_dim3A_992 = vector.shape_cast %reduce_min3A_991 : vector<8xf32> to vector<1x8x1xf32>
    %eq3A_993 = vector.broadcast %broadcast_in_dim3A_992 : vector<1x8x1xf32> to vector<32x8x128xf32>
    %eq3A_994 = arith.cmpf oeq, %select_n3A_987, %eq3A_993 : vector<32x8x128xf32>
    %jit3A_995 = arith.constant 4.096000e+03 : f32
    %broadcast_in_dim3A_996 = vector.broadcast %jit3A_995 : f32 to vector<32x8x128xf32>
    %select_n3A_997 = arith.select %eq3A_994, %get3A_22, %broadcast_in_dim3A_996 : vector<32x8x128xi1>, vector<32x8x128xf32>
    %reduce_min3A_998 = arith.constant dense<0x7F800000> : vector<8xf32>
    %reduce_min3A_999 = vector.multi_reduction <minimumf>, %select_n3A_997, %reduce_min3A_998 [0, 2] : vector<32x8x128xf32> to vector<8xf32>
    %broadcast_in_dim3A_1000 = vector.shape_cast %reduce_min3A_999 : vector<8xf32> to vector<1x8x1xf32>
    %eq3A_1001 = vector.broadcast %broadcast_in_dim3A_1000 : vector<1x8x1xf32> to vector<32x8x128xf32>
    %eq3A_1002 = arith.cmpf oeq, %select_n3A_997, %eq3A_1001 : vector<32x8x128xf32>
    %jit3A_1003 = arith.constant 3.000000e+38 : f32
    %broadcast_in_dim3A_1004 = vector.broadcast %jit3A_1003 : f32 to vector<32x8x128xf32>
    %select_n3A_1005 = arith.select %eq3A_1002, %broadcast_in_dim3A_1004, %select_n3A_987 : vector<32x8x128xi1>, vector<32x8x128xf32>
    %add3A_1006 = arith.addf %broadcast_in_dim3A_1000, %convert_element_type3A_31 : vector<1x8x1xf32>
    %convert_element_type3A_1007 = arith.fptosi %add3A_1006 : vector<1x8x1xf32> to vector<1x8x1xi32>
    %reduce_min3A_1008 = arith.constant dense<0x7F800000> : vector<8xf32>
    %reduce_min3A_1009 = vector.multi_reduction <minimumf>, %select_n3A_1005, %reduce_min3A_1008 [0, 2] : vector<32x8x128xf32> to vector<8xf32>
    %broadcast_in_dim3A_1010 = vector.shape_cast %reduce_min3A_1009 : vector<8xf32> to vector<1x8x1xf32>
    %eq3A_1011 = vector.broadcast %broadcast_in_dim3A_1010 : vector<1x8x1xf32> to vector<32x8x128xf32>
    %eq3A_1012 = arith.cmpf oeq, %select_n3A_1005, %eq3A_1011 : vector<32x8x128xf32>
    %jit3A_1013 = arith.constant 4.096000e+03 : f32
    %broadcast_in_dim3A_1014 = vector.broadcast %jit3A_1013 : f32 to vector<32x8x128xf32>
    %select_n3A_1015 = arith.select %eq3A_1012, %get3A_22, %broadcast_in_dim3A_1014 : vector<32x8x128xi1>, vector<32x8x128xf32>
    %reduce_min3A_1016 = arith.constant dense<0x7F800000> : vector<8xf32>
    %reduce_min3A_1017 = vector.multi_reduction <minimumf>, %select_n3A_1015, %reduce_min3A_1016 [0, 2] : vector<32x8x128xf32> to vector<8xf32>
    %broadcast_in_dim3A_1018 = vector.shape_cast %reduce_min3A_1017 : vector<8xf32> to vector<1x8x1xf32>
    %eq3A_1019 = vector.broadcast %broadcast_in_dim3A_1018 : vector<1x8x1xf32> to vector<32x8x128xf32>
    %eq3A_1020 = arith.cmpf oeq, %select_n3A_1015, %eq3A_1019 : vector<32x8x128xf32>
    %jit3A_1021 = arith.constant 3.000000e+38 : f32
    %broadcast_in_dim3A_1022 = vector.broadcast %jit3A_1021 : f32 to vector<32x8x128xf32>
    %select_n3A_1023 = arith.select %eq3A_1020, %broadcast_in_dim3A_1022, %select_n3A_1005 : vector<32x8x128xi1>, vector<32x8x128xf32>
    %add3A_1024 = arith.addf %broadcast_in_dim3A_1018, %convert_element_type3A_31 : vector<1x8x1xf32>
    %convert_element_type3A_1025 = arith.fptosi %add3A_1024 : vector<1x8x1xf32> to vector<1x8x1xi32>
    %reduce_min3A_1026 = arith.constant dense<0x7F800000> : vector<8xf32>
    %reduce_min3A_1027 = vector.multi_reduction <minimumf>, %select_n3A_1023, %reduce_min3A_1026 [0, 2] : vector<32x8x128xf32> to vector<8xf32>
    %broadcast_in_dim3A_1028 = vector.shape_cast %reduce_min3A_1027 : vector<8xf32> to vector<1x8x1xf32>
    %eq3A_1029 = vector.broadcast %broadcast_in_dim3A_1028 : vector<1x8x1xf32> to vector<32x8x128xf32>
    %eq3A_1030 = arith.cmpf oeq, %select_n3A_1023, %eq3A_1029 : vector<32x8x128xf32>
    %jit3A_1031 = arith.constant 4.096000e+03 : f32
    %broadcast_in_dim3A_1032 = vector.broadcast %jit3A_1031 : f32 to vector<32x8x128xf32>
    %select_n3A_1033 = arith.select %eq3A_1030, %get3A_22, %broadcast_in_dim3A_1032 : vector<32x8x128xi1>, vector<32x8x128xf32>
    %reduce_min3A_1034 = arith.constant dense<0x7F800000> : vector<8xf32>
    %reduce_min3A_1035 = vector.multi_reduction <minimumf>, %select_n3A_1033, %reduce_min3A_1034 [0, 2] : vector<32x8x128xf32> to vector<8xf32>
    %broadcast_in_dim3A_1036 = vector.shape_cast %reduce_min3A_1035 : vector<8xf32> to vector<1x8x1xf32>
    %eq3A_1037 = vector.broadcast %broadcast_in_dim3A_1036 : vector<1x8x1xf32> to vector<32x8x128xf32>
    %eq3A_1038 = arith.cmpf oeq, %select_n3A_1033, %eq3A_1037 : vector<32x8x128xf32>
    %jit3A_1039 = arith.constant 3.000000e+38 : f32
    %broadcast_in_dim3A_1040 = vector.broadcast %jit3A_1039 : f32 to vector<32x8x128xf32>
    %select_n3A_1041 = arith.select %eq3A_1038, %broadcast_in_dim3A_1040, %select_n3A_1023 : vector<32x8x128xi1>, vector<32x8x128xf32>
    %add3A_1042 = arith.addf %broadcast_in_dim3A_1036, %convert_element_type3A_31 : vector<1x8x1xf32>
    %convert_element_type3A_1043 = arith.fptosi %add3A_1042 : vector<1x8x1xf32> to vector<1x8x1xi32>
    %reduce_min3A_1044 = arith.constant dense<0x7F800000> : vector<8xf32>
    %reduce_min3A_1045 = vector.multi_reduction <minimumf>, %select_n3A_1041, %reduce_min3A_1044 [0, 2] : vector<32x8x128xf32> to vector<8xf32>
    %broadcast_in_dim3A_1046 = vector.shape_cast %reduce_min3A_1045 : vector<8xf32> to vector<1x8x1xf32>
    %eq3A_1047 = vector.broadcast %broadcast_in_dim3A_1046 : vector<1x8x1xf32> to vector<32x8x128xf32>
    %eq3A_1048 = arith.cmpf oeq, %select_n3A_1041, %eq3A_1047 : vector<32x8x128xf32>
    %jit3A_1049 = arith.constant 4.096000e+03 : f32
    %broadcast_in_dim3A_1050 = vector.broadcast %jit3A_1049 : f32 to vector<32x8x128xf32>
    %select_n3A_1051 = arith.select %eq3A_1048, %get3A_22, %broadcast_in_dim3A_1050 : vector<32x8x128xi1>, vector<32x8x128xf32>
    %reduce_min3A_1052 = arith.constant dense<0x7F800000> : vector<8xf32>
    %reduce_min3A_1053 = vector.multi_reduction <minimumf>, %select_n3A_1051, %reduce_min3A_1052 [0, 2] : vector<32x8x128xf32> to vector<8xf32>
    %broadcast_in_dim3A_1054 = vector.shape_cast %reduce_min3A_1053 : vector<8xf32> to vector<1x8x1xf32>
    %eq3A_1055 = vector.broadcast %broadcast_in_dim3A_1054 : vector<1x8x1xf32> to vector<32x8x128xf32>
    %eq3A_1056 = arith.cmpf oeq, %select_n3A_1051, %eq3A_1055 : vector<32x8x128xf32>
    %jit3A_1057 = arith.constant 3.000000e+38 : f32
    %broadcast_in_dim3A_1058 = vector.broadcast %jit3A_1057 : f32 to vector<32x8x128xf32>
    %select_n3A_1059 = arith.select %eq3A_1056, %broadcast_in_dim3A_1058, %select_n3A_1041 : vector<32x8x128xi1>, vector<32x8x128xf32>
    %add3A_1060 = arith.addf %broadcast_in_dim3A_1054, %convert_element_type3A_31 : vector<1x8x1xf32>
    %convert_element_type3A_1061 = arith.fptosi %add3A_1060 : vector<1x8x1xf32> to vector<1x8x1xi32>
    %reduce_min3A_1062 = arith.constant dense<0x7F800000> : vector<8xf32>
    %reduce_min3A_1063 = vector.multi_reduction <minimumf>, %select_n3A_1059, %reduce_min3A_1062 [0, 2] : vector<32x8x128xf32> to vector<8xf32>
    %broadcast_in_dim3A_1064 = vector.shape_cast %reduce_min3A_1063 : vector<8xf32> to vector<1x8x1xf32>
    %eq3A_1065 = vector.broadcast %broadcast_in_dim3A_1064 : vector<1x8x1xf32> to vector<32x8x128xf32>
    %eq3A_1066 = arith.cmpf oeq, %select_n3A_1059, %eq3A_1065 : vector<32x8x128xf32>
    %jit3A_1067 = arith.constant 4.096000e+03 : f32
    %broadcast_in_dim3A_1068 = vector.broadcast %jit3A_1067 : f32 to vector<32x8x128xf32>
    %select_n3A_1069 = arith.select %eq3A_1066, %get3A_22, %broadcast_in_dim3A_1068 : vector<32x8x128xi1>, vector<32x8x128xf32>
    %reduce_min3A_1070 = arith.constant dense<0x7F800000> : vector<8xf32>
    %reduce_min3A_1071 = vector.multi_reduction <minimumf>, %select_n3A_1069, %reduce_min3A_1070 [0, 2] : vector<32x8x128xf32> to vector<8xf32>
    %broadcast_in_dim3A_1072 = vector.shape_cast %reduce_min3A_1071 : vector<8xf32> to vector<1x8x1xf32>
    %eq3A_1073 = vector.broadcast %broadcast_in_dim3A_1072 : vector<1x8x1xf32> to vector<32x8x128xf32>
    %eq3A_1074 = arith.cmpf oeq, %select_n3A_1069, %eq3A_1073 : vector<32x8x128xf32>
    %jit3A_1075 = arith.constant 3.000000e+38 : f32
    %broadcast_in_dim3A_1076 = vector.broadcast %jit3A_1075 : f32 to vector<32x8x128xf32>
    %select_n3A_1077 = arith.select %eq3A_1074, %broadcast_in_dim3A_1076, %select_n3A_1059 : vector<32x8x128xi1>, vector<32x8x128xf32>
    %add3A_1078 = arith.addf %broadcast_in_dim3A_1072, %convert_element_type3A_31 : vector<1x8x1xf32>
    %convert_element_type3A_1079 = arith.fptosi %add3A_1078 : vector<1x8x1xf32> to vector<1x8x1xi32>
    %reduce_min3A_1080 = arith.constant dense<0x7F800000> : vector<8xf32>
    %reduce_min3A_1081 = vector.multi_reduction <minimumf>, %select_n3A_1077, %reduce_min3A_1080 [0, 2] : vector<32x8x128xf32> to vector<8xf32>
    %broadcast_in_dim3A_1082 = vector.shape_cast %reduce_min3A_1081 : vector<8xf32> to vector<1x8x1xf32>
    %eq3A_1083 = vector.broadcast %broadcast_in_dim3A_1082 : vector<1x8x1xf32> to vector<32x8x128xf32>
    %eq3A_1084 = arith.cmpf oeq, %select_n3A_1077, %eq3A_1083 : vector<32x8x128xf32>
    %jit3A_1085 = arith.constant 4.096000e+03 : f32
    %broadcast_in_dim3A_1086 = vector.broadcast %jit3A_1085 : f32 to vector<32x8x128xf32>
    %select_n3A_1087 = arith.select %eq3A_1084, %get3A_22, %broadcast_in_dim3A_1086 : vector<32x8x128xi1>, vector<32x8x128xf32>
    %reduce_min3A_1088 = arith.constant dense<0x7F800000> : vector<8xf32>
    %reduce_min3A_1089 = vector.multi_reduction <minimumf>, %select_n3A_1087, %reduce_min3A_1088 [0, 2] : vector<32x8x128xf32> to vector<8xf32>
    %broadcast_in_dim3A_1090 = vector.shape_cast %reduce_min3A_1089 : vector<8xf32> to vector<1x8x1xf32>
    %eq3A_1091 = vector.broadcast %broadcast_in_dim3A_1090 : vector<1x8x1xf32> to vector<32x8x128xf32>
    %eq3A_1092 = arith.cmpf oeq, %select_n3A_1087, %eq3A_1091 : vector<32x8x128xf32>
    %jit3A_1093 = arith.constant 3.000000e+38 : f32
    %broadcast_in_dim3A_1094 = vector.broadcast %jit3A_1093 : f32 to vector<32x8x128xf32>
    %select_n3A_1095 = arith.select %eq3A_1092, %broadcast_in_dim3A_1094, %select_n3A_1077 : vector<32x8x128xi1>, vector<32x8x128xf32>
    %add3A_1096 = arith.addf %broadcast_in_dim3A_1090, %convert_element_type3A_31 : vector<1x8x1xf32>
    %convert_element_type3A_1097 = arith.fptosi %add3A_1096 : vector<1x8x1xf32> to vector<1x8x1xi32>
    %reduce_min3A_1098 = arith.constant dense<0x7F800000> : vector<8xf32>
    %reduce_min3A_1099 = vector.multi_reduction <minimumf>, %select_n3A_1095, %reduce_min3A_1098 [0, 2] : vector<32x8x128xf32> to vector<8xf32>
    %broadcast_in_dim3A_1100 = vector.shape_cast %reduce_min3A_1099 : vector<8xf32> to vector<1x8x1xf32>
    %eq3A_1101 = vector.broadcast %broadcast_in_dim3A_1100 : vector<1x8x1xf32> to vector<32x8x128xf32>
    %eq3A_1102 = arith.cmpf oeq, %select_n3A_1095, %eq3A_1101 : vector<32x8x128xf32>
    %jit3A_1103 = arith.constant 4.096000e+03 : f32
    %broadcast_in_dim3A_1104 = vector.broadcast %jit3A_1103 : f32 to vector<32x8x128xf32>
    %select_n3A_1105 = arith.select %eq3A_1102, %get3A_22, %broadcast_in_dim3A_1104 : vector<32x8x128xi1>, vector<32x8x128xf32>
    %reduce_min3A_1106 = arith.constant dense<0x7F800000> : vector<8xf32>
    %reduce_min3A_1107 = vector.multi_reduction <minimumf>, %select_n3A_1105, %reduce_min3A_1106 [0, 2] : vector<32x8x128xf32> to vector<8xf32>
    %broadcast_in_dim3A_1108 = vector.shape_cast %reduce_min3A_1107 : vector<8xf32> to vector<1x8x1xf32>
    %eq3A_1109 = vector.broadcast %broadcast_in_dim3A_1108 : vector<1x8x1xf32> to vector<32x8x128xf32>
    %eq3A_1110 = arith.cmpf oeq, %select_n3A_1105, %eq3A_1109 : vector<32x8x128xf32>
    %jit3A_1111 = arith.constant 3.000000e+38 : f32
    %broadcast_in_dim3A_1112 = vector.broadcast %jit3A_1111 : f32 to vector<32x8x128xf32>
    %select_n3A_1113 = arith.select %eq3A_1110, %broadcast_in_dim3A_1112, %select_n3A_1095 : vector<32x8x128xi1>, vector<32x8x128xf32>
    %add3A_1114 = arith.addf %broadcast_in_dim3A_1108, %convert_element_type3A_31 : vector<1x8x1xf32>
    %convert_element_type3A_1115 = arith.fptosi %add3A_1114 : vector<1x8x1xf32> to vector<1x8x1xi32>
    %reduce_min3A_1116 = arith.constant dense<0x7F800000> : vector<8xf32>
    %reduce_min3A_1117 = vector.multi_reduction <minimumf>, %select_n3A_1113, %reduce_min3A_1116 [0, 2] : vector<32x8x128xf32> to vector<8xf32>
    %broadcast_in_dim3A_1118 = vector.shape_cast %reduce_min3A_1117 : vector<8xf32> to vector<1x8x1xf32>
    %eq3A_1119 = vector.broadcast %broadcast_in_dim3A_1118 : vector<1x8x1xf32> to vector<32x8x128xf32>
    %eq3A_1120 = arith.cmpf oeq, %select_n3A_1113, %eq3A_1119 : vector<32x8x128xf32>
    %jit3A_1121 = arith.constant 4.096000e+03 : f32
    %broadcast_in_dim3A_1122 = vector.broadcast %jit3A_1121 : f32 to vector<32x8x128xf32>
    %select_n3A_1123 = arith.select %eq3A_1120, %get3A_22, %broadcast_in_dim3A_1122 : vector<32x8x128xi1>, vector<32x8x128xf32>
    %reduce_min3A_1124 = arith.constant dense<0x7F800000> : vector<8xf32>
    %reduce_min3A_1125 = vector.multi_reduction <minimumf>, %select_n3A_1123, %reduce_min3A_1124 [0, 2] : vector<32x8x128xf32> to vector<8xf32>
    %broadcast_in_dim3A_1126 = vector.shape_cast %reduce_min3A_1125 : vector<8xf32> to vector<1x8x1xf32>
    %eq3A_1127 = vector.broadcast %broadcast_in_dim3A_1126 : vector<1x8x1xf32> to vector<32x8x128xf32>
    %eq3A_1128 = arith.cmpf oeq, %select_n3A_1123, %eq3A_1127 : vector<32x8x128xf32>
    %jit3A_1129 = arith.constant 3.000000e+38 : f32
    %broadcast_in_dim3A_1130 = vector.broadcast %jit3A_1129 : f32 to vector<32x8x128xf32>
    %select_n3A_1131 = arith.select %eq3A_1128, %broadcast_in_dim3A_1130, %select_n3A_1113 : vector<32x8x128xi1>, vector<32x8x128xf32>
    %add3A_1132 = arith.addf %broadcast_in_dim3A_1126, %convert_element_type3A_31 : vector<1x8x1xf32>
    %convert_element_type3A_1133 = arith.fptosi %add3A_1132 : vector<1x8x1xf32> to vector<1x8x1xi32>
    %reduce_min3A_1134 = arith.constant dense<0x7F800000> : vector<8xf32>
    %reduce_min3A_1135 = vector.multi_reduction <minimumf>, %select_n3A_1131, %reduce_min3A_1134 [0, 2] : vector<32x8x128xf32> to vector<8xf32>
    %broadcast_in_dim3A_1136 = vector.shape_cast %reduce_min3A_1135 : vector<8xf32> to vector<1x8x1xf32>
    %eq3A_1137 = vector.broadcast %broadcast_in_dim3A_1136 : vector<1x8x1xf32> to vector<32x8x128xf32>
    %eq3A_1138 = arith.cmpf oeq, %select_n3A_1131, %eq3A_1137 : vector<32x8x128xf32>
    %jit3A_1139 = arith.constant 4.096000e+03 : f32
    %broadcast_in_dim3A_1140 = vector.broadcast %jit3A_1139 : f32 to vector<32x8x128xf32>
    %select_n3A_1141 = arith.select %eq3A_1138, %get3A_22, %broadcast_in_dim3A_1140 : vector<32x8x128xi1>, vector<32x8x128xf32>
    %reduce_min3A_1142 = arith.constant dense<0x7F800000> : vector<8xf32>
    %reduce_min3A_1143 = vector.multi_reduction <minimumf>, %select_n3A_1141, %reduce_min3A_1142 [0, 2] : vector<32x8x128xf32> to vector<8xf32>
    %broadcast_in_dim3A_1144 = vector.shape_cast %reduce_min3A_1143 : vector<8xf32> to vector<1x8x1xf32>
    %eq3A_1145 = vector.broadcast %broadcast_in_dim3A_1144 : vector<1x8x1xf32> to vector<32x8x128xf32>
    %eq3A_1146 = arith.cmpf oeq, %select_n3A_1141, %eq3A_1145 : vector<32x8x128xf32>
    %jit3A_1147 = arith.constant 3.000000e+38 : f32
    %broadcast_in_dim3A_1148 = vector.broadcast %jit3A_1147 : f32 to vector<32x8x128xf32>
    %select_n3A_1149 = arith.select %eq3A_1146, %broadcast_in_dim3A_1148, %select_n3A_1131 : vector<32x8x128xi1>, vector<32x8x128xf32>
    %add3A_1150 = arith.addf %broadcast_in_dim3A_1144, %convert_element_type3A_31 : vector<1x8x1xf32>
    %convert_element_type3A_1151 = arith.fptosi %add3A_1150 : vector<1x8x1xf32> to vector<1x8x1xi32>
    %reduce_min3A_1152 = arith.constant dense<0x7F800000> : vector<8xf32>
    %reduce_min3A_1153 = vector.multi_reduction <minimumf>, %select_n3A_1149, %reduce_min3A_1152 [0, 2] : vector<32x8x128xf32> to vector<8xf32>
    %broadcast_in_dim3A_1154 = vector.shape_cast %reduce_min3A_1153 : vector<8xf32> to vector<1x8x1xf32>
    %eq3A_1155 = vector.broadcast %broadcast_in_dim3A_1154 : vector<1x8x1xf32> to vector<32x8x128xf32>
    %eq3A_1156 = arith.cmpf oeq, %select_n3A_1149, %eq3A_1155 : vector<32x8x128xf32>
    %jit3A_1157 = arith.constant 4.096000e+03 : f32
    %broadcast_in_dim3A_1158 = vector.broadcast %jit3A_1157 : f32 to vector<32x8x128xf32>
    %select_n3A_1159 = arith.select %eq3A_1156, %get3A_22, %broadcast_in_dim3A_1158 : vector<32x8x128xi1>, vector<32x8x128xf32>
    %reduce_min3A_1160 = arith.constant dense<0x7F800000> : vector<8xf32>
    %reduce_min3A_1161 = vector.multi_reduction <minimumf>, %select_n3A_1159, %reduce_min3A_1160 [0, 2] : vector<32x8x128xf32> to vector<8xf32>
    %broadcast_in_dim3A_1162 = vector.shape_cast %reduce_min3A_1161 : vector<8xf32> to vector<1x8x1xf32>
    %eq3A_1163 = vector.broadcast %broadcast_in_dim3A_1162 : vector<1x8x1xf32> to vector<32x8x128xf32>
    %eq3A_1164 = arith.cmpf oeq, %select_n3A_1159, %eq3A_1163 : vector<32x8x128xf32>
    %jit3A_1165 = arith.constant 3.000000e+38 : f32
    %broadcast_in_dim3A_1166 = vector.broadcast %jit3A_1165 : f32 to vector<32x8x128xf32>
    %select_n3A_1167 = arith.select %eq3A_1164, %broadcast_in_dim3A_1166, %select_n3A_1149 : vector<32x8x128xi1>, vector<32x8x128xf32>
    %add3A_1168 = arith.addf %broadcast_in_dim3A_1162, %convert_element_type3A_31 : vector<1x8x1xf32>
    %convert_element_type3A_1169 = arith.fptosi %add3A_1168 : vector<1x8x1xf32> to vector<1x8x1xi32>
    %reduce_min3A_1170 = arith.constant dense<0x7F800000> : vector<8xf32>
    %reduce_min3A_1171 = vector.multi_reduction <minimumf>, %select_n3A_1167, %reduce_min3A_1170 [0, 2] : vector<32x8x128xf32> to vector<8xf32>
    %broadcast_in_dim3A_1172 = vector.shape_cast %reduce_min3A_1171 : vector<8xf32> to vector<1x8x1xf32>
    %eq3A_1173 = vector.broadcast %broadcast_in_dim3A_1172 : vector<1x8x1xf32> to vector<32x8x128xf32>
    %eq3A_1174 = arith.cmpf oeq, %select_n3A_1167, %eq3A_1173 : vector<32x8x128xf32>
    %jit3A_1175 = arith.constant 4.096000e+03 : f32
    %broadcast_in_dim3A_1176 = vector.broadcast %jit3A_1175 : f32 to vector<32x8x128xf32>
    %select_n3A_1177 = arith.select %eq3A_1174, %get3A_22, %broadcast_in_dim3A_1176 : vector<32x8x128xi1>, vector<32x8x128xf32>
    %reduce_min3A_1178 = arith.constant dense<0x7F800000> : vector<8xf32>
    %reduce_min3A_1179 = vector.multi_reduction <minimumf>, %select_n3A_1177, %reduce_min3A_1178 [0, 2] : vector<32x8x128xf32> to vector<8xf32>
    %broadcast_in_dim3A_1180 = vector.shape_cast %reduce_min3A_1179 : vector<8xf32> to vector<1x8x1xf32>
    %eq3A_1181 = vector.broadcast %broadcast_in_dim3A_1180 : vector<1x8x1xf32> to vector<32x8x128xf32>
    %eq3A_1182 = arith.cmpf oeq, %select_n3A_1177, %eq3A_1181 : vector<32x8x128xf32>
    %jit3A_1183 = arith.constant 3.000000e+38 : f32
    %broadcast_in_dim3A_1184 = vector.broadcast %jit3A_1183 : f32 to vector<32x8x128xf32>
    %select_n3A_1185 = arith.select %eq3A_1182, %broadcast_in_dim3A_1184, %select_n3A_1167 : vector<32x8x128xi1>, vector<32x8x128xf32>
    %add3A_1186 = arith.addf %broadcast_in_dim3A_1180, %convert_element_type3A_31 : vector<1x8x1xf32>
    %convert_element_type3A_1187 = arith.fptosi %add3A_1186 : vector<1x8x1xf32> to vector<1x8x1xi32>
    %reduce_min3A_1188 = arith.constant dense<0x7F800000> : vector<8xf32>
    %reduce_min3A_1189 = vector.multi_reduction <minimumf>, %select_n3A_1185, %reduce_min3A_1188 [0, 2] : vector<32x8x128xf32> to vector<8xf32>
    %broadcast_in_dim3A_1190 = vector.shape_cast %reduce_min3A_1189 : vector<8xf32> to vector<1x8x1xf32>
    %eq3A_1191 = vector.broadcast %broadcast_in_dim3A_1190 : vector<1x8x1xf32> to vector<32x8x128xf32>
    %eq3A_1192 = arith.cmpf oeq, %select_n3A_1185, %eq3A_1191 : vector<32x8x128xf32>
    %jit3A_1193 = arith.constant 4.096000e+03 : f32
    %broadcast_in_dim3A_1194 = vector.broadcast %jit3A_1193 : f32 to vector<32x8x128xf32>
    %select_n3A_1195 = arith.select %eq3A_1192, %get3A_22, %broadcast_in_dim3A_1194 : vector<32x8x128xi1>, vector<32x8x128xf32>
    %reduce_min3A_1196 = arith.constant dense<0x7F800000> : vector<8xf32>
    %reduce_min3A_1197 = vector.multi_reduction <minimumf>, %select_n3A_1195, %reduce_min3A_1196 [0, 2] : vector<32x8x128xf32> to vector<8xf32>
    %broadcast_in_dim3A_1198 = vector.shape_cast %reduce_min3A_1197 : vector<8xf32> to vector<1x8x1xf32>
    %add3A_1199 = arith.addf %broadcast_in_dim3A_1198, %convert_element_type3A_31 : vector<1x8x1xf32>
    %convert_element_type3A_1200 = arith.fptosi %add3A_1199 : vector<1x8x1xf32> to vector<1x8x1xi32>
    %concatenate3A_1201 = tpu.concatenate %convert_element_type3A_935, %convert_element_type3A_953, %convert_element_type3A_971, %convert_element_type3A_989, %convert_element_type3A_1007, %convert_element_type3A_1025, %convert_element_type3A_1043, %convert_element_type3A_1061, %convert_element_type3A_1079, %convert_element_type3A_1097, %convert_element_type3A_1115, %convert_element_type3A_1133, %convert_element_type3A_1151, %convert_element_type3A_1169, %convert_element_type3A_1187, %convert_element_type3A_1200 in 2 : vector<1x8x1xi32>, vector<1x8x1xi32>, vector<1x8x1xi32>, vector<1x8x1xi32>, vector<1x8x1xi32>, vector<1x8x1xi32>, vector<1x8x1xi32>, vector<1x8x1xi32>, vector<1x8x1xi32>, vector<1x8x1xi32>, vector<1x8x1xi32>, vector<1x8x1xi32>, vector<1x8x1xi32>, vector<1x8x1xi32>, vector<1x8x1xi32>, vector<1x8x1xi32> -> vector<1x8x16xi32>
    %swap3A_1202 = arith.constant 3 : index
    %swap3A_1203 = arith.constant 0 : index
    %swap3A_1204 = arith.constant 0 : index
    %swap3A_1205 = vector.load %arg2[%swap3A_1202, %swap3A_1203, %swap3A_1204] : memref<8x8x16xi32, #tpu.memory_space<vmem>>, vector<1x8x16xi32>
    tpu.vector_store %arg2[%swap3A_1202, %swap3A_1203, %swap3A_1204], %concatenate3A_1201 {strides = array<i32>} : memref<8x8x16xi32, #tpu.memory_space<vmem>>, vector<1x8x16xi32>,
    %get3A_1206 = arith.index_cast %rem3A_28 : i32 to index
    %get3A_1207 = arith.constant 4 : index
    %get3A_1208 = arith.constant 0 : index
    %get3A_1209 = arith.constant 0 : index
    %get3A_1210 = arith.constant 0 : index
    %get3A_1211 = vector.load %arg5[%get3A_1206, %get3A_1207, %get3A_1208, %get3A_1209, %get3A_1210] : memref<2x8x32x8x128xf32, #tpu.memory_space<vmem>>, vector<1x1x32x8x128xf32>
    %get3A_1212 = vector.shape_cast %get3A_1211 : vector<1x1x32x8x128xf32> to vector<32x8x128xf32>
    %reduce_min3A_1213 = arith.constant dense<0x7F800000> : vector<8xf32>
    %reduce_min3A_1214 = vector.multi_reduction <minimumf>, %get3A_1212, %reduce_min3A_1213 [0, 2] : vector<32x8x128xf32> to vector<8xf32>
    %broadcast_in_dim3A_1215 = vector.shape_cast %reduce_min3A_1214 : vector<8xf32> to vector<1x8x1xf32>
    %eq3A_1216 = vector.broadcast %broadcast_in_dim3A_1215 : vector<1x8x1xf32> to vector<32x8x128xf32>
    %eq3A_1217 = arith.cmpf oeq, %get3A_1212, %eq3A_1216 : vector<32x8x128xf32>
    %jit3A_1218 = arith.constant 4.096000e+03 : f32
    %broadcast_in_dim3A_1219 = vector.broadcast %jit3A_1218 : f32 to vector<32x8x128xf32>
    %select_n3A_1220 = arith.select %eq3A_1217, %get3A_22, %broadcast_in_dim3A_1219 : vector<32x8x128xi1>, vector<32x8x128xf32>
    %reduce_min3A_1221 = arith.constant dense<0x7F800000> : vector<8xf32>
    %reduce_min3A_1222 = vector.multi_reduction <minimumf>, %select_n3A_1220, %reduce_min3A_1221 [0, 2] : vector<32x8x128xf32> to vector<8xf32>
    %broadcast_in_dim3A_1223 = vector.shape_cast %reduce_min3A_1222 : vector<8xf32> to vector<1x8x1xf32>
    %eq3A_1224 = vector.broadcast %broadcast_in_dim3A_1223 : vector<1x8x1xf32> to vector<32x8x128xf32>
    %eq3A_1225 = arith.cmpf oeq, %select_n3A_1220, %eq3A_1224 : vector<32x8x128xf32>
    %jit3A_1226 = arith.constant 3.000000e+38 : f32
    %broadcast_in_dim3A_1227 = vector.broadcast %jit3A_1226 : f32 to vector<32x8x128xf32>
    %select_n3A_1228 = arith.select %eq3A_1225, %broadcast_in_dim3A_1227, %get3A_1212 : vector<32x8x128xi1>, vector<32x8x128xf32>
    %add3A_1229 = arith.addf %broadcast_in_dim3A_1223, %convert_element_type3A_31 : vector<1x8x1xf32>
    %convert_element_type3A_1230 = arith.fptosi %add3A_1229 : vector<1x8x1xf32> to vector<1x8x1xi32>
    %reduce_min3A_1231 = arith.constant dense<0x7F800000> : vector<8xf32>
    %reduce_min3A_1232 = vector.multi_reduction <minimumf>, %select_n3A_1228, %reduce_min3A_1231 [0, 2] : vector<32x8x128xf32> to vector<8xf32>
    %broadcast_in_dim3A_1233 = vector.shape_cast %reduce_min3A_1232 : vector<8xf32> to vector<1x8x1xf32>
    %eq3A_1234 = vector.broadcast %broadcast_in_dim3A_1233 : vector<1x8x1xf32> to vector<32x8x128xf32>
    %eq3A_1235 = arith.cmpf oeq, %select_n3A_1228, %eq3A_1234 : vector<32x8x128xf32>
    %jit3A_1236 = arith.constant 4.096000e+03 : f32
    %broadcast_in_dim3A_1237 = vector.broadcast %jit3A_1236 : f32 to vector<32x8x128xf32>
    %select_n3A_1238 = arith.select %eq3A_1235, %get3A_22, %broadcast_in_dim3A_1237 : vector<32x8x128xi1>, vector<32x8x128xf32>
    %reduce_min3A_1239 = arith.constant dense<0x7F800000> : vector<8xf32>
    %reduce_min3A_1240 = vector.multi_reduction <minimumf>, %select_n3A_1238, %reduce_min3A_1239 [0, 2] : vector<32x8x128xf32> to vector<8xf32>
    %broadcast_in_dim3A_1241 = vector.shape_cast %reduce_min3A_1240 : vector<8xf32> to vector<1x8x1xf32>
    %eq3A_1242 = vector.broadcast %broadcast_in_dim3A_1241 : vector<1x8x1xf32> to vector<32x8x128xf32>
    %eq3A_1243 = arith.cmpf oeq, %select_n3A_1238, %eq3A_1242 : vector<32x8x128xf32>
    %jit3A_1244 = arith.constant 3.000000e+38 : f32
    %broadcast_in_dim3A_1245 = vector.broadcast %jit3A_1244 : f32 to vector<32x8x128xf32>
    %select_n3A_1246 = arith.select %eq3A_1243, %broadcast_in_dim3A_1245, %select_n3A_1228 : vector<32x8x128xi1>, vector<32x8x128xf32>
    %add3A_1247 = arith.addf %broadcast_in_dim3A_1241, %convert_element_type3A_31 : vector<1x8x1xf32>
    %convert_element_type3A_1248 = arith.fptosi %add3A_1247 : vector<1x8x1xf32> to vector<1x8x1xi32>
    %reduce_min3A_1249 = arith.constant dense<0x7F800000> : vector<8xf32>
    %reduce_min3A_1250 = vector.multi_reduction <minimumf>, %select_n3A_1246, %reduce_min3A_1249 [0, 2] : vector<32x8x128xf32> to vector<8xf32>
    %broadcast_in_dim3A_1251 = vector.shape_cast %reduce_min3A_1250 : vector<8xf32> to vector<1x8x1xf32>
    %eq3A_1252 = vector.broadcast %broadcast_in_dim3A_1251 : vector<1x8x1xf32> to vector<32x8x128xf32>
    %eq3A_1253 = arith.cmpf oeq, %select_n3A_1246, %eq3A_1252 : vector<32x8x128xf32>
    %jit3A_1254 = arith.constant 4.096000e+03 : f32
    %broadcast_in_dim3A_1255 = vector.broadcast %jit3A_1254 : f32 to vector<32x8x128xf32>
    %select_n3A_1256 = arith.select %eq3A_1253, %get3A_22, %broadcast_in_dim3A_1255 : vector<32x8x128xi1>, vector<32x8x128xf32>
    %reduce_min3A_1257 = arith.constant dense<0x7F800000> : vector<8xf32>
    %reduce_min3A_1258 = vector.multi_reduction <minimumf>, %select_n3A_1256, %reduce_min3A_1257 [0, 2] : vector<32x8x128xf32> to vector<8xf32>
    %broadcast_in_dim3A_1259 = vector.shape_cast %reduce_min3A_1258 : vector<8xf32> to vector<1x8x1xf32>
    %eq3A_1260 = vector.broadcast %broadcast_in_dim3A_1259 : vector<1x8x1xf32> to vector<32x8x128xf32>
    %eq3A_1261 = arith.cmpf oeq, %select_n3A_1256, %eq3A_1260 : vector<32x8x128xf32>
    %jit3A_1262 = arith.constant 3.000000e+38 : f32
    %broadcast_in_dim3A_1263 = vector.broadcast %jit3A_1262 : f32 to vector<32x8x128xf32>
    %select_n3A_1264 = arith.select %eq3A_1261, %broadcast_in_dim3A_1263, %select_n3A_1246 : vector<32x8x128xi1>, vector<32x8x128xf32>
    %add3A_1265 = arith.addf %broadcast_in_dim3A_1259, %convert_element_type3A_31 : vector<1x8x1xf32>
    %convert_element_type3A_1266 = arith.fptosi %add3A_1265 : vector<1x8x1xf32> to vector<1x8x1xi32>
    %reduce_min3A_1267 = arith.constant dense<0x7F800000> : vector<8xf32>
    %reduce_min3A_1268 = vector.multi_reduction <minimumf>, %select_n3A_1264, %reduce_min3A_1267 [0, 2] : vector<32x8x128xf32> to vector<8xf32>
    %broadcast_in_dim3A_1269 = vector.shape_cast %reduce_min3A_1268 : vector<8xf32> to vector<1x8x1xf32>
    %eq3A_1270 = vector.broadcast %broadcast_in_dim3A_1269 : vector<1x8x1xf32> to vector<32x8x128xf32>
    %eq3A_1271 = arith.cmpf oeq, %select_n3A_1264, %eq3A_1270 : vector<32x8x128xf32>
    %jit3A_1272 = arith.constant 4.096000e+03 : f32
    %broadcast_in_dim3A_1273 = vector.broadcast %jit3A_1272 : f32 to vector<32x8x128xf32>
    %select_n3A_1274 = arith.select %eq3A_1271, %get3A_22, %broadcast_in_dim3A_1273 : vector<32x8x128xi1>, vector<32x8x128xf32>
    %reduce_min3A_1275 = arith.constant dense<0x7F800000> : vector<8xf32>
    %reduce_min3A_1276 = vector.multi_reduction <minimumf>, %select_n3A_1274, %reduce_min3A_1275 [0, 2] : vector<32x8x128xf32> to vector<8xf32>
    %broadcast_in_dim3A_1277 = vector.shape_cast %reduce_min3A_1276 : vector<8xf32> to vector<1x8x1xf32>
    %eq3A_1278 = vector.broadcast %broadcast_in_dim3A_1277 : vector<1x8x1xf32> to vector<32x8x128xf32>
    %eq3A_1279 = arith.cmpf oeq, %select_n3A_1274, %eq3A_1278 : vector<32x8x128xf32>
    %jit3A_1280 = arith.constant 3.000000e+38 : f32
    %broadcast_in_dim3A_1281 = vector.broadcast %jit3A_1280 : f32 to vector<32x8x128xf32>
    %select_n3A_1282 = arith.select %eq3A_1279, %broadcast_in_dim3A_1281, %select_n3A_1264 : vector<32x8x128xi1>, vector<32x8x128xf32>
    %add3A_1283 = arith.addf %broadcast_in_dim3A_1277, %convert_element_type3A_31 : vector<1x8x1xf32>
    %convert_element_type3A_1284 = arith.fptosi %add3A_1283 : vector<1x8x1xf32> to vector<1x8x1xi32>
    %reduce_min3A_1285 = arith.constant dense<0x7F800000> : vector<8xf32>
    %reduce_min3A_1286 = vector.multi_reduction <minimumf>, %select_n3A_1282, %reduce_min3A_1285 [0, 2] : vector<32x8x128xf32> to vector<8xf32>
    %broadcast_in_dim3A_1287 = vector.shape_cast %reduce_min3A_1286 : vector<8xf32> to vector<1x8x1xf32>
    %eq3A_1288 = vector.broadcast %broadcast_in_dim3A_1287 : vector<1x8x1xf32> to vector<32x8x128xf32>
    %eq3A_1289 = arith.cmpf oeq, %select_n3A_1282, %eq3A_1288 : vector<32x8x128xf32>
    %jit3A_1290 = arith.constant 4.096000e+03 : f32
    %broadcast_in_dim3A_1291 = vector.broadcast %jit3A_1290 : f32 to vector<32x8x128xf32>
    %select_n3A_1292 = arith.select %eq3A_1289, %get3A_22, %broadcast_in_dim3A_1291 : vector<32x8x128xi1>, vector<32x8x128xf32>
    %reduce_min3A_1293 = arith.constant dense<0x7F800000> : vector<8xf32>
    %reduce_min3A_1294 = vector.multi_reduction <minimumf>, %select_n3A_1292, %reduce_min3A_1293 [0, 2] : vector<32x8x128xf32> to vector<8xf32>
    %broadcast_in_dim3A_1295 = vector.shape_cast %reduce_min3A_1294 : vector<8xf32> to vector<1x8x1xf32>
    %eq3A_1296 = vector.broadcast %broadcast_in_dim3A_1295 : vector<1x8x1xf32> to vector<32x8x128xf32>
    %eq3A_1297 = arith.cmpf oeq, %select_n3A_1292, %eq3A_1296 : vector<32x8x128xf32>
    %jit3A_1298 = arith.constant 3.000000e+38 : f32
    %broadcast_in_dim3A_1299 = vector.broadcast %jit3A_1298 : f32 to vector<32x8x128xf32>
    %select_n3A_1300 = arith.select %eq3A_1297, %broadcast_in_dim3A_1299, %select_n3A_1282 : vector<32x8x128xi1>, vector<32x8x128xf32>
    %add3A_1301 = arith.addf %broadcast_in_dim3A_1295, %convert_element_type3A_31 : vector<1x8x1xf32>
    %convert_element_type3A_1302 = arith.fptosi %add3A_1301 : vector<1x8x1xf32> to vector<1x8x1xi32>
    %reduce_min3A_1303 = arith.constant dense<0x7F800000> : vector<8xf32>
    %reduce_min3A_1304 = vector.multi_reduction <minimumf>, %select_n3A_1300, %reduce_min3A_1303 [0, 2] : vector<32x8x128xf32> to vector<8xf32>
    %broadcast_in_dim3A_1305 = vector.shape_cast %reduce_min3A_1304 : vector<8xf32> to vector<1x8x1xf32>
    %eq3A_1306 = vector.broadcast %broadcast_in_dim3A_1305 : vector<1x8x1xf32> to vector<32x8x128xf32>
    %eq3A_1307 = arith.cmpf oeq, %select_n3A_1300, %eq3A_1306 : vector<32x8x128xf32>
    %jit3A_1308 = arith.constant 4.096000e+03 : f32
    %broadcast_in_dim3A_1309 = vector.broadcast %jit3A_1308 : f32 to vector<32x8x128xf32>
    %select_n3A_1310 = arith.select %eq3A_1307, %get3A_22, %broadcast_in_dim3A_1309 : vector<32x8x128xi1>, vector<32x8x128xf32>
    %reduce_min3A_1311 = arith.constant dense<0x7F800000> : vector<8xf32>
    %reduce_min3A_1312 = vector.multi_reduction <minimumf>, %select_n3A_1310, %reduce_min3A_1311 [0, 2] : vector<32x8x128xf32> to vector<8xf32>
    %broadcast_in_dim3A_1313 = vector.shape_cast %reduce_min3A_1312 : vector<8xf32> to vector<1x8x1xf32>
    %eq3A_1314 = vector.broadcast %broadcast_in_dim3A_1313 : vector<1x8x1xf32> to vector<32x8x128xf32>
    %eq3A_1315 = arith.cmpf oeq, %select_n3A_1310, %eq3A_1314 : vector<32x8x128xf32>
    %jit3A_1316 = arith.constant 3.000000e+38 : f32
    %broadcast_in_dim3A_1317 = vector.broadcast %jit3A_1316 : f32 to vector<32x8x128xf32>
    %select_n3A_1318 = arith.select %eq3A_1315, %broadcast_in_dim3A_1317, %select_n3A_1300 : vector<32x8x128xi1>, vector<32x8x128xf32>
    %add3A_1319 = arith.addf %broadcast_in_dim3A_1313, %convert_element_type3A_31 : vector<1x8x1xf32>
    %convert_element_type3A_1320 = arith.fptosi %add3A_1319 : vector<1x8x1xf32> to vector<1x8x1xi32>
    %reduce_min3A_1321 = arith.constant dense<0x7F800000> : vector<8xf32>
    %reduce_min3A_1322 = vector.multi_reduction <minimumf>, %select_n3A_1318, %reduce_min3A_1321 [0, 2] : vector<32x8x128xf32> to vector<8xf32>
    %broadcast_in_dim3A_1323 = vector.shape_cast %reduce_min3A_1322 : vector<8xf32> to vector<1x8x1xf32>
    %eq3A_1324 = vector.broadcast %broadcast_in_dim3A_1323 : vector<1x8x1xf32> to vector<32x8x128xf32>
    %eq3A_1325 = arith.cmpf oeq, %select_n3A_1318, %eq3A_1324 : vector<32x8x128xf32>
    %jit3A_1326 = arith.constant 4.096000e+03 : f32
    %broadcast_in_dim3A_1327 = vector.broadcast %jit3A_1326 : f32 to vector<32x8x128xf32>
    %select_n3A_1328 = arith.select %eq3A_1325, %get3A_22, %broadcast_in_dim3A_1327 : vector<32x8x128xi1>, vector<32x8x128xf32>
    %reduce_min3A_1329 = arith.constant dense<0x7F800000> : vector<8xf32>
    %reduce_min3A_1330 = vector.multi_reduction <minimumf>, %select_n3A_1328, %reduce_min3A_1329 [0, 2] : vector<32x8x128xf32> to vector<8xf32>
    %broadcast_in_dim3A_1331 = vector.shape_cast %reduce_min3A_1330 : vector<8xf32> to vector<1x8x1xf32>
    %eq3A_1332 = vector.broadcast %broadcast_in_dim3A_1331 : vector<1x8x1xf32> to vector<32x8x128xf32>
    %eq3A_1333 = arith.cmpf oeq, %select_n3A_1328, %eq3A_1332 : vector<32x8x128xf32>
    %jit3A_1334 = arith.constant 3.000000e+38 : f32
    %broadcast_in_dim3A_1335 = vector.broadcast %jit3A_1334 : f32 to vector<32x8x128xf32>
    %select_n3A_1336 = arith.select %eq3A_1333, %broadcast_in_dim3A_1335, %select_n3A_1318 : vector<32x8x128xi1>, vector<32x8x128xf32>
    %add3A_1337 = arith.addf %broadcast_in_dim3A_1331, %convert_element_type3A_31 : vector<1x8x1xf32>
    %convert_element_type3A_1338 = arith.fptosi %add3A_1337 : vector<1x8x1xf32> to vector<1x8x1xi32>
    %reduce_min3A_1339 = arith.constant dense<0x7F800000> : vector<8xf32>
    %reduce_min3A_1340 = vector.multi_reduction <minimumf>, %select_n3A_1336, %reduce_min3A_1339 [0, 2] : vector<32x8x128xf32> to vector<8xf32>
    %broadcast_in_dim3A_1341 = vector.shape_cast %reduce_min3A_1340 : vector<8xf32> to vector<1x8x1xf32>
    %eq3A_1342 = vector.broadcast %broadcast_in_dim3A_1341 : vector<1x8x1xf32> to vector<32x8x128xf32>
    %eq3A_1343 = arith.cmpf oeq, %select_n3A_1336, %eq3A_1342 : vector<32x8x128xf32>
    %jit3A_1344 = arith.constant 4.096000e+03 : f32
    %broadcast_in_dim3A_1345 = vector.broadcast %jit3A_1344 : f32 to vector<32x8x128xf32>
    %select_n3A_1346 = arith.select %eq3A_1343, %get3A_22, %broadcast_in_dim3A_1345 : vector<32x8x128xi1>, vector<32x8x128xf32>
    %reduce_min3A_1347 = arith.constant dense<0x7F800000> : vector<8xf32>
    %reduce_min3A_1348 = vector.multi_reduction <minimumf>, %select_n3A_1346, %reduce_min3A_1347 [0, 2] : vector<32x8x128xf32> to vector<8xf32>
    %broadcast_in_dim3A_1349 = vector.shape_cast %reduce_min3A_1348 : vector<8xf32> to vector<1x8x1xf32>
    %eq3A_1350 = vector.broadcast %broadcast_in_dim3A_1349 : vector<1x8x1xf32> to vector<32x8x128xf32>
    %eq3A_1351 = arith.cmpf oeq, %select_n3A_1346, %eq3A_1350 : vector<32x8x128xf32>
    %jit3A_1352 = arith.constant 3.000000e+38 : f32
    %broadcast_in_dim3A_1353 = vector.broadcast %jit3A_1352 : f32 to vector<32x8x128xf32>
    %select_n3A_1354 = arith.select %eq3A_1351, %broadcast_in_dim3A_1353, %select_n3A_1336 : vector<32x8x128xi1>, vector<32x8x128xf32>
    %add3A_1355 = arith.addf %broadcast_in_dim3A_1349, %convert_element_type3A_31 : vector<1x8x1xf32>
    %convert_element_type3A_1356 = arith.fptosi %add3A_1355 : vector<1x8x1xf32> to vector<1x8x1xi32>
    %reduce_min3A_1357 = arith.constant dense<0x7F800000> : vector<8xf32>
    %reduce_min3A_1358 = vector.multi_reduction <minimumf>, %select_n3A_1354, %reduce_min3A_1357 [0, 2] : vector<32x8x128xf32> to vector<8xf32>
    %broadcast_in_dim3A_1359 = vector.shape_cast %reduce_min3A_1358 : vector<8xf32> to vector<1x8x1xf32>
    %eq3A_1360 = vector.broadcast %broadcast_in_dim3A_1359 : vector<1x8x1xf32> to vector<32x8x128xf32>
    %eq3A_1361 = arith.cmpf oeq, %select_n3A_1354, %eq3A_1360 : vector<32x8x128xf32>
    %jit3A_1362 = arith.constant 4.096000e+03 : f32
    %broadcast_in_dim3A_1363 = vector.broadcast %jit3A_1362 : f32 to vector<32x8x128xf32>
    %select_n3A_1364 = arith.select %eq3A_1361, %get3A_22, %broadcast_in_dim3A_1363 : vector<32x8x128xi1>, vector<32x8x128xf32>
    %reduce_min3A_1365 = arith.constant dense<0x7F800000> : vector<8xf32>
    %reduce_min3A_1366 = vector.multi_reduction <minimumf>, %select_n3A_1364, %reduce_min3A_1365 [0, 2] : vector<32x8x128xf32> to vector<8xf32>
    %broadcast_in_dim3A_1367 = vector.shape_cast %reduce_min3A_1366 : vector<8xf32> to vector<1x8x1xf32>
    %eq3A_1368 = vector.broadcast %broadcast_in_dim3A_1367 : vector<1x8x1xf32> to vector<32x8x128xf32>
    %eq3A_1369 = arith.cmpf oeq, %select_n3A_1364, %eq3A_1368 : vector<32x8x128xf32>
    %jit3A_1370 = arith.constant 3.000000e+38 : f32
    %broadcast_in_dim3A_1371 = vector.broadcast %jit3A_1370 : f32 to vector<32x8x128xf32>
    %select_n3A_1372 = arith.select %eq3A_1369, %broadcast_in_dim3A_1371, %select_n3A_1354 : vector<32x8x128xi1>, vector<32x8x128xf32>
    %add3A_1373 = arith.addf %broadcast_in_dim3A_1367, %convert_element_type3A_31 : vector<1x8x1xf32>
    %convert_element_type3A_1374 = arith.fptosi %add3A_1373 : vector<1x8x1xf32> to vector<1x8x1xi32>
    %reduce_min3A_1375 = arith.constant dense<0x7F800000> : vector<8xf32>
    %reduce_min3A_1376 = vector.multi_reduction <minimumf>, %select_n3A_1372, %reduce_min3A_1375 [0, 2] : vector<32x8x128xf32> to vector<8xf32>
    %broadcast_in_dim3A_1377 = vector.shape_cast %reduce_min3A_1376 : vector<8xf32> to vector<1x8x1xf32>
    %eq3A_1378 = vector.broadcast %broadcast_in_dim3A_1377 : vector<1x8x1xf32> to vector<32x8x128xf32>
    %eq3A_1379 = arith.cmpf oeq, %select_n3A_1372, %eq3A_1378 : vector<32x8x128xf32>
    %jit3A_1380 = arith.constant 4.096000e+03 : f32
    %broadcast_in_dim3A_1381 = vector.broadcast %jit3A_1380 : f32 to vector<32x8x128xf32>
    %select_n3A_1382 = arith.select %eq3A_1379, %get3A_22, %broadcast_in_dim3A_1381 : vector<32x8x128xi1>, vector<32x8x128xf32>
    %reduce_min3A_1383 = arith.constant dense<0x7F800000> : vector<8xf32>
    %reduce_min3A_1384 = vector.multi_reduction <minimumf>, %select_n3A_1382, %reduce_min3A_1383 [0, 2] : vector<32x8x128xf32> to vector<8xf32>
    %broadcast_in_dim3A_1385 = vector.shape_cast %reduce_min3A_1384 : vector<8xf32> to vector<1x8x1xf32>
    %eq3A_1386 = vector.broadcast %broadcast_in_dim3A_1385 : vector<1x8x1xf32> to vector<32x8x128xf32>
    %eq3A_1387 = arith.cmpf oeq, %select_n3A_1382, %eq3A_1386 : vector<32x8x128xf32>
    %jit3A_1388 = arith.constant 3.000000e+38 : f32
    %broadcast_in_dim3A_1389 = vector.broadcast %jit3A_1388 : f32 to vector<32x8x128xf32>
    %select_n3A_1390 = arith.select %eq3A_1387, %broadcast_in_dim3A_1389, %select_n3A_1372 : vector<32x8x128xi1>, vector<32x8x128xf32>
    %add3A_1391 = arith.addf %broadcast_in_dim3A_1385, %convert_element_type3A_31 : vector<1x8x1xf32>
    %convert_element_type3A_1392 = arith.fptosi %add3A_1391 : vector<1x8x1xf32> to vector<1x8x1xi32>
    %reduce_min3A_1393 = arith.constant dense<0x7F800000> : vector<8xf32>
    %reduce_min3A_1394 = vector.multi_reduction <minimumf>, %select_n3A_1390, %reduce_min3A_1393 [0, 2] : vector<32x8x128xf32> to vector<8xf32>
    %broadcast_in_dim3A_1395 = vector.shape_cast %reduce_min3A_1394 : vector<8xf32> to vector<1x8x1xf32>
    %eq3A_1396 = vector.broadcast %broadcast_in_dim3A_1395 : vector<1x8x1xf32> to vector<32x8x128xf32>
    %eq3A_1397 = arith.cmpf oeq, %select_n3A_1390, %eq3A_1396 : vector<32x8x128xf32>
    %jit3A_1398 = arith.constant 4.096000e+03 : f32
    %broadcast_in_dim3A_1399 = vector.broadcast %jit3A_1398 : f32 to vector<32x8x128xf32>
    %select_n3A_1400 = arith.select %eq3A_1397, %get3A_22, %broadcast_in_dim3A_1399 : vector<32x8x128xi1>, vector<32x8x128xf32>
    %reduce_min3A_1401 = arith.constant dense<0x7F800000> : vector<8xf32>
    %reduce_min3A_1402 = vector.multi_reduction <minimumf>, %select_n3A_1400, %reduce_min3A_1401 [0, 2] : vector<32x8x128xf32> to vector<8xf32>
    %broadcast_in_dim3A_1403 = vector.shape_cast %reduce_min3A_1402 : vector<8xf32> to vector<1x8x1xf32>
    %eq3A_1404 = vector.broadcast %broadcast_in_dim3A_1403 : vector<1x8x1xf32> to vector<32x8x128xf32>
    %eq3A_1405 = arith.cmpf oeq, %select_n3A_1400, %eq3A_1404 : vector<32x8x128xf32>
    %jit3A_1406 = arith.constant 3.000000e+38 : f32
    %broadcast_in_dim3A_1407 = vector.broadcast %jit3A_1406 : f32 to vector<32x8x128xf32>
    %select_n3A_1408 = arith.select %eq3A_1405, %broadcast_in_dim3A_1407, %select_n3A_1390 : vector<32x8x128xi1>, vector<32x8x128xf32>
    %add3A_1409 = arith.addf %broadcast_in_dim3A_1403, %convert_element_type3A_31 : vector<1x8x1xf32>
    %convert_element_type3A_1410 = arith.fptosi %add3A_1409 : vector<1x8x1xf32> to vector<1x8x1xi32>
    %reduce_min3A_1411 = arith.constant dense<0x7F800000> : vector<8xf32>
    %reduce_min3A_1412 = vector.multi_reduction <minimumf>, %select_n3A_1408, %reduce_min3A_1411 [0, 2] : vector<32x8x128xf32> to vector<8xf32>
    %broadcast_in_dim3A_1413 = vector.shape_cast %reduce_min3A_1412 : vector<8xf32> to vector<1x8x1xf32>
    %eq3A_1414 = vector.broadcast %broadcast_in_dim3A_1413 : vector<1x8x1xf32> to vector<32x8x128xf32>
    %eq3A_1415 = arith.cmpf oeq, %select_n3A_1408, %eq3A_1414 : vector<32x8x128xf32>
    %jit3A_1416 = arith.constant 4.096000e+03 : f32
    %broadcast_in_dim3A_1417 = vector.broadcast %jit3A_1416 : f32 to vector<32x8x128xf32>
    %select_n3A_1418 = arith.select %eq3A_1415, %get3A_22, %broadcast_in_dim3A_1417 : vector<32x8x128xi1>, vector<32x8x128xf32>
    %reduce_min3A_1419 = arith.constant dense<0x7F800000> : vector<8xf32>
    %reduce_min3A_1420 = vector.multi_reduction <minimumf>, %select_n3A_1418, %reduce_min3A_1419 [0, 2] : vector<32x8x128xf32> to vector<8xf32>
    %broadcast_in_dim3A_1421 = vector.shape_cast %reduce_min3A_1420 : vector<8xf32> to vector<1x8x1xf32>
    %eq3A_1422 = vector.broadcast %broadcast_in_dim3A_1421 : vector<1x8x1xf32> to vector<32x8x128xf32>
    %eq3A_1423 = arith.cmpf oeq, %select_n3A_1418, %eq3A_1422 : vector<32x8x128xf32>
    %jit3A_1424 = arith.constant 3.000000e+38 : f32
    %broadcast_in_dim3A_1425 = vector.broadcast %jit3A_1424 : f32 to vector<32x8x128xf32>
    %select_n3A_1426 = arith.select %eq3A_1423, %broadcast_in_dim3A_1425, %select_n3A_1408 : vector<32x8x128xi1>, vector<32x8x128xf32>
    %add3A_1427 = arith.addf %broadcast_in_dim3A_1421, %convert_element_type3A_31 : vector<1x8x1xf32>
    %convert_element_type3A_1428 = arith.fptosi %add3A_1427 : vector<1x8x1xf32> to vector<1x8x1xi32>
    %reduce_min3A_1429 = arith.constant dense<0x7F800000> : vector<8xf32>
    %reduce_min3A_1430 = vector.multi_reduction <minimumf>, %select_n3A_1426, %reduce_min3A_1429 [0, 2] : vector<32x8x128xf32> to vector<8xf32>
    %broadcast_in_dim3A_1431 = vector.shape_cast %reduce_min3A_1430 : vector<8xf32> to vector<1x8x1xf32>
    %eq3A_1432 = vector.broadcast %broadcast_in_dim3A_1431 : vector<1x8x1xf32> to vector<32x8x128xf32>
    %eq3A_1433 = arith.cmpf oeq, %select_n3A_1426, %eq3A_1432 : vector<32x8x128xf32>
    %jit3A_1434 = arith.constant 4.096000e+03 : f32
    %broadcast_in_dim3A_1435 = vector.broadcast %jit3A_1434 : f32 to vector<32x8x128xf32>
    %select_n3A_1436 = arith.select %eq3A_1433, %get3A_22, %broadcast_in_dim3A_1435 : vector<32x8x128xi1>, vector<32x8x128xf32>
    %reduce_min3A_1437 = arith.constant dense<0x7F800000> : vector<8xf32>
    %reduce_min3A_1438 = vector.multi_reduction <minimumf>, %select_n3A_1436, %reduce_min3A_1437 [0, 2] : vector<32x8x128xf32> to vector<8xf32>
    %broadcast_in_dim3A_1439 = vector.shape_cast %reduce_min3A_1438 : vector<8xf32> to vector<1x8x1xf32>
    %eq3A_1440 = vector.broadcast %broadcast_in_dim3A_1439 : vector<1x8x1xf32> to vector<32x8x128xf32>
    %eq3A_1441 = arith.cmpf oeq, %select_n3A_1436, %eq3A_1440 : vector<32x8x128xf32>
    %jit3A_1442 = arith.constant 3.000000e+38 : f32
    %broadcast_in_dim3A_1443 = vector.broadcast %jit3A_1442 : f32 to vector<32x8x128xf32>
    %select_n3A_1444 = arith.select %eq3A_1441, %broadcast_in_dim3A_1443, %select_n3A_1426 : vector<32x8x128xi1>, vector<32x8x128xf32>
    %add3A_1445 = arith.addf %broadcast_in_dim3A_1439, %convert_element_type3A_31 : vector<1x8x1xf32>
    %convert_element_type3A_1446 = arith.fptosi %add3A_1445 : vector<1x8x1xf32> to vector<1x8x1xi32>
    %reduce_min3A_1447 = arith.constant dense<0x7F800000> : vector<8xf32>
    %reduce_min3A_1448 = vector.multi_reduction <minimumf>, %select_n3A_1444, %reduce_min3A_1447 [0, 2] : vector<32x8x128xf32> to vector<8xf32>
    %broadcast_in_dim3A_1449 = vector.shape_cast %reduce_min3A_1448 : vector<8xf32> to vector<1x8x1xf32>
    %eq3A_1450 = vector.broadcast %broadcast_in_dim3A_1449 : vector<1x8x1xf32> to vector<32x8x128xf32>
    %eq3A_1451 = arith.cmpf oeq, %select_n3A_1444, %eq3A_1450 : vector<32x8x128xf32>
    %jit3A_1452 = arith.constant 4.096000e+03 : f32
    %broadcast_in_dim3A_1453 = vector.broadcast %jit3A_1452 : f32 to vector<32x8x128xf32>
    %select_n3A_1454 = arith.select %eq3A_1451, %get3A_22, %broadcast_in_dim3A_1453 : vector<32x8x128xi1>, vector<32x8x128xf32>
    %reduce_min3A_1455 = arith.constant dense<0x7F800000> : vector<8xf32>
    %reduce_min3A_1456 = vector.multi_reduction <minimumf>, %select_n3A_1454, %reduce_min3A_1455 [0, 2] : vector<32x8x128xf32> to vector<8xf32>
    %broadcast_in_dim3A_1457 = vector.shape_cast %reduce_min3A_1456 : vector<8xf32> to vector<1x8x1xf32>
    %eq3A_1458 = vector.broadcast %broadcast_in_dim3A_1457 : vector<1x8x1xf32> to vector<32x8x128xf32>
    %eq3A_1459 = arith.cmpf oeq, %select_n3A_1454, %eq3A_1458 : vector<32x8x128xf32>
    %jit3A_1460 = arith.constant 3.000000e+38 : f32
    %broadcast_in_dim3A_1461 = vector.broadcast %jit3A_1460 : f32 to vector<32x8x128xf32>
    %select_n3A_1462 = arith.select %eq3A_1459, %broadcast_in_dim3A_1461, %select_n3A_1444 : vector<32x8x128xi1>, vector<32x8x128xf32>
    %add3A_1463 = arith.addf %broadcast_in_dim3A_1457, %convert_element_type3A_31 : vector<1x8x1xf32>
    %convert_element_type3A_1464 = arith.fptosi %add3A_1463 : vector<1x8x1xf32> to vector<1x8x1xi32>
    %reduce_min3A_1465 = arith.constant dense<0x7F800000> : vector<8xf32>
    %reduce_min3A_1466 = vector.multi_reduction <minimumf>, %select_n3A_1462, %reduce_min3A_1465 [0, 2] : vector<32x8x128xf32> to vector<8xf32>
    %broadcast_in_dim3A_1467 = vector.shape_cast %reduce_min3A_1466 : vector<8xf32> to vector<1x8x1xf32>
    %eq3A_1468 = vector.broadcast %broadcast_in_dim3A_1467 : vector<1x8x1xf32> to vector<32x8x128xf32>
    %eq3A_1469 = arith.cmpf oeq, %select_n3A_1462, %eq3A_1468 : vector<32x8x128xf32>
    %jit3A_1470 = arith.constant 4.096000e+03 : f32
    %broadcast_in_dim3A_1471 = vector.broadcast %jit3A_1470 : f32 to vector<32x8x128xf32>
    %select_n3A_1472 = arith.select %eq3A_1469, %get3A_22, %broadcast_in_dim3A_1471 : vector<32x8x128xi1>, vector<32x8x128xf32>
    %reduce_min3A_1473 = arith.constant dense<0x7F800000> : vector<8xf32>
    %reduce_min3A_1474 = vector.multi_reduction <minimumf>, %select_n3A_1472, %reduce_min3A_1473 [0, 2] : vector<32x8x128xf32> to vector<8xf32>
    %broadcast_in_dim3A_1475 = vector.shape_cast %reduce_min3A_1474 : vector<8xf32> to vector<1x8x1xf32>
    %eq3A_1476 = vector.broadcast %broadcast_in_dim3A_1475 : vector<1x8x1xf32> to vector<32x8x128xf32>
    %eq3A_1477 = arith.cmpf oeq, %select_n3A_1472, %eq3A_1476 : vector<32x8x128xf32>
    %jit3A_1478 = arith.constant 3.000000e+38 : f32
    %broadcast_in_dim3A_1479 = vector.broadcast %jit3A_1478 : f32 to vector<32x8x128xf32>
    %select_n3A_1480 = arith.select %eq3A_1477, %broadcast_in_dim3A_1479, %select_n3A_1462 : vector<32x8x128xi1>, vector<32x8x128xf32>
    %add3A_1481 = arith.addf %broadcast_in_dim3A_1475, %convert_element_type3A_31 : vector<1x8x1xf32>
    %convert_element_type3A_1482 = arith.fptosi %add3A_1481 : vector<1x8x1xf32> to vector<1x8x1xi32>
    %reduce_min3A_1483 = arith.constant dense<0x7F800000> : vector<8xf32>
    %reduce_min3A_1484 = vector.multi_reduction <minimumf>, %select_n3A_1480, %reduce_min3A_1483 [0, 2] : vector<32x8x128xf32> to vector<8xf32>
    %broadcast_in_dim3A_1485 = vector.shape_cast %reduce_min3A_1484 : vector<8xf32> to vector<1x8x1xf32>
    %eq3A_1486 = vector.broadcast %broadcast_in_dim3A_1485 : vector<1x8x1xf32> to vector<32x8x128xf32>
    %eq3A_1487 = arith.cmpf oeq, %select_n3A_1480, %eq3A_1486 : vector<32x8x128xf32>
    %jit3A_1488 = arith.constant 4.096000e+03 : f32
    %broadcast_in_dim3A_1489 = vector.broadcast %jit3A_1488 : f32 to vector<32x8x128xf32>
    %select_n3A_1490 = arith.select %eq3A_1487, %get3A_22, %broadcast_in_dim3A_1489 : vector<32x8x128xi1>, vector<32x8x128xf32>
    %reduce_min3A_1491 = arith.constant dense<0x7F800000> : vector<8xf32>
    %reduce_min3A_1492 = vector.multi_reduction <minimumf>, %select_n3A_1490, %reduce_min3A_1491 [0, 2] : vector<32x8x128xf32> to vector<8xf32>
    %broadcast_in_dim3A_1493 = vector.shape_cast %reduce_min3A_1492 : vector<8xf32> to vector<1x8x1xf32>
    %add3A_1494 = arith.addf %broadcast_in_dim3A_1493, %convert_element_type3A_31 : vector<1x8x1xf32>
    %convert_element_type3A_1495 = arith.fptosi %add3A_1494 : vector<1x8x1xf32> to vector<1x8x1xi32>
    %concatenate3A_1496 = tpu.concatenate %convert_element_type3A_1230, %convert_element_type3A_1248, %convert_element_type3A_1266, %convert_element_type3A_1284, %convert_element_type3A_1302, %convert_element_type3A_1320, %convert_element_type3A_1338, %convert_element_type3A_1356, %convert_element_type3A_1374, %convert_element_type3A_1392, %convert_element_type3A_1410, %convert_element_type3A_1428, %convert_element_type3A_1446, %convert_element_type3A_1464, %convert_element_type3A_1482, %convert_element_type3A_1495 in 2 : vector<1x8x1xi32>, vector<1x8x1xi32>, vector<1x8x1xi32>, vector<1x8x1xi32>, vector<1x8x1xi32>, vector<1x8x1xi32>, vector<1x8x1xi32>, vector<1x8x1xi32>, vector<1x8x1xi32>, vector<1x8x1xi32>, vector<1x8x1xi32>, vector<1x8x1xi32>, vector<1x8x1xi32>, vector<1x8x1xi32>, vector<1x8x1xi32>, vector<1x8x1xi32> -> vector<1x8x16xi32>
    %swap3A_1497 = arith.constant 4 : index
    %swap3A_1498 = arith.constant 0 : index
    %swap3A_1499 = arith.constant 0 : index
    %swap3A_1500 = vector.load %arg2[%swap3A_1497, %swap3A_1498, %swap3A_1499] : memref<8x8x16xi32, #tpu.memory_space<vmem>>, vector<1x8x16xi32>
    tpu.vector_store %arg2[%swap3A_1497, %swap3A_1498, %swap3A_1499], %concatenate3A_1496 {strides = array<i32>} : memref<8x8x16xi32, #tpu.memory_space<vmem>>, vector<1x8x16xi32>,
    %get3A_1501 = arith.index_cast %rem3A_28 : i32 to index
    %get3A_1502 = arith.constant 5 : index
    %get3A_1503 = arith.constant 0 : index
    %get3A_1504 = arith.constant 0 : index
    %get3A_1505 = arith.constant 0 : index
    %get3A_1506 = vector.load %arg5[%get3A_1501, %get3A_1502, %get3A_1503, %get3A_1504, %get3A_1505] : memref<2x8x32x8x128xf32, #tpu.memory_space<vmem>>, vector<1x1x32x8x128xf32>
    %get3A_1507 = vector.shape_cast %get3A_1506 : vector<1x1x32x8x128xf32> to vector<32x8x128xf32>
    %reduce_min3A_1508 = arith.constant dense<0x7F800000> : vector<8xf32>
    %reduce_min3A_1509 = vector.multi_reduction <minimumf>, %get3A_1507, %reduce_min3A_1508 [0, 2] : vector<32x8x128xf32> to vector<8xf32>
    %broadcast_in_dim3A_1510 = vector.shape_cast %reduce_min3A_1509 : vector<8xf32> to vector<1x8x1xf32>
    %eq3A_1511 = vector.broadcast %broadcast_in_dim3A_1510 : vector<1x8x1xf32> to vector<32x8x128xf32>
    %eq3A_1512 = arith.cmpf oeq, %get3A_1507, %eq3A_1511 : vector<32x8x128xf32>
    %jit3A_1513 = arith.constant 4.096000e+03 : f32
    %broadcast_in_dim3A_1514 = vector.broadcast %jit3A_1513 : f32 to vector<32x8x128xf32>
    %select_n3A_1515 = arith.select %eq3A_1512, %get3A_22, %broadcast_in_dim3A_1514 : vector<32x8x128xi1>, vector<32x8x128xf32>
    %reduce_min3A_1516 = arith.constant dense<0x7F800000> : vector<8xf32>
    %reduce_min3A_1517 = vector.multi_reduction <minimumf>, %select_n3A_1515, %reduce_min3A_1516 [0, 2] : vector<32x8x128xf32> to vector<8xf32>
    %broadcast_in_dim3A_1518 = vector.shape_cast %reduce_min3A_1517 : vector<8xf32> to vector<1x8x1xf32>
    %eq3A_1519 = vector.broadcast %broadcast_in_dim3A_1518 : vector<1x8x1xf32> to vector<32x8x128xf32>
    %eq3A_1520 = arith.cmpf oeq, %select_n3A_1515, %eq3A_1519 : vector<32x8x128xf32>
    %jit3A_1521 = arith.constant 3.000000e+38 : f32
    %broadcast_in_dim3A_1522 = vector.broadcast %jit3A_1521 : f32 to vector<32x8x128xf32>
    %select_n3A_1523 = arith.select %eq3A_1520, %broadcast_in_dim3A_1522, %get3A_1507 : vector<32x8x128xi1>, vector<32x8x128xf32>
    %add3A_1524 = arith.addf %broadcast_in_dim3A_1518, %convert_element_type3A_31 : vector<1x8x1xf32>
    %convert_element_type3A_1525 = arith.fptosi %add3A_1524 : vector<1x8x1xf32> to vector<1x8x1xi32>
    %reduce_min3A_1526 = arith.constant dense<0x7F800000> : vector<8xf32>
    %reduce_min3A_1527 = vector.multi_reduction <minimumf>, %select_n3A_1523, %reduce_min3A_1526 [0, 2] : vector<32x8x128xf32> to vector<8xf32>
    %broadcast_in_dim3A_1528 = vector.shape_cast %reduce_min3A_1527 : vector<8xf32> to vector<1x8x1xf32>
    %eq3A_1529 = vector.broadcast %broadcast_in_dim3A_1528 : vector<1x8x1xf32> to vector<32x8x128xf32>
    %eq3A_1530 = arith.cmpf oeq, %select_n3A_1523, %eq3A_1529 : vector<32x8x128xf32>
    %jit3A_1531 = arith.constant 4.096000e+03 : f32
    %broadcast_in_dim3A_1532 = vector.broadcast %jit3A_1531 : f32 to vector<32x8x128xf32>
    %select_n3A_1533 = arith.select %eq3A_1530, %get3A_22, %broadcast_in_dim3A_1532 : vector<32x8x128xi1>, vector<32x8x128xf32>
    %reduce_min3A_1534 = arith.constant dense<0x7F800000> : vector<8xf32>
    %reduce_min3A_1535 = vector.multi_reduction <minimumf>, %select_n3A_1533, %reduce_min3A_1534 [0, 2] : vector<32x8x128xf32> to vector<8xf32>
    %broadcast_in_dim3A_1536 = vector.shape_cast %reduce_min3A_1535 : vector<8xf32> to vector<1x8x1xf32>
    %eq3A_1537 = vector.broadcast %broadcast_in_dim3A_1536 : vector<1x8x1xf32> to vector<32x8x128xf32>
    %eq3A_1538 = arith.cmpf oeq, %select_n3A_1533, %eq3A_1537 : vector<32x8x128xf32>
    %jit3A_1539 = arith.constant 3.000000e+38 : f32
    %broadcast_in_dim3A_1540 = vector.broadcast %jit3A_1539 : f32 to vector<32x8x128xf32>
    %select_n3A_1541 = arith.select %eq3A_1538, %broadcast_in_dim3A_1540, %select_n3A_1523 : vector<32x8x128xi1>, vector<32x8x128xf32>
    %add3A_1542 = arith.addf %broadcast_in_dim3A_1536, %convert_element_type3A_31 : vector<1x8x1xf32>
    %convert_element_type3A_1543 = arith.fptosi %add3A_1542 : vector<1x8x1xf32> to vector<1x8x1xi32>
    %reduce_min3A_1544 = arith.constant dense<0x7F800000> : vector<8xf32>
    %reduce_min3A_1545 = vector.multi_reduction <minimumf>, %select_n3A_1541, %reduce_min3A_1544 [0, 2] : vector<32x8x128xf32> to vector<8xf32>
    %broadcast_in_dim3A_1546 = vector.shape_cast %reduce_min3A_1545 : vector<8xf32> to vector<1x8x1xf32>
    %eq3A_1547 = vector.broadcast %broadcast_in_dim3A_1546 : vector<1x8x1xf32> to vector<32x8x128xf32>
    %eq3A_1548 = arith.cmpf oeq, %select_n3A_1541, %eq3A_1547 : vector<32x8x128xf32>
    %jit3A_1549 = arith.constant 4.096000e+03 : f32
    %broadcast_in_dim3A_1550 = vector.broadcast %jit3A_1549 : f32 to vector<32x8x128xf32>
    %select_n3A_1551 = arith.select %eq3A_1548, %get3A_22, %broadcast_in_dim3A_1550 : vector<32x8x128xi1>, vector<32x8x128xf32>
    %reduce_min3A_1552 = arith.constant dense<0x7F800000> : vector<8xf32>
    %reduce_min3A_1553 = vector.multi_reduction <minimumf>, %select_n3A_1551, %reduce_min3A_1552 [0, 2] : vector<32x8x128xf32> to vector<8xf32>
    %broadcast_in_dim3A_1554 = vector.shape_cast %reduce_min3A_1553 : vector<8xf32> to vector<1x8x1xf32>
    %eq3A_1555 = vector.broadcast %broadcast_in_dim3A_1554 : vector<1x8x1xf32> to vector<32x8x128xf32>
    %eq3A_1556 = arith.cmpf oeq, %select_n3A_1551, %eq3A_1555 : vector<32x8x128xf32>
    %jit3A_1557 = arith.constant 3.000000e+38 : f32
    %broadcast_in_dim3A_1558 = vector.broadcast %jit3A_1557 : f32 to vector<32x8x128xf32>
    %select_n3A_1559 = arith.select %eq3A_1556, %broadcast_in_dim3A_1558, %select_n3A_1541 : vector<32x8x128xi1>, vector<32x8x128xf32>
    %add3A_1560 = arith.addf %broadcast_in_dim3A_1554, %convert_element_type3A_31 : vector<1x8x1xf32>
    %convert_element_type3A_1561 = arith.fptosi %add3A_1560 : vector<1x8x1xf32> to vector<1x8x1xi32>
    %reduce_min3A_1562 = arith.constant dense<0x7F800000> : vector<8xf32>
    %reduce_min3A_1563 = vector.multi_reduction <minimumf>, %select_n3A_1559, %reduce_min3A_1562 [0, 2] : vector<32x8x128xf32> to vector<8xf32>
    %broadcast_in_dim3A_1564 = vector.shape_cast %reduce_min3A_1563 : vector<8xf32> to vector<1x8x1xf32>
    %eq3A_1565 = vector.broadcast %broadcast_in_dim3A_1564 : vector<1x8x1xf32> to vector<32x8x128xf32>
    %eq3A_1566 = arith.cmpf oeq, %select_n3A_1559, %eq3A_1565 : vector<32x8x128xf32>
    %jit3A_1567 = arith.constant 4.096000e+03 : f32
    %broadcast_in_dim3A_1568 = vector.broadcast %jit3A_1567 : f32 to vector<32x8x128xf32>
    %select_n3A_1569 = arith.select %eq3A_1566, %get3A_22, %broadcast_in_dim3A_1568 : vector<32x8x128xi1>, vector<32x8x128xf32>
    %reduce_min3A_1570 = arith.constant dense<0x7F800000> : vector<8xf32>
    %reduce_min3A_1571 = vector.multi_reduction <minimumf>, %select_n3A_1569, %reduce_min3A_1570 [0, 2] : vector<32x8x128xf32> to vector<8xf32>
    %broadcast_in_dim3A_1572 = vector.shape_cast %reduce_min3A_1571 : vector<8xf32> to vector<1x8x1xf32>
    %eq3A_1573 = vector.broadcast %broadcast_in_dim3A_1572 : vector<1x8x1xf32> to vector<32x8x128xf32>
    %eq3A_1574 = arith.cmpf oeq, %select_n3A_1569, %eq3A_1573 : vector<32x8x128xf32>
    %jit3A_1575 = arith.constant 3.000000e+38 : f32
    %broadcast_in_dim3A_1576 = vector.broadcast %jit3A_1575 : f32 to vector<32x8x128xf32>
    %select_n3A_1577 = arith.select %eq3A_1574, %broadcast_in_dim3A_1576, %select_n3A_1559 : vector<32x8x128xi1>, vector<32x8x128xf32>
    %add3A_1578 = arith.addf %broadcast_in_dim3A_1572, %convert_element_type3A_31 : vector<1x8x1xf32>
    %convert_element_type3A_1579 = arith.fptosi %add3A_1578 : vector<1x8x1xf32> to vector<1x8x1xi32>
    %reduce_min3A_1580 = arith.constant dense<0x7F800000> : vector<8xf32>
    %reduce_min3A_1581 = vector.multi_reduction <minimumf>, %select_n3A_1577, %reduce_min3A_1580 [0, 2] : vector<32x8x128xf32> to vector<8xf32>
    %broadcast_in_dim3A_1582 = vector.shape_cast %reduce_min3A_1581 : vector<8xf32> to vector<1x8x1xf32>
    %eq3A_1583 = vector.broadcast %broadcast_in_dim3A_1582 : vector<1x8x1xf32> to vector<32x8x128xf32>
    %eq3A_1584 = arith.cmpf oeq, %select_n3A_1577, %eq3A_1583 : vector<32x8x128xf32>
    %jit3A_1585 = arith.constant 4.096000e+03 : f32
    %broadcast_in_dim3A_1586 = vector.broadcast %jit3A_1585 : f32 to vector<32x8x128xf32>
    %select_n3A_1587 = arith.select %eq3A_1584, %get3A_22, %broadcast_in_dim3A_1586 : vector<32x8x128xi1>, vector<32x8x128xf32>
    %reduce_min3A_1588 = arith.constant dense<0x7F800000> : vector<8xf32>
    %reduce_min3A_1589 = vector.multi_reduction <minimumf>, %select_n3A_1587, %reduce_min3A_1588 [0, 2] : vector<32x8x128xf32> to vector<8xf32>
    %broadcast_in_dim3A_1590 = vector.shape_cast %reduce_min3A_1589 : vector<8xf32> to vector<1x8x1xf32>
    %eq3A_1591 = vector.broadcast %broadcast_in_dim3A_1590 : vector<1x8x1xf32> to vector<32x8x128xf32>
    %eq3A_1592 = arith.cmpf oeq, %select_n3A_1587, %eq3A_1591 : vector<32x8x128xf32>
    %jit3A_1593 = arith.constant 3.000000e+38 : f32
    %broadcast_in_dim3A_1594 = vector.broadcast %jit3A_1593 : f32 to vector<32x8x128xf32>
    %select_n3A_1595 = arith.select %eq3A_1592, %broadcast_in_dim3A_1594, %select_n3A_1577 : vector<32x8x128xi1>, vector<32x8x128xf32>
    %add3A_1596 = arith.addf %broadcast_in_dim3A_1590, %convert_element_type3A_31 : vector<1x8x1xf32>
    %convert_element_type3A_1597 = arith.fptosi %add3A_1596 : vector<1x8x1xf32> to vector<1x8x1xi32>
    %reduce_min3A_1598 = arith.constant dense<0x7F800000> : vector<8xf32>
    %reduce_min3A_1599 = vector.multi_reduction <minimumf>, %select_n3A_1595, %reduce_min3A_1598 [0, 2] : vector<32x8x128xf32> to vector<8xf32>
    %broadcast_in_dim3A_1600 = vector.shape_cast %reduce_min3A_1599 : vector<8xf32> to vector<1x8x1xf32>
    %eq3A_1601 = vector.broadcast %broadcast_in_dim3A_1600 : vector<1x8x1xf32> to vector<32x8x128xf32>
    %eq3A_1602 = arith.cmpf oeq, %select_n3A_1595, %eq3A_1601 : vector<32x8x128xf32>
    %jit3A_1603 = arith.constant 4.096000e+03 : f32
    %broadcast_in_dim3A_1604 = vector.broadcast %jit3A_1603 : f32 to vector<32x8x128xf32>
    %select_n3A_1605 = arith.select %eq3A_1602, %get3A_22, %broadcast_in_dim3A_1604 : vector<32x8x128xi1>, vector<32x8x128xf32>
    %reduce_min3A_1606 = arith.constant dense<0x7F800000> : vector<8xf32>
    %reduce_min3A_1607 = vector.multi_reduction <minimumf>, %select_n3A_1605, %reduce_min3A_1606 [0, 2] : vector<32x8x128xf32> to vector<8xf32>
    %broadcast_in_dim3A_1608 = vector.shape_cast %reduce_min3A_1607 : vector<8xf32> to vector<1x8x1xf32>
    %eq3A_1609 = vector.broadcast %broadcast_in_dim3A_1608 : vector<1x8x1xf32> to vector<32x8x128xf32>
    %eq3A_1610 = arith.cmpf oeq, %select_n3A_1605, %eq3A_1609 : vector<32x8x128xf32>
    %jit3A_1611 = arith.constant 3.000000e+38 : f32
    %broadcast_in_dim3A_1612 = vector.broadcast %jit3A_1611 : f32 to vector<32x8x128xf32>
    %select_n3A_1613 = arith.select %eq3A_1610, %broadcast_in_dim3A_1612, %select_n3A_1595 : vector<32x8x128xi1>, vector<32x8x128xf32>
    %add3A_1614 = arith.addf %broadcast_in_dim3A_1608, %convert_element_type3A_31 : vector<1x8x1xf32>
    %convert_element_type3A_1615 = arith.fptosi %add3A_1614 : vector<1x8x1xf32> to vector<1x8x1xi32>
    %reduce_min3A_1616 = arith.constant dense<0x7F800000> : vector<8xf32>
    %reduce_min3A_1617 = vector.multi_reduction <minimumf>, %select_n3A_1613, %reduce_min3A_1616 [0, 2] : vector<32x8x128xf32> to vector<8xf32>
    %broadcast_in_dim3A_1618 = vector.shape_cast %reduce_min3A_1617 : vector<8xf32> to vector<1x8x1xf32>
    %eq3A_1619 = vector.broadcast %broadcast_in_dim3A_1618 : vector<1x8x1xf32> to vector<32x8x128xf32>
    %eq3A_1620 = arith.cmpf oeq, %select_n3A_1613, %eq3A_1619 : vector<32x8x128xf32>
    %jit3A_1621 = arith.constant 4.096000e+03 : f32
    %broadcast_in_dim3A_1622 = vector.broadcast %jit3A_1621 : f32 to vector<32x8x128xf32>
    %select_n3A_1623 = arith.select %eq3A_1620, %get3A_22, %broadcast_in_dim3A_1622 : vector<32x8x128xi1>, vector<32x8x128xf32>
    %reduce_min3A_1624 = arith.constant dense<0x7F800000> : vector<8xf32>
    %reduce_min3A_1625 = vector.multi_reduction <minimumf>, %select_n3A_1623, %reduce_min3A_1624 [0, 2] : vector<32x8x128xf32> to vector<8xf32>
    %broadcast_in_dim3A_1626 = vector.shape_cast %reduce_min3A_1625 : vector<8xf32> to vector<1x8x1xf32>
    %eq3A_1627 = vector.broadcast %broadcast_in_dim3A_1626 : vector<1x8x1xf32> to vector<32x8x128xf32>
    %eq3A_1628 = arith.cmpf oeq, %select_n3A_1623, %eq3A_1627 : vector<32x8x128xf32>
    %jit3A_1629 = arith.constant 3.000000e+38 : f32
    %broadcast_in_dim3A_1630 = vector.broadcast %jit3A_1629 : f32 to vector<32x8x128xf32>
    %select_n3A_1631 = arith.select %eq3A_1628, %broadcast_in_dim3A_1630, %select_n3A_1613 : vector<32x8x128xi1>, vector<32x8x128xf32>
    %add3A_1632 = arith.addf %broadcast_in_dim3A_1626, %convert_element_type3A_31 : vector<1x8x1xf32>
    %convert_element_type3A_1633 = arith.fptosi %add3A_1632 : vector<1x8x1xf32> to vector<1x8x1xi32>
    %reduce_min3A_1634 = arith.constant dense<0x7F800000> : vector<8xf32>
    %reduce_min3A_1635 = vector.multi_reduction <minimumf>, %select_n3A_1631, %reduce_min3A_1634 [0, 2] : vector<32x8x128xf32> to vector<8xf32>
    %broadcast_in_dim3A_1636 = vector.shape_cast %reduce_min3A_1635 : vector<8xf32> to vector<1x8x1xf32>
    %eq3A_1637 = vector.broadcast %broadcast_in_dim3A_1636 : vector<1x8x1xf32> to vector<32x8x128xf32>
    %eq3A_1638 = arith.cmpf oeq, %select_n3A_1631, %eq3A_1637 : vector<32x8x128xf32>
    %jit3A_1639 = arith.constant 4.096000e+03 : f32
    %broadcast_in_dim3A_1640 = vector.broadcast %jit3A_1639 : f32 to vector<32x8x128xf32>
    %select_n3A_1641 = arith.select %eq3A_1638, %get3A_22, %broadcast_in_dim3A_1640 : vector<32x8x128xi1>, vector<32x8x128xf32>
    %reduce_min3A_1642 = arith.constant dense<0x7F800000> : vector<8xf32>
    %reduce_min3A_1643 = vector.multi_reduction <minimumf>, %select_n3A_1641, %reduce_min3A_1642 [0, 2] : vector<32x8x128xf32> to vector<8xf32>
    %broadcast_in_dim3A_1644 = vector.shape_cast %reduce_min3A_1643 : vector<8xf32> to vector<1x8x1xf32>
    %eq3A_1645 = vector.broadcast %broadcast_in_dim3A_1644 : vector<1x8x1xf32> to vector<32x8x128xf32>
    %eq3A_1646 = arith.cmpf oeq, %select_n3A_1641, %eq3A_1645 : vector<32x8x128xf32>
    %jit3A_1647 = arith.constant 3.000000e+38 : f32
    %broadcast_in_dim3A_1648 = vector.broadcast %jit3A_1647 : f32 to vector<32x8x128xf32>
    %select_n3A_1649 = arith.select %eq3A_1646, %broadcast_in_dim3A_1648, %select_n3A_1631 : vector<32x8x128xi1>, vector<32x8x128xf32>
    %add3A_1650 = arith.addf %broadcast_in_dim3A_1644, %convert_element_type3A_31 : vector<1x8x1xf32>
    %convert_element_type3A_1651 = arith.fptosi %add3A_1650 : vector<1x8x1xf32> to vector<1x8x1xi32>
    %reduce_min3A_1652 = arith.constant dense<0x7F800000> : vector<8xf32>
    %reduce_min3A_1653 = vector.multi_reduction <minimumf>, %select_n3A_1649, %reduce_min3A_1652 [0, 2] : vector<32x8x128xf32> to vector<8xf32>
    %broadcast_in_dim3A_1654 = vector.shape_cast %reduce_min3A_1653 : vector<8xf32> to vector<1x8x1xf32>
    %eq3A_1655 = vector.broadcast %broadcast_in_dim3A_1654 : vector<1x8x1xf32> to vector<32x8x128xf32>
    %eq3A_1656 = arith.cmpf oeq, %select_n3A_1649, %eq3A_1655 : vector<32x8x128xf32>
    %jit3A_1657 = arith.constant 4.096000e+03 : f32
    %broadcast_in_dim3A_1658 = vector.broadcast %jit3A_1657 : f32 to vector<32x8x128xf32>
    %select_n3A_1659 = arith.select %eq3A_1656, %get3A_22, %broadcast_in_dim3A_1658 : vector<32x8x128xi1>, vector<32x8x128xf32>
    %reduce_min3A_1660 = arith.constant dense<0x7F800000> : vector<8xf32>
    %reduce_min3A_1661 = vector.multi_reduction <minimumf>, %select_n3A_1659, %reduce_min3A_1660 [0, 2] : vector<32x8x128xf32> to vector<8xf32>
    %broadcast_in_dim3A_1662 = vector.shape_cast %reduce_min3A_1661 : vector<8xf32> to vector<1x8x1xf32>
    %eq3A_1663 = vector.broadcast %broadcast_in_dim3A_1662 : vector<1x8x1xf32> to vector<32x8x128xf32>
    %eq3A_1664 = arith.cmpf oeq, %select_n3A_1659, %eq3A_1663 : vector<32x8x128xf32>
    %jit3A_1665 = arith.constant 3.000000e+38 : f32
    %broadcast_in_dim3A_1666 = vector.broadcast %jit3A_1665 : f32 to vector<32x8x128xf32>
    %select_n3A_1667 = arith.select %eq3A_1664, %broadcast_in_dim3A_1666, %select_n3A_1649 : vector<32x8x128xi1>, vector<32x8x128xf32>
    %add3A_1668 = arith.addf %broadcast_in_dim3A_1662, %convert_element_type3A_31 : vector<1x8x1xf32>
    %convert_element_type3A_1669 = arith.fptosi %add3A_1668 : vector<1x8x1xf32> to vector<1x8x1xi32>
    %reduce_min3A_1670 = arith.constant dense<0x7F800000> : vector<8xf32>
    %reduce_min3A_1671 = vector.multi_reduction <minimumf>, %select_n3A_1667, %reduce_min3A_1670 [0, 2] : vector<32x8x128xf32> to vector<8xf32>
    %broadcast_in_dim3A_1672 = vector.shape_cast %reduce_min3A_1671 : vector<8xf32> to vector<1x8x1xf32>
    %eq3A_1673 = vector.broadcast %broadcast_in_dim3A_1672 : vector<1x8x1xf32> to vector<32x8x128xf32>
    %eq3A_1674 = arith.cmpf oeq, %select_n3A_1667, %eq3A_1673 : vector<32x8x128xf32>
    %jit3A_1675 = arith.constant 4.096000e+03 : f32
    %broadcast_in_dim3A_1676 = vector.broadcast %jit3A_1675 : f32 to vector<32x8x128xf32>
    %select_n3A_1677 = arith.select %eq3A_1674, %get3A_22, %broadcast_in_dim3A_1676 : vector<32x8x128xi1>, vector<32x8x128xf32>
    %reduce_min3A_1678 = arith.constant dense<0x7F800000> : vector<8xf32>
    %reduce_min3A_1679 = vector.multi_reduction <minimumf>, %select_n3A_1677, %reduce_min3A_1678 [0, 2] : vector<32x8x128xf32> to vector<8xf32>
    %broadcast_in_dim3A_1680 = vector.shape_cast %reduce_min3A_1679 : vector<8xf32> to vector<1x8x1xf32>
    %eq3A_1681 = vector.broadcast %broadcast_in_dim3A_1680 : vector<1x8x1xf32> to vector<32x8x128xf32>
    %eq3A_1682 = arith.cmpf oeq, %select_n3A_1677, %eq3A_1681 : vector<32x8x128xf32>
    %jit3A_1683 = arith.constant 3.000000e+38 : f32
    %broadcast_in_dim3A_1684 = vector.broadcast %jit3A_1683 : f32 to vector<32x8x128xf32>
    %select_n3A_1685 = arith.select %eq3A_1682, %broadcast_in_dim3A_1684, %select_n3A_1667 : vector<32x8x128xi1>, vector<32x8x128xf32>
    %add3A_1686 = arith.addf %broadcast_in_dim3A_1680, %convert_element_type3A_31 : vector<1x8x1xf32>
    %convert_element_type3A_1687 = arith.fptosi %add3A_1686 : vector<1x8x1xf32> to vector<1x8x1xi32>
    %reduce_min3A_1688 = arith.constant dense<0x7F800000> : vector<8xf32>
    %reduce_min3A_1689 = vector.multi_reduction <minimumf>, %select_n3A_1685, %reduce_min3A_1688 [0, 2] : vector<32x8x128xf32> to vector<8xf32>
    %broadcast_in_dim3A_1690 = vector.shape_cast %reduce_min3A_1689 : vector<8xf32> to vector<1x8x1xf32>
    %eq3A_1691 = vector.broadcast %broadcast_in_dim3A_1690 : vector<1x8x1xf32> to vector<32x8x128xf32>
    %eq3A_1692 = arith.cmpf oeq, %select_n3A_1685, %eq3A_1691 : vector<32x8x128xf32>
    %jit3A_1693 = arith.constant 4.096000e+03 : f32
    %broadcast_in_dim3A_1694 = vector.broadcast %jit3A_1693 : f32 to vector<32x8x128xf32>
    %select_n3A_1695 = arith.select %eq3A_1692, %get3A_22, %broadcast_in_dim3A_1694 : vector<32x8x128xi1>, vector<32x8x128xf32>
    %reduce_min3A_1696 = arith.constant dense<0x7F800000> : vector<8xf32>
    %reduce_min3A_1697 = vector.multi_reduction <minimumf>, %select_n3A_1695, %reduce_min3A_1696 [0, 2] : vector<32x8x128xf32> to vector<8xf32>
    %broadcast_in_dim3A_1698 = vector.shape_cast %reduce_min3A_1697 : vector<8xf32> to vector<1x8x1xf32>
    %eq3A_1699 = vector.broadcast %broadcast_in_dim3A_1698 : vector<1x8x1xf32> to vector<32x8x128xf32>
    %eq3A_1700 = arith.cmpf oeq, %select_n3A_1695, %eq3A_1699 : vector<32x8x128xf32>
    %jit3A_1701 = arith.constant 3.000000e+38 : f32
    %broadcast_in_dim3A_1702 = vector.broadcast %jit3A_1701 : f32 to vector<32x8x128xf32>
    %select_n3A_1703 = arith.select %eq3A_1700, %broadcast_in_dim3A_1702, %select_n3A_1685 : vector<32x8x128xi1>, vector<32x8x128xf32>
    %add3A_1704 = arith.addf %broadcast_in_dim3A_1698, %convert_element_type3A_31 : vector<1x8x1xf32>
    %convert_element_type3A_1705 = arith.fptosi %add3A_1704 : vector<1x8x1xf32> to vector<1x8x1xi32>
    %reduce_min3A_1706 = arith.constant dense<0x7F800000> : vector<8xf32>
    %reduce_min3A_1707 = vector.multi_reduction <minimumf>, %select_n3A_1703, %reduce_min3A_1706 [0, 2] : vector<32x8x128xf32> to vector<8xf32>
    %broadcast_in_dim3A_1708 = vector.shape_cast %reduce_min3A_1707 : vector<8xf32> to vector<1x8x1xf32>
    %eq3A_1709 = vector.broadcast %broadcast_in_dim3A_1708 : vector<1x8x1xf32> to vector<32x8x128xf32>
    %eq3A_1710 = arith.cmpf oeq, %select_n3A_1703, %eq3A_1709 : vector<32x8x128xf32>
    %jit3A_1711 = arith.constant 4.096000e+03 : f32
    %broadcast_in_dim3A_1712 = vector.broadcast %jit3A_1711 : f32 to vector<32x8x128xf32>
    %select_n3A_1713 = arith.select %eq3A_1710, %get3A_22, %broadcast_in_dim3A_1712 : vector<32x8x128xi1>, vector<32x8x128xf32>
    %reduce_min3A_1714 = arith.constant dense<0x7F800000> : vector<8xf32>
    %reduce_min3A_1715 = vector.multi_reduction <minimumf>, %select_n3A_1713, %reduce_min3A_1714 [0, 2] : vector<32x8x128xf32> to vector<8xf32>
    %broadcast_in_dim3A_1716 = vector.shape_cast %reduce_min3A_1715 : vector<8xf32> to vector<1x8x1xf32>
    %eq3A_1717 = vector.broadcast %broadcast_in_dim3A_1716 : vector<1x8x1xf32> to vector<32x8x128xf32>
    %eq3A_1718 = arith.cmpf oeq, %select_n3A_1713, %eq3A_1717 : vector<32x8x128xf32>
    %jit3A_1719 = arith.constant 3.000000e+38 : f32
    %broadcast_in_dim3A_1720 = vector.broadcast %jit3A_1719 : f32 to vector<32x8x128xf32>
    %select_n3A_1721 = arith.select %eq3A_1718, %broadcast_in_dim3A_1720, %select_n3A_1703 : vector<32x8x128xi1>, vector<32x8x128xf32>
    %add3A_1722 = arith.addf %broadcast_in_dim3A_1716, %convert_element_type3A_31 : vector<1x8x1xf32>
    %convert_element_type3A_1723 = arith.fptosi %add3A_1722 : vector<1x8x1xf32> to vector<1x8x1xi32>
    %reduce_min3A_1724 = arith.constant dense<0x7F800000> : vector<8xf32>
    %reduce_min3A_1725 = vector.multi_reduction <minimumf>, %select_n3A_1721, %reduce_min3A_1724 [0, 2] : vector<32x8x128xf32> to vector<8xf32>
    %broadcast_in_dim3A_1726 = vector.shape_cast %reduce_min3A_1725 : vector<8xf32> to vector<1x8x1xf32>
    %eq3A_1727 = vector.broadcast %broadcast_in_dim3A_1726 : vector<1x8x1xf32> to vector<32x8x128xf32>
    %eq3A_1728 = arith.cmpf oeq, %select_n3A_1721, %eq3A_1727 : vector<32x8x128xf32>
    %jit3A_1729 = arith.constant 4.096000e+03 : f32
    %broadcast_in_dim3A_1730 = vector.broadcast %jit3A_1729 : f32 to vector<32x8x128xf32>
    %select_n3A_1731 = arith.select %eq3A_1728, %get3A_22, %broadcast_in_dim3A_1730 : vector<32x8x128xi1>, vector<32x8x128xf32>
    %reduce_min3A_1732 = arith.constant dense<0x7F800000> : vector<8xf32>
    %reduce_min3A_1733 = vector.multi_reduction <minimumf>, %select_n3A_1731, %reduce_min3A_1732 [0, 2] : vector<32x8x128xf32> to vector<8xf32>
    %broadcast_in_dim3A_1734 = vector.shape_cast %reduce_min3A_1733 : vector<8xf32> to vector<1x8x1xf32>
    %eq3A_1735 = vector.broadcast %broadcast_in_dim3A_1734 : vector<1x8x1xf32> to vector<32x8x128xf32>
    %eq3A_1736 = arith.cmpf oeq, %select_n3A_1731, %eq3A_1735 : vector<32x8x128xf32>
    %jit3A_1737 = arith.constant 3.000000e+38 : f32
    %broadcast_in_dim3A_1738 = vector.broadcast %jit3A_1737 : f32 to vector<32x8x128xf32>
    %select_n3A_1739 = arith.select %eq3A_1736, %broadcast_in_dim3A_1738, %select_n3A_1721 : vector<32x8x128xi1>, vector<32x8x128xf32>
    %add3A_1740 = arith.addf %broadcast_in_dim3A_1734, %convert_element_type3A_31 : vector<1x8x1xf32>
    %convert_element_type3A_1741 = arith.fptosi %add3A_1740 : vector<1x8x1xf32> to vector<1x8x1xi32>
    %reduce_min3A_1742 = arith.constant dense<0x7F800000> : vector<8xf32>
    %reduce_min3A_1743 = vector.multi_reduction <minimumf>, %select_n3A_1739, %reduce_min3A_1742 [0, 2] : vector<32x8x128xf32> to vector<8xf32>
    %broadcast_in_dim3A_1744 = vector.shape_cast %reduce_min3A_1743 : vector<8xf32> to vector<1x8x1xf32>
    %eq3A_1745 = vector.broadcast %broadcast_in_dim3A_1744 : vector<1x8x1xf32> to vector<32x8x128xf32>
    %eq3A_1746 = arith.cmpf oeq, %select_n3A_1739, %eq3A_1745 : vector<32x8x128xf32>
    %jit3A_1747 = arith.constant 4.096000e+03 : f32
    %broadcast_in_dim3A_1748 = vector.broadcast %jit3A_1747 : f32 to vector<32x8x128xf32>
    %select_n3A_1749 = arith.select %eq3A_1746, %get3A_22, %broadcast_in_dim3A_1748 : vector<32x8x128xi1>, vector<32x8x128xf32>
    %reduce_min3A_1750 = arith.constant dense<0x7F800000> : vector<8xf32>
    %reduce_min3A_1751 = vector.multi_reduction <minimumf>, %select_n3A_1749, %reduce_min3A_1750 [0, 2] : vector<32x8x128xf32> to vector<8xf32>
    %broadcast_in_dim3A_1752 = vector.shape_cast %reduce_min3A_1751 : vector<8xf32> to vector<1x8x1xf32>
    %eq3A_1753 = vector.broadcast %broadcast_in_dim3A_1752 : vector<1x8x1xf32> to vector<32x8x128xf32>
    %eq3A_1754 = arith.cmpf oeq, %select_n3A_1749, %eq3A_1753 : vector<32x8x128xf32>
    %jit3A_1755 = arith.constant 3.000000e+38 : f32
    %broadcast_in_dim3A_1756 = vector.broadcast %jit3A_1755 : f32 to vector<32x8x128xf32>
    %select_n3A_1757 = arith.select %eq3A_1754, %broadcast_in_dim3A_1756, %select_n3A_1739 : vector<32x8x128xi1>, vector<32x8x128xf32>
    %add3A_1758 = arith.addf %broadcast_in_dim3A_1752, %convert_element_type3A_31 : vector<1x8x1xf32>
    %convert_element_type3A_1759 = arith.fptosi %add3A_1758 : vector<1x8x1xf32> to vector<1x8x1xi32>
    %reduce_min3A_1760 = arith.constant dense<0x7F800000> : vector<8xf32>
    %reduce_min3A_1761 = vector.multi_reduction <minimumf>, %select_n3A_1757, %reduce_min3A_1760 [0, 2] : vector<32x8x128xf32> to vector<8xf32>
    %broadcast_in_dim3A_1762 = vector.shape_cast %reduce_min3A_1761 : vector<8xf32> to vector<1x8x1xf32>
    %eq3A_1763 = vector.broadcast %broadcast_in_dim3A_1762 : vector<1x8x1xf32> to vector<32x8x128xf32>
    %eq3A_1764 = arith.cmpf oeq, %select_n3A_1757, %eq3A_1763 : vector<32x8x128xf32>
    %jit3A_1765 = arith.constant 4.096000e+03 : f32
    %broadcast_in_dim3A_1766 = vector.broadcast %jit3A_1765 : f32 to vector<32x8x128xf32>
    %select_n3A_1767 = arith.select %eq3A_1764, %get3A_22, %broadcast_in_dim3A_1766 : vector<32x8x128xi1>, vector<32x8x128xf32>
    %reduce_min3A_1768 = arith.constant dense<0x7F800000> : vector<8xf32>
    %reduce_min3A_1769 = vector.multi_reduction <minimumf>, %select_n3A_1767, %reduce_min3A_1768 [0, 2] : vector<32x8x128xf32> to vector<8xf32>
    %broadcast_in_dim3A_1770 = vector.shape_cast %reduce_min3A_1769 : vector<8xf32> to vector<1x8x1xf32>
    %eq3A_1771 = vector.broadcast %broadcast_in_dim3A_1770 : vector<1x8x1xf32> to vector<32x8x128xf32>
    %eq3A_1772 = arith.cmpf oeq, %select_n3A_1767, %eq3A_1771 : vector<32x8x128xf32>
    %jit3A_1773 = arith.constant 3.000000e+38 : f32
    %broadcast_in_dim3A_1774 = vector.broadcast %jit3A_1773 : f32 to vector<32x8x128xf32>
    %select_n3A_1775 = arith.select %eq3A_1772, %broadcast_in_dim3A_1774, %select_n3A_1757 : vector<32x8x128xi1>, vector<32x8x128xf32>
    %add3A_1776 = arith.addf %broadcast_in_dim3A_1770, %convert_element_type3A_31 : vector<1x8x1xf32>
    %convert_element_type3A_1777 = arith.fptosi %add3A_1776 : vector<1x8x1xf32> to vector<1x8x1xi32>
    %reduce_min3A_1778 = arith.constant dense<0x7F800000> : vector<8xf32>
    %reduce_min3A_1779 = vector.multi_reduction <minimumf>, %select_n3A_1775, %reduce_min3A_1778 [0, 2] : vector<32x8x128xf32> to vector<8xf32>
    %broadcast_in_dim3A_1780 = vector.shape_cast %reduce_min3A_1779 : vector<8xf32> to vector<1x8x1xf32>
    %eq3A_1781 = vector.broadcast %broadcast_in_dim3A_1780 : vector<1x8x1xf32> to vector<32x8x128xf32>
    %eq3A_1782 = arith.cmpf oeq, %select_n3A_1775, %eq3A_1781 : vector<32x8x128xf32>
    %jit3A_1783 = arith.constant 4.096000e+03 : f32
    %broadcast_in_dim3A_1784 = vector.broadcast %jit3A_1783 : f32 to vector<32x8x128xf32>
    %select_n3A_1785 = arith.select %eq3A_1782, %get3A_22, %broadcast_in_dim3A_1784 : vector<32x8x128xi1>, vector<32x8x128xf32>
    %reduce_min3A_1786 = arith.constant dense<0x7F800000> : vector<8xf32>
    %reduce_min3A_1787 = vector.multi_reduction <minimumf>, %select_n3A_1785, %reduce_min3A_1786 [0, 2] : vector<32x8x128xf32> to vector<8xf32>
    %broadcast_in_dim3A_1788 = vector.shape_cast %reduce_min3A_1787 : vector<8xf32> to vector<1x8x1xf32>
    %add3A_1789 = arith.addf %broadcast_in_dim3A_1788, %convert_element_type3A_31 : vector<1x8x1xf32>
    %convert_element_type3A_1790 = arith.fptosi %add3A_1789 : vector<1x8x1xf32> to vector<1x8x1xi32>
    %concatenate3A_1791 = tpu.concatenate %convert_element_type3A_1525, %convert_element_type3A_1543, %convert_element_type3A_1561, %convert_element_type3A_1579, %convert_element_type3A_1597, %convert_element_type3A_1615, %convert_element_type3A_1633, %convert_element_type3A_1651, %convert_element_type3A_1669, %convert_element_type3A_1687, %convert_element_type3A_1705, %convert_element_type3A_1723, %convert_element_type3A_1741, %convert_element_type3A_1759, %convert_element_type3A_1777, %convert_element_type3A_1790 in 2 : vector<1x8x1xi32>, vector<1x8x1xi32>, vector<1x8x1xi32>, vector<1x8x1xi32>, vector<1x8x1xi32>, vector<1x8x1xi32>, vector<1x8x1xi32>, vector<1x8x1xi32>, vector<1x8x1xi32>, vector<1x8x1xi32>, vector<1x8x1xi32>, vector<1x8x1xi32>, vector<1x8x1xi32>, vector<1x8x1xi32>, vector<1x8x1xi32>, vector<1x8x1xi32> -> vector<1x8x16xi32>
    %swap3A_1792 = arith.constant 5 : index
    %swap3A_1793 = arith.constant 0 : index
    %swap3A_1794 = arith.constant 0 : index
    %swap3A_1795 = vector.load %arg2[%swap3A_1792, %swap3A_1793, %swap3A_1794] : memref<8x8x16xi32, #tpu.memory_space<vmem>>, vector<1x8x16xi32>
    tpu.vector_store %arg2[%swap3A_1792, %swap3A_1793, %swap3A_1794], %concatenate3A_1791 {strides = array<i32>} : memref<8x8x16xi32, #tpu.memory_space<vmem>>, vector<1x8x16xi32>,
    %get3A_1796 = arith.index_cast %rem3A_28 : i32 to index
    %get3A_1797 = arith.constant 6 : index
    %get3A_1798 = arith.constant 0 : index
    %get3A_1799 = arith.constant 0 : index
    %get3A_1800 = arith.constant 0 : index
    %get3A_1801 = vector.load %arg5[%get3A_1796, %get3A_1797, %get3A_1798, %get3A_1799, %get3A_1800] : memref<2x8x32x8x128xf32, #tpu.memory_space<vmem>>, vector<1x1x32x8x128xf32>
    %get3A_1802 = vector.shape_cast %get3A_1801 : vector<1x1x32x8x128xf32> to vector<32x8x128xf32>
    %reduce_min3A_1803 = arith.constant dense<0x7F800000> : vector<8xf32>
    %reduce_min3A_1804 = vector.multi_reduction <minimumf>, %get3A_1802, %reduce_min3A_1803 [0, 2] : vector<32x8x128xf32> to vector<8xf32>
    %broadcast_in_dim3A_1805 = vector.shape_cast %reduce_min3A_1804 : vector<8xf32> to vector<1x8x1xf32>
    %eq3A_1806 = vector.broadcast %broadcast_in_dim3A_1805 : vector<1x8x1xf32> to vector<32x8x128xf32>
    %eq3A_1807 = arith.cmpf oeq, %get3A_1802, %eq3A_1806 : vector<32x8x128xf32>
    %jit3A_1808 = arith.constant 4.096000e+03 : f32
    %broadcast_in_dim3A_1809 = vector.broadcast %jit3A_1808 : f32 to vector<32x8x128xf32>
    %select_n3A_1810 = arith.select %eq3A_1807, %get3A_22, %broadcast_in_dim3A_1809 : vector<32x8x128xi1>, vector<32x8x128xf32>
    %reduce_min3A_1811 = arith.constant dense<0x7F800000> : vector<8xf32>
    %reduce_min3A_1812 = vector.multi_reduction <minimumf>, %select_n3A_1810, %reduce_min3A_1811 [0, 2] : vector<32x8x128xf32> to vector<8xf32>
    %broadcast_in_dim3A_1813 = vector.shape_cast %reduce_min3A_1812 : vector<8xf32> to vector<1x8x1xf32>
    %eq3A_1814 = vector.broadcast %broadcast_in_dim3A_1813 : vector<1x8x1xf32> to vector<32x8x128xf32>
    %eq3A_1815 = arith.cmpf oeq, %select_n3A_1810, %eq3A_1814 : vector<32x8x128xf32>
    %jit3A_1816 = arith.constant 3.000000e+38 : f32
    %broadcast_in_dim3A_1817 = vector.broadcast %jit3A_1816 : f32 to vector<32x8x128xf32>
    %select_n3A_1818 = arith.select %eq3A_1815, %broadcast_in_dim3A_1817, %get3A_1802 : vector<32x8x128xi1>, vector<32x8x128xf32>
    %add3A_1819 = arith.addf %broadcast_in_dim3A_1813, %convert_element_type3A_31 : vector<1x8x1xf32>
    %convert_element_type3A_1820 = arith.fptosi %add3A_1819 : vector<1x8x1xf32> to vector<1x8x1xi32>
    %reduce_min3A_1821 = arith.constant dense<0x7F800000> : vector<8xf32>
    %reduce_min3A_1822 = vector.multi_reduction <minimumf>, %select_n3A_1818, %reduce_min3A_1821 [0, 2] : vector<32x8x128xf32> to vector<8xf32>
    %broadcast_in_dim3A_1823 = vector.shape_cast %reduce_min3A_1822 : vector<8xf32> to vector<1x8x1xf32>
    %eq3A_1824 = vector.broadcast %broadcast_in_dim3A_1823 : vector<1x8x1xf32> to vector<32x8x128xf32>
    %eq3A_1825 = arith.cmpf oeq, %select_n3A_1818, %eq3A_1824 : vector<32x8x128xf32>
    %jit3A_1826 = arith.constant 4.096000e+03 : f32
    %broadcast_in_dim3A_1827 = vector.broadcast %jit3A_1826 : f32 to vector<32x8x128xf32>
    %select_n3A_1828 = arith.select %eq3A_1825, %get3A_22, %broadcast_in_dim3A_1827 : vector<32x8x128xi1>, vector<32x8x128xf32>
    %reduce_min3A_1829 = arith.constant dense<0x7F800000> : vector<8xf32>
    %reduce_min3A_1830 = vector.multi_reduction <minimumf>, %select_n3A_1828, %reduce_min3A_1829 [0, 2] : vector<32x8x128xf32> to vector<8xf32>
    %broadcast_in_dim3A_1831 = vector.shape_cast %reduce_min3A_1830 : vector<8xf32> to vector<1x8x1xf32>
    %eq3A_1832 = vector.broadcast %broadcast_in_dim3A_1831 : vector<1x8x1xf32> to vector<32x8x128xf32>
    %eq3A_1833 = arith.cmpf oeq, %select_n3A_1828, %eq3A_1832 : vector<32x8x128xf32>
    %jit3A_1834 = arith.constant 3.000000e+38 : f32
    %broadcast_in_dim3A_1835 = vector.broadcast %jit3A_1834 : f32 to vector<32x8x128xf32>
    %select_n3A_1836 = arith.select %eq3A_1833, %broadcast_in_dim3A_1835, %select_n3A_1818 : vector<32x8x128xi1>, vector<32x8x128xf32>
    %add3A_1837 = arith.addf %broadcast_in_dim3A_1831, %convert_element_type3A_31 : vector<1x8x1xf32>
    %convert_element_type3A_1838 = arith.fptosi %add3A_1837 : vector<1x8x1xf32> to vector<1x8x1xi32>
    %reduce_min3A_1839 = arith.constant dense<0x7F800000> : vector<8xf32>
    %reduce_min3A_1840 = vector.multi_reduction <minimumf>, %select_n3A_1836, %reduce_min3A_1839 [0, 2] : vector<32x8x128xf32> to vector<8xf32>
    %broadcast_in_dim3A_1841 = vector.shape_cast %reduce_min3A_1840 : vector<8xf32> to vector<1x8x1xf32>
    %eq3A_1842 = vector.broadcast %broadcast_in_dim3A_1841 : vector<1x8x1xf32> to vector<32x8x128xf32>
    %eq3A_1843 = arith.cmpf oeq, %select_n3A_1836, %eq3A_1842 : vector<32x8x128xf32>
    %jit3A_1844 = arith.constant 4.096000e+03 : f32
    %broadcast_in_dim3A_1845 = vector.broadcast %jit3A_1844 : f32 to vector<32x8x128xf32>
    %select_n3A_1846 = arith.select %eq3A_1843, %get3A_22, %broadcast_in_dim3A_1845 : vector<32x8x128xi1>, vector<32x8x128xf32>
    %reduce_min3A_1847 = arith.constant dense<0x7F800000> : vector<8xf32>
    %reduce_min3A_1848 = vector.multi_reduction <minimumf>, %select_n3A_1846, %reduce_min3A_1847 [0, 2] : vector<32x8x128xf32> to vector<8xf32>
    %broadcast_in_dim3A_1849 = vector.shape_cast %reduce_min3A_1848 : vector<8xf32> to vector<1x8x1xf32>
    %eq3A_1850 = vector.broadcast %broadcast_in_dim3A_1849 : vector<1x8x1xf32> to vector<32x8x128xf32>
    %eq3A_1851 = arith.cmpf oeq, %select_n3A_1846, %eq3A_1850 : vector<32x8x128xf32>
    %jit3A_1852 = arith.constant 3.000000e+38 : f32
    %broadcast_in_dim3A_1853 = vector.broadcast %jit3A_1852 : f32 to vector<32x8x128xf32>
    %select_n3A_1854 = arith.select %eq3A_1851, %broadcast_in_dim3A_1853, %select_n3A_1836 : vector<32x8x128xi1>, vector<32x8x128xf32>
    %add3A_1855 = arith.addf %broadcast_in_dim3A_1849, %convert_element_type3A_31 : vector<1x8x1xf32>
    %convert_element_type3A_1856 = arith.fptosi %add3A_1855 : vector<1x8x1xf32> to vector<1x8x1xi32>
    %reduce_min3A_1857 = arith.constant dense<0x7F800000> : vector<8xf32>
    %reduce_min3A_1858 = vector.multi_reduction <minimumf>, %select_n3A_1854, %reduce_min3A_1857 [0, 2] : vector<32x8x128xf32> to vector<8xf32>
    %broadcast_in_dim3A_1859 = vector.shape_cast %reduce_min3A_1858 : vector<8xf32> to vector<1x8x1xf32>
    %eq3A_1860 = vector.broadcast %broadcast_in_dim3A_1859 : vector<1x8x1xf32> to vector<32x8x128xf32>
    %eq3A_1861 = arith.cmpf oeq, %select_n3A_1854, %eq3A_1860 : vector<32x8x128xf32>
    %jit3A_1862 = arith.constant 4.096000e+03 : f32
    %broadcast_in_dim3A_1863 = vector.broadcast %jit3A_1862 : f32 to vector<32x8x128xf32>
    %select_n3A_1864 = arith.select %eq3A_1861, %get3A_22, %broadcast_in_dim3A_1863 : vector<32x8x128xi1>, vector<32x8x128xf32>
    %reduce_min3A_1865 = arith.constant dense<0x7F800000> : vector<8xf32>
    %reduce_min3A_1866 = vector.multi_reduction <minimumf>, %select_n3A_1864, %reduce_min3A_1865 [0, 2] : vector<32x8x128xf32> to vector<8xf32>
    %broadcast_in_dim3A_1867 = vector.shape_cast %reduce_min3A_1866 : vector<8xf32> to vector<1x8x1xf32>
    %eq3A_1868 = vector.broadcast %broadcast_in_dim3A_1867 : vector<1x8x1xf32> to vector<32x8x128xf32>
    %eq3A_1869 = arith.cmpf oeq, %select_n3A_1864, %eq3A_1868 : vector<32x8x128xf32>
    %jit3A_1870 = arith.constant 3.000000e+38 : f32
    %broadcast_in_dim3A_1871 = vector.broadcast %jit3A_1870 : f32 to vector<32x8x128xf32>
    %select_n3A_1872 = arith.select %eq3A_1869, %broadcast_in_dim3A_1871, %select_n3A_1854 : vector<32x8x128xi1>, vector<32x8x128xf32>
    %add3A_1873 = arith.addf %broadcast_in_dim3A_1867, %convert_element_type3A_31 : vector<1x8x1xf32>
    %convert_element_type3A_1874 = arith.fptosi %add3A_1873 : vector<1x8x1xf32> to vector<1x8x1xi32>
    %reduce_min3A_1875 = arith.constant dense<0x7F800000> : vector<8xf32>
    %reduce_min3A_1876 = vector.multi_reduction <minimumf>, %select_n3A_1872, %reduce_min3A_1875 [0, 2] : vector<32x8x128xf32> to vector<8xf32>
    %broadcast_in_dim3A_1877 = vector.shape_cast %reduce_min3A_1876 : vector<8xf32> to vector<1x8x1xf32>
    %eq3A_1878 = vector.broadcast %broadcast_in_dim3A_1877 : vector<1x8x1xf32> to vector<32x8x128xf32>
    %eq3A_1879 = arith.cmpf oeq, %select_n3A_1872, %eq3A_1878 : vector<32x8x128xf32>
    %jit3A_1880 = arith.constant 4.096000e+03 : f32
    %broadcast_in_dim3A_1881 = vector.broadcast %jit3A_1880 : f32 to vector<32x8x128xf32>
    %select_n3A_1882 = arith.select %eq3A_1879, %get3A_22, %broadcast_in_dim3A_1881 : vector<32x8x128xi1>, vector<32x8x128xf32>
    %reduce_min3A_1883 = arith.constant dense<0x7F800000> : vector<8xf32>
    %reduce_min3A_1884 = vector.multi_reduction <minimumf>, %select_n3A_1882, %reduce_min3A_1883 [0, 2] : vector<32x8x128xf32> to vector<8xf32>
    %broadcast_in_dim3A_1885 = vector.shape_cast %reduce_min3A_1884 : vector<8xf32> to vector<1x8x1xf32>
    %eq3A_1886 = vector.broadcast %broadcast_in_dim3A_1885 : vector<1x8x1xf32> to vector<32x8x128xf32>
    %eq3A_1887 = arith.cmpf oeq, %select_n3A_1882, %eq3A_1886 : vector<32x8x128xf32>
    %jit3A_1888 = arith.constant 3.000000e+38 : f32
    %broadcast_in_dim3A_1889 = vector.broadcast %jit3A_1888 : f32 to vector<32x8x128xf32>
    %select_n3A_1890 = arith.select %eq3A_1887, %broadcast_in_dim3A_1889, %select_n3A_1872 : vector<32x8x128xi1>, vector<32x8x128xf32>
    %add3A_1891 = arith.addf %broadcast_in_dim3A_1885, %convert_element_type3A_31 : vector<1x8x1xf32>
    %convert_element_type3A_1892 = arith.fptosi %add3A_1891 : vector<1x8x1xf32> to vector<1x8x1xi32>
    %reduce_min3A_1893 = arith.constant dense<0x7F800000> : vector<8xf32>
    %reduce_min3A_1894 = vector.multi_reduction <minimumf>, %select_n3A_1890, %reduce_min3A_1893 [0, 2] : vector<32x8x128xf32> to vector<8xf32>
    %broadcast_in_dim3A_1895 = vector.shape_cast %reduce_min3A_1894 : vector<8xf32> to vector<1x8x1xf32>
    %eq3A_1896 = vector.broadcast %broadcast_in_dim3A_1895 : vector<1x8x1xf32> to vector<32x8x128xf32>
    %eq3A_1897 = arith.cmpf oeq, %select_n3A_1890, %eq3A_1896 : vector<32x8x128xf32>
    %jit3A_1898 = arith.constant 4.096000e+03 : f32
    %broadcast_in_dim3A_1899 = vector.broadcast %jit3A_1898 : f32 to vector<32x8x128xf32>
    %select_n3A_1900 = arith.select %eq3A_1897, %get3A_22, %broadcast_in_dim3A_1899 : vector<32x8x128xi1>, vector<32x8x128xf32>
    %reduce_min3A_1901 = arith.constant dense<0x7F800000> : vector<8xf32>
    %reduce_min3A_1902 = vector.multi_reduction <minimumf>, %select_n3A_1900, %reduce_min3A_1901 [0, 2] : vector<32x8x128xf32> to vector<8xf32>
    %broadcast_in_dim3A_1903 = vector.shape_cast %reduce_min3A_1902 : vector<8xf32> to vector<1x8x1xf32>
    %eq3A_1904 = vector.broadcast %broadcast_in_dim3A_1903 : vector<1x8x1xf32> to vector<32x8x128xf32>
    %eq3A_1905 = arith.cmpf oeq, %select_n3A_1900, %eq3A_1904 : vector<32x8x128xf32>
    %jit3A_1906 = arith.constant 3.000000e+38 : f32
    %broadcast_in_dim3A_1907 = vector.broadcast %jit3A_1906 : f32 to vector<32x8x128xf32>
    %select_n3A_1908 = arith.select %eq3A_1905, %broadcast_in_dim3A_1907, %select_n3A_1890 : vector<32x8x128xi1>, vector<32x8x128xf32>
    %add3A_1909 = arith.addf %broadcast_in_dim3A_1903, %convert_element_type3A_31 : vector<1x8x1xf32>
    %convert_element_type3A_1910 = arith.fptosi %add3A_1909 : vector<1x8x1xf32> to vector<1x8x1xi32>
    %reduce_min3A_1911 = arith.constant dense<0x7F800000> : vector<8xf32>
    %reduce_min3A_1912 = vector.multi_reduction <minimumf>, %select_n3A_1908, %reduce_min3A_1911 [0, 2] : vector<32x8x128xf32> to vector<8xf32>
    %broadcast_in_dim3A_1913 = vector.shape_cast %reduce_min3A_1912 : vector<8xf32> to vector<1x8x1xf32>
    %eq3A_1914 = vector.broadcast %broadcast_in_dim3A_1913 : vector<1x8x1xf32> to vector<32x8x128xf32>
    %eq3A_1915 = arith.cmpf oeq, %select_n3A_1908, %eq3A_1914 : vector<32x8x128xf32>
    %jit3A_1916 = arith.constant 4.096000e+03 : f32
    %broadcast_in_dim3A_1917 = vector.broadcast %jit3A_1916 : f32 to vector<32x8x128xf32>
    %select_n3A_1918 = arith.select %eq3A_1915, %get3A_22, %broadcast_in_dim3A_1917 : vector<32x8x128xi1>, vector<32x8x128xf32>
    %reduce_min3A_1919 = arith.constant dense<0x7F800000> : vector<8xf32>
    %reduce_min3A_1920 = vector.multi_reduction <minimumf>, %select_n3A_1918, %reduce_min3A_1919 [0, 2] : vector<32x8x128xf32> to vector<8xf32>
    %broadcast_in_dim3A_1921 = vector.shape_cast %reduce_min3A_1920 : vector<8xf32> to vector<1x8x1xf32>
    %eq3A_1922 = vector.broadcast %broadcast_in_dim3A_1921 : vector<1x8x1xf32> to vector<32x8x128xf32>
    %eq3A_1923 = arith.cmpf oeq, %select_n3A_1918, %eq3A_1922 : vector<32x8x128xf32>
    %jit3A_1924 = arith.constant 3.000000e+38 : f32
    %broadcast_in_dim3A_1925 = vector.broadcast %jit3A_1924 : f32 to vector<32x8x128xf32>
    %select_n3A_1926 = arith.select %eq3A_1923, %broadcast_in_dim3A_1925, %select_n3A_1908 : vector<32x8x128xi1>, vector<32x8x128xf32>
    %add3A_1927 = arith.addf %broadcast_in_dim3A_1921, %convert_element_type3A_31 : vector<1x8x1xf32>
    %convert_element_type3A_1928 = arith.fptosi %add3A_1927 : vector<1x8x1xf32> to vector<1x8x1xi32>
    %reduce_min3A_1929 = arith.constant dense<0x7F800000> : vector<8xf32>
    %reduce_min3A_1930 = vector.multi_reduction <minimumf>, %select_n3A_1926, %reduce_min3A_1929 [0, 2] : vector<32x8x128xf32> to vector<8xf32>
    %broadcast_in_dim3A_1931 = vector.shape_cast %reduce_min3A_1930 : vector<8xf32> to vector<1x8x1xf32>
    %eq3A_1932 = vector.broadcast %broadcast_in_dim3A_1931 : vector<1x8x1xf32> to vector<32x8x128xf32>
    %eq3A_1933 = arith.cmpf oeq, %select_n3A_1926, %eq3A_1932 : vector<32x8x128xf32>
    %jit3A_1934 = arith.constant 4.096000e+03 : f32
    %broadcast_in_dim3A_1935 = vector.broadcast %jit3A_1934 : f32 to vector<32x8x128xf32>
    %select_n3A_1936 = arith.select %eq3A_1933, %get3A_22, %broadcast_in_dim3A_1935 : vector<32x8x128xi1>, vector<32x8x128xf32>
    %reduce_min3A_1937 = arith.constant dense<0x7F800000> : vector<8xf32>
    %reduce_min3A_1938 = vector.multi_reduction <minimumf>, %select_n3A_1936, %reduce_min3A_1937 [0, 2] : vector<32x8x128xf32> to vector<8xf32>
    %broadcast_in_dim3A_1939 = vector.shape_cast %reduce_min3A_1938 : vector<8xf32> to vector<1x8x1xf32>
    %eq3A_1940 = vector.broadcast %broadcast_in_dim3A_1939 : vector<1x8x1xf32> to vector<32x8x128xf32>
    %eq3A_1941 = arith.cmpf oeq, %select_n3A_1936, %eq3A_1940 : vector<32x8x128xf32>
    %jit3A_1942 = arith.constant 3.000000e+38 : f32
    %broadcast_in_dim3A_1943 = vector.broadcast %jit3A_1942 : f32 to vector<32x8x128xf32>
    %select_n3A_1944 = arith.select %eq3A_1941, %broadcast_in_dim3A_1943, %select_n3A_1926 : vector<32x8x128xi1>, vector<32x8x128xf32>
    %add3A_1945 = arith.addf %broadcast_in_dim3A_1939, %convert_element_type3A_31 : vector<1x8x1xf32>
    %convert_element_type3A_1946 = arith.fptosi %add3A_1945 : vector<1x8x1xf32> to vector<1x8x1xi32>
    %reduce_min3A_1947 = arith.constant dense<0x7F800000> : vector<8xf32>
    %reduce_min3A_1948 = vector.multi_reduction <minimumf>, %select_n3A_1944, %reduce_min3A_1947 [0, 2] : vector<32x8x128xf32> to vector<8xf32>
    %broadcast_in_dim3A_1949 = vector.shape_cast %reduce_min3A_1948 : vector<8xf32> to vector<1x8x1xf32>
    %eq3A_1950 = vector.broadcast %broadcast_in_dim3A_1949 : vector<1x8x1xf32> to vector<32x8x128xf32>
    %eq3A_1951 = arith.cmpf oeq, %select_n3A_1944, %eq3A_1950 : vector<32x8x128xf32>
    %jit3A_1952 = arith.constant 4.096000e+03 : f32
    %broadcast_in_dim3A_1953 = vector.broadcast %jit3A_1952 : f32 to vector<32x8x128xf32>
    %select_n3A_1954 = arith.select %eq3A_1951, %get3A_22, %broadcast_in_dim3A_1953 : vector<32x8x128xi1>, vector<32x8x128xf32>
    %reduce_min3A_1955 = arith.constant dense<0x7F800000> : vector<8xf32>
    %reduce_min3A_1956 = vector.multi_reduction <minimumf>, %select_n3A_1954, %reduce_min3A_1955 [0, 2] : vector<32x8x128xf32> to vector<8xf32>
    %broadcast_in_dim3A_1957 = vector.shape_cast %reduce_min3A_1956 : vector<8xf32> to vector<1x8x1xf32>
    %eq3A_1958 = vector.broadcast %broadcast_in_dim3A_1957 : vector<1x8x1xf32> to vector<32x8x128xf32>
    %eq3A_1959 = arith.cmpf oeq, %select_n3A_1954, %eq3A_1958 : vector<32x8x128xf32>
    %jit3A_1960 = arith.constant 3.000000e+38 : f32
    %broadcast_in_dim3A_1961 = vector.broadcast %jit3A_1960 : f32 to vector<32x8x128xf32>
    %select_n3A_1962 = arith.select %eq3A_1959, %broadcast_in_dim3A_1961, %select_n3A_1944 : vector<32x8x128xi1>, vector<32x8x128xf32>
    %add3A_1963 = arith.addf %broadcast_in_dim3A_1957, %convert_element_type3A_31 : vector<1x8x1xf32>
    %convert_element_type3A_1964 = arith.fptosi %add3A_1963 : vector<1x8x1xf32> to vector<1x8x1xi32>
    %reduce_min3A_1965 = arith.constant dense<0x7F800000> : vector<8xf32>
    %reduce_min3A_1966 = vector.multi_reduction <minimumf>, %select_n3A_1962, %reduce_min3A_1965 [0, 2] : vector<32x8x128xf32> to vector<8xf32>
    %broadcast_in_dim3A_1967 = vector.shape_cast %reduce_min3A_1966 : vector<8xf32> to vector<1x8x1xf32>
    %eq3A_1968 = vector.broadcast %broadcast_in_dim3A_1967 : vector<1x8x1xf32> to vector<32x8x128xf32>
    %eq3A_1969 = arith.cmpf oeq, %select_n3A_1962, %eq3A_1968 : vector<32x8x128xf32>
    %jit3A_1970 = arith.constant 4.096000e+03 : f32
    %broadcast_in_dim3A_1971 = vector.broadcast %jit3A_1970 : f32 to vector<32x8x128xf32>
    %select_n3A_1972 = arith.select %eq3A_1969, %get3A_22, %broadcast_in_dim3A_1971 : vector<32x8x128xi1>, vector<32x8x128xf32>
    %reduce_min3A_1973 = arith.constant dense<0x7F800000> : vector<8xf32>
    %reduce_min3A_1974 = vector.multi_reduction <minimumf>, %select_n3A_1972, %reduce_min3A_1973 [0, 2] : vector<32x8x128xf32> to vector<8xf32>
    %broadcast_in_dim3A_1975 = vector.shape_cast %reduce_min3A_1974 : vector<8xf32> to vector<1x8x1xf32>
    %eq3A_1976 = vector.broadcast %broadcast_in_dim3A_1975 : vector<1x8x1xf32> to vector<32x8x128xf32>
    %eq3A_1977 = arith.cmpf oeq, %select_n3A_1972, %eq3A_1976 : vector<32x8x128xf32>
    %jit3A_1978 = arith.constant 3.000000e+38 : f32
    %broadcast_in_dim3A_1979 = vector.broadcast %jit3A_1978 : f32 to vector<32x8x128xf32>
    %select_n3A_1980 = arith.select %eq3A_1977, %broadcast_in_dim3A_1979, %select_n3A_1962 : vector<32x8x128xi1>, vector<32x8x128xf32>
    %add3A_1981 = arith.addf %broadcast_in_dim3A_1975, %convert_element_type3A_31 : vector<1x8x1xf32>
    %convert_element_type3A_1982 = arith.fptosi %add3A_1981 : vector<1x8x1xf32> to vector<1x8x1xi32>
    %reduce_min3A_1983 = arith.constant dense<0x7F800000> : vector<8xf32>
    %reduce_min3A_1984 = vector.multi_reduction <minimumf>, %select_n3A_1980, %reduce_min3A_1983 [0, 2] : vector<32x8x128xf32> to vector<8xf32>
    %broadcast_in_dim3A_1985 = vector.shape_cast %reduce_min3A_1984 : vector<8xf32> to vector<1x8x1xf32>
    %eq3A_1986 = vector.broadcast %broadcast_in_dim3A_1985 : vector<1x8x1xf32> to vector<32x8x128xf32>
    %eq3A_1987 = arith.cmpf oeq, %select_n3A_1980, %eq3A_1986 : vector<32x8x128xf32>
    %jit3A_1988 = arith.constant 4.096000e+03 : f32
    %broadcast_in_dim3A_1989 = vector.broadcast %jit3A_1988 : f32 to vector<32x8x128xf32>
    %select_n3A_1990 = arith.select %eq3A_1987, %get3A_22, %broadcast_in_dim3A_1989 : vector<32x8x128xi1>, vector<32x8x128xf32>
    %reduce_min3A_1991 = arith.constant dense<0x7F800000> : vector<8xf32>
    %reduce_min3A_1992 = vector.multi_reduction <minimumf>, %select_n3A_1990, %reduce_min3A_1991 [0, 2] : vector<32x8x128xf32> to vector<8xf32>
    %broadcast_in_dim3A_1993 = vector.shape_cast %reduce_min3A_1992 : vector<8xf32> to vector<1x8x1xf32>
    %eq3A_1994 = vector.broadcast %broadcast_in_dim3A_1993 : vector<1x8x1xf32> to vector<32x8x128xf32>
    %eq3A_1995 = arith.cmpf oeq, %select_n3A_1990, %eq3A_1994 : vector<32x8x128xf32>
    %jit3A_1996 = arith.constant 3.000000e+38 : f32
    %broadcast_in_dim3A_1997 = vector.broadcast %jit3A_1996 : f32 to vector<32x8x128xf32>
    %select_n3A_1998 = arith.select %eq3A_1995, %broadcast_in_dim3A_1997, %select_n3A_1980 : vector<32x8x128xi1>, vector<32x8x128xf32>
    %add3A_1999 = arith.addf %broadcast_in_dim3A_1993, %convert_element_type3A_31 : vector<1x8x1xf32>
    %convert_element_type3A_2000 = arith.fptosi %add3A_1999 : vector<1x8x1xf32> to vector<1x8x1xi32>
    %reduce_min3A_2001 = arith.constant dense<0x7F800000> : vector<8xf32>
    %reduce_min3A_2002 = vector.multi_reduction <minimumf>, %select_n3A_1998, %reduce_min3A_2001 [0, 2] : vector<32x8x128xf32> to vector<8xf32>
    %broadcast_in_dim3A_2003 = vector.shape_cast %reduce_min3A_2002 : vector<8xf32> to vector<1x8x1xf32>
    %eq3A_2004 = vector.broadcast %broadcast_in_dim3A_2003 : vector<1x8x1xf32> to vector<32x8x128xf32>
    %eq3A_2005 = arith.cmpf oeq, %select_n3A_1998, %eq3A_2004 : vector<32x8x128xf32>
    %jit3A_2006 = arith.constant 4.096000e+03 : f32
    %broadcast_in_dim3A_2007 = vector.broadcast %jit3A_2006 : f32 to vector<32x8x128xf32>
    %select_n3A_2008 = arith.select %eq3A_2005, %get3A_22, %broadcast_in_dim3A_2007 : vector<32x8x128xi1>, vector<32x8x128xf32>
    %reduce_min3A_2009 = arith.constant dense<0x7F800000> : vector<8xf32>
    %reduce_min3A_2010 = vector.multi_reduction <minimumf>, %select_n3A_2008, %reduce_min3A_2009 [0, 2] : vector<32x8x128xf32> to vector<8xf32>
    %broadcast_in_dim3A_2011 = vector.shape_cast %reduce_min3A_2010 : vector<8xf32> to vector<1x8x1xf32>
    %eq3A_2012 = vector.broadcast %broadcast_in_dim3A_2011 : vector<1x8x1xf32> to vector<32x8x128xf32>
    %eq3A_2013 = arith.cmpf oeq, %select_n3A_2008, %eq3A_2012 : vector<32x8x128xf32>
    %jit3A_2014 = arith.constant 3.000000e+38 : f32
    %broadcast_in_dim3A_2015 = vector.broadcast %jit3A_2014 : f32 to vector<32x8x128xf32>
    %select_n3A_2016 = arith.select %eq3A_2013, %broadcast_in_dim3A_2015, %select_n3A_1998 : vector<32x8x128xi1>, vector<32x8x128xf32>
    %add3A_2017 = arith.addf %broadcast_in_dim3A_2011, %convert_element_type3A_31 : vector<1x8x1xf32>
    %convert_element_type3A_2018 = arith.fptosi %add3A_2017 : vector<1x8x1xf32> to vector<1x8x1xi32>
    %reduce_min3A_2019 = arith.constant dense<0x7F800000> : vector<8xf32>
    %reduce_min3A_2020 = vector.multi_reduction <minimumf>, %select_n3A_2016, %reduce_min3A_2019 [0, 2] : vector<32x8x128xf32> to vector<8xf32>
    %broadcast_in_dim3A_2021 = vector.shape_cast %reduce_min3A_2020 : vector<8xf32> to vector<1x8x1xf32>
    %eq3A_2022 = vector.broadcast %broadcast_in_dim3A_2021 : vector<1x8x1xf32> to vector<32x8x128xf32>
    %eq3A_2023 = arith.cmpf oeq, %select_n3A_2016, %eq3A_2022 : vector<32x8x128xf32>
    %jit3A_2024 = arith.constant 4.096000e+03 : f32
    %broadcast_in_dim3A_2025 = vector.broadcast %jit3A_2024 : f32 to vector<32x8x128xf32>
    %select_n3A_2026 = arith.select %eq3A_2023, %get3A_22, %broadcast_in_dim3A_2025 : vector<32x8x128xi1>, vector<32x8x128xf32>
    %reduce_min3A_2027 = arith.constant dense<0x7F800000> : vector<8xf32>
    %reduce_min3A_2028 = vector.multi_reduction <minimumf>, %select_n3A_2026, %reduce_min3A_2027 [0, 2] : vector<32x8x128xf32> to vector<8xf32>
    %broadcast_in_dim3A_2029 = vector.shape_cast %reduce_min3A_2028 : vector<8xf32> to vector<1x8x1xf32>
    %eq3A_2030 = vector.broadcast %broadcast_in_dim3A_2029 : vector<1x8x1xf32> to vector<32x8x128xf32>
    %eq3A_2031 = arith.cmpf oeq, %select_n3A_2026, %eq3A_2030 : vector<32x8x128xf32>
    %jit3A_2032 = arith.constant 3.000000e+38 : f32
    %broadcast_in_dim3A_2033 = vector.broadcast %jit3A_2032 : f32 to vector<32x8x128xf32>
    %select_n3A_2034 = arith.select %eq3A_2031, %broadcast_in_dim3A_2033, %select_n3A_2016 : vector<32x8x128xi1>, vector<32x8x128xf32>
    %add3A_2035 = arith.addf %broadcast_in_dim3A_2029, %convert_element_type3A_31 : vector<1x8x1xf32>
    %convert_element_type3A_2036 = arith.fptosi %add3A_2035 : vector<1x8x1xf32> to vector<1x8x1xi32>
    %reduce_min3A_2037 = arith.constant dense<0x7F800000> : vector<8xf32>
    %reduce_min3A_2038 = vector.multi_reduction <minimumf>, %select_n3A_2034, %reduce_min3A_2037 [0, 2] : vector<32x8x128xf32> to vector<8xf32>
    %broadcast_in_dim3A_2039 = vector.shape_cast %reduce_min3A_2038 : vector<8xf32> to vector<1x8x1xf32>
    %eq3A_2040 = vector.broadcast %broadcast_in_dim3A_2039 : vector<1x8x1xf32> to vector<32x8x128xf32>
    %eq3A_2041 = arith.cmpf oeq, %select_n3A_2034, %eq3A_2040 : vector<32x8x128xf32>
    %jit3A_2042 = arith.constant 4.096000e+03 : f32
    %broadcast_in_dim3A_2043 = vector.broadcast %jit3A_2042 : f32 to vector<32x8x128xf32>
    %select_n3A_2044 = arith.select %eq3A_2041, %get3A_22, %broadcast_in_dim3A_2043 : vector<32x8x128xi1>, vector<32x8x128xf32>
    %reduce_min3A_2045 = arith.constant dense<0x7F800000> : vector<8xf32>
    %reduce_min3A_2046 = vector.multi_reduction <minimumf>, %select_n3A_2044, %reduce_min3A_2045 [0, 2] : vector<32x8x128xf32> to vector<8xf32>
    %broadcast_in_dim3A_2047 = vector.shape_cast %reduce_min3A_2046 : vector<8xf32> to vector<1x8x1xf32>
    %eq3A_2048 = vector.broadcast %broadcast_in_dim3A_2047 : vector<1x8x1xf32> to vector<32x8x128xf32>
    %eq3A_2049 = arith.cmpf oeq, %select_n3A_2044, %eq3A_2048 : vector<32x8x128xf32>
    %jit3A_2050 = arith.constant 3.000000e+38 : f32
    %broadcast_in_dim3A_2051 = vector.broadcast %jit3A_2050 : f32 to vector<32x8x128xf32>
    %select_n3A_2052 = arith.select %eq3A_2049, %broadcast_in_dim3A_2051, %select_n3A_2034 : vector<32x8x128xi1>, vector<32x8x128xf32>
    %add3A_2053 = arith.addf %broadcast_in_dim3A_2047, %convert_element_type3A_31 : vector<1x8x1xf32>
    %convert_element_type3A_2054 = arith.fptosi %add3A_2053 : vector<1x8x1xf32> to vector<1x8x1xi32>
    %reduce_min3A_2055 = arith.constant dense<0x7F800000> : vector<8xf32>
    %reduce_min3A_2056 = vector.multi_reduction <minimumf>, %select_n3A_2052, %reduce_min3A_2055 [0, 2] : vector<32x8x128xf32> to vector<8xf32>
    %broadcast_in_dim3A_2057 = vector.shape_cast %reduce_min3A_2056 : vector<8xf32> to vector<1x8x1xf32>
    %eq3A_2058 = vector.broadcast %broadcast_in_dim3A_2057 : vector<1x8x1xf32> to vector<32x8x128xf32>
    %eq3A_2059 = arith.cmpf oeq, %select_n3A_2052, %eq3A_2058 : vector<32x8x128xf32>
    %jit3A_2060 = arith.constant 4.096000e+03 : f32
    %broadcast_in_dim3A_2061 = vector.broadcast %jit3A_2060 : f32 to vector<32x8x128xf32>
    %select_n3A_2062 = arith.select %eq3A_2059, %get3A_22, %broadcast_in_dim3A_2061 : vector<32x8x128xi1>, vector<32x8x128xf32>
    %reduce_min3A_2063 = arith.constant dense<0x7F800000> : vector<8xf32>
    %reduce_min3A_2064 = vector.multi_reduction <minimumf>, %select_n3A_2062, %reduce_min3A_2063 [0, 2] : vector<32x8x128xf32> to vector<8xf32>
    %broadcast_in_dim3A_2065 = vector.shape_cast %reduce_min3A_2064 : vector<8xf32> to vector<1x8x1xf32>
    %eq3A_2066 = vector.broadcast %broadcast_in_dim3A_2065 : vector<1x8x1xf32> to vector<32x8x128xf32>
    %eq3A_2067 = arith.cmpf oeq, %select_n3A_2062, %eq3A_2066 : vector<32x8x128xf32>
    %jit3A_2068 = arith.constant 3.000000e+38 : f32
    %broadcast_in_dim3A_2069 = vector.broadcast %jit3A_2068 : f32 to vector<32x8x128xf32>
    %select_n3A_2070 = arith.select %eq3A_2067, %broadcast_in_dim3A_2069, %select_n3A_2052 : vector<32x8x128xi1>, vector<32x8x128xf32>
    %add3A_2071 = arith.addf %broadcast_in_dim3A_2065, %convert_element_type3A_31 : vector<1x8x1xf32>
    %convert_element_type3A_2072 = arith.fptosi %add3A_2071 : vector<1x8x1xf32> to vector<1x8x1xi32>
    %reduce_min3A_2073 = arith.constant dense<0x7F800000> : vector<8xf32>
    %reduce_min3A_2074 = vector.multi_reduction <minimumf>, %select_n3A_2070, %reduce_min3A_2073 [0, 2] : vector<32x8x128xf32> to vector<8xf32>
    %broadcast_in_dim3A_2075 = vector.shape_cast %reduce_min3A_2074 : vector<8xf32> to vector<1x8x1xf32>
    %eq3A_2076 = vector.broadcast %broadcast_in_dim3A_2075 : vector<1x8x1xf32> to vector<32x8x128xf32>
    %eq3A_2077 = arith.cmpf oeq, %select_n3A_2070, %eq3A_2076 : vector<32x8x128xf32>
    %jit3A_2078 = arith.constant 4.096000e+03 : f32
    %broadcast_in_dim3A_2079 = vector.broadcast %jit3A_2078 : f32 to vector<32x8x128xf32>
    %select_n3A_2080 = arith.select %eq3A_2077, %get3A_22, %broadcast_in_dim3A_2079 : vector<32x8x128xi1>, vector<32x8x128xf32>
    %reduce_min3A_2081 = arith.constant dense<0x7F800000> : vector<8xf32>
    %reduce_min3A_2082 = vector.multi_reduction <minimumf>, %select_n3A_2080, %reduce_min3A_2081 [0, 2] : vector<32x8x128xf32> to vector<8xf32>
    %broadcast_in_dim3A_2083 = vector.shape_cast %reduce_min3A_2082 : vector<8xf32> to vector<1x8x1xf32>
    %add3A_2084 = arith.addf %broadcast_in_dim3A_2083, %convert_element_type3A_31 : vector<1x8x1xf32>
    %convert_element_type3A_2085 = arith.fptosi %add3A_2084 : vector<1x8x1xf32> to vector<1x8x1xi32>
    %concatenate3A_2086 = tpu.concatenate %convert_element_type3A_1820, %convert_element_type3A_1838, %convert_element_type3A_1856, %convert_element_type3A_1874, %convert_element_type3A_1892, %convert_element_type3A_1910, %convert_element_type3A_1928, %convert_element_type3A_1946, %convert_element_type3A_1964, %convert_element_type3A_1982, %convert_element_type3A_2000, %convert_element_type3A_2018, %convert_element_type3A_2036, %convert_element_type3A_2054, %convert_element_type3A_2072, %convert_element_type3A_2085 in 2 : vector<1x8x1xi32>, vector<1x8x1xi32>, vector<1x8x1xi32>, vector<1x8x1xi32>, vector<1x8x1xi32>, vector<1x8x1xi32>, vector<1x8x1xi32>, vector<1x8x1xi32>, vector<1x8x1xi32>, vector<1x8x1xi32>, vector<1x8x1xi32>, vector<1x8x1xi32>, vector<1x8x1xi32>, vector<1x8x1xi32>, vector<1x8x1xi32>, vector<1x8x1xi32> -> vector<1x8x16xi32>
    %swap3A_2087 = arith.constant 6 : index
    %swap3A_2088 = arith.constant 0 : index
    %swap3A_2089 = arith.constant 0 : index
    %swap3A_2090 = vector.load %arg2[%swap3A_2087, %swap3A_2088, %swap3A_2089] : memref<8x8x16xi32, #tpu.memory_space<vmem>>, vector<1x8x16xi32>
    tpu.vector_store %arg2[%swap3A_2087, %swap3A_2088, %swap3A_2089], %concatenate3A_2086 {strides = array<i32>} : memref<8x8x16xi32, #tpu.memory_space<vmem>>, vector<1x8x16xi32>,
    %get3A_2091 = arith.index_cast %rem3A_28 : i32 to index
    %get3A_2092 = arith.constant 7 : index
    %get3A_2093 = arith.constant 0 : index
    %get3A_2094 = arith.constant 0 : index
    %get3A_2095 = arith.constant 0 : index
    %get3A_2096 = vector.load %arg5[%get3A_2091, %get3A_2092, %get3A_2093, %get3A_2094, %get3A_2095] : memref<2x8x32x8x128xf32, #tpu.memory_space<vmem>>, vector<1x1x32x8x128xf32>
    %get3A_2097 = vector.shape_cast %get3A_2096 : vector<1x1x32x8x128xf32> to vector<32x8x128xf32>
    %reduce_min3A_2098 = arith.constant dense<0x7F800000> : vector<8xf32>
    %reduce_min3A_2099 = vector.multi_reduction <minimumf>, %get3A_2097, %reduce_min3A_2098 [0, 2] : vector<32x8x128xf32> to vector<8xf32>
    %broadcast_in_dim3A_2100 = vector.shape_cast %reduce_min3A_2099 : vector<8xf32> to vector<1x8x1xf32>
    %eq3A_2101 = vector.broadcast %broadcast_in_dim3A_2100 : vector<1x8x1xf32> to vector<32x8x128xf32>
    %eq3A_2102 = arith.cmpf oeq, %get3A_2097, %eq3A_2101 : vector<32x8x128xf32>
    %jit3A_2103 = arith.constant 4.096000e+03 : f32
    %broadcast_in_dim3A_2104 = vector.broadcast %jit3A_2103 : f32 to vector<32x8x128xf32>
    %select_n3A_2105 = arith.select %eq3A_2102, %get3A_22, %broadcast_in_dim3A_2104 : vector<32x8x128xi1>, vector<32x8x128xf32>
    %reduce_min3A_2106 = arith.constant dense<0x7F800000> : vector<8xf32>
    %reduce_min3A_2107 = vector.multi_reduction <minimumf>, %select_n3A_2105, %reduce_min3A_2106 [0, 2] : vector<32x8x128xf32> to vector<8xf32>
    %broadcast_in_dim3A_2108 = vector.shape_cast %reduce_min3A_2107 : vector<8xf32> to vector<1x8x1xf32>
    %eq3A_2109 = vector.broadcast %broadcast_in_dim3A_2108 : vector<1x8x1xf32> to vector<32x8x128xf32>
    %eq3A_2110 = arith.cmpf oeq, %select_n3A_2105, %eq3A_2109 : vector<32x8x128xf32>
    %jit3A_2111 = arith.constant 3.000000e+38 : f32
    %broadcast_in_dim3A_2112 = vector.broadcast %jit3A_2111 : f32 to vector<32x8x128xf32>
    %select_n3A_2113 = arith.select %eq3A_2110, %broadcast_in_dim3A_2112, %get3A_2097 : vector<32x8x128xi1>, vector<32x8x128xf32>
    %add3A_2114 = arith.addf %broadcast_in_dim3A_2108, %convert_element_type3A_31 : vector<1x8x1xf32>
    %convert_element_type3A_2115 = arith.fptosi %add3A_2114 : vector<1x8x1xf32> to vector<1x8x1xi32>
    %reduce_min3A_2116 = arith.constant dense<0x7F800000> : vector<8xf32>
    %reduce_min3A_2117 = vector.multi_reduction <minimumf>, %select_n3A_2113, %reduce_min3A_2116 [0, 2] : vector<32x8x128xf32> to vector<8xf32>
    %broadcast_in_dim3A_2118 = vector.shape_cast %reduce_min3A_2117 : vector<8xf32> to vector<1x8x1xf32>
    %eq3A_2119 = vector.broadcast %broadcast_in_dim3A_2118 : vector<1x8x1xf32> to vector<32x8x128xf32>
    %eq3A_2120 = arith.cmpf oeq, %select_n3A_2113, %eq3A_2119 : vector<32x8x128xf32>
    %jit3A_2121 = arith.constant 4.096000e+03 : f32
    %broadcast_in_dim3A_2122 = vector.broadcast %jit3A_2121 : f32 to vector<32x8x128xf32>
    %select_n3A_2123 = arith.select %eq3A_2120, %get3A_22, %broadcast_in_dim3A_2122 : vector<32x8x128xi1>, vector<32x8x128xf32>
    %reduce_min3A_2124 = arith.constant dense<0x7F800000> : vector<8xf32>
    %reduce_min3A_2125 = vector.multi_reduction <minimumf>, %select_n3A_2123, %reduce_min3A_2124 [0, 2] : vector<32x8x128xf32> to vector<8xf32>
    %broadcast_in_dim3A_2126 = vector.shape_cast %reduce_min3A_2125 : vector<8xf32> to vector<1x8x1xf32>
    %eq3A_2127 = vector.broadcast %broadcast_in_dim3A_2126 : vector<1x8x1xf32> to vector<32x8x128xf32>
    %eq3A_2128 = arith.cmpf oeq, %select_n3A_2123, %eq3A_2127 : vector<32x8x128xf32>
    %jit3A_2129 = arith.constant 3.000000e+38 : f32
    %broadcast_in_dim3A_2130 = vector.broadcast %jit3A_2129 : f32 to vector<32x8x128xf32>
    %select_n3A_2131 = arith.select %eq3A_2128, %broadcast_in_dim3A_2130, %select_n3A_2113 : vector<32x8x128xi1>, vector<32x8x128xf32>
    %add3A_2132 = arith.addf %broadcast_in_dim3A_2126, %convert_element_type3A_31 : vector<1x8x1xf32>
    %convert_element_type3A_2133 = arith.fptosi %add3A_2132 : vector<1x8x1xf32> to vector<1x8x1xi32>
    %reduce_min3A_2134 = arith.constant dense<0x7F800000> : vector<8xf32>
    %reduce_min3A_2135 = vector.multi_reduction <minimumf>, %select_n3A_2131, %reduce_min3A_2134 [0, 2] : vector<32x8x128xf32> to vector<8xf32>
    %broadcast_in_dim3A_2136 = vector.shape_cast %reduce_min3A_2135 : vector<8xf32> to vector<1x8x1xf32>
    %eq3A_2137 = vector.broadcast %broadcast_in_dim3A_2136 : vector<1x8x1xf32> to vector<32x8x128xf32>
    %eq3A_2138 = arith.cmpf oeq, %select_n3A_2131, %eq3A_2137 : vector<32x8x128xf32>
    %jit3A_2139 = arith.constant 4.096000e+03 : f32
    %broadcast_in_dim3A_2140 = vector.broadcast %jit3A_2139 : f32 to vector<32x8x128xf32>
    %select_n3A_2141 = arith.select %eq3A_2138, %get3A_22, %broadcast_in_dim3A_2140 : vector<32x8x128xi1>, vector<32x8x128xf32>
    %reduce_min3A_2142 = arith.constant dense<0x7F800000> : vector<8xf32>
    %reduce_min3A_2143 = vector.multi_reduction <minimumf>, %select_n3A_2141, %reduce_min3A_2142 [0, 2] : vector<32x8x128xf32> to vector<8xf32>
    %broadcast_in_dim3A_2144 = vector.shape_cast %reduce_min3A_2143 : vector<8xf32> to vector<1x8x1xf32>
    %eq3A_2145 = vector.broadcast %broadcast_in_dim3A_2144 : vector<1x8x1xf32> to vector<32x8x128xf32>
    %eq3A_2146 = arith.cmpf oeq, %select_n3A_2141, %eq3A_2145 : vector<32x8x128xf32>
    %jit3A_2147 = arith.constant 3.000000e+38 : f32
    %broadcast_in_dim3A_2148 = vector.broadcast %jit3A_2147 : f32 to vector<32x8x128xf32>
    %select_n3A_2149 = arith.select %eq3A_2146, %broadcast_in_dim3A_2148, %select_n3A_2131 : vector<32x8x128xi1>, vector<32x8x128xf32>
    %add3A_2150 = arith.addf %broadcast_in_dim3A_2144, %convert_element_type3A_31 : vector<1x8x1xf32>
    %convert_element_type3A_2151 = arith.fptosi %add3A_2150 : vector<1x8x1xf32> to vector<1x8x1xi32>
    %reduce_min3A_2152 = arith.constant dense<0x7F800000> : vector<8xf32>
    %reduce_min3A_2153 = vector.multi_reduction <minimumf>, %select_n3A_2149, %reduce_min3A_2152 [0, 2] : vector<32x8x128xf32> to vector<8xf32>
    %broadcast_in_dim3A_2154 = vector.shape_cast %reduce_min3A_2153 : vector<8xf32> to vector<1x8x1xf32>
    %eq3A_2155 = vector.broadcast %broadcast_in_dim3A_2154 : vector<1x8x1xf32> to vector<32x8x128xf32>
    %eq3A_2156 = arith.cmpf oeq, %select_n3A_2149, %eq3A_2155 : vector<32x8x128xf32>
    %jit3A_2157 = arith.constant 4.096000e+03 : f32
    %broadcast_in_dim3A_2158 = vector.broadcast %jit3A_2157 : f32 to vector<32x8x128xf32>
    %select_n3A_2159 = arith.select %eq3A_2156, %get3A_22, %broadcast_in_dim3A_2158 : vector<32x8x128xi1>, vector<32x8x128xf32>
    %reduce_min3A_2160 = arith.constant dense<0x7F800000> : vector<8xf32>
    %reduce_min3A_2161 = vector.multi_reduction <minimumf>, %select_n3A_2159, %reduce_min3A_2160 [0, 2] : vector<32x8x128xf32> to vector<8xf32>
    %broadcast_in_dim3A_2162 = vector.shape_cast %reduce_min3A_2161 : vector<8xf32> to vector<1x8x1xf32>
    %eq3A_2163 = vector.broadcast %broadcast_in_dim3A_2162 : vector<1x8x1xf32> to vector<32x8x128xf32>
    %eq3A_2164 = arith.cmpf oeq, %select_n3A_2159, %eq3A_2163 : vector<32x8x128xf32>
    %jit3A_2165 = arith.constant 3.000000e+38 : f32
    %broadcast_in_dim3A_2166 = vector.broadcast %jit3A_2165 : f32 to vector<32x8x128xf32>
    %select_n3A_2167 = arith.select %eq3A_2164, %broadcast_in_dim3A_2166, %select_n3A_2149 : vector<32x8x128xi1>, vector<32x8x128xf32>
    %add3A_2168 = arith.addf %broadcast_in_dim3A_2162, %convert_element_type3A_31 : vector<1x8x1xf32>
    %convert_element_type3A_2169 = arith.fptosi %add3A_2168 : vector<1x8x1xf32> to vector<1x8x1xi32>
    %reduce_min3A_2170 = arith.constant dense<0x7F800000> : vector<8xf32>
    %reduce_min3A_2171 = vector.multi_reduction <minimumf>, %select_n3A_2167, %reduce_min3A_2170 [0, 2] : vector<32x8x128xf32> to vector<8xf32>
    %broadcast_in_dim3A_2172 = vector.shape_cast %reduce_min3A_2171 : vector<8xf32> to vector<1x8x1xf32>
    %eq3A_2173 = vector.broadcast %broadcast_in_dim3A_2172 : vector<1x8x1xf32> to vector<32x8x128xf32>
    %eq3A_2174 = arith.cmpf oeq, %select_n3A_2167, %eq3A_2173 : vector<32x8x128xf32>
    %jit3A_2175 = arith.constant 4.096000e+03 : f32
    %broadcast_in_dim3A_2176 = vector.broadcast %jit3A_2175 : f32 to vector<32x8x128xf32>
    %select_n3A_2177 = arith.select %eq3A_2174, %get3A_22, %broadcast_in_dim3A_2176 : vector<32x8x128xi1>, vector<32x8x128xf32>
    %reduce_min3A_2178 = arith.constant dense<0x7F800000> : vector<8xf32>
    %reduce_min3A_2179 = vector.multi_reduction <minimumf>, %select_n3A_2177, %reduce_min3A_2178 [0, 2] : vector<32x8x128xf32> to vector<8xf32>
    %broadcast_in_dim3A_2180 = vector.shape_cast %reduce_min3A_2179 : vector<8xf32> to vector<1x8x1xf32>
    %eq3A_2181 = vector.broadcast %broadcast_in_dim3A_2180 : vector<1x8x1xf32> to vector<32x8x128xf32>
    %eq3A_2182 = arith.cmpf oeq, %select_n3A_2177, %eq3A_2181 : vector<32x8x128xf32>
    %jit3A_2183 = arith.constant 3.000000e+38 : f32
    %broadcast_in_dim3A_2184 = vector.broadcast %jit3A_2183 : f32 to vector<32x8x128xf32>
    %select_n3A_2185 = arith.select %eq3A_2182, %broadcast_in_dim3A_2184, %select_n3A_2167 : vector<32x8x128xi1>, vector<32x8x128xf32>
    %add3A_2186 = arith.addf %broadcast_in_dim3A_2180, %convert_element_type3A_31 : vector<1x8x1xf32>
    %convert_element_type3A_2187 = arith.fptosi %add3A_2186 : vector<1x8x1xf32> to vector<1x8x1xi32>
    %reduce_min3A_2188 = arith.constant dense<0x7F800000> : vector<8xf32>
    %reduce_min3A_2189 = vector.multi_reduction <minimumf>, %select_n3A_2185, %reduce_min3A_2188 [0, 2] : vector<32x8x128xf32> to vector<8xf32>
    %broadcast_in_dim3A_2190 = vector.shape_cast %reduce_min3A_2189 : vector<8xf32> to vector<1x8x1xf32>
    %eq3A_2191 = vector.broadcast %broadcast_in_dim3A_2190 : vector<1x8x1xf32> to vector<32x8x128xf32>
    %eq3A_2192 = arith.cmpf oeq, %select_n3A_2185, %eq3A_2191 : vector<32x8x128xf32>
    %jit3A_2193 = arith.constant 4.096000e+03 : f32
    %broadcast_in_dim3A_2194 = vector.broadcast %jit3A_2193 : f32 to vector<32x8x128xf32>
    %select_n3A_2195 = arith.select %eq3A_2192, %get3A_22, %broadcast_in_dim3A_2194 : vector<32x8x128xi1>, vector<32x8x128xf32>
    %reduce_min3A_2196 = arith.constant dense<0x7F800000> : vector<8xf32>
    %reduce_min3A_2197 = vector.multi_reduction <minimumf>, %select_n3A_2195, %reduce_min3A_2196 [0, 2] : vector<32x8x128xf32> to vector<8xf32>
    %broadcast_in_dim3A_2198 = vector.shape_cast %reduce_min3A_2197 : vector<8xf32> to vector<1x8x1xf32>
    %eq3A_2199 = vector.broadcast %broadcast_in_dim3A_2198 : vector<1x8x1xf32> to vector<32x8x128xf32>
    %eq3A_2200 = arith.cmpf oeq, %select_n3A_2195, %eq3A_2199 : vector<32x8x128xf32>
    %jit3A_2201 = arith.constant 3.000000e+38 : f32
    %broadcast_in_dim3A_2202 = vector.broadcast %jit3A_2201 : f32 to vector<32x8x128xf32>
    %select_n3A_2203 = arith.select %eq3A_2200, %broadcast_in_dim3A_2202, %select_n3A_2185 : vector<32x8x128xi1>, vector<32x8x128xf32>
    %add3A_2204 = arith.addf %broadcast_in_dim3A_2198, %convert_element_type3A_31 : vector<1x8x1xf32>
    %convert_element_type3A_2205 = arith.fptosi %add3A_2204 : vector<1x8x1xf32> to vector<1x8x1xi32>
    %reduce_min3A_2206 = arith.constant dense<0x7F800000> : vector<8xf32>
    %reduce_min3A_2207 = vector.multi_reduction <minimumf>, %select_n3A_2203, %reduce_min3A_2206 [0, 2] : vector<32x8x128xf32> to vector<8xf32>
    %broadcast_in_dim3A_2208 = vector.shape_cast %reduce_min3A_2207 : vector<8xf32> to vector<1x8x1xf32>
    %eq3A_2209 = vector.broadcast %broadcast_in_dim3A_2208 : vector<1x8x1xf32> to vector<32x8x128xf32>
    %eq3A_2210 = arith.cmpf oeq, %select_n3A_2203, %eq3A_2209 : vector<32x8x128xf32>
    %jit3A_2211 = arith.constant 4.096000e+03 : f32
    %broadcast_in_dim3A_2212 = vector.broadcast %jit3A_2211 : f32 to vector<32x8x128xf32>
    %select_n3A_2213 = arith.select %eq3A_2210, %get3A_22, %broadcast_in_dim3A_2212 : vector<32x8x128xi1>, vector<32x8x128xf32>
    %reduce_min3A_2214 = arith.constant dense<0x7F800000> : vector<8xf32>
    %reduce_min3A_2215 = vector.multi_reduction <minimumf>, %select_n3A_2213, %reduce_min3A_2214 [0, 2] : vector<32x8x128xf32> to vector<8xf32>
    %broadcast_in_dim3A_2216 = vector.shape_cast %reduce_min3A_2215 : vector<8xf32> to vector<1x8x1xf32>
    %eq3A_2217 = vector.broadcast %broadcast_in_dim3A_2216 : vector<1x8x1xf32> to vector<32x8x128xf32>
    %eq3A_2218 = arith.cmpf oeq, %select_n3A_2213, %eq3A_2217 : vector<32x8x128xf32>
    %jit3A_2219 = arith.constant 3.000000e+38 : f32
    %broadcast_in_dim3A_2220 = vector.broadcast %jit3A_2219 : f32 to vector<32x8x128xf32>
    %select_n3A_2221 = arith.select %eq3A_2218, %broadcast_in_dim3A_2220, %select_n3A_2203 : vector<32x8x128xi1>, vector<32x8x128xf32>
    %add3A_2222 = arith.addf %broadcast_in_dim3A_2216, %convert_element_type3A_31 : vector<1x8x1xf32>
    %convert_element_type3A_2223 = arith.fptosi %add3A_2222 : vector<1x8x1xf32> to vector<1x8x1xi32>
    %reduce_min3A_2224 = arith.constant dense<0x7F800000> : vector<8xf32>
    %reduce_min3A_2225 = vector.multi_reduction <minimumf>, %select_n3A_2221, %reduce_min3A_2224 [0, 2] : vector<32x8x128xf32> to vector<8xf32>
    %broadcast_in_dim3A_2226 = vector.shape_cast %reduce_min3A_2225 : vector<8xf32> to vector<1x8x1xf32>
    %eq3A_2227 = vector.broadcast %broadcast_in_dim3A_2226 : vector<1x8x1xf32> to vector<32x8x128xf32>
    %eq3A_2228 = arith.cmpf oeq, %select_n3A_2221, %eq3A_2227 : vector<32x8x128xf32>
    %jit3A_2229 = arith.constant 4.096000e+03 : f32
    %broadcast_in_dim3A_2230 = vector.broadcast %jit3A_2229 : f32 to vector<32x8x128xf32>
    %select_n3A_2231 = arith.select %eq3A_2228, %get3A_22, %broadcast_in_dim3A_2230 : vector<32x8x128xi1>, vector<32x8x128xf32>
    %reduce_min3A_2232 = arith.constant dense<0x7F800000> : vector<8xf32>
    %reduce_min3A_2233 = vector.multi_reduction <minimumf>, %select_n3A_2231, %reduce_min3A_2232 [0, 2] : vector<32x8x128xf32> to vector<8xf32>
    %broadcast_in_dim3A_2234 = vector.shape_cast %reduce_min3A_2233 : vector<8xf32> to vector<1x8x1xf32>
    %eq3A_2235 = vector.broadcast %broadcast_in_dim3A_2234 : vector<1x8x1xf32> to vector<32x8x128xf32>
    %eq3A_2236 = arith.cmpf oeq, %select_n3A_2231, %eq3A_2235 : vector<32x8x128xf32>
    %jit3A_2237 = arith.constant 3.000000e+38 : f32
    %broadcast_in_dim3A_2238 = vector.broadcast %jit3A_2237 : f32 to vector<32x8x128xf32>
    %select_n3A_2239 = arith.select %eq3A_2236, %broadcast_in_dim3A_2238, %select_n3A_2221 : vector<32x8x128xi1>, vector<32x8x128xf32>
    %add3A_2240 = arith.addf %broadcast_in_dim3A_2234, %convert_element_type3A_31 : vector<1x8x1xf32>
    %convert_element_type3A_2241 = arith.fptosi %add3A_2240 : vector<1x8x1xf32> to vector<1x8x1xi32>
    %reduce_min3A_2242 = arith.constant dense<0x7F800000> : vector<8xf32>
    %reduce_min3A_2243 = vector.multi_reduction <minimumf>, %select_n3A_2239, %reduce_min3A_2242 [0, 2] : vector<32x8x128xf32> to vector<8xf32>
    %broadcast_in_dim3A_2244 = vector.shape_cast %reduce_min3A_2243 : vector<8xf32> to vector<1x8x1xf32>
    %eq3A_2245 = vector.broadcast %broadcast_in_dim3A_2244 : vector<1x8x1xf32> to vector<32x8x128xf32>
    %eq3A_2246 = arith.cmpf oeq, %select_n3A_2239, %eq3A_2245 : vector<32x8x128xf32>
    %jit3A_2247 = arith.constant 4.096000e+03 : f32
    %broadcast_in_dim3A_2248 = vector.broadcast %jit3A_2247 : f32 to vector<32x8x128xf32>
    %select_n3A_2249 = arith.select %eq3A_2246, %get3A_22, %broadcast_in_dim3A_2248 : vector<32x8x128xi1>, vector<32x8x128xf32>
    %reduce_min3A_2250 = arith.constant dense<0x7F800000> : vector<8xf32>
    %reduce_min3A_2251 = vector.multi_reduction <minimumf>, %select_n3A_2249, %reduce_min3A_2250 [0, 2] : vector<32x8x128xf32> to vector<8xf32>
    %broadcast_in_dim3A_2252 = vector.shape_cast %reduce_min3A_2251 : vector<8xf32> to vector<1x8x1xf32>
    %eq3A_2253 = vector.broadcast %broadcast_in_dim3A_2252 : vector<1x8x1xf32> to vector<32x8x128xf32>
    %eq3A_2254 = arith.cmpf oeq, %select_n3A_2249, %eq3A_2253 : vector<32x8x128xf32>
    %jit3A_2255 = arith.constant 3.000000e+38 : f32
    %broadcast_in_dim3A_2256 = vector.broadcast %jit3A_2255 : f32 to vector<32x8x128xf32>
    %select_n3A_2257 = arith.select %eq3A_2254, %broadcast_in_dim3A_2256, %select_n3A_2239 : vector<32x8x128xi1>, vector<32x8x128xf32>
    %add3A_2258 = arith.addf %broadcast_in_dim3A_2252, %convert_element_type3A_31 : vector<1x8x1xf32>
    %convert_element_type3A_2259 = arith.fptosi %add3A_2258 : vector<1x8x1xf32> to vector<1x8x1xi32>
    %reduce_min3A_2260 = arith.constant dense<0x7F800000> : vector<8xf32>
    %reduce_min3A_2261 = vector.multi_reduction <minimumf>, %select_n3A_2257, %reduce_min3A_2260 [0, 2] : vector<32x8x128xf32> to vector<8xf32>
    %broadcast_in_dim3A_2262 = vector.shape_cast %reduce_min3A_2261 : vector<8xf32> to vector<1x8x1xf32>
    %eq3A_2263 = vector.broadcast %broadcast_in_dim3A_2262 : vector<1x8x1xf32> to vector<32x8x128xf32>
    %eq3A_2264 = arith.cmpf oeq, %select_n3A_2257, %eq3A_2263 : vector<32x8x128xf32>
    %jit3A_2265 = arith.constant 4.096000e+03 : f32
    %broadcast_in_dim3A_2266 = vector.broadcast %jit3A_2265 : f32 to vector<32x8x128xf32>
    %select_n3A_2267 = arith.select %eq3A_2264, %get3A_22, %broadcast_in_dim3A_2266 : vector<32x8x128xi1>, vector<32x8x128xf32>
    %reduce_min3A_2268 = arith.constant dense<0x7F800000> : vector<8xf32>
    %reduce_min3A_2269 = vector.multi_reduction <minimumf>, %select_n3A_2267, %reduce_min3A_2268 [0, 2] : vector<32x8x128xf32> to vector<8xf32>
    %broadcast_in_dim3A_2270 = vector.shape_cast %reduce_min3A_2269 : vector<8xf32> to vector<1x8x1xf32>
    %eq3A_2271 = vector.broadcast %broadcast_in_dim3A_2270 : vector<1x8x1xf32> to vector<32x8x128xf32>
    %eq3A_2272 = arith.cmpf oeq, %select_n3A_2267, %eq3A_2271 : vector<32x8x128xf32>
    %jit3A_2273 = arith.constant 3.000000e+38 : f32
    %broadcast_in_dim3A_2274 = vector.broadcast %jit3A_2273 : f32 to vector<32x8x128xf32>
    %select_n3A_2275 = arith.select %eq3A_2272, %broadcast_in_dim3A_2274, %select_n3A_2257 : vector<32x8x128xi1>, vector<32x8x128xf32>
    %add3A_2276 = arith.addf %broadcast_in_dim3A_2270, %convert_element_type3A_31 : vector<1x8x1xf32>
    %convert_element_type3A_2277 = arith.fptosi %add3A_2276 : vector<1x8x1xf32> to vector<1x8x1xi32>
    %reduce_min3A_2278 = arith.constant dense<0x7F800000> : vector<8xf32>
    %reduce_min3A_2279 = vector.multi_reduction <minimumf>, %select_n3A_2275, %reduce_min3A_2278 [0, 2] : vector<32x8x128xf32> to vector<8xf32>
    %broadcast_in_dim3A_2280 = vector.shape_cast %reduce_min3A_2279 : vector<8xf32> to vector<1x8x1xf32>
    %eq3A_2281 = vector.broadcast %broadcast_in_dim3A_2280 : vector<1x8x1xf32> to vector<32x8x128xf32>
    %eq3A_2282 = arith.cmpf oeq, %select_n3A_2275, %eq3A_2281 : vector<32x8x128xf32>
    %jit3A_2283 = arith.constant 4.096000e+03 : f32
    %broadcast_in_dim3A_2284 = vector.broadcast %jit3A_2283 : f32 to vector<32x8x128xf32>
    %select_n3A_2285 = arith.select %eq3A_2282, %get3A_22, %broadcast_in_dim3A_2284 : vector<32x8x128xi1>, vector<32x8x128xf32>
    %reduce_min3A_2286 = arith.constant dense<0x7F800000> : vector<8xf32>
    %reduce_min3A_2287 = vector.multi_reduction <minimumf>, %select_n3A_2285, %reduce_min3A_2286 [0, 2] : vector<32x8x128xf32> to vector<8xf32>
    %broadcast_in_dim3A_2288 = vector.shape_cast %reduce_min3A_2287 : vector<8xf32> to vector<1x8x1xf32>
    %eq3A_2289 = vector.broadcast %broadcast_in_dim3A_2288 : vector<1x8x1xf32> to vector<32x8x128xf32>
    %eq3A_2290 = arith.cmpf oeq, %select_n3A_2285, %eq3A_2289 : vector<32x8x128xf32>
    %jit3A_2291 = arith.constant 3.000000e+38 : f32
    %broadcast_in_dim3A_2292 = vector.broadcast %jit3A_2291 : f32 to vector<32x8x128xf32>
    %select_n3A_2293 = arith.select %eq3A_2290, %broadcast_in_dim3A_2292, %select_n3A_2275 : vector<32x8x128xi1>, vector<32x8x128xf32>
    %add3A_2294 = arith.addf %broadcast_in_dim3A_2288, %convert_element_type3A_31 : vector<1x8x1xf32>
    %convert_element_type3A_2295 = arith.fptosi %add3A_2294 : vector<1x8x1xf32> to vector<1x8x1xi32>
    %reduce_min3A_2296 = arith.constant dense<0x7F800000> : vector<8xf32>
    %reduce_min3A_2297 = vector.multi_reduction <minimumf>, %select_n3A_2293, %reduce_min3A_2296 [0, 2] : vector<32x8x128xf32> to vector<8xf32>
    %broadcast_in_dim3A_2298 = vector.shape_cast %reduce_min3A_2297 : vector<8xf32> to vector<1x8x1xf32>
    %eq3A_2299 = vector.broadcast %broadcast_in_dim3A_2298 : vector<1x8x1xf32> to vector<32x8x128xf32>
    %eq3A_2300 = arith.cmpf oeq, %select_n3A_2293, %eq3A_2299 : vector<32x8x128xf32>
    %jit3A_2301 = arith.constant 4.096000e+03 : f32
    %broadcast_in_dim3A_2302 = vector.broadcast %jit3A_2301 : f32 to vector<32x8x128xf32>
    %select_n3A_2303 = arith.select %eq3A_2300, %get3A_22, %broadcast_in_dim3A_2302 : vector<32x8x128xi1>, vector<32x8x128xf32>
    %reduce_min3A_2304 = arith.constant dense<0x7F800000> : vector<8xf32>
    %reduce_min3A_2305 = vector.multi_reduction <minimumf>, %select_n3A_2303, %reduce_min3A_2304 [0, 2] : vector<32x8x128xf32> to vector<8xf32>
    %broadcast_in_dim3A_2306 = vector.shape_cast %reduce_min3A_2305 : vector<8xf32> to vector<1x8x1xf32>
    %eq3A_2307 = vector.broadcast %broadcast_in_dim3A_2306 : vector<1x8x1xf32> to vector<32x8x128xf32>
    %eq3A_2308 = arith.cmpf oeq, %select_n3A_2303, %eq3A_2307 : vector<32x8x128xf32>
    %jit3A_2309 = arith.constant 3.000000e+38 : f32
    %broadcast_in_dim3A_2310 = vector.broadcast %jit3A_2309 : f32 to vector<32x8x128xf32>
    %select_n3A_2311 = arith.select %eq3A_2308, %broadcast_in_dim3A_2310, %select_n3A_2293 : vector<32x8x128xi1>, vector<32x8x128xf32>
    %add3A_2312 = arith.addf %broadcast_in_dim3A_2306, %convert_element_type3A_31 : vector<1x8x1xf32>
    %convert_element_type3A_2313 = arith.fptosi %add3A_2312 : vector<1x8x1xf32> to vector<1x8x1xi32>
    %reduce_min3A_2314 = arith.constant dense<0x7F800000> : vector<8xf32>
    %reduce_min3A_2315 = vector.multi_reduction <minimumf>, %select_n3A_2311, %reduce_min3A_2314 [0, 2] : vector<32x8x128xf32> to vector<8xf32>
    %broadcast_in_dim3A_2316 = vector.shape_cast %reduce_min3A_2315 : vector<8xf32> to vector<1x8x1xf32>
    %eq3A_2317 = vector.broadcast %broadcast_in_dim3A_2316 : vector<1x8x1xf32> to vector<32x8x128xf32>
    %eq3A_2318 = arith.cmpf oeq, %select_n3A_2311, %eq3A_2317 : vector<32x8x128xf32>
    %jit3A_2319 = arith.constant 4.096000e+03 : f32
    %broadcast_in_dim3A_2320 = vector.broadcast %jit3A_2319 : f32 to vector<32x8x128xf32>
    %select_n3A_2321 = arith.select %eq3A_2318, %get3A_22, %broadcast_in_dim3A_2320 : vector<32x8x128xi1>, vector<32x8x128xf32>
    %reduce_min3A_2322 = arith.constant dense<0x7F800000> : vector<8xf32>
    %reduce_min3A_2323 = vector.multi_reduction <minimumf>, %select_n3A_2321, %reduce_min3A_2322 [0, 2] : vector<32x8x128xf32> to vector<8xf32>
    %broadcast_in_dim3A_2324 = vector.shape_cast %reduce_min3A_2323 : vector<8xf32> to vector<1x8x1xf32>
    %eq3A_2325 = vector.broadcast %broadcast_in_dim3A_2324 : vector<1x8x1xf32> to vector<32x8x128xf32>
    %eq3A_2326 = arith.cmpf oeq, %select_n3A_2321, %eq3A_2325 : vector<32x8x128xf32>
    %jit3A_2327 = arith.constant 3.000000e+38 : f32
    %broadcast_in_dim3A_2328 = vector.broadcast %jit3A_2327 : f32 to vector<32x8x128xf32>
    %select_n3A_2329 = arith.select %eq3A_2326, %broadcast_in_dim3A_2328, %select_n3A_2311 : vector<32x8x128xi1>, vector<32x8x128xf32>
    %add3A_2330 = arith.addf %broadcast_in_dim3A_2324, %convert_element_type3A_31 : vector<1x8x1xf32>
    %convert_element_type3A_2331 = arith.fptosi %add3A_2330 : vector<1x8x1xf32> to vector<1x8x1xi32>
    %reduce_min3A_2332 = arith.constant dense<0x7F800000> : vector<8xf32>
    %reduce_min3A_2333 = vector.multi_reduction <minimumf>, %select_n3A_2329, %reduce_min3A_2332 [0, 2] : vector<32x8x128xf32> to vector<8xf32>
    %broadcast_in_dim3A_2334 = vector.shape_cast %reduce_min3A_2333 : vector<8xf32> to vector<1x8x1xf32>
    %eq3A_2335 = vector.broadcast %broadcast_in_dim3A_2334 : vector<1x8x1xf32> to vector<32x8x128xf32>
    %eq3A_2336 = arith.cmpf oeq, %select_n3A_2329, %eq3A_2335 : vector<32x8x128xf32>
    %jit3A_2337 = arith.constant 4.096000e+03 : f32
    %broadcast_in_dim3A_2338 = vector.broadcast %jit3A_2337 : f32 to vector<32x8x128xf32>
    %select_n3A_2339 = arith.select %eq3A_2336, %get3A_22, %broadcast_in_dim3A_2338 : vector<32x8x128xi1>, vector<32x8x128xf32>
    %reduce_min3A_2340 = arith.constant dense<0x7F800000> : vector<8xf32>
    %reduce_min3A_2341 = vector.multi_reduction <minimumf>, %select_n3A_2339, %reduce_min3A_2340 [0, 2] : vector<32x8x128xf32> to vector<8xf32>
    %broadcast_in_dim3A_2342 = vector.shape_cast %reduce_min3A_2341 : vector<8xf32> to vector<1x8x1xf32>
    %eq3A_2343 = vector.broadcast %broadcast_in_dim3A_2342 : vector<1x8x1xf32> to vector<32x8x128xf32>
    %eq3A_2344 = arith.cmpf oeq, %select_n3A_2339, %eq3A_2343 : vector<32x8x128xf32>
    %jit3A_2345 = arith.constant 3.000000e+38 : f32
    %broadcast_in_dim3A_2346 = vector.broadcast %jit3A_2345 : f32 to vector<32x8x128xf32>
    %select_n3A_2347 = arith.select %eq3A_2344, %broadcast_in_dim3A_2346, %select_n3A_2329 : vector<32x8x128xi1>, vector<32x8x128xf32>
    %add3A_2348 = arith.addf %broadcast_in_dim3A_2342, %convert_element_type3A_31 : vector<1x8x1xf32>
    %convert_element_type3A_2349 = arith.fptosi %add3A_2348 : vector<1x8x1xf32> to vector<1x8x1xi32>
    %reduce_min3A_2350 = arith.constant dense<0x7F800000> : vector<8xf32>
    %reduce_min3A_2351 = vector.multi_reduction <minimumf>, %select_n3A_2347, %reduce_min3A_2350 [0, 2] : vector<32x8x128xf32> to vector<8xf32>
    %broadcast_in_dim3A_2352 = vector.shape_cast %reduce_min3A_2351 : vector<8xf32> to vector<1x8x1xf32>
    %eq3A_2353 = vector.broadcast %broadcast_in_dim3A_2352 : vector<1x8x1xf32> to vector<32x8x128xf32>
    %eq3A_2354 = arith.cmpf oeq, %select_n3A_2347, %eq3A_2353 : vector<32x8x128xf32>
    %jit3A_2355 = arith.constant 4.096000e+03 : f32
    %broadcast_in_dim3A_2356 = vector.broadcast %jit3A_2355 : f32 to vector<32x8x128xf32>
    %select_n3A_2357 = arith.select %eq3A_2354, %get3A_22, %broadcast_in_dim3A_2356 : vector<32x8x128xi1>, vector<32x8x128xf32>
    %reduce_min3A_2358 = arith.constant dense<0x7F800000> : vector<8xf32>
    %reduce_min3A_2359 = vector.multi_reduction <minimumf>, %select_n3A_2357, %reduce_min3A_2358 [0, 2] : vector<32x8x128xf32> to vector<8xf32>
    %broadcast_in_dim3A_2360 = vector.shape_cast %reduce_min3A_2359 : vector<8xf32> to vector<1x8x1xf32>
    %eq3A_2361 = vector.broadcast %broadcast_in_dim3A_2360 : vector<1x8x1xf32> to vector<32x8x128xf32>
    %eq3A_2362 = arith.cmpf oeq, %select_n3A_2357, %eq3A_2361 : vector<32x8x128xf32>
    %jit3A_2363 = arith.constant 3.000000e+38 : f32
    %broadcast_in_dim3A_2364 = vector.broadcast %jit3A_2363 : f32 to vector<32x8x128xf32>
    %select_n3A_2365 = arith.select %eq3A_2362, %broadcast_in_dim3A_2364, %select_n3A_2347 : vector<32x8x128xi1>, vector<32x8x128xf32>
    %add3A_2366 = arith.addf %broadcast_in_dim3A_2360, %convert_element_type3A_31 : vector<1x8x1xf32>
    %convert_element_type3A_2367 = arith.fptosi %add3A_2366 : vector<1x8x1xf32> to vector<1x8x1xi32>
    %reduce_min3A_2368 = arith.constant dense<0x7F800000> : vector<8xf32>
    %reduce_min3A_2369 = vector.multi_reduction <minimumf>, %select_n3A_2365, %reduce_min3A_2368 [0, 2] : vector<32x8x128xf32> to vector<8xf32>
    %broadcast_in_dim3A_2370 = vector.shape_cast %reduce_min3A_2369 : vector<8xf32> to vector<1x8x1xf32>
    %eq3A_2371 = vector.broadcast %broadcast_in_dim3A_2370 : vector<1x8x1xf32> to vector<32x8x128xf32>
    %eq3A_2372 = arith.cmpf oeq, %select_n3A_2365, %eq3A_2371 : vector<32x8x128xf32>
    %jit3A_2373 = arith.constant 4.096000e+03 : f32
    %broadcast_in_dim3A_2374 = vector.broadcast %jit3A_2373 : f32 to vector<32x8x128xf32>
    %select_n3A_2375 = arith.select %eq3A_2372, %get3A_22, %broadcast_in_dim3A_2374 : vector<32x8x128xi1>, vector<32x8x128xf32>
    %reduce_min3A_2376 = arith.constant dense<0x7F800000> : vector<8xf32>
    %reduce_min3A_2377 = vector.multi_reduction <minimumf>, %select_n3A_2375, %reduce_min3A_2376 [0, 2] : vector<32x8x128xf32> to vector<8xf32>
    %broadcast_in_dim3A_2378 = vector.shape_cast %reduce_min3A_2377 : vector<8xf32> to vector<1x8x1xf32>
    %add3A_2379 = arith.addf %broadcast_in_dim3A_2378, %convert_element_type3A_31 : vector<1x8x1xf32>
    %convert_element_type3A_2380 = arith.fptosi %add3A_2379 : vector<1x8x1xf32> to vector<1x8x1xi32>
    %concatenate3A_2381 = tpu.concatenate %convert_element_type3A_2115, %convert_element_type3A_2133, %convert_element_type3A_2151, %convert_element_type3A_2169, %convert_element_type3A_2187, %convert_element_type3A_2205, %convert_element_type3A_2223, %convert_element_type3A_2241, %convert_element_type3A_2259, %convert_element_type3A_2277, %convert_element_type3A_2295, %convert_element_type3A_2313, %convert_element_type3A_2331, %convert_element_type3A_2349, %convert_element_type3A_2367, %convert_element_type3A_2380 in 2 : vector<1x8x1xi32>, vector<1x8x1xi32>, vector<1x8x1xi32>, vector<1x8x1xi32>, vector<1x8x1xi32>, vector<1x8x1xi32>, vector<1x8x1xi32>, vector<1x8x1xi32>, vector<1x8x1xi32>, vector<1x8x1xi32>, vector<1x8x1xi32>, vector<1x8x1xi32>, vector<1x8x1xi32>, vector<1x8x1xi32>, vector<1x8x1xi32>, vector<1x8x1xi32> -> vector<1x8x16xi32>
    %swap3A_2382 = arith.constant 7 : index
    %swap3A_2383 = arith.constant 0 : index
    %swap3A_2384 = arith.constant 0 : index
    %swap3A_2385 = vector.load %arg2[%swap3A_2382, %swap3A_2383, %swap3A_2384] : memref<8x8x16xi32, #tpu.memory_space<vmem>>, vector<1x8x16xi32>
    tpu.vector_store %arg2[%swap3A_2382, %swap3A_2383, %swap3A_2384], %concatenate3A_2381 {strides = array<i32>} : memref<8x8x16xi32, #tpu.memory_space<vmem>>, vector<1x8x16xi32>,
    %get3A_2386 = arith.constant 0 : index
    %get3A_2387 = arith.constant 0 : index
    %get3A_2388 = arith.constant 0 : index
    %get3A_2389 = vector.load %arg4[%get3A_2386, %get3A_2387, %get3A_2388] : memref<3x8x1xf32, #tpu.memory_space<vmem>>, vector<1x8x1xf32>
    %get3A_2390 = arith.constant 1 : index
    %get3A_2391 = arith.constant 0 : index
    %get3A_2392 = arith.constant 0 : index
    %get3A_2393 = vector.load %arg4[%get3A_2390, %get3A_2391, %get3A_2392] : memref<3x8x1xf32, #tpu.memory_space<vmem>>, vector<1x8x1xf32>
    %get3A_2394 = arith.constant 2 : index
    %get3A_2395 = arith.constant 0 : index
    %get3A_2396 = arith.constant 0 : index
    %get3A_2397 = vector.load %arg4[%get3A_2394, %get3A_2395, %get3A_2396] : memref<3x8x1xf32, #tpu.memory_space<vmem>>, vector<1x8x1xf32>
    %get3A_2398 = arith.constant 0 : index
    %get3A_2399 = arith.constant 0 : index
    %get3A_2400 = arith.constant 0 : index
    %get3A_2401 = vector.load %arg3[%get3A_2398, %get3A_2399, %get3A_2400] : memref<32x8x128xf32, #tpu.memory_space<vmem>>, vector<32x8x128xf32>
    %sub3A = vector.broadcast %get3A_2389 : vector<1x8x1xf32> to vector<32x8x128xf32>
    %sub3A_2402 = arith.subf %get3A_4, %sub3A : vector<32x8x128xf32>
    %sub3A_2403 = vector.broadcast %get3A_2393 : vector<1x8x1xf32> to vector<32x8x128xf32>
    %sub3A_2404 = arith.subf %get3A_10, %sub3A_2403 : vector<32x8x128xf32>
    %sub3A_2405 = vector.broadcast %get3A_2397 : vector<1x8x1xf32> to vector<32x8x128xf32>
    %sub3A_2406 = arith.subf %get3A_16, %sub3A_2405 : vector<32x8x128xf32>
    %mul3A_2407 = arith.mulf %sub3A_2402, %sub3A_2402 : vector<32x8x128xf32>
    %mul3A_2408 = arith.mulf %sub3A_2404, %sub3A_2404 : vector<32x8x128xf32>
    %add3A_2409 = arith.addf %mul3A_2407, %mul3A_2408 : vector<32x8x128xf32>
    %mul3A_2410 = arith.mulf %sub3A_2406, %sub3A_2406 : vector<32x8x128xf32>
    %add3A_2411 = arith.addf %add3A_2409, %mul3A_2410 : vector<32x8x128xf32>
    %min3A = arith.minimumf %get3A_2401, %add3A_2411 : vector<32x8x128xf32>
    %swap3A_2412 = arith.index_cast %rem3A_25 : i32 to index
    %swap3A_2413 = arith.constant 0 : index
    %swap3A_2414 = arith.constant 0 : index
    %swap3A_2415 = arith.constant 0 : index
    %swap3A_2416 = arith.constant 0 : index
    %swap3A_2417 = vector.load %arg5[%swap3A_2412, %swap3A_2413, %swap3A_2414, %swap3A_2415, %swap3A_2416] : memref<2x8x32x8x128xf32, #tpu.memory_space<vmem>>, vector<1x1x32x8x128xf32>
    %swap3A_2418 = vector.shape_cast %swap3A_2417 : vector<1x1x32x8x128xf32> to vector<32x8x128xf32>
    %swap3A_2419 = vector.shape_cast %add3A_2411 : vector<32x8x128xf32> to vector<1x1x32x8x128xf32>
    tpu.vector_store %arg5[%swap3A_2412, %swap3A_2413, %swap3A_2414, %swap3A_2415, %swap3A_2416], %swap3A_2419 {strides = array<i32>} : memref<2x8x32x8x128xf32, #tpu.memory_space<vmem>>, vector<1x1x32x8x128xf32>,
    %slice3A = vector.extract_strided_slice %min3A {offsets = [0, 0, 0], sizes = [16, 8, 128], strides = [1, 1, 1]} : vector<32x8x128xf32> to vector<16x8x128xf32>
    %slice3A_2420 = vector.extract_strided_slice %min3A {offsets = [16, 0, 0], sizes = [16, 8, 128], strides = [1, 1, 1]} : vector<32x8x128xf32> to vector<16x8x128xf32>
    %ge3A = arith.cmpf oge, %slice3A, %slice3A_2420 : vector<16x8x128xf32>
    %slice3A_2421 = vector.extract_strided_slice %min3A {offsets = [0, 0, 0], sizes = [16, 8, 128], strides = [1, 1, 1]} : vector<32x8x128xf32> to vector<16x8x128xf32>
    %slice3A_2422 = vector.extract_strided_slice %min3A {offsets = [16, 0, 0], sizes = [16, 8, 128], strides = [1, 1, 1]} : vector<32x8x128xf32> to vector<16x8x128xf32>
    %select_n3A_2423 = arith.select %ge3A, %slice3A_2421, %slice3A_2422 : vector<16x8x128xi1>, vector<16x8x128xf32>
    %slice3A_2424 = vector.extract_strided_slice %get3A_4 {offsets = [0, 0, 0], sizes = [16, 8, 128], strides = [1, 1, 1]} : vector<32x8x128xf32> to vector<16x8x128xf32>
    %slice3A_2425 = vector.extract_strided_slice %get3A_4 {offsets = [16, 0, 0], sizes = [16, 8, 128], strides = [1, 1, 1]} : vector<32x8x128xf32> to vector<16x8x128xf32>
    %select_n3A_2426 = arith.select %ge3A, %slice3A_2424, %slice3A_2425 : vector<16x8x128xi1>, vector<16x8x128xf32>
    %slice3A_2427 = vector.extract_strided_slice %get3A_10 {offsets = [0, 0, 0], sizes = [16, 8, 128], strides = [1, 1, 1]} : vector<32x8x128xf32> to vector<16x8x128xf32>
    %slice3A_2428 = vector.extract_strided_slice %get3A_10 {offsets = [16, 0, 0], sizes = [16, 8, 128], strides = [1, 1, 1]} : vector<32x8x128xf32> to vector<16x8x128xf32>
    %select_n3A_2429 = arith.select %ge3A, %slice3A_2427, %slice3A_2428 : vector<16x8x128xi1>, vector<16x8x128xf32>
    %slice3A_2430 = vector.extract_strided_slice %get3A_16 {offsets = [0, 0, 0], sizes = [16, 8, 128], strides = [1, 1, 1]} : vector<32x8x128xf32> to vector<16x8x128xf32>
    %slice3A_2431 = vector.extract_strided_slice %get3A_16 {offsets = [16, 0, 0], sizes = [16, 8, 128], strides = [1, 1, 1]} : vector<32x8x128xf32> to vector<16x8x128xf32>
    %select_n3A_2432 = arith.select %ge3A, %slice3A_2430, %slice3A_2431 : vector<16x8x128xi1>, vector<16x8x128xf32>
    %slice3A_2433 = vector.extract_strided_slice %get3A_22 {offsets = [0, 0, 0], sizes = [16, 8, 128], strides = [1, 1, 1]} : vector<32x8x128xf32> to vector<16x8x128xf32>
    %slice3A_2434 = vector.extract_strided_slice %get3A_22 {offsets = [16, 0, 0], sizes = [16, 8, 128], strides = [1, 1, 1]} : vector<32x8x128xf32> to vector<16x8x128xf32>
    %select_n3A_2435 = arith.select %ge3A, %slice3A_2433, %slice3A_2434 : vector<16x8x128xi1>, vector<16x8x128xf32>
    %slice3A_2436 = vector.extract_strided_slice %select_n3A_2423 {offsets = [0, 0, 0], sizes = [8, 8, 128], strides = [1, 1, 1]} : vector<16x8x128xf32> to vector<8x8x128xf32>
    %slice3A_2437 = vector.extract_strided_slice %select_n3A_2423 {offsets = [8, 0, 0], sizes = [8, 8, 128], strides = [1, 1, 1]} : vector<16x8x128xf32> to vector<8x8x128xf32>
    %ge3A_2438 = arith.cmpf oge, %slice3A_2436, %slice3A_2437 : vector<8x8x128xf32>
    %slice3A_2439 = vector.extract_strided_slice %select_n3A_2423 {offsets = [0, 0, 0], sizes = [8, 8, 128], strides = [1, 1, 1]} : vector<16x8x128xf32> to vector<8x8x128xf32>
    %slice3A_2440 = vector.extract_strided_slice %select_n3A_2423 {offsets = [8, 0, 0], sizes = [8, 8, 128], strides = [1, 1, 1]} : vector<16x8x128xf32> to vector<8x8x128xf32>
    %select_n3A_2441 = arith.select %ge3A_2438, %slice3A_2439, %slice3A_2440 : vector<8x8x128xi1>, vector<8x8x128xf32>
    %slice3A_2442 = vector.extract_strided_slice %select_n3A_2426 {offsets = [0, 0, 0], sizes = [8, 8, 128], strides = [1, 1, 1]} : vector<16x8x128xf32> to vector<8x8x128xf32>
    %slice3A_2443 = vector.extract_strided_slice %select_n3A_2426 {offsets = [8, 0, 0], sizes = [8, 8, 128], strides = [1, 1, 1]} : vector<16x8x128xf32> to vector<8x8x128xf32>
    %select_n3A_2444 = arith.select %ge3A_2438, %slice3A_2442, %slice3A_2443 : vector<8x8x128xi1>, vector<8x8x128xf32>
    %slice3A_2445 = vector.extract_strided_slice %select_n3A_2429 {offsets = [0, 0, 0], sizes = [8, 8, 128], strides = [1, 1, 1]} : vector<16x8x128xf32> to vector<8x8x128xf32>
    %slice3A_2446 = vector.extract_strided_slice %select_n3A_2429 {offsets = [8, 0, 0], sizes = [8, 8, 128], strides = [1, 1, 1]} : vector<16x8x128xf32> to vector<8x8x128xf32>
    %select_n3A_2447 = arith.select %ge3A_2438, %slice3A_2445, %slice3A_2446 : vector<8x8x128xi1>, vector<8x8x128xf32>
    %slice3A_2448 = vector.extract_strided_slice %select_n3A_2432 {offsets = [0, 0, 0], sizes = [8, 8, 128], strides = [1, 1, 1]} : vector<16x8x128xf32> to vector<8x8x128xf32>
    %slice3A_2449 = vector.extract_strided_slice %select_n3A_2432 {offsets = [8, 0, 0], sizes = [8, 8, 128], strides = [1, 1, 1]} : vector<16x8x128xf32> to vector<8x8x128xf32>
    %select_n3A_2450 = arith.select %ge3A_2438, %slice3A_2448, %slice3A_2449 : vector<8x8x128xi1>, vector<8x8x128xf32>
    %slice3A_2451 = vector.extract_strided_slice %select_n3A_2435 {offsets = [0, 0, 0], sizes = [8, 8, 128], strides = [1, 1, 1]} : vector<16x8x128xf32> to vector<8x8x128xf32>
    %slice3A_2452 = vector.extract_strided_slice %select_n3A_2435 {offsets = [8, 0, 0], sizes = [8, 8, 128], strides = [1, 1, 1]} : vector<16x8x128xf32> to vector<8x8x128xf32>
    %select_n3A_2453 = arith.select %ge3A_2438, %slice3A_2451, %slice3A_2452 : vector<8x8x128xi1>, vector<8x8x128xf32>
    %slice3A_2454 = vector.extract_strided_slice %select_n3A_2441 {offsets = [0, 0, 0], sizes = [4, 8, 128], strides = [1, 1, 1]} : vector<8x8x128xf32> to vector<4x8x128xf32>
    %slice3A_2455 = vector.extract_strided_slice %select_n3A_2441 {offsets = [4, 0, 0], sizes = [4, 8, 128], strides = [1, 1, 1]} : vector<8x8x128xf32> to vector<4x8x128xf32>
    %ge3A_2456 = arith.cmpf oge, %slice3A_2454, %slice3A_2455 : vector<4x8x128xf32>
    %slice3A_2457 = vector.extract_strided_slice %select_n3A_2441 {offsets = [0, 0, 0], sizes = [4, 8, 128], strides = [1, 1, 1]} : vector<8x8x128xf32> to vector<4x8x128xf32>
    %slice3A_2458 = vector.extract_strided_slice %select_n3A_2441 {offsets = [4, 0, 0], sizes = [4, 8, 128], strides = [1, 1, 1]} : vector<8x8x128xf32> to vector<4x8x128xf32>
    %select_n3A_2459 = arith.select %ge3A_2456, %slice3A_2457, %slice3A_2458 : vector<4x8x128xi1>, vector<4x8x128xf32>
    %slice3A_2460 = vector.extract_strided_slice %select_n3A_2444 {offsets = [0, 0, 0], sizes = [4, 8, 128], strides = [1, 1, 1]} : vector<8x8x128xf32> to vector<4x8x128xf32>
    %slice3A_2461 = vector.extract_strided_slice %select_n3A_2444 {offsets = [4, 0, 0], sizes = [4, 8, 128], strides = [1, 1, 1]} : vector<8x8x128xf32> to vector<4x8x128xf32>
    %select_n3A_2462 = arith.select %ge3A_2456, %slice3A_2460, %slice3A_2461 : vector<4x8x128xi1>, vector<4x8x128xf32>
    %slice3A_2463 = vector.extract_strided_slice %select_n3A_2447 {offsets = [0, 0, 0], sizes = [4, 8, 128], strides = [1, 1, 1]} : vector<8x8x128xf32> to vector<4x8x128xf32>
    %slice3A_2464 = vector.extract_strided_slice %select_n3A_2447 {offsets = [4, 0, 0], sizes = [4, 8, 128], strides = [1, 1, 1]} : vector<8x8x128xf32> to vector<4x8x128xf32>
    %select_n3A_2465 = arith.select %ge3A_2456, %slice3A_2463, %slice3A_2464 : vector<4x8x128xi1>, vector<4x8x128xf32>
    %slice3A_2466 = vector.extract_strided_slice %select_n3A_2450 {offsets = [0, 0, 0], sizes = [4, 8, 128], strides = [1, 1, 1]} : vector<8x8x128xf32> to vector<4x8x128xf32>
    %slice3A_2467 = vector.extract_strided_slice %select_n3A_2450 {offsets = [4, 0, 0], sizes = [4, 8, 128], strides = [1, 1, 1]} : vector<8x8x128xf32> to vector<4x8x128xf32>
    %select_n3A_2468 = arith.select %ge3A_2456, %slice3A_2466, %slice3A_2467 : vector<4x8x128xi1>, vector<4x8x128xf32>
    %slice3A_2469 = vector.extract_strided_slice %select_n3A_2453 {offsets = [0, 0, 0], sizes = [4, 8, 128], strides = [1, 1, 1]} : vector<8x8x128xf32> to vector<4x8x128xf32>
    %slice3A_2470 = vector.extract_strided_slice %select_n3A_2453 {offsets = [4, 0, 0], sizes = [4, 8, 128], strides = [1, 1, 1]} : vector<8x8x128xf32> to vector<4x8x128xf32>
    %select_n3A_2471 = arith.select %ge3A_2456, %slice3A_2469, %slice3A_2470 : vector<4x8x128xi1>, vector<4x8x128xf32>
    %slice3A_2472 = vector.extract_strided_slice %select_n3A_2459 {offsets = [0, 0, 0], sizes = [2, 8, 128], strides = [1, 1, 1]} : vector<4x8x128xf32> to vector<2x8x128xf32>
    %slice3A_2473 = vector.extract_strided_slice %select_n3A_2459 {offsets = [2, 0, 0], sizes = [2, 8, 128], strides = [1, 1, 1]} : vector<4x8x128xf32> to vector<2x8x128xf32>
    %ge3A_2474 = arith.cmpf oge, %slice3A_2472, %slice3A_2473 : vector<2x8x128xf32>
    %slice3A_2475 = vector.extract_strided_slice %select_n3A_2459 {offsets = [0, 0, 0], sizes = [2, 8, 128], strides = [1, 1, 1]} : vector<4x8x128xf32> to vector<2x8x128xf32>
    %slice3A_2476 = vector.extract_strided_slice %select_n3A_2459 {offsets = [2, 0, 0], sizes = [2, 8, 128], strides = [1, 1, 1]} : vector<4x8x128xf32> to vector<2x8x128xf32>
    %select_n3A_2477 = arith.select %ge3A_2474, %slice3A_2475, %slice3A_2476 : vector<2x8x128xi1>, vector<2x8x128xf32>
    %slice3A_2478 = vector.extract_strided_slice %select_n3A_2462 {offsets = [0, 0, 0], sizes = [2, 8, 128], strides = [1, 1, 1]} : vector<4x8x128xf32> to vector<2x8x128xf32>
    %slice3A_2479 = vector.extract_strided_slice %select_n3A_2462 {offsets = [2, 0, 0], sizes = [2, 8, 128], strides = [1, 1, 1]} : vector<4x8x128xf32> to vector<2x8x128xf32>
    %select_n3A_2480 = arith.select %ge3A_2474, %slice3A_2478, %slice3A_2479 : vector<2x8x128xi1>, vector<2x8x128xf32>
    %slice3A_2481 = vector.extract_strided_slice %select_n3A_2465 {offsets = [0, 0, 0], sizes = [2, 8, 128], strides = [1, 1, 1]} : vector<4x8x128xf32> to vector<2x8x128xf32>
    %slice3A_2482 = vector.extract_strided_slice %select_n3A_2465 {offsets = [2, 0, 0], sizes = [2, 8, 128], strides = [1, 1, 1]} : vector<4x8x128xf32> to vector<2x8x128xf32>
    %select_n3A_2483 = arith.select %ge3A_2474, %slice3A_2481, %slice3A_2482 : vector<2x8x128xi1>, vector<2x8x128xf32>
    %slice3A_2484 = vector.extract_strided_slice %select_n3A_2468 {offsets = [0, 0, 0], sizes = [2, 8, 128], strides = [1, 1, 1]} : vector<4x8x128xf32> to vector<2x8x128xf32>
    %slice3A_2485 = vector.extract_strided_slice %select_n3A_2468 {offsets = [2, 0, 0], sizes = [2, 8, 128], strides = [1, 1, 1]} : vector<4x8x128xf32> to vector<2x8x128xf32>
    %select_n3A_2486 = arith.select %ge3A_2474, %slice3A_2484, %slice3A_2485 : vector<2x8x128xi1>, vector<2x8x128xf32>
    %slice3A_2487 = vector.extract_strided_slice %select_n3A_2471 {offsets = [0, 0, 0], sizes = [2, 8, 128], strides = [1, 1, 1]} : vector<4x8x128xf32> to vector<2x8x128xf32>
    %slice3A_2488 = vector.extract_strided_slice %select_n3A_2471 {offsets = [2, 0, 0], sizes = [2, 8, 128], strides = [1, 1, 1]} : vector<4x8x128xf32> to vector<2x8x128xf32>
    %select_n3A_2489 = arith.select %ge3A_2474, %slice3A_2487, %slice3A_2488 : vector<2x8x128xi1>, vector<2x8x128xf32>
    %slice3A_2490 = vector.extract_strided_slice %select_n3A_2477 {offsets = [0, 0, 0], sizes = [1, 8, 128], strides = [1, 1, 1]} : vector<2x8x128xf32> to vector<1x8x128xf32>
    %slice3A_2491 = vector.extract_strided_slice %select_n3A_2477 {offsets = [1, 0, 0], sizes = [1, 8, 128], strides = [1, 1, 1]} : vector<2x8x128xf32> to vector<1x8x128xf32>
    %ge3A_2492 = arith.cmpf oge, %slice3A_2490, %slice3A_2491 : vector<1x8x128xf32>
    %slice3A_2493 = vector.extract_strided_slice %select_n3A_2477 {offsets = [0, 0, 0], sizes = [1, 8, 128], strides = [1, 1, 1]} : vector<2x8x128xf32> to vector<1x8x128xf32>
    %slice3A_2494 = vector.extract_strided_slice %select_n3A_2477 {offsets = [1, 0, 0], sizes = [1, 8, 128], strides = [1, 1, 1]} : vector<2x8x128xf32> to vector<1x8x128xf32>
    %select_n3A_2495 = arith.select %ge3A_2492, %slice3A_2493, %slice3A_2494 : vector<1x8x128xi1>, vector<1x8x128xf32>
    %slice3A_2496 = vector.extract_strided_slice %select_n3A_2480 {offsets = [0, 0, 0], sizes = [1, 8, 128], strides = [1, 1, 1]} : vector<2x8x128xf32> to vector<1x8x128xf32>
    %slice3A_2497 = vector.extract_strided_slice %select_n3A_2480 {offsets = [1, 0, 0], sizes = [1, 8, 128], strides = [1, 1, 1]} : vector<2x8x128xf32> to vector<1x8x128xf32>
    %select_n3A_2498 = arith.select %ge3A_2492, %slice3A_2496, %slice3A_2497 : vector<1x8x128xi1>, vector<1x8x128xf32>
    %slice3A_2499 = vector.extract_strided_slice %select_n3A_2483 {offsets = [0, 0, 0], sizes = [1, 8, 128], strides = [1, 1, 1]} : vector<2x8x128xf32> to vector<1x8x128xf32>
    %slice3A_2500 = vector.extract_strided_slice %select_n3A_2483 {offsets = [1, 0, 0], sizes = [1, 8, 128], strides = [1, 1, 1]} : vector<2x8x128xf32> to vector<1x8x128xf32>
    %select_n3A_2501 = arith.select %ge3A_2492, %slice3A_2499, %slice3A_2500 : vector<1x8x128xi1>, vector<1x8x128xf32>
    %slice3A_2502 = vector.extract_strided_slice %select_n3A_2486 {offsets = [0, 0, 0], sizes = [1, 8, 128], strides = [1, 1, 1]} : vector<2x8x128xf32> to vector<1x8x128xf32>
    %slice3A_2503 = vector.extract_strided_slice %select_n3A_2486 {offsets = [1, 0, 0], sizes = [1, 8, 128], strides = [1, 1, 1]} : vector<2x8x128xf32> to vector<1x8x128xf32>
    %select_n3A_2504 = arith.select %ge3A_2492, %slice3A_2502, %slice3A_2503 : vector<1x8x128xi1>, vector<1x8x128xf32>
    %slice3A_2505 = vector.extract_strided_slice %select_n3A_2489 {offsets = [0, 0, 0], sizes = [1, 8, 128], strides = [1, 1, 1]} : vector<2x8x128xf32> to vector<1x8x128xf32>
    %slice3A_2506 = vector.extract_strided_slice %select_n3A_2489 {offsets = [1, 0, 0], sizes = [1, 8, 128], strides = [1, 1, 1]} : vector<2x8x128xf32> to vector<1x8x128xf32>
    %select_n3A_2507 = arith.select %ge3A_2492, %slice3A_2505, %slice3A_2506 : vector<1x8x128xi1>, vector<1x8x128xf32>
    %reduce_max3A = arith.constant dense<0xFF800000> : vector<1x8xf32>
    %reduce_max3A_2508 = vector.multi_reduction <maximumf>, %select_n3A_2495, %reduce_max3A [2] : vector<1x8x128xf32> to vector<1x8xf32>
    %broadcast_in_dim3A_2509 = vector.shape_cast %reduce_max3A_2508 : vector<1x8xf32> to vector<1x8x1xf32>
    %eq3A_2510 = vector.broadcast %broadcast_in_dim3A_2509 : vector<1x8x1xf32> to vector<1x8x128xf32>
    %eq3A_2511 = arith.cmpf oeq, %select_n3A_2495, %eq3A_2510 : vector<1x8x128xf32>
    %jit3A_2512 = arith.constant 3.000000e+38 : f32
    %broadcast_in_dim3A_2513 = vector.broadcast %jit3A_2512 : f32 to vector<1x8x128xf32>
    %select_n3A_2514 = arith.select %eq3A_2511, %select_n3A_2507, %broadcast_in_dim3A_2513 : vector<1x8x128xi1>, vector<1x8x128xf32>
    %reduce_min3A_2515 = arith.constant dense<0x7F800000> : vector<1x8xf32>
    %reduce_min3A_2516 = vector.multi_reduction <minimumf>, %select_n3A_2514, %reduce_min3A_2515 [2] : vector<1x8x128xf32> to vector<1x8xf32>
    %broadcast_in_dim3A_2517 = vector.shape_cast %reduce_min3A_2516 : vector<1x8xf32> to vector<1x8x1xf32>
    %eq3A_2518 = vector.broadcast %broadcast_in_dim3A_2517 : vector<1x8x1xf32> to vector<1x8x128xf32>
    %eq3A_2519 = arith.cmpf oeq, %select_n3A_2507, %eq3A_2518 : vector<1x8x128xf32>
    %jit3A_2520 = arith.constant 0.000000e+00 : f32
    %broadcast_in_dim3A_2521 = vector.broadcast %jit3A_2520 : f32 to vector<1x8x128xf32>
    %select_n3A_2522 = arith.select %eq3A_2519, %select_n3A_2498, %broadcast_in_dim3A_2521 : vector<1x8x128xi1>, vector<1x8x128xf32>
    %reduce_sum3A = arith.constant dense<0.000000e+00> : vector<1x8xf32>
    %reduce_sum3A_2523 = vector.multi_reduction <add>, %select_n3A_2522, %reduce_sum3A [2] : vector<1x8x128xf32> to vector<1x8xf32>
    %broadcast_in_dim3A_2524 = vector.shape_cast %reduce_sum3A_2523 : vector<1x8xf32> to vector<1x8x1xf32>
    %jit3A_2525 = arith.constant 0.000000e+00 : f32
    %broadcast_in_dim3A_2526 = vector.broadcast %jit3A_2525 : f32 to vector<1x8x128xf32>
    %select_n3A_2527 = arith.select %eq3A_2519, %select_n3A_2501, %broadcast_in_dim3A_2526 : vector<1x8x128xi1>, vector<1x8x128xf32>
    %reduce_sum3A_2528 = arith.constant dense<0.000000e+00> : vector<1x8xf32>
    %reduce_sum3A_2529 = vector.multi_reduction <add>, %select_n3A_2527, %reduce_sum3A_2528 [2] : vector<1x8x128xf32> to vector<1x8xf32>
    %broadcast_in_dim3A_2530 = vector.shape_cast %reduce_sum3A_2529 : vector<1x8xf32> to vector<1x8x1xf32>
    %jit3A_2531 = arith.constant 0.000000e+00 : f32
    %broadcast_in_dim3A_2532 = vector.broadcast %jit3A_2531 : f32 to vector<1x8x128xf32>
    %select_n3A_2533 = arith.select %eq3A_2519, %select_n3A_2504, %broadcast_in_dim3A_2532 : vector<1x8x128xi1>, vector<1x8x128xf32>
    %reduce_sum3A_2534 = arith.constant dense<0.000000e+00> : vector<1x8xf32>
    %reduce_sum3A_2535 = vector.multi_reduction <add>, %select_n3A_2533, %reduce_sum3A_2534 [2] : vector<1x8x128xf32> to vector<1x8xf32>
    %broadcast_in_dim3A_2536 = vector.shape_cast %reduce_sum3A_2535 : vector<1x8xf32> to vector<1x8x1xf32>
    %sub3A_2537 = vector.broadcast %broadcast_in_dim3A_2524 : vector<1x8x1xf32> to vector<32x8x128xf32>
    %sub3A_2538 = arith.subf %get3A_4, %sub3A_2537 : vector<32x8x128xf32>
    %sub3A_2539 = vector.broadcast %broadcast_in_dim3A_2530 : vector<1x8x1xf32> to vector<32x8x128xf32>
    %sub3A_2540 = arith.subf %get3A_10, %sub3A_2539 : vector<32x8x128xf32>
    %sub3A_2541 = vector.broadcast %broadcast_in_dim3A_2536 : vector<1x8x1xf32> to vector<32x8x128xf32>
    %sub3A_2542 = arith.subf %get3A_16, %sub3A_2541 : vector<32x8x128xf32>
    %mul3A_2543 = arith.mulf %sub3A_2538, %sub3A_2538 : vector<32x8x128xf32>
    %mul3A_2544 = arith.mulf %sub3A_2540, %sub3A_2540 : vector<32x8x128xf32>
    %add3A_2545 = arith.addf %mul3A_2543, %mul3A_2544 : vector<32x8x128xf32>
    %mul3A_2546 = arith.mulf %sub3A_2542, %sub3A_2542 : vector<32x8x128xf32>
    %add3A_2547 = arith.addf %add3A_2545, %mul3A_2546 : vector<32x8x128xf32>
    %min3A_2548 = arith.minimumf %min3A, %add3A_2547 : vector<32x8x128xf32>
    %swap3A_2549 = arith.index_cast %rem3A_25 : i32 to index
    %swap3A_2550 = arith.constant 1 : index
    %swap3A_2551 = arith.constant 0 : index
    %swap3A_2552 = arith.constant 0 : index
    %swap3A_2553 = arith.constant 0 : index
    %swap3A_2554 = vector.load %arg5[%swap3A_2549, %swap3A_2550, %swap3A_2551, %swap3A_2552, %swap3A_2553] : memref<2x8x32x8x128xf32, #tpu.memory_space<vmem>>, vector<1x1x32x8x128xf32>
    %swap3A_2555 = vector.shape_cast %swap3A_2554 : vector<1x1x32x8x128xf32> to vector<32x8x128xf32>
    %swap3A_2556 = vector.shape_cast %add3A_2547 : vector<32x8x128xf32> to vector<1x1x32x8x128xf32>
    tpu.vector_store %arg5[%swap3A_2549, %swap3A_2550, %swap3A_2551, %swap3A_2552, %swap3A_2553], %swap3A_2556 {strides = array<i32>} : memref<2x8x32x8x128xf32, #tpu.memory_space<vmem>>, vector<1x1x32x8x128xf32>,
    %slice3A_2557 = vector.extract_strided_slice %min3A_2548 {offsets = [0, 0, 0], sizes = [16, 8, 128], strides = [1, 1, 1]} : vector<32x8x128xf32> to vector<16x8x128xf32>
    %slice3A_2558 = vector.extract_strided_slice %min3A_2548 {offsets = [16, 0, 0], sizes = [16, 8, 128], strides = [1, 1, 1]} : vector<32x8x128xf32> to vector<16x8x128xf32>
    %ge3A_2559 = arith.cmpf oge, %slice3A_2557, %slice3A_2558 : vector<16x8x128xf32>
    %slice3A_2560 = vector.extract_strided_slice %min3A_2548 {offsets = [0, 0, 0], sizes = [16, 8, 128], strides = [1, 1, 1]} : vector<32x8x128xf32> to vector<16x8x128xf32>
    %slice3A_2561 = vector.extract_strided_slice %min3A_2548 {offsets = [16, 0, 0], sizes = [16, 8, 128], strides = [1, 1, 1]} : vector<32x8x128xf32> to vector<16x8x128xf32>
    %select_n3A_2562 = arith.select %ge3A_2559, %slice3A_2560, %slice3A_2561 : vector<16x8x128xi1>, vector<16x8x128xf32>
    %slice3A_2563 = vector.extract_strided_slice %get3A_4 {offsets = [0, 0, 0], sizes = [16, 8, 128], strides = [1, 1, 1]} : vector<32x8x128xf32> to vector<16x8x128xf32>
    %slice3A_2564 = vector.extract_strided_slice %get3A_4 {offsets = [16, 0, 0], sizes = [16, 8, 128], strides = [1, 1, 1]} : vector<32x8x128xf32> to vector<16x8x128xf32>
    %select_n3A_2565 = arith.select %ge3A_2559, %slice3A_2563, %slice3A_2564 : vector<16x8x128xi1>, vector<16x8x128xf32>
    %slice3A_2566 = vector.extract_strided_slice %get3A_10 {offsets = [0, 0, 0], sizes = [16, 8, 128], strides = [1, 1, 1]} : vector<32x8x128xf32> to vector<16x8x128xf32>
    %slice3A_2567 = vector.extract_strided_slice %get3A_10 {offsets = [16, 0, 0], sizes = [16, 8, 128], strides = [1, 1, 1]} : vector<32x8x128xf32> to vector<16x8x128xf32>
    %select_n3A_2568 = arith.select %ge3A_2559, %slice3A_2566, %slice3A_2567 : vector<16x8x128xi1>, vector<16x8x128xf32>
    %slice3A_2569 = vector.extract_strided_slice %get3A_16 {offsets = [0, 0, 0], sizes = [16, 8, 128], strides = [1, 1, 1]} : vector<32x8x128xf32> to vector<16x8x128xf32>
    %slice3A_2570 = vector.extract_strided_slice %get3A_16 {offsets = [16, 0, 0], sizes = [16, 8, 128], strides = [1, 1, 1]} : vector<32x8x128xf32> to vector<16x8x128xf32>
    %select_n3A_2571 = arith.select %ge3A_2559, %slice3A_2569, %slice3A_2570 : vector<16x8x128xi1>, vector<16x8x128xf32>
    %slice3A_2572 = vector.extract_strided_slice %get3A_22 {offsets = [0, 0, 0], sizes = [16, 8, 128], strides = [1, 1, 1]} : vector<32x8x128xf32> to vector<16x8x128xf32>
    %slice3A_2573 = vector.extract_strided_slice %get3A_22 {offsets = [16, 0, 0], sizes = [16, 8, 128], strides = [1, 1, 1]} : vector<32x8x128xf32> to vector<16x8x128xf32>
    %select_n3A_2574 = arith.select %ge3A_2559, %slice3A_2572, %slice3A_2573 : vector<16x8x128xi1>, vector<16x8x128xf32>
    %slice3A_2575 = vector.extract_strided_slice %select_n3A_2562 {offsets = [0, 0, 0], sizes = [8, 8, 128], strides = [1, 1, 1]} : vector<16x8x128xf32> to vector<8x8x128xf32>
    %slice3A_2576 = vector.extract_strided_slice %select_n3A_2562 {offsets = [8, 0, 0], sizes = [8, 8, 128], strides = [1, 1, 1]} : vector<16x8x128xf32> to vector<8x8x128xf32>
    %ge3A_2577 = arith.cmpf oge, %slice3A_2575, %slice3A_2576 : vector<8x8x128xf32>
    %slice3A_2578 = vector.extract_strided_slice %select_n3A_2562 {offsets = [0, 0, 0], sizes = [8, 8, 128], strides = [1, 1, 1]} : vector<16x8x128xf32> to vector<8x8x128xf32>
    %slice3A_2579 = vector.extract_strided_slice %select_n3A_2562 {offsets = [8, 0, 0], sizes = [8, 8, 128], strides = [1, 1, 1]} : vector<16x8x128xf32> to vector<8x8x128xf32>
    %select_n3A_2580 = arith.select %ge3A_2577, %slice3A_2578, %slice3A_2579 : vector<8x8x128xi1>, vector<8x8x128xf32>
    %slice3A_2581 = vector.extract_strided_slice %select_n3A_2565 {offsets = [0, 0, 0], sizes = [8, 8, 128], strides = [1, 1, 1]} : vector<16x8x128xf32> to vector<8x8x128xf32>
    %slice3A_2582 = vector.extract_strided_slice %select_n3A_2565 {offsets = [8, 0, 0], sizes = [8, 8, 128], strides = [1, 1, 1]} : vector<16x8x128xf32> to vector<8x8x128xf32>
    %select_n3A_2583 = arith.select %ge3A_2577, %slice3A_2581, %slice3A_2582 : vector<8x8x128xi1>, vector<8x8x128xf32>
    %slice3A_2584 = vector.extract_strided_slice %select_n3A_2568 {offsets = [0, 0, 0], sizes = [8, 8, 128], strides = [1, 1, 1]} : vector<16x8x128xf32> to vector<8x8x128xf32>
    %slice3A_2585 = vector.extract_strided_slice %select_n3A_2568 {offsets = [8, 0, 0], sizes = [8, 8, 128], strides = [1, 1, 1]} : vector<16x8x128xf32> to vector<8x8x128xf32>
    %select_n3A_2586 = arith.select %ge3A_2577, %slice3A_2584, %slice3A_2585 : vector<8x8x128xi1>, vector<8x8x128xf32>
    %slice3A_2587 = vector.extract_strided_slice %select_n3A_2571 {offsets = [0, 0, 0], sizes = [8, 8, 128], strides = [1, 1, 1]} : vector<16x8x128xf32> to vector<8x8x128xf32>
    %slice3A_2588 = vector.extract_strided_slice %select_n3A_2571 {offsets = [8, 0, 0], sizes = [8, 8, 128], strides = [1, 1, 1]} : vector<16x8x128xf32> to vector<8x8x128xf32>
    %select_n3A_2589 = arith.select %ge3A_2577, %slice3A_2587, %slice3A_2588 : vector<8x8x128xi1>, vector<8x8x128xf32>
    %slice3A_2590 = vector.extract_strided_slice %select_n3A_2574 {offsets = [0, 0, 0], sizes = [8, 8, 128], strides = [1, 1, 1]} : vector<16x8x128xf32> to vector<8x8x128xf32>
    %slice3A_2591 = vector.extract_strided_slice %select_n3A_2574 {offsets = [8, 0, 0], sizes = [8, 8, 128], strides = [1, 1, 1]} : vector<16x8x128xf32> to vector<8x8x128xf32>
    %select_n3A_2592 = arith.select %ge3A_2577, %slice3A_2590, %slice3A_2591 : vector<8x8x128xi1>, vector<8x8x128xf32>
    %slice3A_2593 = vector.extract_strided_slice %select_n3A_2580 {offsets = [0, 0, 0], sizes = [4, 8, 128], strides = [1, 1, 1]} : vector<8x8x128xf32> to vector<4x8x128xf32>
    %slice3A_2594 = vector.extract_strided_slice %select_n3A_2580 {offsets = [4, 0, 0], sizes = [4, 8, 128], strides = [1, 1, 1]} : vector<8x8x128xf32> to vector<4x8x128xf32>
    %ge3A_2595 = arith.cmpf oge, %slice3A_2593, %slice3A_2594 : vector<4x8x128xf32>
    %slice3A_2596 = vector.extract_strided_slice %select_n3A_2580 {offsets = [0, 0, 0], sizes = [4, 8, 128], strides = [1, 1, 1]} : vector<8x8x128xf32> to vector<4x8x128xf32>
    %slice3A_2597 = vector.extract_strided_slice %select_n3A_2580 {offsets = [4, 0, 0], sizes = [4, 8, 128], strides = [1, 1, 1]} : vector<8x8x128xf32> to vector<4x8x128xf32>
    %select_n3A_2598 = arith.select %ge3A_2595, %slice3A_2596, %slice3A_2597 : vector<4x8x128xi1>, vector<4x8x128xf32>
    %slice3A_2599 = vector.extract_strided_slice %select_n3A_2583 {offsets = [0, 0, 0], sizes = [4, 8, 128], strides = [1, 1, 1]} : vector<8x8x128xf32> to vector<4x8x128xf32>
    %slice3A_2600 = vector.extract_strided_slice %select_n3A_2583 {offsets = [4, 0, 0], sizes = [4, 8, 128], strides = [1, 1, 1]} : vector<8x8x128xf32> to vector<4x8x128xf32>
    %select_n3A_2601 = arith.select %ge3A_2595, %slice3A_2599, %slice3A_2600 : vector<4x8x128xi1>, vector<4x8x128xf32>
    %slice3A_2602 = vector.extract_strided_slice %select_n3A_2586 {offsets = [0, 0, 0], sizes = [4, 8, 128], strides = [1, 1, 1]} : vector<8x8x128xf32> to vector<4x8x128xf32>
    %slice3A_2603 = vector.extract_strided_slice %select_n3A_2586 {offsets = [4, 0, 0], sizes = [4, 8, 128], strides = [1, 1, 1]} : vector<8x8x128xf32> to vector<4x8x128xf32>
    %select_n3A_2604 = arith.select %ge3A_2595, %slice3A_2602, %slice3A_2603 : vector<4x8x128xi1>, vector<4x8x128xf32>
    %slice3A_2605 = vector.extract_strided_slice %select_n3A_2589 {offsets = [0, 0, 0], sizes = [4, 8, 128], strides = [1, 1, 1]} : vector<8x8x128xf32> to vector<4x8x128xf32>
    %slice3A_2606 = vector.extract_strided_slice %select_n3A_2589 {offsets = [4, 0, 0], sizes = [4, 8, 128], strides = [1, 1, 1]} : vector<8x8x128xf32> to vector<4x8x128xf32>
    %select_n3A_2607 = arith.select %ge3A_2595, %slice3A_2605, %slice3A_2606 : vector<4x8x128xi1>, vector<4x8x128xf32>
    %slice3A_2608 = vector.extract_strided_slice %select_n3A_2592 {offsets = [0, 0, 0], sizes = [4, 8, 128], strides = [1, 1, 1]} : vector<8x8x128xf32> to vector<4x8x128xf32>
    %slice3A_2609 = vector.extract_strided_slice %select_n3A_2592 {offsets = [4, 0, 0], sizes = [4, 8, 128], strides = [1, 1, 1]} : vector<8x8x128xf32> to vector<4x8x128xf32>
    %select_n3A_2610 = arith.select %ge3A_2595, %slice3A_2608, %slice3A_2609 : vector<4x8x128xi1>, vector<4x8x128xf32>
    %slice3A_2611 = vector.extract_strided_slice %select_n3A_2598 {offsets = [0, 0, 0], sizes = [2, 8, 128], strides = [1, 1, 1]} : vector<4x8x128xf32> to vector<2x8x128xf32>
    %slice3A_2612 = vector.extract_strided_slice %select_n3A_2598 {offsets = [2, 0, 0], sizes = [2, 8, 128], strides = [1, 1, 1]} : vector<4x8x128xf32> to vector<2x8x128xf32>
    %ge3A_2613 = arith.cmpf oge, %slice3A_2611, %slice3A_2612 : vector<2x8x128xf32>
    %slice3A_2614 = vector.extract_strided_slice %select_n3A_2598 {offsets = [0, 0, 0], sizes = [2, 8, 128], strides = [1, 1, 1]} : vector<4x8x128xf32> to vector<2x8x128xf32>
    %slice3A_2615 = vector.extract_strided_slice %select_n3A_2598 {offsets = [2, 0, 0], sizes = [2, 8, 128], strides = [1, 1, 1]} : vector<4x8x128xf32> to vector<2x8x128xf32>
    %select_n3A_2616 = arith.select %ge3A_2613, %slice3A_2614, %slice3A_2615 : vector<2x8x128xi1>, vector<2x8x128xf32>
    %slice3A_2617 = vector.extract_strided_slice %select_n3A_2601 {offsets = [0, 0, 0], sizes = [2, 8, 128], strides = [1, 1, 1]} : vector<4x8x128xf32> to vector<2x8x128xf32>
    %slice3A_2618 = vector.extract_strided_slice %select_n3A_2601 {offsets = [2, 0, 0], sizes = [2, 8, 128], strides = [1, 1, 1]} : vector<4x8x128xf32> to vector<2x8x128xf32>
    %select_n3A_2619 = arith.select %ge3A_2613, %slice3A_2617, %slice3A_2618 : vector<2x8x128xi1>, vector<2x8x128xf32>
    %slice3A_2620 = vector.extract_strided_slice %select_n3A_2604 {offsets = [0, 0, 0], sizes = [2, 8, 128], strides = [1, 1, 1]} : vector<4x8x128xf32> to vector<2x8x128xf32>
    %slice3A_2621 = vector.extract_strided_slice %select_n3A_2604 {offsets = [2, 0, 0], sizes = [2, 8, 128], strides = [1, 1, 1]} : vector<4x8x128xf32> to vector<2x8x128xf32>
    %select_n3A_2622 = arith.select %ge3A_2613, %slice3A_2620, %slice3A_2621 : vector<2x8x128xi1>, vector<2x8x128xf32>
    %slice3A_2623 = vector.extract_strided_slice %select_n3A_2607 {offsets = [0, 0, 0], sizes = [2, 8, 128], strides = [1, 1, 1]} : vector<4x8x128xf32> to vector<2x8x128xf32>
    %slice3A_2624 = vector.extract_strided_slice %select_n3A_2607 {offsets = [2, 0, 0], sizes = [2, 8, 128], strides = [1, 1, 1]} : vector<4x8x128xf32> to vector<2x8x128xf32>
    %select_n3A_2625 = arith.select %ge3A_2613, %slice3A_2623, %slice3A_2624 : vector<2x8x128xi1>, vector<2x8x128xf32>
    %slice3A_2626 = vector.extract_strided_slice %select_n3A_2610 {offsets = [0, 0, 0], sizes = [2, 8, 128], strides = [1, 1, 1]} : vector<4x8x128xf32> to vector<2x8x128xf32>
    %slice3A_2627 = vector.extract_strided_slice %select_n3A_2610 {offsets = [2, 0, 0], sizes = [2, 8, 128], strides = [1, 1, 1]} : vector<4x8x128xf32> to vector<2x8x128xf32>
    %select_n3A_2628 = arith.select %ge3A_2613, %slice3A_2626, %slice3A_2627 : vector<2x8x128xi1>, vector<2x8x128xf32>
    %slice3A_2629 = vector.extract_strided_slice %select_n3A_2616 {offsets = [0, 0, 0], sizes = [1, 8, 128], strides = [1, 1, 1]} : vector<2x8x128xf32> to vector<1x8x128xf32>
    %slice3A_2630 = vector.extract_strided_slice %select_n3A_2616 {offsets = [1, 0, 0], sizes = [1, 8, 128], strides = [1, 1, 1]} : vector<2x8x128xf32> to vector<1x8x128xf32>
    %ge3A_2631 = arith.cmpf oge, %slice3A_2629, %slice3A_2630 : vector<1x8x128xf32>
    %slice3A_2632 = vector.extract_strided_slice %select_n3A_2616 {offsets = [0, 0, 0], sizes = [1, 8, 128], strides = [1, 1, 1]} : vector<2x8x128xf32> to vector<1x8x128xf32>
    %slice3A_2633 = vector.extract_strided_slice %select_n3A_2616 {offsets = [1, 0, 0], sizes = [1, 8, 128], strides = [1, 1, 1]} : vector<2x8x128xf32> to vector<1x8x128xf32>
    %select_n3A_2634 = arith.select %ge3A_2631, %slice3A_2632, %slice3A_2633 : vector<1x8x128xi1>, vector<1x8x128xf32>
    %slice3A_2635 = vector.extract_strided_slice %select_n3A_2619 {offsets = [0, 0, 0], sizes = [1, 8, 128], strides = [1, 1, 1]} : vector<2x8x128xf32> to vector<1x8x128xf32>
    %slice3A_2636 = vector.extract_strided_slice %select_n3A_2619 {offsets = [1, 0, 0], sizes = [1, 8, 128], strides = [1, 1, 1]} : vector<2x8x128xf32> to vector<1x8x128xf32>
    %select_n3A_2637 = arith.select %ge3A_2631, %slice3A_2635, %slice3A_2636 : vector<1x8x128xi1>, vector<1x8x128xf32>
    %slice3A_2638 = vector.extract_strided_slice %select_n3A_2622 {offsets = [0, 0, 0], sizes = [1, 8, 128], strides = [1, 1, 1]} : vector<2x8x128xf32> to vector<1x8x128xf32>
    %slice3A_2639 = vector.extract_strided_slice %select_n3A_2622 {offsets = [1, 0, 0], sizes = [1, 8, 128], strides = [1, 1, 1]} : vector<2x8x128xf32> to vector<1x8x128xf32>
    %select_n3A_2640 = arith.select %ge3A_2631, %slice3A_2638, %slice3A_2639 : vector<1x8x128xi1>, vector<1x8x128xf32>
    %slice3A_2641 = vector.extract_strided_slice %select_n3A_2625 {offsets = [0, 0, 0], sizes = [1, 8, 128], strides = [1, 1, 1]} : vector<2x8x128xf32> to vector<1x8x128xf32>
    %slice3A_2642 = vector.extract_strided_slice %select_n3A_2625 {offsets = [1, 0, 0], sizes = [1, 8, 128], strides = [1, 1, 1]} : vector<2x8x128xf32> to vector<1x8x128xf32>
    %select_n3A_2643 = arith.select %ge3A_2631, %slice3A_2641, %slice3A_2642 : vector<1x8x128xi1>, vector<1x8x128xf32>
    %slice3A_2644 = vector.extract_strided_slice %select_n3A_2628 {offsets = [0, 0, 0], sizes = [1, 8, 128], strides = [1, 1, 1]} : vector<2x8x128xf32> to vector<1x8x128xf32>
    %slice3A_2645 = vector.extract_strided_slice %select_n3A_2628 {offsets = [1, 0, 0], sizes = [1, 8, 128], strides = [1, 1, 1]} : vector<2x8x128xf32> to vector<1x8x128xf32>
    %select_n3A_2646 = arith.select %ge3A_2631, %slice3A_2644, %slice3A_2645 : vector<1x8x128xi1>, vector<1x8x128xf32>
    %reduce_max3A_2647 = arith.constant dense<0xFF800000> : vector<1x8xf32>
    %reduce_max3A_2648 = vector.multi_reduction <maximumf>, %select_n3A_2634, %reduce_max3A_2647 [2] : vector<1x8x128xf32> to vector<1x8xf32>
    %broadcast_in_dim3A_2649 = vector.shape_cast %reduce_max3A_2648 : vector<1x8xf32> to vector<1x8x1xf32>
    %eq3A_2650 = vector.broadcast %broadcast_in_dim3A_2649 : vector<1x8x1xf32> to vector<1x8x128xf32>
    %eq3A_2651 = arith.cmpf oeq, %select_n3A_2634, %eq3A_2650 : vector<1x8x128xf32>
    %jit3A_2652 = arith.constant 3.000000e+38 : f32
    %broadcast_in_dim3A_2653 = vector.broadcast %jit3A_2652 : f32 to vector<1x8x128xf32>
    %select_n3A_2654 = arith.select %eq3A_2651, %select_n3A_2646, %broadcast_in_dim3A_2653 : vector<1x8x128xi1>, vector<1x8x128xf32>
    %reduce_min3A_2655 = arith.constant dense<0x7F800000> : vector<1x8xf32>
    %reduce_min3A_2656 = vector.multi_reduction <minimumf>, %select_n3A_2654, %reduce_min3A_2655 [2] : vector<1x8x128xf32> to vector<1x8xf32>
    %broadcast_in_dim3A_2657 = vector.shape_cast %reduce_min3A_2656 : vector<1x8xf32> to vector<1x8x1xf32>
    %eq3A_2658 = vector.broadcast %broadcast_in_dim3A_2657 : vector<1x8x1xf32> to vector<1x8x128xf32>
    %eq3A_2659 = arith.cmpf oeq, %select_n3A_2646, %eq3A_2658 : vector<1x8x128xf32>
    %jit3A_2660 = arith.constant 0.000000e+00 : f32
    %broadcast_in_dim3A_2661 = vector.broadcast %jit3A_2660 : f32 to vector<1x8x128xf32>
    %select_n3A_2662 = arith.select %eq3A_2659, %select_n3A_2637, %broadcast_in_dim3A_2661 : vector<1x8x128xi1>, vector<1x8x128xf32>
    %reduce_sum3A_2663 = arith.constant dense<0.000000e+00> : vector<1x8xf32>
    %reduce_sum3A_2664 = vector.multi_reduction <add>, %select_n3A_2662, %reduce_sum3A_2663 [2] : vector<1x8x128xf32> to vector<1x8xf32>
    %broadcast_in_dim3A_2665 = vector.shape_cast %reduce_sum3A_2664 : vector<1x8xf32> to vector<1x8x1xf32>
    %jit3A_2666 = arith.constant 0.000000e+00 : f32
    %broadcast_in_dim3A_2667 = vector.broadcast %jit3A_2666 : f32 to vector<1x8x128xf32>
    %select_n3A_2668 = arith.select %eq3A_2659, %select_n3A_2640, %broadcast_in_dim3A_2667 : vector<1x8x128xi1>, vector<1x8x128xf32>
    %reduce_sum3A_2669 = arith.constant dense<0.000000e+00> : vector<1x8xf32>
    %reduce_sum3A_2670 = vector.multi_reduction <add>, %select_n3A_2668, %reduce_sum3A_2669 [2] : vector<1x8x128xf32> to vector<1x8xf32>
    %broadcast_in_dim3A_2671 = vector.shape_cast %reduce_sum3A_2670 : vector<1x8xf32> to vector<1x8x1xf32>
    %jit3A_2672 = arith.constant 0.000000e+00 : f32
    %broadcast_in_dim3A_2673 = vector.broadcast %jit3A_2672 : f32 to vector<1x8x128xf32>
    %select_n3A_2674 = arith.select %eq3A_2659, %select_n3A_2643, %broadcast_in_dim3A_2673 : vector<1x8x128xi1>, vector<1x8x128xf32>
    %reduce_sum3A_2675 = arith.constant dense<0.000000e+00> : vector<1x8xf32>
    %reduce_sum3A_2676 = vector.multi_reduction <add>, %select_n3A_2674, %reduce_sum3A_2675 [2] : vector<1x8x128xf32> to vector<1x8xf32>
    %broadcast_in_dim3A_2677 = vector.shape_cast %reduce_sum3A_2676 : vector<1x8xf32> to vector<1x8x1xf32>
    %sub3A_2678 = vector.broadcast %broadcast_in_dim3A_2665 : vector<1x8x1xf32> to vector<32x8x128xf32>
    %sub3A_2679 = arith.subf %get3A_4, %sub3A_2678 : vector<32x8x128xf32>
    %sub3A_2680 = vector.broadcast %broadcast_in_dim3A_2671 : vector<1x8x1xf32> to vector<32x8x128xf32>
    %sub3A_2681 = arith.subf %get3A_10, %sub3A_2680 : vector<32x8x128xf32>
    %sub3A_2682 = vector.broadcast %broadcast_in_dim3A_2677 : vector<1x8x1xf32> to vector<32x8x128xf32>
    %sub3A_2683 = arith.subf %get3A_16, %sub3A_2682 : vector<32x8x128xf32>
    %mul3A_2684 = arith.mulf %sub3A_2679, %sub3A_2679 : vector<32x8x128xf32>
    %mul3A_2685 = arith.mulf %sub3A_2681, %sub3A_2681 : vector<32x8x128xf32>
    %add3A_2686 = arith.addf %mul3A_2684, %mul3A_2685 : vector<32x8x128xf32>
    %mul3A_2687 = arith.mulf %sub3A_2683, %sub3A_2683 : vector<32x8x128xf32>
    %add3A_2688 = arith.addf %add3A_2686, %mul3A_2687 : vector<32x8x128xf32>
    %min3A_2689 = arith.minimumf %min3A_2548, %add3A_2688 : vector<32x8x128xf32>
    %swap3A_2690 = arith.index_cast %rem3A_25 : i32 to index
    %swap3A_2691 = arith.constant 2 : index
    %swap3A_2692 = arith.constant 0 : index
    %swap3A_2693 = arith.constant 0 : index
    %swap3A_2694 = arith.constant 0 : index
    %swap3A_2695 = vector.load %arg5[%swap3A_2690, %swap3A_2691, %swap3A_2692, %swap3A_2693, %swap3A_2694] : memref<2x8x32x8x128xf32, #tpu.memory_space<vmem>>, vector<1x1x32x8x128xf32>
    %swap3A_2696 = vector.shape_cast %swap3A_2695 : vector<1x1x32x8x128xf32> to vector<32x8x128xf32>
    %swap3A_2697 = vector.shape_cast %add3A_2688 : vector<32x8x128xf32> to vector<1x1x32x8x128xf32>
    tpu.vector_store %arg5[%swap3A_2690, %swap3A_2691, %swap3A_2692, %swap3A_2693, %swap3A_2694], %swap3A_2697 {strides = array<i32>} : memref<2x8x32x8x128xf32, #tpu.memory_space<vmem>>, vector<1x1x32x8x128xf32>,
    %slice3A_2698 = vector.extract_strided_slice %min3A_2689 {offsets = [0, 0, 0], sizes = [16, 8, 128], strides = [1, 1, 1]} : vector<32x8x128xf32> to vector<16x8x128xf32>
    %slice3A_2699 = vector.extract_strided_slice %min3A_2689 {offsets = [16, 0, 0], sizes = [16, 8, 128], strides = [1, 1, 1]} : vector<32x8x128xf32> to vector<16x8x128xf32>
    %ge3A_2700 = arith.cmpf oge, %slice3A_2698, %slice3A_2699 : vector<16x8x128xf32>
    %slice3A_2701 = vector.extract_strided_slice %min3A_2689 {offsets = [0, 0, 0], sizes = [16, 8, 128], strides = [1, 1, 1]} : vector<32x8x128xf32> to vector<16x8x128xf32>
    %slice3A_2702 = vector.extract_strided_slice %min3A_2689 {offsets = [16, 0, 0], sizes = [16, 8, 128], strides = [1, 1, 1]} : vector<32x8x128xf32> to vector<16x8x128xf32>
    %select_n3A_2703 = arith.select %ge3A_2700, %slice3A_2701, %slice3A_2702 : vector<16x8x128xi1>, vector<16x8x128xf32>
    %slice3A_2704 = vector.extract_strided_slice %get3A_4 {offsets = [0, 0, 0], sizes = [16, 8, 128], strides = [1, 1, 1]} : vector<32x8x128xf32> to vector<16x8x128xf32>
    %slice3A_2705 = vector.extract_strided_slice %get3A_4 {offsets = [16, 0, 0], sizes = [16, 8, 128], strides = [1, 1, 1]} : vector<32x8x128xf32> to vector<16x8x128xf32>
    %select_n3A_2706 = arith.select %ge3A_2700, %slice3A_2704, %slice3A_2705 : vector<16x8x128xi1>, vector<16x8x128xf32>
    %slice3A_2707 = vector.extract_strided_slice %get3A_10 {offsets = [0, 0, 0], sizes = [16, 8, 128], strides = [1, 1, 1]} : vector<32x8x128xf32> to vector<16x8x128xf32>
    %slice3A_2708 = vector.extract_strided_slice %get3A_10 {offsets = [16, 0, 0], sizes = [16, 8, 128], strides = [1, 1, 1]} : vector<32x8x128xf32> to vector<16x8x128xf32>
    %select_n3A_2709 = arith.select %ge3A_2700, %slice3A_2707, %slice3A_2708 : vector<16x8x128xi1>, vector<16x8x128xf32>
    %slice3A_2710 = vector.extract_strided_slice %get3A_16 {offsets = [0, 0, 0], sizes = [16, 8, 128], strides = [1, 1, 1]} : vector<32x8x128xf32> to vector<16x8x128xf32>
    %slice3A_2711 = vector.extract_strided_slice %get3A_16 {offsets = [16, 0, 0], sizes = [16, 8, 128], strides = [1, 1, 1]} : vector<32x8x128xf32> to vector<16x8x128xf32>
    %select_n3A_2712 = arith.select %ge3A_2700, %slice3A_2710, %slice3A_2711 : vector<16x8x128xi1>, vector<16x8x128xf32>
    %slice3A_2713 = vector.extract_strided_slice %get3A_22 {offsets = [0, 0, 0], sizes = [16, 8, 128], strides = [1, 1, 1]} : vector<32x8x128xf32> to vector<16x8x128xf32>
    %slice3A_2714 = vector.extract_strided_slice %get3A_22 {offsets = [16, 0, 0], sizes = [16, 8, 128], strides = [1, 1, 1]} : vector<32x8x128xf32> to vector<16x8x128xf32>
    %select_n3A_2715 = arith.select %ge3A_2700, %slice3A_2713, %slice3A_2714 : vector<16x8x128xi1>, vector<16x8x128xf32>
    %slice3A_2716 = vector.extract_strided_slice %select_n3A_2703 {offsets = [0, 0, 0], sizes = [8, 8, 128], strides = [1, 1, 1]} : vector<16x8x128xf32> to vector<8x8x128xf32>
    %slice3A_2717 = vector.extract_strided_slice %select_n3A_2703 {offsets = [8, 0, 0], sizes = [8, 8, 128], strides = [1, 1, 1]} : vector<16x8x128xf32> to vector<8x8x128xf32>
    %ge3A_2718 = arith.cmpf oge, %slice3A_2716, %slice3A_2717 : vector<8x8x128xf32>
    %slice3A_2719 = vector.extract_strided_slice %select_n3A_2703 {offsets = [0, 0, 0], sizes = [8, 8, 128], strides = [1, 1, 1]} : vector<16x8x128xf32> to vector<8x8x128xf32>
    %slice3A_2720 = vector.extract_strided_slice %select_n3A_2703 {offsets = [8, 0, 0], sizes = [8, 8, 128], strides = [1, 1, 1]} : vector<16x8x128xf32> to vector<8x8x128xf32>
    %select_n3A_2721 = arith.select %ge3A_2718, %slice3A_2719, %slice3A_2720 : vector<8x8x128xi1>, vector<8x8x128xf32>
    %slice3A_2722 = vector.extract_strided_slice %select_n3A_2706 {offsets = [0, 0, 0], sizes = [8, 8, 128], strides = [1, 1, 1]} : vector<16x8x128xf32> to vector<8x8x128xf32>
    %slice3A_2723 = vector.extract_strided_slice %select_n3A_2706 {offsets = [8, 0, 0], sizes = [8, 8, 128], strides = [1, 1, 1]} : vector<16x8x128xf32> to vector<8x8x128xf32>
    %select_n3A_2724 = arith.select %ge3A_2718, %slice3A_2722, %slice3A_2723 : vector<8x8x128xi1>, vector<8x8x128xf32>
    %slice3A_2725 = vector.extract_strided_slice %select_n3A_2709 {offsets = [0, 0, 0], sizes = [8, 8, 128], strides = [1, 1, 1]} : vector<16x8x128xf32> to vector<8x8x128xf32>
    %slice3A_2726 = vector.extract_strided_slice %select_n3A_2709 {offsets = [8, 0, 0], sizes = [8, 8, 128], strides = [1, 1, 1]} : vector<16x8x128xf32> to vector<8x8x128xf32>
    %select_n3A_2727 = arith.select %ge3A_2718, %slice3A_2725, %slice3A_2726 : vector<8x8x128xi1>, vector<8x8x128xf32>
    %slice3A_2728 = vector.extract_strided_slice %select_n3A_2712 {offsets = [0, 0, 0], sizes = [8, 8, 128], strides = [1, 1, 1]} : vector<16x8x128xf32> to vector<8x8x128xf32>
    %slice3A_2729 = vector.extract_strided_slice %select_n3A_2712 {offsets = [8, 0, 0], sizes = [8, 8, 128], strides = [1, 1, 1]} : vector<16x8x128xf32> to vector<8x8x128xf32>
    %select_n3A_2730 = arith.select %ge3A_2718, %slice3A_2728, %slice3A_2729 : vector<8x8x128xi1>, vector<8x8x128xf32>
    %slice3A_2731 = vector.extract_strided_slice %select_n3A_2715 {offsets = [0, 0, 0], sizes = [8, 8, 128], strides = [1, 1, 1]} : vector<16x8x128xf32> to vector<8x8x128xf32>
    %slice3A_2732 = vector.extract_strided_slice %select_n3A_2715 {offsets = [8, 0, 0], sizes = [8, 8, 128], strides = [1, 1, 1]} : vector<16x8x128xf32> to vector<8x8x128xf32>
    %select_n3A_2733 = arith.select %ge3A_2718, %slice3A_2731, %slice3A_2732 : vector<8x8x128xi1>, vector<8x8x128xf32>
    %slice3A_2734 = vector.extract_strided_slice %select_n3A_2721 {offsets = [0, 0, 0], sizes = [4, 8, 128], strides = [1, 1, 1]} : vector<8x8x128xf32> to vector<4x8x128xf32>
    %slice3A_2735 = vector.extract_strided_slice %select_n3A_2721 {offsets = [4, 0, 0], sizes = [4, 8, 128], strides = [1, 1, 1]} : vector<8x8x128xf32> to vector<4x8x128xf32>
    %ge3A_2736 = arith.cmpf oge, %slice3A_2734, %slice3A_2735 : vector<4x8x128xf32>
    %slice3A_2737 = vector.extract_strided_slice %select_n3A_2721 {offsets = [0, 0, 0], sizes = [4, 8, 128], strides = [1, 1, 1]} : vector<8x8x128xf32> to vector<4x8x128xf32>
    %slice3A_2738 = vector.extract_strided_slice %select_n3A_2721 {offsets = [4, 0, 0], sizes = [4, 8, 128], strides = [1, 1, 1]} : vector<8x8x128xf32> to vector<4x8x128xf32>
    %select_n3A_2739 = arith.select %ge3A_2736, %slice3A_2737, %slice3A_2738 : vector<4x8x128xi1>, vector<4x8x128xf32>
    %slice3A_2740 = vector.extract_strided_slice %select_n3A_2724 {offsets = [0, 0, 0], sizes = [4, 8, 128], strides = [1, 1, 1]} : vector<8x8x128xf32> to vector<4x8x128xf32>
    %slice3A_2741 = vector.extract_strided_slice %select_n3A_2724 {offsets = [4, 0, 0], sizes = [4, 8, 128], strides = [1, 1, 1]} : vector<8x8x128xf32> to vector<4x8x128xf32>
    %select_n3A_2742 = arith.select %ge3A_2736, %slice3A_2740, %slice3A_2741 : vector<4x8x128xi1>, vector<4x8x128xf32>
    %slice3A_2743 = vector.extract_strided_slice %select_n3A_2727 {offsets = [0, 0, 0], sizes = [4, 8, 128], strides = [1, 1, 1]} : vector<8x8x128xf32> to vector<4x8x128xf32>
    %slice3A_2744 = vector.extract_strided_slice %select_n3A_2727 {offsets = [4, 0, 0], sizes = [4, 8, 128], strides = [1, 1, 1]} : vector<8x8x128xf32> to vector<4x8x128xf32>
    %select_n3A_2745 = arith.select %ge3A_2736, %slice3A_2743, %slice3A_2744 : vector<4x8x128xi1>, vector<4x8x128xf32>
    %slice3A_2746 = vector.extract_strided_slice %select_n3A_2730 {offsets = [0, 0, 0], sizes = [4, 8, 128], strides = [1, 1, 1]} : vector<8x8x128xf32> to vector<4x8x128xf32>
    %slice3A_2747 = vector.extract_strided_slice %select_n3A_2730 {offsets = [4, 0, 0], sizes = [4, 8, 128], strides = [1, 1, 1]} : vector<8x8x128xf32> to vector<4x8x128xf32>
    %select_n3A_2748 = arith.select %ge3A_2736, %slice3A_2746, %slice3A_2747 : vector<4x8x128xi1>, vector<4x8x128xf32>
    %slice3A_2749 = vector.extract_strided_slice %select_n3A_2733 {offsets = [0, 0, 0], sizes = [4, 8, 128], strides = [1, 1, 1]} : vector<8x8x128xf32> to vector<4x8x128xf32>
    %slice3A_2750 = vector.extract_strided_slice %select_n3A_2733 {offsets = [4, 0, 0], sizes = [4, 8, 128], strides = [1, 1, 1]} : vector<8x8x128xf32> to vector<4x8x128xf32>
    %select_n3A_2751 = arith.select %ge3A_2736, %slice3A_2749, %slice3A_2750 : vector<4x8x128xi1>, vector<4x8x128xf32>
    %slice3A_2752 = vector.extract_strided_slice %select_n3A_2739 {offsets = [0, 0, 0], sizes = [2, 8, 128], strides = [1, 1, 1]} : vector<4x8x128xf32> to vector<2x8x128xf32>
    %slice3A_2753 = vector.extract_strided_slice %select_n3A_2739 {offsets = [2, 0, 0], sizes = [2, 8, 128], strides = [1, 1, 1]} : vector<4x8x128xf32> to vector<2x8x128xf32>
    %ge3A_2754 = arith.cmpf oge, %slice3A_2752, %slice3A_2753 : vector<2x8x128xf32>
    %slice3A_2755 = vector.extract_strided_slice %select_n3A_2739 {offsets = [0, 0, 0], sizes = [2, 8, 128], strides = [1, 1, 1]} : vector<4x8x128xf32> to vector<2x8x128xf32>
    %slice3A_2756 = vector.extract_strided_slice %select_n3A_2739 {offsets = [2, 0, 0], sizes = [2, 8, 128], strides = [1, 1, 1]} : vector<4x8x128xf32> to vector<2x8x128xf32>
    %select_n3A_2757 = arith.select %ge3A_2754, %slice3A_2755, %slice3A_2756 : vector<2x8x128xi1>, vector<2x8x128xf32>
    %slice3A_2758 = vector.extract_strided_slice %select_n3A_2742 {offsets = [0, 0, 0], sizes = [2, 8, 128], strides = [1, 1, 1]} : vector<4x8x128xf32> to vector<2x8x128xf32>
    %slice3A_2759 = vector.extract_strided_slice %select_n3A_2742 {offsets = [2, 0, 0], sizes = [2, 8, 128], strides = [1, 1, 1]} : vector<4x8x128xf32> to vector<2x8x128xf32>
    %select_n3A_2760 = arith.select %ge3A_2754, %slice3A_2758, %slice3A_2759 : vector<2x8x128xi1>, vector<2x8x128xf32>
    %slice3A_2761 = vector.extract_strided_slice %select_n3A_2745 {offsets = [0, 0, 0], sizes = [2, 8, 128], strides = [1, 1, 1]} : vector<4x8x128xf32> to vector<2x8x128xf32>
    %slice3A_2762 = vector.extract_strided_slice %select_n3A_2745 {offsets = [2, 0, 0], sizes = [2, 8, 128], strides = [1, 1, 1]} : vector<4x8x128xf32> to vector<2x8x128xf32>
    %select_n3A_2763 = arith.select %ge3A_2754, %slice3A_2761, %slice3A_2762 : vector<2x8x128xi1>, vector<2x8x128xf32>
    %slice3A_2764 = vector.extract_strided_slice %select_n3A_2748 {offsets = [0, 0, 0], sizes = [2, 8, 128], strides = [1, 1, 1]} : vector<4x8x128xf32> to vector<2x8x128xf32>
    %slice3A_2765 = vector.extract_strided_slice %select_n3A_2748 {offsets = [2, 0, 0], sizes = [2, 8, 128], strides = [1, 1, 1]} : vector<4x8x128xf32> to vector<2x8x128xf32>
    %select_n3A_2766 = arith.select %ge3A_2754, %slice3A_2764, %slice3A_2765 : vector<2x8x128xi1>, vector<2x8x128xf32>
    %slice3A_2767 = vector.extract_strided_slice %select_n3A_2751 {offsets = [0, 0, 0], sizes = [2, 8, 128], strides = [1, 1, 1]} : vector<4x8x128xf32> to vector<2x8x128xf32>
    %slice3A_2768 = vector.extract_strided_slice %select_n3A_2751 {offsets = [2, 0, 0], sizes = [2, 8, 128], strides = [1, 1, 1]} : vector<4x8x128xf32> to vector<2x8x128xf32>
    %select_n3A_2769 = arith.select %ge3A_2754, %slice3A_2767, %slice3A_2768 : vector<2x8x128xi1>, vector<2x8x128xf32>
    %slice3A_2770 = vector.extract_strided_slice %select_n3A_2757 {offsets = [0, 0, 0], sizes = [1, 8, 128], strides = [1, 1, 1]} : vector<2x8x128xf32> to vector<1x8x128xf32>
    %slice3A_2771 = vector.extract_strided_slice %select_n3A_2757 {offsets = [1, 0, 0], sizes = [1, 8, 128], strides = [1, 1, 1]} : vector<2x8x128xf32> to vector<1x8x128xf32>
    %ge3A_2772 = arith.cmpf oge, %slice3A_2770, %slice3A_2771 : vector<1x8x128xf32>
    %slice3A_2773 = vector.extract_strided_slice %select_n3A_2757 {offsets = [0, 0, 0], sizes = [1, 8, 128], strides = [1, 1, 1]} : vector<2x8x128xf32> to vector<1x8x128xf32>
    %slice3A_2774 = vector.extract_strided_slice %select_n3A_2757 {offsets = [1, 0, 0], sizes = [1, 8, 128], strides = [1, 1, 1]} : vector<2x8x128xf32> to vector<1x8x128xf32>
    %select_n3A_2775 = arith.select %ge3A_2772, %slice3A_2773, %slice3A_2774 : vector<1x8x128xi1>, vector<1x8x128xf32>
    %slice3A_2776 = vector.extract_strided_slice %select_n3A_2760 {offsets = [0, 0, 0], sizes = [1, 8, 128], strides = [1, 1, 1]} : vector<2x8x128xf32> to vector<1x8x128xf32>
    %slice3A_2777 = vector.extract_strided_slice %select_n3A_2760 {offsets = [1, 0, 0], sizes = [1, 8, 128], strides = [1, 1, 1]} : vector<2x8x128xf32> to vector<1x8x128xf32>
    %select_n3A_2778 = arith.select %ge3A_2772, %slice3A_2776, %slice3A_2777 : vector<1x8x128xi1>, vector<1x8x128xf32>
    %slice3A_2779 = vector.extract_strided_slice %select_n3A_2763 {offsets = [0, 0, 0], sizes = [1, 8, 128], strides = [1, 1, 1]} : vector<2x8x128xf32> to vector<1x8x128xf32>
    %slice3A_2780 = vector.extract_strided_slice %select_n3A_2763 {offsets = [1, 0, 0], sizes = [1, 8, 128], strides = [1, 1, 1]} : vector<2x8x128xf32> to vector<1x8x128xf32>
    %select_n3A_2781 = arith.select %ge3A_2772, %slice3A_2779, %slice3A_2780 : vector<1x8x128xi1>, vector<1x8x128xf32>
    %slice3A_2782 = vector.extract_strided_slice %select_n3A_2766 {offsets = [0, 0, 0], sizes = [1, 8, 128], strides = [1, 1, 1]} : vector<2x8x128xf32> to vector<1x8x128xf32>
    %slice3A_2783 = vector.extract_strided_slice %select_n3A_2766 {offsets = [1, 0, 0], sizes = [1, 8, 128], strides = [1, 1, 1]} : vector<2x8x128xf32> to vector<1x8x128xf32>
    %select_n3A_2784 = arith.select %ge3A_2772, %slice3A_2782, %slice3A_2783 : vector<1x8x128xi1>, vector<1x8x128xf32>
    %slice3A_2785 = vector.extract_strided_slice %select_n3A_2769 {offsets = [0, 0, 0], sizes = [1, 8, 128], strides = [1, 1, 1]} : vector<2x8x128xf32> to vector<1x8x128xf32>
    %slice3A_2786 = vector.extract_strided_slice %select_n3A_2769 {offsets = [1, 0, 0], sizes = [1, 8, 128], strides = [1, 1, 1]} : vector<2x8x128xf32> to vector<1x8x128xf32>
    %select_n3A_2787 = arith.select %ge3A_2772, %slice3A_2785, %slice3A_2786 : vector<1x8x128xi1>, vector<1x8x128xf32>
    %reduce_max3A_2788 = arith.constant dense<0xFF800000> : vector<1x8xf32>
    %reduce_max3A_2789 = vector.multi_reduction <maximumf>, %select_n3A_2775, %reduce_max3A_2788 [2] : vector<1x8x128xf32> to vector<1x8xf32>
    %broadcast_in_dim3A_2790 = vector.shape_cast %reduce_max3A_2789 : vector<1x8xf32> to vector<1x8x1xf32>
    %eq3A_2791 = vector.broadcast %broadcast_in_dim3A_2790 : vector<1x8x1xf32> to vector<1x8x128xf32>
    %eq3A_2792 = arith.cmpf oeq, %select_n3A_2775, %eq3A_2791 : vector<1x8x128xf32>
    %jit3A_2793 = arith.constant 3.000000e+38 : f32
    %broadcast_in_dim3A_2794 = vector.broadcast %jit3A_2793 : f32 to vector<1x8x128xf32>
    %select_n3A_2795 = arith.select %eq3A_2792, %select_n3A_2787, %broadcast_in_dim3A_2794 : vector<1x8x128xi1>, vector<1x8x128xf32>
    %reduce_min3A_2796 = arith.constant dense<0x7F800000> : vector<1x8xf32>
    %reduce_min3A_2797 = vector.multi_reduction <minimumf>, %select_n3A_2795, %reduce_min3A_2796 [2] : vector<1x8x128xf32> to vector<1x8xf32>
    %broadcast_in_dim3A_2798 = vector.shape_cast %reduce_min3A_2797 : vector<1x8xf32> to vector<1x8x1xf32>
    %eq3A_2799 = vector.broadcast %broadcast_in_dim3A_2798 : vector<1x8x1xf32> to vector<1x8x128xf32>
    %eq3A_2800 = arith.cmpf oeq, %select_n3A_2787, %eq3A_2799 : vector<1x8x128xf32>
    %jit3A_2801 = arith.constant 0.000000e+00 : f32
    %broadcast_in_dim3A_2802 = vector.broadcast %jit3A_2801 : f32 to vector<1x8x128xf32>
    %select_n3A_2803 = arith.select %eq3A_2800, %select_n3A_2778, %broadcast_in_dim3A_2802 : vector<1x8x128xi1>, vector<1x8x128xf32>
    %reduce_sum3A_2804 = arith.constant dense<0.000000e+00> : vector<1x8xf32>
    %reduce_sum3A_2805 = vector.multi_reduction <add>, %select_n3A_2803, %reduce_sum3A_2804 [2] : vector<1x8x128xf32> to vector<1x8xf32>
    %broadcast_in_dim3A_2806 = vector.shape_cast %reduce_sum3A_2805 : vector<1x8xf32> to vector<1x8x1xf32>
    %jit3A_2807 = arith.constant 0.000000e+00 : f32
    %broadcast_in_dim3A_2808 = vector.broadcast %jit3A_2807 : f32 to vector<1x8x128xf32>
    %select_n3A_2809 = arith.select %eq3A_2800, %select_n3A_2781, %broadcast_in_dim3A_2808 : vector<1x8x128xi1>, vector<1x8x128xf32>
    %reduce_sum3A_2810 = arith.constant dense<0.000000e+00> : vector<1x8xf32>
    %reduce_sum3A_2811 = vector.multi_reduction <add>, %select_n3A_2809, %reduce_sum3A_2810 [2] : vector<1x8x128xf32> to vector<1x8xf32>
    %broadcast_in_dim3A_2812 = vector.shape_cast %reduce_sum3A_2811 : vector<1x8xf32> to vector<1x8x1xf32>
    %jit3A_2813 = arith.constant 0.000000e+00 : f32
    %broadcast_in_dim3A_2814 = vector.broadcast %jit3A_2813 : f32 to vector<1x8x128xf32>
    %select_n3A_2815 = arith.select %eq3A_2800, %select_n3A_2784, %broadcast_in_dim3A_2814 : vector<1x8x128xi1>, vector<1x8x128xf32>
    %reduce_sum3A_2816 = arith.constant dense<0.000000e+00> : vector<1x8xf32>
    %reduce_sum3A_2817 = vector.multi_reduction <add>, %select_n3A_2815, %reduce_sum3A_2816 [2] : vector<1x8x128xf32> to vector<1x8xf32>
    %broadcast_in_dim3A_2818 = vector.shape_cast %reduce_sum3A_2817 : vector<1x8xf32> to vector<1x8x1xf32>
    %sub3A_2819 = vector.broadcast %broadcast_in_dim3A_2806 : vector<1x8x1xf32> to vector<32x8x128xf32>
    %sub3A_2820 = arith.subf %get3A_4, %sub3A_2819 : vector<32x8x128xf32>
    %sub3A_2821 = vector.broadcast %broadcast_in_dim3A_2812 : vector<1x8x1xf32> to vector<32x8x128xf32>
    %sub3A_2822 = arith.subf %get3A_10, %sub3A_2821 : vector<32x8x128xf32>
    %sub3A_2823 = vector.broadcast %broadcast_in_dim3A_2818 : vector<1x8x1xf32> to vector<32x8x128xf32>
    %sub3A_2824 = arith.subf %get3A_16, %sub3A_2823 : vector<32x8x128xf32>
    %mul3A_2825 = arith.mulf %sub3A_2820, %sub3A_2820 : vector<32x8x128xf32>
    %mul3A_2826 = arith.mulf %sub3A_2822, %sub3A_2822 : vector<32x8x128xf32>
    %add3A_2827 = arith.addf %mul3A_2825, %mul3A_2826 : vector<32x8x128xf32>
    %mul3A_2828 = arith.mulf %sub3A_2824, %sub3A_2824 : vector<32x8x128xf32>
    %add3A_2829 = arith.addf %add3A_2827, %mul3A_2828 : vector<32x8x128xf32>
    %min3A_2830 = arith.minimumf %min3A_2689, %add3A_2829 : vector<32x8x128xf32>
    %swap3A_2831 = arith.index_cast %rem3A_25 : i32 to index
    %swap3A_2832 = arith.constant 3 : index
    %swap3A_2833 = arith.constant 0 : index
    %swap3A_2834 = arith.constant 0 : index
    %swap3A_2835 = arith.constant 0 : index
    %swap3A_2836 = vector.load %arg5[%swap3A_2831, %swap3A_2832, %swap3A_2833, %swap3A_2834, %swap3A_2835] : memref<2x8x32x8x128xf32, #tpu.memory_space<vmem>>, vector<1x1x32x8x128xf32>
    %swap3A_2837 = vector.shape_cast %swap3A_2836 : vector<1x1x32x8x128xf32> to vector<32x8x128xf32>
    %swap3A_2838 = vector.shape_cast %add3A_2829 : vector<32x8x128xf32> to vector<1x1x32x8x128xf32>
    tpu.vector_store %arg5[%swap3A_2831, %swap3A_2832, %swap3A_2833, %swap3A_2834, %swap3A_2835], %swap3A_2838 {strides = array<i32>} : memref<2x8x32x8x128xf32, #tpu.memory_space<vmem>>, vector<1x1x32x8x128xf32>,
    %slice3A_2839 = vector.extract_strided_slice %min3A_2830 {offsets = [0, 0, 0], sizes = [16, 8, 128], strides = [1, 1, 1]} : vector<32x8x128xf32> to vector<16x8x128xf32>
    %slice3A_2840 = vector.extract_strided_slice %min3A_2830 {offsets = [16, 0, 0], sizes = [16, 8, 128], strides = [1, 1, 1]} : vector<32x8x128xf32> to vector<16x8x128xf32>
    %ge3A_2841 = arith.cmpf oge, %slice3A_2839, %slice3A_2840 : vector<16x8x128xf32>
    %slice3A_2842 = vector.extract_strided_slice %min3A_2830 {offsets = [0, 0, 0], sizes = [16, 8, 128], strides = [1, 1, 1]} : vector<32x8x128xf32> to vector<16x8x128xf32>
    %slice3A_2843 = vector.extract_strided_slice %min3A_2830 {offsets = [16, 0, 0], sizes = [16, 8, 128], strides = [1, 1, 1]} : vector<32x8x128xf32> to vector<16x8x128xf32>
    %select_n3A_2844 = arith.select %ge3A_2841, %slice3A_2842, %slice3A_2843 : vector<16x8x128xi1>, vector<16x8x128xf32>
    %slice3A_2845 = vector.extract_strided_slice %get3A_4 {offsets = [0, 0, 0], sizes = [16, 8, 128], strides = [1, 1, 1]} : vector<32x8x128xf32> to vector<16x8x128xf32>
    %slice3A_2846 = vector.extract_strided_slice %get3A_4 {offsets = [16, 0, 0], sizes = [16, 8, 128], strides = [1, 1, 1]} : vector<32x8x128xf32> to vector<16x8x128xf32>
    %select_n3A_2847 = arith.select %ge3A_2841, %slice3A_2845, %slice3A_2846 : vector<16x8x128xi1>, vector<16x8x128xf32>
    %slice3A_2848 = vector.extract_strided_slice %get3A_10 {offsets = [0, 0, 0], sizes = [16, 8, 128], strides = [1, 1, 1]} : vector<32x8x128xf32> to vector<16x8x128xf32>
    %slice3A_2849 = vector.extract_strided_slice %get3A_10 {offsets = [16, 0, 0], sizes = [16, 8, 128], strides = [1, 1, 1]} : vector<32x8x128xf32> to vector<16x8x128xf32>
    %select_n3A_2850 = arith.select %ge3A_2841, %slice3A_2848, %slice3A_2849 : vector<16x8x128xi1>, vector<16x8x128xf32>
    %slice3A_2851 = vector.extract_strided_slice %get3A_16 {offsets = [0, 0, 0], sizes = [16, 8, 128], strides = [1, 1, 1]} : vector<32x8x128xf32> to vector<16x8x128xf32>
    %slice3A_2852 = vector.extract_strided_slice %get3A_16 {offsets = [16, 0, 0], sizes = [16, 8, 128], strides = [1, 1, 1]} : vector<32x8x128xf32> to vector<16x8x128xf32>
    %select_n3A_2853 = arith.select %ge3A_2841, %slice3A_2851, %slice3A_2852 : vector<16x8x128xi1>, vector<16x8x128xf32>
    %slice3A_2854 = vector.extract_strided_slice %get3A_22 {offsets = [0, 0, 0], sizes = [16, 8, 128], strides = [1, 1, 1]} : vector<32x8x128xf32> to vector<16x8x128xf32>
    %slice3A_2855 = vector.extract_strided_slice %get3A_22 {offsets = [16, 0, 0], sizes = [16, 8, 128], strides = [1, 1, 1]} : vector<32x8x128xf32> to vector<16x8x128xf32>
    %select_n3A_2856 = arith.select %ge3A_2841, %slice3A_2854, %slice3A_2855 : vector<16x8x128xi1>, vector<16x8x128xf32>
    %slice3A_2857 = vector.extract_strided_slice %select_n3A_2844 {offsets = [0, 0, 0], sizes = [8, 8, 128], strides = [1, 1, 1]} : vector<16x8x128xf32> to vector<8x8x128xf32>
    %slice3A_2858 = vector.extract_strided_slice %select_n3A_2844 {offsets = [8, 0, 0], sizes = [8, 8, 128], strides = [1, 1, 1]} : vector<16x8x128xf32> to vector<8x8x128xf32>
    %ge3A_2859 = arith.cmpf oge, %slice3A_2857, %slice3A_2858 : vector<8x8x128xf32>
    %slice3A_2860 = vector.extract_strided_slice %select_n3A_2844 {offsets = [0, 0, 0], sizes = [8, 8, 128], strides = [1, 1, 1]} : vector<16x8x128xf32> to vector<8x8x128xf32>
    %slice3A_2861 = vector.extract_strided_slice %select_n3A_2844 {offsets = [8, 0, 0], sizes = [8, 8, 128], strides = [1, 1, 1]} : vector<16x8x128xf32> to vector<8x8x128xf32>
    %select_n3A_2862 = arith.select %ge3A_2859, %slice3A_2860, %slice3A_2861 : vector<8x8x128xi1>, vector<8x8x128xf32>
    %slice3A_2863 = vector.extract_strided_slice %select_n3A_2847 {offsets = [0, 0, 0], sizes = [8, 8, 128], strides = [1, 1, 1]} : vector<16x8x128xf32> to vector<8x8x128xf32>
    %slice3A_2864 = vector.extract_strided_slice %select_n3A_2847 {offsets = [8, 0, 0], sizes = [8, 8, 128], strides = [1, 1, 1]} : vector<16x8x128xf32> to vector<8x8x128xf32>
    %select_n3A_2865 = arith.select %ge3A_2859, %slice3A_2863, %slice3A_2864 : vector<8x8x128xi1>, vector<8x8x128xf32>
    %slice3A_2866 = vector.extract_strided_slice %select_n3A_2850 {offsets = [0, 0, 0], sizes = [8, 8, 128], strides = [1, 1, 1]} : vector<16x8x128xf32> to vector<8x8x128xf32>
    %slice3A_2867 = vector.extract_strided_slice %select_n3A_2850 {offsets = [8, 0, 0], sizes = [8, 8, 128], strides = [1, 1, 1]} : vector<16x8x128xf32> to vector<8x8x128xf32>
    %select_n3A_2868 = arith.select %ge3A_2859, %slice3A_2866, %slice3A_2867 : vector<8x8x128xi1>, vector<8x8x128xf32>
    %slice3A_2869 = vector.extract_strided_slice %select_n3A_2853 {offsets = [0, 0, 0], sizes = [8, 8, 128], strides = [1, 1, 1]} : vector<16x8x128xf32> to vector<8x8x128xf32>
    %slice3A_2870 = vector.extract_strided_slice %select_n3A_2853 {offsets = [8, 0, 0], sizes = [8, 8, 128], strides = [1, 1, 1]} : vector<16x8x128xf32> to vector<8x8x128xf32>
    %select_n3A_2871 = arith.select %ge3A_2859, %slice3A_2869, %slice3A_2870 : vector<8x8x128xi1>, vector<8x8x128xf32>
    %slice3A_2872 = vector.extract_strided_slice %select_n3A_2856 {offsets = [0, 0, 0], sizes = [8, 8, 128], strides = [1, 1, 1]} : vector<16x8x128xf32> to vector<8x8x128xf32>
    %slice3A_2873 = vector.extract_strided_slice %select_n3A_2856 {offsets = [8, 0, 0], sizes = [8, 8, 128], strides = [1, 1, 1]} : vector<16x8x128xf32> to vector<8x8x128xf32>
    %select_n3A_2874 = arith.select %ge3A_2859, %slice3A_2872, %slice3A_2873 : vector<8x8x128xi1>, vector<8x8x128xf32>
    %slice3A_2875 = vector.extract_strided_slice %select_n3A_2862 {offsets = [0, 0, 0], sizes = [4, 8, 128], strides = [1, 1, 1]} : vector<8x8x128xf32> to vector<4x8x128xf32>
    %slice3A_2876 = vector.extract_strided_slice %select_n3A_2862 {offsets = [4, 0, 0], sizes = [4, 8, 128], strides = [1, 1, 1]} : vector<8x8x128xf32> to vector<4x8x128xf32>
    %ge3A_2877 = arith.cmpf oge, %slice3A_2875, %slice3A_2876 : vector<4x8x128xf32>
    %slice3A_2878 = vector.extract_strided_slice %select_n3A_2862 {offsets = [0, 0, 0], sizes = [4, 8, 128], strides = [1, 1, 1]} : vector<8x8x128xf32> to vector<4x8x128xf32>
    %slice3A_2879 = vector.extract_strided_slice %select_n3A_2862 {offsets = [4, 0, 0], sizes = [4, 8, 128], strides = [1, 1, 1]} : vector<8x8x128xf32> to vector<4x8x128xf32>
    %select_n3A_2880 = arith.select %ge3A_2877, %slice3A_2878, %slice3A_2879 : vector<4x8x128xi1>, vector<4x8x128xf32>
    %slice3A_2881 = vector.extract_strided_slice %select_n3A_2865 {offsets = [0, 0, 0], sizes = [4, 8, 128], strides = [1, 1, 1]} : vector<8x8x128xf32> to vector<4x8x128xf32>
    %slice3A_2882 = vector.extract_strided_slice %select_n3A_2865 {offsets = [4, 0, 0], sizes = [4, 8, 128], strides = [1, 1, 1]} : vector<8x8x128xf32> to vector<4x8x128xf32>
    %select_n3A_2883 = arith.select %ge3A_2877, %slice3A_2881, %slice3A_2882 : vector<4x8x128xi1>, vector<4x8x128xf32>
    %slice3A_2884 = vector.extract_strided_slice %select_n3A_2868 {offsets = [0, 0, 0], sizes = [4, 8, 128], strides = [1, 1, 1]} : vector<8x8x128xf32> to vector<4x8x128xf32>
    %slice3A_2885 = vector.extract_strided_slice %select_n3A_2868 {offsets = [4, 0, 0], sizes = [4, 8, 128], strides = [1, 1, 1]} : vector<8x8x128xf32> to vector<4x8x128xf32>
    %select_n3A_2886 = arith.select %ge3A_2877, %slice3A_2884, %slice3A_2885 : vector<4x8x128xi1>, vector<4x8x128xf32>
    %slice3A_2887 = vector.extract_strided_slice %select_n3A_2871 {offsets = [0, 0, 0], sizes = [4, 8, 128], strides = [1, 1, 1]} : vector<8x8x128xf32> to vector<4x8x128xf32>
    %slice3A_2888 = vector.extract_strided_slice %select_n3A_2871 {offsets = [4, 0, 0], sizes = [4, 8, 128], strides = [1, 1, 1]} : vector<8x8x128xf32> to vector<4x8x128xf32>
    %select_n3A_2889 = arith.select %ge3A_2877, %slice3A_2887, %slice3A_2888 : vector<4x8x128xi1>, vector<4x8x128xf32>
    %slice3A_2890 = vector.extract_strided_slice %select_n3A_2874 {offsets = [0, 0, 0], sizes = [4, 8, 128], strides = [1, 1, 1]} : vector<8x8x128xf32> to vector<4x8x128xf32>
    %slice3A_2891 = vector.extract_strided_slice %select_n3A_2874 {offsets = [4, 0, 0], sizes = [4, 8, 128], strides = [1, 1, 1]} : vector<8x8x128xf32> to vector<4x8x128xf32>
    %select_n3A_2892 = arith.select %ge3A_2877, %slice3A_2890, %slice3A_2891 : vector<4x8x128xi1>, vector<4x8x128xf32>
    %slice3A_2893 = vector.extract_strided_slice %select_n3A_2880 {offsets = [0, 0, 0], sizes = [2, 8, 128], strides = [1, 1, 1]} : vector<4x8x128xf32> to vector<2x8x128xf32>
    %slice3A_2894 = vector.extract_strided_slice %select_n3A_2880 {offsets = [2, 0, 0], sizes = [2, 8, 128], strides = [1, 1, 1]} : vector<4x8x128xf32> to vector<2x8x128xf32>
    %ge3A_2895 = arith.cmpf oge, %slice3A_2893, %slice3A_2894 : vector<2x8x128xf32>
    %slice3A_2896 = vector.extract_strided_slice %select_n3A_2880 {offsets = [0, 0, 0], sizes = [2, 8, 128], strides = [1, 1, 1]} : vector<4x8x128xf32> to vector<2x8x128xf32>
    %slice3A_2897 = vector.extract_strided_slice %select_n3A_2880 {offsets = [2, 0, 0], sizes = [2, 8, 128], strides = [1, 1, 1]} : vector<4x8x128xf32> to vector<2x8x128xf32>
    %select_n3A_2898 = arith.select %ge3A_2895, %slice3A_2896, %slice3A_2897 : vector<2x8x128xi1>, vector<2x8x128xf32>
    %slice3A_2899 = vector.extract_strided_slice %select_n3A_2883 {offsets = [0, 0, 0], sizes = [2, 8, 128], strides = [1, 1, 1]} : vector<4x8x128xf32> to vector<2x8x128xf32>
    %slice3A_2900 = vector.extract_strided_slice %select_n3A_2883 {offsets = [2, 0, 0], sizes = [2, 8, 128], strides = [1, 1, 1]} : vector<4x8x128xf32> to vector<2x8x128xf32>
    %select_n3A_2901 = arith.select %ge3A_2895, %slice3A_2899, %slice3A_2900 : vector<2x8x128xi1>, vector<2x8x128xf32>
    %slice3A_2902 = vector.extract_strided_slice %select_n3A_2886 {offsets = [0, 0, 0], sizes = [2, 8, 128], strides = [1, 1, 1]} : vector<4x8x128xf32> to vector<2x8x128xf32>
    %slice3A_2903 = vector.extract_strided_slice %select_n3A_2886 {offsets = [2, 0, 0], sizes = [2, 8, 128], strides = [1, 1, 1]} : vector<4x8x128xf32> to vector<2x8x128xf32>
    %select_n3A_2904 = arith.select %ge3A_2895, %slice3A_2902, %slice3A_2903 : vector<2x8x128xi1>, vector<2x8x128xf32>
    %slice3A_2905 = vector.extract_strided_slice %select_n3A_2889 {offsets = [0, 0, 0], sizes = [2, 8, 128], strides = [1, 1, 1]} : vector<4x8x128xf32> to vector<2x8x128xf32>
    %slice3A_2906 = vector.extract_strided_slice %select_n3A_2889 {offsets = [2, 0, 0], sizes = [2, 8, 128], strides = [1, 1, 1]} : vector<4x8x128xf32> to vector<2x8x128xf32>
    %select_n3A_2907 = arith.select %ge3A_2895, %slice3A_2905, %slice3A_2906 : vector<2x8x128xi1>, vector<2x8x128xf32>
    %slice3A_2908 = vector.extract_strided_slice %select_n3A_2892 {offsets = [0, 0, 0], sizes = [2, 8, 128], strides = [1, 1, 1]} : vector<4x8x128xf32> to vector<2x8x128xf32>
    %slice3A_2909 = vector.extract_strided_slice %select_n3A_2892 {offsets = [2, 0, 0], sizes = [2, 8, 128], strides = [1, 1, 1]} : vector<4x8x128xf32> to vector<2x8x128xf32>
    %select_n3A_2910 = arith.select %ge3A_2895, %slice3A_2908, %slice3A_2909 : vector<2x8x128xi1>, vector<2x8x128xf32>
    %slice3A_2911 = vector.extract_strided_slice %select_n3A_2898 {offsets = [0, 0, 0], sizes = [1, 8, 128], strides = [1, 1, 1]} : vector<2x8x128xf32> to vector<1x8x128xf32>
    %slice3A_2912 = vector.extract_strided_slice %select_n3A_2898 {offsets = [1, 0, 0], sizes = [1, 8, 128], strides = [1, 1, 1]} : vector<2x8x128xf32> to vector<1x8x128xf32>
    %ge3A_2913 = arith.cmpf oge, %slice3A_2911, %slice3A_2912 : vector<1x8x128xf32>
    %slice3A_2914 = vector.extract_strided_slice %select_n3A_2898 {offsets = [0, 0, 0], sizes = [1, 8, 128], strides = [1, 1, 1]} : vector<2x8x128xf32> to vector<1x8x128xf32>
    %slice3A_2915 = vector.extract_strided_slice %select_n3A_2898 {offsets = [1, 0, 0], sizes = [1, 8, 128], strides = [1, 1, 1]} : vector<2x8x128xf32> to vector<1x8x128xf32>
    %select_n3A_2916 = arith.select %ge3A_2913, %slice3A_2914, %slice3A_2915 : vector<1x8x128xi1>, vector<1x8x128xf32>
    %slice3A_2917 = vector.extract_strided_slice %select_n3A_2901 {offsets = [0, 0, 0], sizes = [1, 8, 128], strides = [1, 1, 1]} : vector<2x8x128xf32> to vector<1x8x128xf32>
    %slice3A_2918 = vector.extract_strided_slice %select_n3A_2901 {offsets = [1, 0, 0], sizes = [1, 8, 128], strides = [1, 1, 1]} : vector<2x8x128xf32> to vector<1x8x128xf32>
    %select_n3A_2919 = arith.select %ge3A_2913, %slice3A_2917, %slice3A_2918 : vector<1x8x128xi1>, vector<1x8x128xf32>
    %slice3A_2920 = vector.extract_strided_slice %select_n3A_2904 {offsets = [0, 0, 0], sizes = [1, 8, 128], strides = [1, 1, 1]} : vector<2x8x128xf32> to vector<1x8x128xf32>
    %slice3A_2921 = vector.extract_strided_slice %select_n3A_2904 {offsets = [1, 0, 0], sizes = [1, 8, 128], strides = [1, 1, 1]} : vector<2x8x128xf32> to vector<1x8x128xf32>
    %select_n3A_2922 = arith.select %ge3A_2913, %slice3A_2920, %slice3A_2921 : vector<1x8x128xi1>, vector<1x8x128xf32>
    %slice3A_2923 = vector.extract_strided_slice %select_n3A_2907 {offsets = [0, 0, 0], sizes = [1, 8, 128], strides = [1, 1, 1]} : vector<2x8x128xf32> to vector<1x8x128xf32>
    %slice3A_2924 = vector.extract_strided_slice %select_n3A_2907 {offsets = [1, 0, 0], sizes = [1, 8, 128], strides = [1, 1, 1]} : vector<2x8x128xf32> to vector<1x8x128xf32>
    %select_n3A_2925 = arith.select %ge3A_2913, %slice3A_2923, %slice3A_2924 : vector<1x8x128xi1>, vector<1x8x128xf32>
    %slice3A_2926 = vector.extract_strided_slice %select_n3A_2910 {offsets = [0, 0, 0], sizes = [1, 8, 128], strides = [1, 1, 1]} : vector<2x8x128xf32> to vector<1x8x128xf32>
    %slice3A_2927 = vector.extract_strided_slice %select_n3A_2910 {offsets = [1, 0, 0], sizes = [1, 8, 128], strides = [1, 1, 1]} : vector<2x8x128xf32> to vector<1x8x128xf32>
    %select_n3A_2928 = arith.select %ge3A_2913, %slice3A_2926, %slice3A_2927 : vector<1x8x128xi1>, vector<1x8x128xf32>
    %reduce_max3A_2929 = arith.constant dense<0xFF800000> : vector<1x8xf32>
    %reduce_max3A_2930 = vector.multi_reduction <maximumf>, %select_n3A_2916, %reduce_max3A_2929 [2] : vector<1x8x128xf32> to vector<1x8xf32>
    %broadcast_in_dim3A_2931 = vector.shape_cast %reduce_max3A_2930 : vector<1x8xf32> to vector<1x8x1xf32>
    %eq3A_2932 = vector.broadcast %broadcast_in_dim3A_2931 : vector<1x8x1xf32> to vector<1x8x128xf32>
    %eq3A_2933 = arith.cmpf oeq, %select_n3A_2916, %eq3A_2932 : vector<1x8x128xf32>
    %jit3A_2934 = arith.constant 3.000000e+38 : f32
    %broadcast_in_dim3A_2935 = vector.broadcast %jit3A_2934 : f32 to vector<1x8x128xf32>
    %select_n3A_2936 = arith.select %eq3A_2933, %select_n3A_2928, %broadcast_in_dim3A_2935 : vector<1x8x128xi1>, vector<1x8x128xf32>
    %reduce_min3A_2937 = arith.constant dense<0x7F800000> : vector<1x8xf32>
    %reduce_min3A_2938 = vector.multi_reduction <minimumf>, %select_n3A_2936, %reduce_min3A_2937 [2] : vector<1x8x128xf32> to vector<1x8xf32>
    %broadcast_in_dim3A_2939 = vector.shape_cast %reduce_min3A_2938 : vector<1x8xf32> to vector<1x8x1xf32>
    %eq3A_2940 = vector.broadcast %broadcast_in_dim3A_2939 : vector<1x8x1xf32> to vector<1x8x128xf32>
    %eq3A_2941 = arith.cmpf oeq, %select_n3A_2928, %eq3A_2940 : vector<1x8x128xf32>
    %jit3A_2942 = arith.constant 0.000000e+00 : f32
    %broadcast_in_dim3A_2943 = vector.broadcast %jit3A_2942 : f32 to vector<1x8x128xf32>
    %select_n3A_2944 = arith.select %eq3A_2941, %select_n3A_2919, %broadcast_in_dim3A_2943 : vector<1x8x128xi1>, vector<1x8x128xf32>
    %reduce_sum3A_2945 = arith.constant dense<0.000000e+00> : vector<1x8xf32>
    %reduce_sum3A_2946 = vector.multi_reduction <add>, %select_n3A_2944, %reduce_sum3A_2945 [2] : vector<1x8x128xf32> to vector<1x8xf32>
    %broadcast_in_dim3A_2947 = vector.shape_cast %reduce_sum3A_2946 : vector<1x8xf32> to vector<1x8x1xf32>
    %jit3A_2948 = arith.constant 0.000000e+00 : f32
    %broadcast_in_dim3A_2949 = vector.broadcast %jit3A_2948 : f32 to vector<1x8x128xf32>
    %select_n3A_2950 = arith.select %eq3A_2941, %select_n3A_2922, %broadcast_in_dim3A_2949 : vector<1x8x128xi1>, vector<1x8x128xf32>
    %reduce_sum3A_2951 = arith.constant dense<0.000000e+00> : vector<1x8xf32>
    %reduce_sum3A_2952 = vector.multi_reduction <add>, %select_n3A_2950, %reduce_sum3A_2951 [2] : vector<1x8x128xf32> to vector<1x8xf32>
    %broadcast_in_dim3A_2953 = vector.shape_cast %reduce_sum3A_2952 : vector<1x8xf32> to vector<1x8x1xf32>
    %jit3A_2954 = arith.constant 0.000000e+00 : f32
    %broadcast_in_dim3A_2955 = vector.broadcast %jit3A_2954 : f32 to vector<1x8x128xf32>
    %select_n3A_2956 = arith.select %eq3A_2941, %select_n3A_2925, %broadcast_in_dim3A_2955 : vector<1x8x128xi1>, vector<1x8x128xf32>
    %reduce_sum3A_2957 = arith.constant dense<0.000000e+00> : vector<1x8xf32>
    %reduce_sum3A_2958 = vector.multi_reduction <add>, %select_n3A_2956, %reduce_sum3A_2957 [2] : vector<1x8x128xf32> to vector<1x8xf32>
    %broadcast_in_dim3A_2959 = vector.shape_cast %reduce_sum3A_2958 : vector<1x8xf32> to vector<1x8x1xf32>
    %sub3A_2960 = vector.broadcast %broadcast_in_dim3A_2947 : vector<1x8x1xf32> to vector<32x8x128xf32>
    %sub3A_2961 = arith.subf %get3A_4, %sub3A_2960 : vector<32x8x128xf32>
    %sub3A_2962 = vector.broadcast %broadcast_in_dim3A_2953 : vector<1x8x1xf32> to vector<32x8x128xf32>
    %sub3A_2963 = arith.subf %get3A_10, %sub3A_2962 : vector<32x8x128xf32>
    %sub3A_2964 = vector.broadcast %broadcast_in_dim3A_2959 : vector<1x8x1xf32> to vector<32x8x128xf32>
    %sub3A_2965 = arith.subf %get3A_16, %sub3A_2964 : vector<32x8x128xf32>
    %mul3A_2966 = arith.mulf %sub3A_2961, %sub3A_2961 : vector<32x8x128xf32>
    %mul3A_2967 = arith.mulf %sub3A_2963, %sub3A_2963 : vector<32x8x128xf32>
    %add3A_2968 = arith.addf %mul3A_2966, %mul3A_2967 : vector<32x8x128xf32>
    %mul3A_2969 = arith.mulf %sub3A_2965, %sub3A_2965 : vector<32x8x128xf32>
    %add3A_2970 = arith.addf %add3A_2968, %mul3A_2969 : vector<32x8x128xf32>
    %min3A_2971 = arith.minimumf %min3A_2830, %add3A_2970 : vector<32x8x128xf32>
    %swap3A_2972 = arith.index_cast %rem3A_25 : i32 to index
    %swap3A_2973 = arith.constant 4 : index
    %swap3A_2974 = arith.constant 0 : index
    %swap3A_2975 = arith.constant 0 : index
    %swap3A_2976 = arith.constant 0 : index
    %swap3A_2977 = vector.load %arg5[%swap3A_2972, %swap3A_2973, %swap3A_2974, %swap3A_2975, %swap3A_2976] : memref<2x8x32x8x128xf32, #tpu.memory_space<vmem>>, vector<1x1x32x8x128xf32>
    %swap3A_2978 = vector.shape_cast %swap3A_2977 : vector<1x1x32x8x128xf32> to vector<32x8x128xf32>
    %swap3A_2979 = vector.shape_cast %add3A_2970 : vector<32x8x128xf32> to vector<1x1x32x8x128xf32>
    tpu.vector_store %arg5[%swap3A_2972, %swap3A_2973, %swap3A_2974, %swap3A_2975, %swap3A_2976], %swap3A_2979 {strides = array<i32>} : memref<2x8x32x8x128xf32, #tpu.memory_space<vmem>>, vector<1x1x32x8x128xf32>,
    %slice3A_2980 = vector.extract_strided_slice %min3A_2971 {offsets = [0, 0, 0], sizes = [16, 8, 128], strides = [1, 1, 1]} : vector<32x8x128xf32> to vector<16x8x128xf32>
    %slice3A_2981 = vector.extract_strided_slice %min3A_2971 {offsets = [16, 0, 0], sizes = [16, 8, 128], strides = [1, 1, 1]} : vector<32x8x128xf32> to vector<16x8x128xf32>
    %ge3A_2982 = arith.cmpf oge, %slice3A_2980, %slice3A_2981 : vector<16x8x128xf32>
    %slice3A_2983 = vector.extract_strided_slice %min3A_2971 {offsets = [0, 0, 0], sizes = [16, 8, 128], strides = [1, 1, 1]} : vector<32x8x128xf32> to vector<16x8x128xf32>
    %slice3A_2984 = vector.extract_strided_slice %min3A_2971 {offsets = [16, 0, 0], sizes = [16, 8, 128], strides = [1, 1, 1]} : vector<32x8x128xf32> to vector<16x8x128xf32>
    %select_n3A_2985 = arith.select %ge3A_2982, %slice3A_2983, %slice3A_2984 : vector<16x8x128xi1>, vector<16x8x128xf32>
    %slice3A_2986 = vector.extract_strided_slice %get3A_4 {offsets = [0, 0, 0], sizes = [16, 8, 128], strides = [1, 1, 1]} : vector<32x8x128xf32> to vector<16x8x128xf32>
    %slice3A_2987 = vector.extract_strided_slice %get3A_4 {offsets = [16, 0, 0], sizes = [16, 8, 128], strides = [1, 1, 1]} : vector<32x8x128xf32> to vector<16x8x128xf32>
    %select_n3A_2988 = arith.select %ge3A_2982, %slice3A_2986, %slice3A_2987 : vector<16x8x128xi1>, vector<16x8x128xf32>
    %slice3A_2989 = vector.extract_strided_slice %get3A_10 {offsets = [0, 0, 0], sizes = [16, 8, 128], strides = [1, 1, 1]} : vector<32x8x128xf32> to vector<16x8x128xf32>
    %slice3A_2990 = vector.extract_strided_slice %get3A_10 {offsets = [16, 0, 0], sizes = [16, 8, 128], strides = [1, 1, 1]} : vector<32x8x128xf32> to vector<16x8x128xf32>
    %select_n3A_2991 = arith.select %ge3A_2982, %slice3A_2989, %slice3A_2990 : vector<16x8x128xi1>, vector<16x8x128xf32>
    %slice3A_2992 = vector.extract_strided_slice %get3A_16 {offsets = [0, 0, 0], sizes = [16, 8, 128], strides = [1, 1, 1]} : vector<32x8x128xf32> to vector<16x8x128xf32>
    %slice3A_2993 = vector.extract_strided_slice %get3A_16 {offsets = [16, 0, 0], sizes = [16, 8, 128], strides = [1, 1, 1]} : vector<32x8x128xf32> to vector<16x8x128xf32>
    %select_n3A_2994 = arith.select %ge3A_2982, %slice3A_2992, %slice3A_2993 : vector<16x8x128xi1>, vector<16x8x128xf32>
    %slice3A_2995 = vector.extract_strided_slice %get3A_22 {offsets = [0, 0, 0], sizes = [16, 8, 128], strides = [1, 1, 1]} : vector<32x8x128xf32> to vector<16x8x128xf32>
    %slice3A_2996 = vector.extract_strided_slice %get3A_22 {offsets = [16, 0, 0], sizes = [16, 8, 128], strides = [1, 1, 1]} : vector<32x8x128xf32> to vector<16x8x128xf32>
    %select_n3A_2997 = arith.select %ge3A_2982, %slice3A_2995, %slice3A_2996 : vector<16x8x128xi1>, vector<16x8x128xf32>
    %slice3A_2998 = vector.extract_strided_slice %select_n3A_2985 {offsets = [0, 0, 0], sizes = [8, 8, 128], strides = [1, 1, 1]} : vector<16x8x128xf32> to vector<8x8x128xf32>
    %slice3A_2999 = vector.extract_strided_slice %select_n3A_2985 {offsets = [8, 0, 0], sizes = [8, 8, 128], strides = [1, 1, 1]} : vector<16x8x128xf32> to vector<8x8x128xf32>
    %ge3A_3000 = arith.cmpf oge, %slice3A_2998, %slice3A_2999 : vector<8x8x128xf32>
    %slice3A_3001 = vector.extract_strided_slice %select_n3A_2985 {offsets = [0, 0, 0], sizes = [8, 8, 128], strides = [1, 1, 1]} : vector<16x8x128xf32> to vector<8x8x128xf32>
    %slice3A_3002 = vector.extract_strided_slice %select_n3A_2985 {offsets = [8, 0, 0], sizes = [8, 8, 128], strides = [1, 1, 1]} : vector<16x8x128xf32> to vector<8x8x128xf32>
    %select_n3A_3003 = arith.select %ge3A_3000, %slice3A_3001, %slice3A_3002 : vector<8x8x128xi1>, vector<8x8x128xf32>
    %slice3A_3004 = vector.extract_strided_slice %select_n3A_2988 {offsets = [0, 0, 0], sizes = [8, 8, 128], strides = [1, 1, 1]} : vector<16x8x128xf32> to vector<8x8x128xf32>
    %slice3A_3005 = vector.extract_strided_slice %select_n3A_2988 {offsets = [8, 0, 0], sizes = [8, 8, 128], strides = [1, 1, 1]} : vector<16x8x128xf32> to vector<8x8x128xf32>
    %select_n3A_3006 = arith.select %ge3A_3000, %slice3A_3004, %slice3A_3005 : vector<8x8x128xi1>, vector<8x8x128xf32>
    %slice3A_3007 = vector.extract_strided_slice %select_n3A_2991 {offsets = [0, 0, 0], sizes = [8, 8, 128], strides = [1, 1, 1]} : vector<16x8x128xf32> to vector<8x8x128xf32>
    %slice3A_3008 = vector.extract_strided_slice %select_n3A_2991 {offsets = [8, 0, 0], sizes = [8, 8, 128], strides = [1, 1, 1]} : vector<16x8x128xf32> to vector<8x8x128xf32>
    %select_n3A_3009 = arith.select %ge3A_3000, %slice3A_3007, %slice3A_3008 : vector<8x8x128xi1>, vector<8x8x128xf32>
    %slice3A_3010 = vector.extract_strided_slice %select_n3A_2994 {offsets = [0, 0, 0], sizes = [8, 8, 128], strides = [1, 1, 1]} : vector<16x8x128xf32> to vector<8x8x128xf32>
    %slice3A_3011 = vector.extract_strided_slice %select_n3A_2994 {offsets = [8, 0, 0], sizes = [8, 8, 128], strides = [1, 1, 1]} : vector<16x8x128xf32> to vector<8x8x128xf32>
    %select_n3A_3012 = arith.select %ge3A_3000, %slice3A_3010, %slice3A_3011 : vector<8x8x128xi1>, vector<8x8x128xf32>
    %slice3A_3013 = vector.extract_strided_slice %select_n3A_2997 {offsets = [0, 0, 0], sizes = [8, 8, 128], strides = [1, 1, 1]} : vector<16x8x128xf32> to vector<8x8x128xf32>
    %slice3A_3014 = vector.extract_strided_slice %select_n3A_2997 {offsets = [8, 0, 0], sizes = [8, 8, 128], strides = [1, 1, 1]} : vector<16x8x128xf32> to vector<8x8x128xf32>
    %select_n3A_3015 = arith.select %ge3A_3000, %slice3A_3013, %slice3A_3014 : vector<8x8x128xi1>, vector<8x8x128xf32>
    %slice3A_3016 = vector.extract_strided_slice %select_n3A_3003 {offsets = [0, 0, 0], sizes = [4, 8, 128], strides = [1, 1, 1]} : vector<8x8x128xf32> to vector<4x8x128xf32>
    %slice3A_3017 = vector.extract_strided_slice %select_n3A_3003 {offsets = [4, 0, 0], sizes = [4, 8, 128], strides = [1, 1, 1]} : vector<8x8x128xf32> to vector<4x8x128xf32>
    %ge3A_3018 = arith.cmpf oge, %slice3A_3016, %slice3A_3017 : vector<4x8x128xf32>
    %slice3A_3019 = vector.extract_strided_slice %select_n3A_3003 {offsets = [0, 0, 0], sizes = [4, 8, 128], strides = [1, 1, 1]} : vector<8x8x128xf32> to vector<4x8x128xf32>
    %slice3A_3020 = vector.extract_strided_slice %select_n3A_3003 {offsets = [4, 0, 0], sizes = [4, 8, 128], strides = [1, 1, 1]} : vector<8x8x128xf32> to vector<4x8x128xf32>
    %select_n3A_3021 = arith.select %ge3A_3018, %slice3A_3019, %slice3A_3020 : vector<4x8x128xi1>, vector<4x8x128xf32>
    %slice3A_3022 = vector.extract_strided_slice %select_n3A_3006 {offsets = [0, 0, 0], sizes = [4, 8, 128], strides = [1, 1, 1]} : vector<8x8x128xf32> to vector<4x8x128xf32>
    %slice3A_3023 = vector.extract_strided_slice %select_n3A_3006 {offsets = [4, 0, 0], sizes = [4, 8, 128], strides = [1, 1, 1]} : vector<8x8x128xf32> to vector<4x8x128xf32>
    %select_n3A_3024 = arith.select %ge3A_3018, %slice3A_3022, %slice3A_3023 : vector<4x8x128xi1>, vector<4x8x128xf32>
    %slice3A_3025 = vector.extract_strided_slice %select_n3A_3009 {offsets = [0, 0, 0], sizes = [4, 8, 128], strides = [1, 1, 1]} : vector<8x8x128xf32> to vector<4x8x128xf32>
    %slice3A_3026 = vector.extract_strided_slice %select_n3A_3009 {offsets = [4, 0, 0], sizes = [4, 8, 128], strides = [1, 1, 1]} : vector<8x8x128xf32> to vector<4x8x128xf32>
    %select_n3A_3027 = arith.select %ge3A_3018, %slice3A_3025, %slice3A_3026 : vector<4x8x128xi1>, vector<4x8x128xf32>
    %slice3A_3028 = vector.extract_strided_slice %select_n3A_3012 {offsets = [0, 0, 0], sizes = [4, 8, 128], strides = [1, 1, 1]} : vector<8x8x128xf32> to vector<4x8x128xf32>
    %slice3A_3029 = vector.extract_strided_slice %select_n3A_3012 {offsets = [4, 0, 0], sizes = [4, 8, 128], strides = [1, 1, 1]} : vector<8x8x128xf32> to vector<4x8x128xf32>
    %select_n3A_3030 = arith.select %ge3A_3018, %slice3A_3028, %slice3A_3029 : vector<4x8x128xi1>, vector<4x8x128xf32>
    %slice3A_3031 = vector.extract_strided_slice %select_n3A_3015 {offsets = [0, 0, 0], sizes = [4, 8, 128], strides = [1, 1, 1]} : vector<8x8x128xf32> to vector<4x8x128xf32>
    %slice3A_3032 = vector.extract_strided_slice %select_n3A_3015 {offsets = [4, 0, 0], sizes = [4, 8, 128], strides = [1, 1, 1]} : vector<8x8x128xf32> to vector<4x8x128xf32>
    %select_n3A_3033 = arith.select %ge3A_3018, %slice3A_3031, %slice3A_3032 : vector<4x8x128xi1>, vector<4x8x128xf32>
    %slice3A_3034 = vector.extract_strided_slice %select_n3A_3021 {offsets = [0, 0, 0], sizes = [2, 8, 128], strides = [1, 1, 1]} : vector<4x8x128xf32> to vector<2x8x128xf32>
    %slice3A_3035 = vector.extract_strided_slice %select_n3A_3021 {offsets = [2, 0, 0], sizes = [2, 8, 128], strides = [1, 1, 1]} : vector<4x8x128xf32> to vector<2x8x128xf32>
    %ge3A_3036 = arith.cmpf oge, %slice3A_3034, %slice3A_3035 : vector<2x8x128xf32>
    %slice3A_3037 = vector.extract_strided_slice %select_n3A_3021 {offsets = [0, 0, 0], sizes = [2, 8, 128], strides = [1, 1, 1]} : vector<4x8x128xf32> to vector<2x8x128xf32>
    %slice3A_3038 = vector.extract_strided_slice %select_n3A_3021 {offsets = [2, 0, 0], sizes = [2, 8, 128], strides = [1, 1, 1]} : vector<4x8x128xf32> to vector<2x8x128xf32>
    %select_n3A_3039 = arith.select %ge3A_3036, %slice3A_3037, %slice3A_3038 : vector<2x8x128xi1>, vector<2x8x128xf32>
    %slice3A_3040 = vector.extract_strided_slice %select_n3A_3024 {offsets = [0, 0, 0], sizes = [2, 8, 128], strides = [1, 1, 1]} : vector<4x8x128xf32> to vector<2x8x128xf32>
    %slice3A_3041 = vector.extract_strided_slice %select_n3A_3024 {offsets = [2, 0, 0], sizes = [2, 8, 128], strides = [1, 1, 1]} : vector<4x8x128xf32> to vector<2x8x128xf32>
    %select_n3A_3042 = arith.select %ge3A_3036, %slice3A_3040, %slice3A_3041 : vector<2x8x128xi1>, vector<2x8x128xf32>
    %slice3A_3043 = vector.extract_strided_slice %select_n3A_3027 {offsets = [0, 0, 0], sizes = [2, 8, 128], strides = [1, 1, 1]} : vector<4x8x128xf32> to vector<2x8x128xf32>
    %slice3A_3044 = vector.extract_strided_slice %select_n3A_3027 {offsets = [2, 0, 0], sizes = [2, 8, 128], strides = [1, 1, 1]} : vector<4x8x128xf32> to vector<2x8x128xf32>
    %select_n3A_3045 = arith.select %ge3A_3036, %slice3A_3043, %slice3A_3044 : vector<2x8x128xi1>, vector<2x8x128xf32>
    %slice3A_3046 = vector.extract_strided_slice %select_n3A_3030 {offsets = [0, 0, 0], sizes = [2, 8, 128], strides = [1, 1, 1]} : vector<4x8x128xf32> to vector<2x8x128xf32>
    %slice3A_3047 = vector.extract_strided_slice %select_n3A_3030 {offsets = [2, 0, 0], sizes = [2, 8, 128], strides = [1, 1, 1]} : vector<4x8x128xf32> to vector<2x8x128xf32>
    %select_n3A_3048 = arith.select %ge3A_3036, %slice3A_3046, %slice3A_3047 : vector<2x8x128xi1>, vector<2x8x128xf32>
    %slice3A_3049 = vector.extract_strided_slice %select_n3A_3033 {offsets = [0, 0, 0], sizes = [2, 8, 128], strides = [1, 1, 1]} : vector<4x8x128xf32> to vector<2x8x128xf32>
    %slice3A_3050 = vector.extract_strided_slice %select_n3A_3033 {offsets = [2, 0, 0], sizes = [2, 8, 128], strides = [1, 1, 1]} : vector<4x8x128xf32> to vector<2x8x128xf32>
    %select_n3A_3051 = arith.select %ge3A_3036, %slice3A_3049, %slice3A_3050 : vector<2x8x128xi1>, vector<2x8x128xf32>
    %slice3A_3052 = vector.extract_strided_slice %select_n3A_3039 {offsets = [0, 0, 0], sizes = [1, 8, 128], strides = [1, 1, 1]} : vector<2x8x128xf32> to vector<1x8x128xf32>
    %slice3A_3053 = vector.extract_strided_slice %select_n3A_3039 {offsets = [1, 0, 0], sizes = [1, 8, 128], strides = [1, 1, 1]} : vector<2x8x128xf32> to vector<1x8x128xf32>
    %ge3A_3054 = arith.cmpf oge, %slice3A_3052, %slice3A_3053 : vector<1x8x128xf32>
    %slice3A_3055 = vector.extract_strided_slice %select_n3A_3039 {offsets = [0, 0, 0], sizes = [1, 8, 128], strides = [1, 1, 1]} : vector<2x8x128xf32> to vector<1x8x128xf32>
    %slice3A_3056 = vector.extract_strided_slice %select_n3A_3039 {offsets = [1, 0, 0], sizes = [1, 8, 128], strides = [1, 1, 1]} : vector<2x8x128xf32> to vector<1x8x128xf32>
    %select_n3A_3057 = arith.select %ge3A_3054, %slice3A_3055, %slice3A_3056 : vector<1x8x128xi1>, vector<1x8x128xf32>
    %slice3A_3058 = vector.extract_strided_slice %select_n3A_3042 {offsets = [0, 0, 0], sizes = [1, 8, 128], strides = [1, 1, 1]} : vector<2x8x128xf32> to vector<1x8x128xf32>
    %slice3A_3059 = vector.extract_strided_slice %select_n3A_3042 {offsets = [1, 0, 0], sizes = [1, 8, 128], strides = [1, 1, 1]} : vector<2x8x128xf32> to vector<1x8x128xf32>
    %select_n3A_3060 = arith.select %ge3A_3054, %slice3A_3058, %slice3A_3059 : vector<1x8x128xi1>, vector<1x8x128xf32>
    %slice3A_3061 = vector.extract_strided_slice %select_n3A_3045 {offsets = [0, 0, 0], sizes = [1, 8, 128], strides = [1, 1, 1]} : vector<2x8x128xf32> to vector<1x8x128xf32>
    %slice3A_3062 = vector.extract_strided_slice %select_n3A_3045 {offsets = [1, 0, 0], sizes = [1, 8, 128], strides = [1, 1, 1]} : vector<2x8x128xf32> to vector<1x8x128xf32>
    %select_n3A_3063 = arith.select %ge3A_3054, %slice3A_3061, %slice3A_3062 : vector<1x8x128xi1>, vector<1x8x128xf32>
    %slice3A_3064 = vector.extract_strided_slice %select_n3A_3048 {offsets = [0, 0, 0], sizes = [1, 8, 128], strides = [1, 1, 1]} : vector<2x8x128xf32> to vector<1x8x128xf32>
    %slice3A_3065 = vector.extract_strided_slice %select_n3A_3048 {offsets = [1, 0, 0], sizes = [1, 8, 128], strides = [1, 1, 1]} : vector<2x8x128xf32> to vector<1x8x128xf32>
    %select_n3A_3066 = arith.select %ge3A_3054, %slice3A_3064, %slice3A_3065 : vector<1x8x128xi1>, vector<1x8x128xf32>
    %slice3A_3067 = vector.extract_strided_slice %select_n3A_3051 {offsets = [0, 0, 0], sizes = [1, 8, 128], strides = [1, 1, 1]} : vector<2x8x128xf32> to vector<1x8x128xf32>
    %slice3A_3068 = vector.extract_strided_slice %select_n3A_3051 {offsets = [1, 0, 0], sizes = [1, 8, 128], strides = [1, 1, 1]} : vector<2x8x128xf32> to vector<1x8x128xf32>
    %select_n3A_3069 = arith.select %ge3A_3054, %slice3A_3067, %slice3A_3068 : vector<1x8x128xi1>, vector<1x8x128xf32>
    %reduce_max3A_3070 = arith.constant dense<0xFF800000> : vector<1x8xf32>
    %reduce_max3A_3071 = vector.multi_reduction <maximumf>, %select_n3A_3057, %reduce_max3A_3070 [2] : vector<1x8x128xf32> to vector<1x8xf32>
    %broadcast_in_dim3A_3072 = vector.shape_cast %reduce_max3A_3071 : vector<1x8xf32> to vector<1x8x1xf32>
    %eq3A_3073 = vector.broadcast %broadcast_in_dim3A_3072 : vector<1x8x1xf32> to vector<1x8x128xf32>
    %eq3A_3074 = arith.cmpf oeq, %select_n3A_3057, %eq3A_3073 : vector<1x8x128xf32>
    %jit3A_3075 = arith.constant 3.000000e+38 : f32
    %broadcast_in_dim3A_3076 = vector.broadcast %jit3A_3075 : f32 to vector<1x8x128xf32>
    %select_n3A_3077 = arith.select %eq3A_3074, %select_n3A_3069, %broadcast_in_dim3A_3076 : vector<1x8x128xi1>, vector<1x8x128xf32>
    %reduce_min3A_3078 = arith.constant dense<0x7F800000> : vector<1x8xf32>
    %reduce_min3A_3079 = vector.multi_reduction <minimumf>, %select_n3A_3077, %reduce_min3A_3078 [2] : vector<1x8x128xf32> to vector<1x8xf32>
    %broadcast_in_dim3A_3080 = vector.shape_cast %reduce_min3A_3079 : vector<1x8xf32> to vector<1x8x1xf32>
    %eq3A_3081 = vector.broadcast %broadcast_in_dim3A_3080 : vector<1x8x1xf32> to vector<1x8x128xf32>
    %eq3A_3082 = arith.cmpf oeq, %select_n3A_3069, %eq3A_3081 : vector<1x8x128xf32>
    %jit3A_3083 = arith.constant 0.000000e+00 : f32
    %broadcast_in_dim3A_3084 = vector.broadcast %jit3A_3083 : f32 to vector<1x8x128xf32>
    %select_n3A_3085 = arith.select %eq3A_3082, %select_n3A_3060, %broadcast_in_dim3A_3084 : vector<1x8x128xi1>, vector<1x8x128xf32>
    %reduce_sum3A_3086 = arith.constant dense<0.000000e+00> : vector<1x8xf32>
    %reduce_sum3A_3087 = vector.multi_reduction <add>, %select_n3A_3085, %reduce_sum3A_3086 [2] : vector<1x8x128xf32> to vector<1x8xf32>
    %broadcast_in_dim3A_3088 = vector.shape_cast %reduce_sum3A_3087 : vector<1x8xf32> to vector<1x8x1xf32>
    %jit3A_3089 = arith.constant 0.000000e+00 : f32
    %broadcast_in_dim3A_3090 = vector.broadcast %jit3A_3089 : f32 to vector<1x8x128xf32>
    %select_n3A_3091 = arith.select %eq3A_3082, %select_n3A_3063, %broadcast_in_dim3A_3090 : vector<1x8x128xi1>, vector<1x8x128xf32>
    %reduce_sum3A_3092 = arith.constant dense<0.000000e+00> : vector<1x8xf32>
    %reduce_sum3A_3093 = vector.multi_reduction <add>, %select_n3A_3091, %reduce_sum3A_3092 [2] : vector<1x8x128xf32> to vector<1x8xf32>
    %broadcast_in_dim3A_3094 = vector.shape_cast %reduce_sum3A_3093 : vector<1x8xf32> to vector<1x8x1xf32>
    %jit3A_3095 = arith.constant 0.000000e+00 : f32
    %broadcast_in_dim3A_3096 = vector.broadcast %jit3A_3095 : f32 to vector<1x8x128xf32>
    %select_n3A_3097 = arith.select %eq3A_3082, %select_n3A_3066, %broadcast_in_dim3A_3096 : vector<1x8x128xi1>, vector<1x8x128xf32>
    %reduce_sum3A_3098 = arith.constant dense<0.000000e+00> : vector<1x8xf32>
    %reduce_sum3A_3099 = vector.multi_reduction <add>, %select_n3A_3097, %reduce_sum3A_3098 [2] : vector<1x8x128xf32> to vector<1x8xf32>
    %broadcast_in_dim3A_3100 = vector.shape_cast %reduce_sum3A_3099 : vector<1x8xf32> to vector<1x8x1xf32>
    %sub3A_3101 = vector.broadcast %broadcast_in_dim3A_3088 : vector<1x8x1xf32> to vector<32x8x128xf32>
    %sub3A_3102 = arith.subf %get3A_4, %sub3A_3101 : vector<32x8x128xf32>
    %sub3A_3103 = vector.broadcast %broadcast_in_dim3A_3094 : vector<1x8x1xf32> to vector<32x8x128xf32>
    %sub3A_3104 = arith.subf %get3A_10, %sub3A_3103 : vector<32x8x128xf32>
    %sub3A_3105 = vector.broadcast %broadcast_in_dim3A_3100 : vector<1x8x1xf32> to vector<32x8x128xf32>
    %sub3A_3106 = arith.subf %get3A_16, %sub3A_3105 : vector<32x8x128xf32>
    %mul3A_3107 = arith.mulf %sub3A_3102, %sub3A_3102 : vector<32x8x128xf32>
    %mul3A_3108 = arith.mulf %sub3A_3104, %sub3A_3104 : vector<32x8x128xf32>
    %add3A_3109 = arith.addf %mul3A_3107, %mul3A_3108 : vector<32x8x128xf32>
    %mul3A_3110 = arith.mulf %sub3A_3106, %sub3A_3106 : vector<32x8x128xf32>
    %add3A_3111 = arith.addf %add3A_3109, %mul3A_3110 : vector<32x8x128xf32>
    %min3A_3112 = arith.minimumf %min3A_2971, %add3A_3111 : vector<32x8x128xf32>
    %swap3A_3113 = arith.index_cast %rem3A_25 : i32 to index
    %swap3A_3114 = arith.constant 5 : index
    %swap3A_3115 = arith.constant 0 : index
    %swap3A_3116 = arith.constant 0 : index
    %swap3A_3117 = arith.constant 0 : index
    %swap3A_3118 = vector.load %arg5[%swap3A_3113, %swap3A_3114, %swap3A_3115, %swap3A_3116, %swap3A_3117] : memref<2x8x32x8x128xf32, #tpu.memory_space<vmem>>, vector<1x1x32x8x128xf32>
    %swap3A_3119 = vector.shape_cast %swap3A_3118 : vector<1x1x32x8x128xf32> to vector<32x8x128xf32>
    %swap3A_3120 = vector.shape_cast %add3A_3111 : vector<32x8x128xf32> to vector<1x1x32x8x128xf32>
    tpu.vector_store %arg5[%swap3A_3113, %swap3A_3114, %swap3A_3115, %swap3A_3116, %swap3A_3117], %swap3A_3120 {strides = array<i32>} : memref<2x8x32x8x128xf32, #tpu.memory_space<vmem>>, vector<1x1x32x8x128xf32>,
    %slice3A_3121 = vector.extract_strided_slice %min3A_3112 {offsets = [0, 0, 0], sizes = [16, 8, 128], strides = [1, 1, 1]} : vector<32x8x128xf32> to vector<16x8x128xf32>
    %slice3A_3122 = vector.extract_strided_slice %min3A_3112 {offsets = [16, 0, 0], sizes = [16, 8, 128], strides = [1, 1, 1]} : vector<32x8x128xf32> to vector<16x8x128xf32>
    %ge3A_3123 = arith.cmpf oge, %slice3A_3121, %slice3A_3122 : vector<16x8x128xf32>
    %slice3A_3124 = vector.extract_strided_slice %min3A_3112 {offsets = [0, 0, 0], sizes = [16, 8, 128], strides = [1, 1, 1]} : vector<32x8x128xf32> to vector<16x8x128xf32>
    %slice3A_3125 = vector.extract_strided_slice %min3A_3112 {offsets = [16, 0, 0], sizes = [16, 8, 128], strides = [1, 1, 1]} : vector<32x8x128xf32> to vector<16x8x128xf32>
    %select_n3A_3126 = arith.select %ge3A_3123, %slice3A_3124, %slice3A_3125 : vector<16x8x128xi1>, vector<16x8x128xf32>
    %slice3A_3127 = vector.extract_strided_slice %get3A_4 {offsets = [0, 0, 0], sizes = [16, 8, 128], strides = [1, 1, 1]} : vector<32x8x128xf32> to vector<16x8x128xf32>
    %slice3A_3128 = vector.extract_strided_slice %get3A_4 {offsets = [16, 0, 0], sizes = [16, 8, 128], strides = [1, 1, 1]} : vector<32x8x128xf32> to vector<16x8x128xf32>
    %select_n3A_3129 = arith.select %ge3A_3123, %slice3A_3127, %slice3A_3128 : vector<16x8x128xi1>, vector<16x8x128xf32>
    %slice3A_3130 = vector.extract_strided_slice %get3A_10 {offsets = [0, 0, 0], sizes = [16, 8, 128], strides = [1, 1, 1]} : vector<32x8x128xf32> to vector<16x8x128xf32>
    %slice3A_3131 = vector.extract_strided_slice %get3A_10 {offsets = [16, 0, 0], sizes = [16, 8, 128], strides = [1, 1, 1]} : vector<32x8x128xf32> to vector<16x8x128xf32>
    %select_n3A_3132 = arith.select %ge3A_3123, %slice3A_3130, %slice3A_3131 : vector<16x8x128xi1>, vector<16x8x128xf32>
    %slice3A_3133 = vector.extract_strided_slice %get3A_16 {offsets = [0, 0, 0], sizes = [16, 8, 128], strides = [1, 1, 1]} : vector<32x8x128xf32> to vector<16x8x128xf32>
    %slice3A_3134 = vector.extract_strided_slice %get3A_16 {offsets = [16, 0, 0], sizes = [16, 8, 128], strides = [1, 1, 1]} : vector<32x8x128xf32> to vector<16x8x128xf32>
    %select_n3A_3135 = arith.select %ge3A_3123, %slice3A_3133, %slice3A_3134 : vector<16x8x128xi1>, vector<16x8x128xf32>
    %slice3A_3136 = vector.extract_strided_slice %get3A_22 {offsets = [0, 0, 0], sizes = [16, 8, 128], strides = [1, 1, 1]} : vector<32x8x128xf32> to vector<16x8x128xf32>
    %slice3A_3137 = vector.extract_strided_slice %get3A_22 {offsets = [16, 0, 0], sizes = [16, 8, 128], strides = [1, 1, 1]} : vector<32x8x128xf32> to vector<16x8x128xf32>
    %select_n3A_3138 = arith.select %ge3A_3123, %slice3A_3136, %slice3A_3137 : vector<16x8x128xi1>, vector<16x8x128xf32>
    %slice3A_3139 = vector.extract_strided_slice %select_n3A_3126 {offsets = [0, 0, 0], sizes = [8, 8, 128], strides = [1, 1, 1]} : vector<16x8x128xf32> to vector<8x8x128xf32>
    %slice3A_3140 = vector.extract_strided_slice %select_n3A_3126 {offsets = [8, 0, 0], sizes = [8, 8, 128], strides = [1, 1, 1]} : vector<16x8x128xf32> to vector<8x8x128xf32>
    %ge3A_3141 = arith.cmpf oge, %slice3A_3139, %slice3A_3140 : vector<8x8x128xf32>
    %slice3A_3142 = vector.extract_strided_slice %select_n3A_3126 {offsets = [0, 0, 0], sizes = [8, 8, 128], strides = [1, 1, 1]} : vector<16x8x128xf32> to vector<8x8x128xf32>
    %slice3A_3143 = vector.extract_strided_slice %select_n3A_3126 {offsets = [8, 0, 0], sizes = [8, 8, 128], strides = [1, 1, 1]} : vector<16x8x128xf32> to vector<8x8x128xf32>
    %select_n3A_3144 = arith.select %ge3A_3141, %slice3A_3142, %slice3A_3143 : vector<8x8x128xi1>, vector<8x8x128xf32>
    %slice3A_3145 = vector.extract_strided_slice %select_n3A_3129 {offsets = [0, 0, 0], sizes = [8, 8, 128], strides = [1, 1, 1]} : vector<16x8x128xf32> to vector<8x8x128xf32>
    %slice3A_3146 = vector.extract_strided_slice %select_n3A_3129 {offsets = [8, 0, 0], sizes = [8, 8, 128], strides = [1, 1, 1]} : vector<16x8x128xf32> to vector<8x8x128xf32>
    %select_n3A_3147 = arith.select %ge3A_3141, %slice3A_3145, %slice3A_3146 : vector<8x8x128xi1>, vector<8x8x128xf32>
    %slice3A_3148 = vector.extract_strided_slice %select_n3A_3132 {offsets = [0, 0, 0], sizes = [8, 8, 128], strides = [1, 1, 1]} : vector<16x8x128xf32> to vector<8x8x128xf32>
    %slice3A_3149 = vector.extract_strided_slice %select_n3A_3132 {offsets = [8, 0, 0], sizes = [8, 8, 128], strides = [1, 1, 1]} : vector<16x8x128xf32> to vector<8x8x128xf32>
    %select_n3A_3150 = arith.select %ge3A_3141, %slice3A_3148, %slice3A_3149 : vector<8x8x128xi1>, vector<8x8x128xf32>
    %slice3A_3151 = vector.extract_strided_slice %select_n3A_3135 {offsets = [0, 0, 0], sizes = [8, 8, 128], strides = [1, 1, 1]} : vector<16x8x128xf32> to vector<8x8x128xf32>
    %slice3A_3152 = vector.extract_strided_slice %select_n3A_3135 {offsets = [8, 0, 0], sizes = [8, 8, 128], strides = [1, 1, 1]} : vector<16x8x128xf32> to vector<8x8x128xf32>
    %select_n3A_3153 = arith.select %ge3A_3141, %slice3A_3151, %slice3A_3152 : vector<8x8x128xi1>, vector<8x8x128xf32>
    %slice3A_3154 = vector.extract_strided_slice %select_n3A_3138 {offsets = [0, 0, 0], sizes = [8, 8, 128], strides = [1, 1, 1]} : vector<16x8x128xf32> to vector<8x8x128xf32>
    %slice3A_3155 = vector.extract_strided_slice %select_n3A_3138 {offsets = [8, 0, 0], sizes = [8, 8, 128], strides = [1, 1, 1]} : vector<16x8x128xf32> to vector<8x8x128xf32>
    %select_n3A_3156 = arith.select %ge3A_3141, %slice3A_3154, %slice3A_3155 : vector<8x8x128xi1>, vector<8x8x128xf32>
    %slice3A_3157 = vector.extract_strided_slice %select_n3A_3144 {offsets = [0, 0, 0], sizes = [4, 8, 128], strides = [1, 1, 1]} : vector<8x8x128xf32> to vector<4x8x128xf32>
    %slice3A_3158 = vector.extract_strided_slice %select_n3A_3144 {offsets = [4, 0, 0], sizes = [4, 8, 128], strides = [1, 1, 1]} : vector<8x8x128xf32> to vector<4x8x128xf32>
    %ge3A_3159 = arith.cmpf oge, %slice3A_3157, %slice3A_3158 : vector<4x8x128xf32>
    %slice3A_3160 = vector.extract_strided_slice %select_n3A_3144 {offsets = [0, 0, 0], sizes = [4, 8, 128], strides = [1, 1, 1]} : vector<8x8x128xf32> to vector<4x8x128xf32>
    %slice3A_3161 = vector.extract_strided_slice %select_n3A_3144 {offsets = [4, 0, 0], sizes = [4, 8, 128], strides = [1, 1, 1]} : vector<8x8x128xf32> to vector<4x8x128xf32>
    %select_n3A_3162 = arith.select %ge3A_3159, %slice3A_3160, %slice3A_3161 : vector<4x8x128xi1>, vector<4x8x128xf32>
    %slice3A_3163 = vector.extract_strided_slice %select_n3A_3147 {offsets = [0, 0, 0], sizes = [4, 8, 128], strides = [1, 1, 1]} : vector<8x8x128xf32> to vector<4x8x128xf32>
    %slice3A_3164 = vector.extract_strided_slice %select_n3A_3147 {offsets = [4, 0, 0], sizes = [4, 8, 128], strides = [1, 1, 1]} : vector<8x8x128xf32> to vector<4x8x128xf32>
    %select_n3A_3165 = arith.select %ge3A_3159, %slice3A_3163, %slice3A_3164 : vector<4x8x128xi1>, vector<4x8x128xf32>
    %slice3A_3166 = vector.extract_strided_slice %select_n3A_3150 {offsets = [0, 0, 0], sizes = [4, 8, 128], strides = [1, 1, 1]} : vector<8x8x128xf32> to vector<4x8x128xf32>
    %slice3A_3167 = vector.extract_strided_slice %select_n3A_3150 {offsets = [4, 0, 0], sizes = [4, 8, 128], strides = [1, 1, 1]} : vector<8x8x128xf32> to vector<4x8x128xf32>
    %select_n3A_3168 = arith.select %ge3A_3159, %slice3A_3166, %slice3A_3167 : vector<4x8x128xi1>, vector<4x8x128xf32>
    %slice3A_3169 = vector.extract_strided_slice %select_n3A_3153 {offsets = [0, 0, 0], sizes = [4, 8, 128], strides = [1, 1, 1]} : vector<8x8x128xf32> to vector<4x8x128xf32>
    %slice3A_3170 = vector.extract_strided_slice %select_n3A_3153 {offsets = [4, 0, 0], sizes = [4, 8, 128], strides = [1, 1, 1]} : vector<8x8x128xf32> to vector<4x8x128xf32>
    %select_n3A_3171 = arith.select %ge3A_3159, %slice3A_3169, %slice3A_3170 : vector<4x8x128xi1>, vector<4x8x128xf32>
    %slice3A_3172 = vector.extract_strided_slice %select_n3A_3156 {offsets = [0, 0, 0], sizes = [4, 8, 128], strides = [1, 1, 1]} : vector<8x8x128xf32> to vector<4x8x128xf32>
    %slice3A_3173 = vector.extract_strided_slice %select_n3A_3156 {offsets = [4, 0, 0], sizes = [4, 8, 128], strides = [1, 1, 1]} : vector<8x8x128xf32> to vector<4x8x128xf32>
    %select_n3A_3174 = arith.select %ge3A_3159, %slice3A_3172, %slice3A_3173 : vector<4x8x128xi1>, vector<4x8x128xf32>
    %slice3A_3175 = vector.extract_strided_slice %select_n3A_3162 {offsets = [0, 0, 0], sizes = [2, 8, 128], strides = [1, 1, 1]} : vector<4x8x128xf32> to vector<2x8x128xf32>
    %slice3A_3176 = vector.extract_strided_slice %select_n3A_3162 {offsets = [2, 0, 0], sizes = [2, 8, 128], strides = [1, 1, 1]} : vector<4x8x128xf32> to vector<2x8x128xf32>
    %ge3A_3177 = arith.cmpf oge, %slice3A_3175, %slice3A_3176 : vector<2x8x128xf32>
    %slice3A_3178 = vector.extract_strided_slice %select_n3A_3162 {offsets = [0, 0, 0], sizes = [2, 8, 128], strides = [1, 1, 1]} : vector<4x8x128xf32> to vector<2x8x128xf32>
    %slice3A_3179 = vector.extract_strided_slice %select_n3A_3162 {offsets = [2, 0, 0], sizes = [2, 8, 128], strides = [1, 1, 1]} : vector<4x8x128xf32> to vector<2x8x128xf32>
    %select_n3A_3180 = arith.select %ge3A_3177, %slice3A_3178, %slice3A_3179 : vector<2x8x128xi1>, vector<2x8x128xf32>
    %slice3A_3181 = vector.extract_strided_slice %select_n3A_3165 {offsets = [0, 0, 0], sizes = [2, 8, 128], strides = [1, 1, 1]} : vector<4x8x128xf32> to vector<2x8x128xf32>
    %slice3A_3182 = vector.extract_strided_slice %select_n3A_3165 {offsets = [2, 0, 0], sizes = [2, 8, 128], strides = [1, 1, 1]} : vector<4x8x128xf32> to vector<2x8x128xf32>
    %select_n3A_3183 = arith.select %ge3A_3177, %slice3A_3181, %slice3A_3182 : vector<2x8x128xi1>, vector<2x8x128xf32>
    %slice3A_3184 = vector.extract_strided_slice %select_n3A_3168 {offsets = [0, 0, 0], sizes = [2, 8, 128], strides = [1, 1, 1]} : vector<4x8x128xf32> to vector<2x8x128xf32>
    %slice3A_3185 = vector.extract_strided_slice %select_n3A_3168 {offsets = [2, 0, 0], sizes = [2, 8, 128], strides = [1, 1, 1]} : vector<4x8x128xf32> to vector<2x8x128xf32>
    %select_n3A_3186 = arith.select %ge3A_3177, %slice3A_3184, %slice3A_3185 : vector<2x8x128xi1>, vector<2x8x128xf32>
    %slice3A_3187 = vector.extract_strided_slice %select_n3A_3171 {offsets = [0, 0, 0], sizes = [2, 8, 128], strides = [1, 1, 1]} : vector<4x8x128xf32> to vector<2x8x128xf32>
    %slice3A_3188 = vector.extract_strided_slice %select_n3A_3171 {offsets = [2, 0, 0], sizes = [2, 8, 128], strides = [1, 1, 1]} : vector<4x8x128xf32> to vector<2x8x128xf32>
    %select_n3A_3189 = arith.select %ge3A_3177, %slice3A_3187, %slice3A_3188 : vector<2x8x128xi1>, vector<2x8x128xf32>
    %slice3A_3190 = vector.extract_strided_slice %select_n3A_3174 {offsets = [0, 0, 0], sizes = [2, 8, 128], strides = [1, 1, 1]} : vector<4x8x128xf32> to vector<2x8x128xf32>
    %slice3A_3191 = vector.extract_strided_slice %select_n3A_3174 {offsets = [2, 0, 0], sizes = [2, 8, 128], strides = [1, 1, 1]} : vector<4x8x128xf32> to vector<2x8x128xf32>
    %select_n3A_3192 = arith.select %ge3A_3177, %slice3A_3190, %slice3A_3191 : vector<2x8x128xi1>, vector<2x8x128xf32>
    %slice3A_3193 = vector.extract_strided_slice %select_n3A_3180 {offsets = [0, 0, 0], sizes = [1, 8, 128], strides = [1, 1, 1]} : vector<2x8x128xf32> to vector<1x8x128xf32>
    %slice3A_3194 = vector.extract_strided_slice %select_n3A_3180 {offsets = [1, 0, 0], sizes = [1, 8, 128], strides = [1, 1, 1]} : vector<2x8x128xf32> to vector<1x8x128xf32>
    %ge3A_3195 = arith.cmpf oge, %slice3A_3193, %slice3A_3194 : vector<1x8x128xf32>
    %slice3A_3196 = vector.extract_strided_slice %select_n3A_3180 {offsets = [0, 0, 0], sizes = [1, 8, 128], strides = [1, 1, 1]} : vector<2x8x128xf32> to vector<1x8x128xf32>
    %slice3A_3197 = vector.extract_strided_slice %select_n3A_3180 {offsets = [1, 0, 0], sizes = [1, 8, 128], strides = [1, 1, 1]} : vector<2x8x128xf32> to vector<1x8x128xf32>
    %select_n3A_3198 = arith.select %ge3A_3195, %slice3A_3196, %slice3A_3197 : vector<1x8x128xi1>, vector<1x8x128xf32>
    %slice3A_3199 = vector.extract_strided_slice %select_n3A_3183 {offsets = [0, 0, 0], sizes = [1, 8, 128], strides = [1, 1, 1]} : vector<2x8x128xf32> to vector<1x8x128xf32>
    %slice3A_3200 = vector.extract_strided_slice %select_n3A_3183 {offsets = [1, 0, 0], sizes = [1, 8, 128], strides = [1, 1, 1]} : vector<2x8x128xf32> to vector<1x8x128xf32>
    %select_n3A_3201 = arith.select %ge3A_3195, %slice3A_3199, %slice3A_3200 : vector<1x8x128xi1>, vector<1x8x128xf32>
    %slice3A_3202 = vector.extract_strided_slice %select_n3A_3186 {offsets = [0, 0, 0], sizes = [1, 8, 128], strides = [1, 1, 1]} : vector<2x8x128xf32> to vector<1x8x128xf32>
    %slice3A_3203 = vector.extract_strided_slice %select_n3A_3186 {offsets = [1, 0, 0], sizes = [1, 8, 128], strides = [1, 1, 1]} : vector<2x8x128xf32> to vector<1x8x128xf32>
    %select_n3A_3204 = arith.select %ge3A_3195, %slice3A_3202, %slice3A_3203 : vector<1x8x128xi1>, vector<1x8x128xf32>
    %slice3A_3205 = vector.extract_strided_slice %select_n3A_3189 {offsets = [0, 0, 0], sizes = [1, 8, 128], strides = [1, 1, 1]} : vector<2x8x128xf32> to vector<1x8x128xf32>
    %slice3A_3206 = vector.extract_strided_slice %select_n3A_3189 {offsets = [1, 0, 0], sizes = [1, 8, 128], strides = [1, 1, 1]} : vector<2x8x128xf32> to vector<1x8x128xf32>
    %select_n3A_3207 = arith.select %ge3A_3195, %slice3A_3205, %slice3A_3206 : vector<1x8x128xi1>, vector<1x8x128xf32>
    %slice3A_3208 = vector.extract_strided_slice %select_n3A_3192 {offsets = [0, 0, 0], sizes = [1, 8, 128], strides = [1, 1, 1]} : vector<2x8x128xf32> to vector<1x8x128xf32>
    %slice3A_3209 = vector.extract_strided_slice %select_n3A_3192 {offsets = [1, 0, 0], sizes = [1, 8, 128], strides = [1, 1, 1]} : vector<2x8x128xf32> to vector<1x8x128xf32>
    %select_n3A_3210 = arith.select %ge3A_3195, %slice3A_3208, %slice3A_3209 : vector<1x8x128xi1>, vector<1x8x128xf32>
    %reduce_max3A_3211 = arith.constant dense<0xFF800000> : vector<1x8xf32>
    %reduce_max3A_3212 = vector.multi_reduction <maximumf>, %select_n3A_3198, %reduce_max3A_3211 [2] : vector<1x8x128xf32> to vector<1x8xf32>
    %broadcast_in_dim3A_3213 = vector.shape_cast %reduce_max3A_3212 : vector<1x8xf32> to vector<1x8x1xf32>
    %eq3A_3214 = vector.broadcast %broadcast_in_dim3A_3213 : vector<1x8x1xf32> to vector<1x8x128xf32>
    %eq3A_3215 = arith.cmpf oeq, %select_n3A_3198, %eq3A_3214 : vector<1x8x128xf32>
    %jit3A_3216 = arith.constant 3.000000e+38 : f32
    %broadcast_in_dim3A_3217 = vector.broadcast %jit3A_3216 : f32 to vector<1x8x128xf32>
    %select_n3A_3218 = arith.select %eq3A_3215, %select_n3A_3210, %broadcast_in_dim3A_3217 : vector<1x8x128xi1>, vector<1x8x128xf32>
    %reduce_min3A_3219 = arith.constant dense<0x7F800000> : vector<1x8xf32>
    %reduce_min3A_3220 = vector.multi_reduction <minimumf>, %select_n3A_3218, %reduce_min3A_3219 [2] : vector<1x8x128xf32> to vector<1x8xf32>
    %broadcast_in_dim3A_3221 = vector.shape_cast %reduce_min3A_3220 : vector<1x8xf32> to vector<1x8x1xf32>
    %eq3A_3222 = vector.broadcast %broadcast_in_dim3A_3221 : vector<1x8x1xf32> to vector<1x8x128xf32>
    %eq3A_3223 = arith.cmpf oeq, %select_n3A_3210, %eq3A_3222 : vector<1x8x128xf32>
    %jit3A_3224 = arith.constant 0.000000e+00 : f32
    %broadcast_in_dim3A_3225 = vector.broadcast %jit3A_3224 : f32 to vector<1x8x128xf32>
    %select_n3A_3226 = arith.select %eq3A_3223, %select_n3A_3201, %broadcast_in_dim3A_3225 : vector<1x8x128xi1>, vector<1x8x128xf32>
    %reduce_sum3A_3227 = arith.constant dense<0.000000e+00> : vector<1x8xf32>
    %reduce_sum3A_3228 = vector.multi_reduction <add>, %select_n3A_3226, %reduce_sum3A_3227 [2] : vector<1x8x128xf32> to vector<1x8xf32>
    %broadcast_in_dim3A_3229 = vector.shape_cast %reduce_sum3A_3228 : vector<1x8xf32> to vector<1x8x1xf32>
    %jit3A_3230 = arith.constant 0.000000e+00 : f32
    %broadcast_in_dim3A_3231 = vector.broadcast %jit3A_3230 : f32 to vector<1x8x128xf32>
    %select_n3A_3232 = arith.select %eq3A_3223, %select_n3A_3204, %broadcast_in_dim3A_3231 : vector<1x8x128xi1>, vector<1x8x128xf32>
    %reduce_sum3A_3233 = arith.constant dense<0.000000e+00> : vector<1x8xf32>
    %reduce_sum3A_3234 = vector.multi_reduction <add>, %select_n3A_3232, %reduce_sum3A_3233 [2] : vector<1x8x128xf32> to vector<1x8xf32>
    %broadcast_in_dim3A_3235 = vector.shape_cast %reduce_sum3A_3234 : vector<1x8xf32> to vector<1x8x1xf32>
    %jit3A_3236 = arith.constant 0.000000e+00 : f32
    %broadcast_in_dim3A_3237 = vector.broadcast %jit3A_3236 : f32 to vector<1x8x128xf32>
    %select_n3A_3238 = arith.select %eq3A_3223, %select_n3A_3207, %broadcast_in_dim3A_3237 : vector<1x8x128xi1>, vector<1x8x128xf32>
    %reduce_sum3A_3239 = arith.constant dense<0.000000e+00> : vector<1x8xf32>
    %reduce_sum3A_3240 = vector.multi_reduction <add>, %select_n3A_3238, %reduce_sum3A_3239 [2] : vector<1x8x128xf32> to vector<1x8xf32>
    %broadcast_in_dim3A_3241 = vector.shape_cast %reduce_sum3A_3240 : vector<1x8xf32> to vector<1x8x1xf32>
    %sub3A_3242 = vector.broadcast %broadcast_in_dim3A_3229 : vector<1x8x1xf32> to vector<32x8x128xf32>
    %sub3A_3243 = arith.subf %get3A_4, %sub3A_3242 : vector<32x8x128xf32>
    %sub3A_3244 = vector.broadcast %broadcast_in_dim3A_3235 : vector<1x8x1xf32> to vector<32x8x128xf32>
    %sub3A_3245 = arith.subf %get3A_10, %sub3A_3244 : vector<32x8x128xf32>
    %sub3A_3246 = vector.broadcast %broadcast_in_dim3A_3241 : vector<1x8x1xf32> to vector<32x8x128xf32>
    %sub3A_3247 = arith.subf %get3A_16, %sub3A_3246 : vector<32x8x128xf32>
    %mul3A_3248 = arith.mulf %sub3A_3243, %sub3A_3243 : vector<32x8x128xf32>
    %mul3A_3249 = arith.mulf %sub3A_3245, %sub3A_3245 : vector<32x8x128xf32>
    %add3A_3250 = arith.addf %mul3A_3248, %mul3A_3249 : vector<32x8x128xf32>
    %mul3A_3251 = arith.mulf %sub3A_3247, %sub3A_3247 : vector<32x8x128xf32>
    %add3A_3252 = arith.addf %add3A_3250, %mul3A_3251 : vector<32x8x128xf32>
    %min3A_3253 = arith.minimumf %min3A_3112, %add3A_3252 : vector<32x8x128xf32>
    %swap3A_3254 = arith.index_cast %rem3A_25 : i32 to index
    %swap3A_3255 = arith.constant 6 : index
    %swap3A_3256 = arith.constant 0 : index
    %swap3A_3257 = arith.constant 0 : index
    %swap3A_3258 = arith.constant 0 : index
    %swap3A_3259 = vector.load %arg5[%swap3A_3254, %swap3A_3255, %swap3A_3256, %swap3A_3257, %swap3A_3258] : memref<2x8x32x8x128xf32, #tpu.memory_space<vmem>>, vector<1x1x32x8x128xf32>
    %swap3A_3260 = vector.shape_cast %swap3A_3259 : vector<1x1x32x8x128xf32> to vector<32x8x128xf32>
    %swap3A_3261 = vector.shape_cast %add3A_3252 : vector<32x8x128xf32> to vector<1x1x32x8x128xf32>
    tpu.vector_store %arg5[%swap3A_3254, %swap3A_3255, %swap3A_3256, %swap3A_3257, %swap3A_3258], %swap3A_3261 {strides = array<i32>} : memref<2x8x32x8x128xf32, #tpu.memory_space<vmem>>, vector<1x1x32x8x128xf32>,
    %slice3A_3262 = vector.extract_strided_slice %min3A_3253 {offsets = [0, 0, 0], sizes = [16, 8, 128], strides = [1, 1, 1]} : vector<32x8x128xf32> to vector<16x8x128xf32>
    %slice3A_3263 = vector.extract_strided_slice %min3A_3253 {offsets = [16, 0, 0], sizes = [16, 8, 128], strides = [1, 1, 1]} : vector<32x8x128xf32> to vector<16x8x128xf32>
    %ge3A_3264 = arith.cmpf oge, %slice3A_3262, %slice3A_3263 : vector<16x8x128xf32>
    %slice3A_3265 = vector.extract_strided_slice %min3A_3253 {offsets = [0, 0, 0], sizes = [16, 8, 128], strides = [1, 1, 1]} : vector<32x8x128xf32> to vector<16x8x128xf32>
    %slice3A_3266 = vector.extract_strided_slice %min3A_3253 {offsets = [16, 0, 0], sizes = [16, 8, 128], strides = [1, 1, 1]} : vector<32x8x128xf32> to vector<16x8x128xf32>
    %select_n3A_3267 = arith.select %ge3A_3264, %slice3A_3265, %slice3A_3266 : vector<16x8x128xi1>, vector<16x8x128xf32>
    %slice3A_3268 = vector.extract_strided_slice %get3A_4 {offsets = [0, 0, 0], sizes = [16, 8, 128], strides = [1, 1, 1]} : vector<32x8x128xf32> to vector<16x8x128xf32>
    %slice3A_3269 = vector.extract_strided_slice %get3A_4 {offsets = [16, 0, 0], sizes = [16, 8, 128], strides = [1, 1, 1]} : vector<32x8x128xf32> to vector<16x8x128xf32>
    %select_n3A_3270 = arith.select %ge3A_3264, %slice3A_3268, %slice3A_3269 : vector<16x8x128xi1>, vector<16x8x128xf32>
    %slice3A_3271 = vector.extract_strided_slice %get3A_10 {offsets = [0, 0, 0], sizes = [16, 8, 128], strides = [1, 1, 1]} : vector<32x8x128xf32> to vector<16x8x128xf32>
    %slice3A_3272 = vector.extract_strided_slice %get3A_10 {offsets = [16, 0, 0], sizes = [16, 8, 128], strides = [1, 1, 1]} : vector<32x8x128xf32> to vector<16x8x128xf32>
    %select_n3A_3273 = arith.select %ge3A_3264, %slice3A_3271, %slice3A_3272 : vector<16x8x128xi1>, vector<16x8x128xf32>
    %slice3A_3274 = vector.extract_strided_slice %get3A_16 {offsets = [0, 0, 0], sizes = [16, 8, 128], strides = [1, 1, 1]} : vector<32x8x128xf32> to vector<16x8x128xf32>
    %slice3A_3275 = vector.extract_strided_slice %get3A_16 {offsets = [16, 0, 0], sizes = [16, 8, 128], strides = [1, 1, 1]} : vector<32x8x128xf32> to vector<16x8x128xf32>
    %select_n3A_3276 = arith.select %ge3A_3264, %slice3A_3274, %slice3A_3275 : vector<16x8x128xi1>, vector<16x8x128xf32>
    %slice3A_3277 = vector.extract_strided_slice %get3A_22 {offsets = [0, 0, 0], sizes = [16, 8, 128], strides = [1, 1, 1]} : vector<32x8x128xf32> to vector<16x8x128xf32>
    %slice3A_3278 = vector.extract_strided_slice %get3A_22 {offsets = [16, 0, 0], sizes = [16, 8, 128], strides = [1, 1, 1]} : vector<32x8x128xf32> to vector<16x8x128xf32>
    %select_n3A_3279 = arith.select %ge3A_3264, %slice3A_3277, %slice3A_3278 : vector<16x8x128xi1>, vector<16x8x128xf32>
    %slice3A_3280 = vector.extract_strided_slice %select_n3A_3267 {offsets = [0, 0, 0], sizes = [8, 8, 128], strides = [1, 1, 1]} : vector<16x8x128xf32> to vector<8x8x128xf32>
    %slice3A_3281 = vector.extract_strided_slice %select_n3A_3267 {offsets = [8, 0, 0], sizes = [8, 8, 128], strides = [1, 1, 1]} : vector<16x8x128xf32> to vector<8x8x128xf32>
    %ge3A_3282 = arith.cmpf oge, %slice3A_3280, %slice3A_3281 : vector<8x8x128xf32>
    %slice3A_3283 = vector.extract_strided_slice %select_n3A_3267 {offsets = [0, 0, 0], sizes = [8, 8, 128], strides = [1, 1, 1]} : vector<16x8x128xf32> to vector<8x8x128xf32>
    %slice3A_3284 = vector.extract_strided_slice %select_n3A_3267 {offsets = [8, 0, 0], sizes = [8, 8, 128], strides = [1, 1, 1]} : vector<16x8x128xf32> to vector<8x8x128xf32>
    %select_n3A_3285 = arith.select %ge3A_3282, %slice3A_3283, %slice3A_3284 : vector<8x8x128xi1>, vector<8x8x128xf32>
    %slice3A_3286 = vector.extract_strided_slice %select_n3A_3270 {offsets = [0, 0, 0], sizes = [8, 8, 128], strides = [1, 1, 1]} : vector<16x8x128xf32> to vector<8x8x128xf32>
    %slice3A_3287 = vector.extract_strided_slice %select_n3A_3270 {offsets = [8, 0, 0], sizes = [8, 8, 128], strides = [1, 1, 1]} : vector<16x8x128xf32> to vector<8x8x128xf32>
    %select_n3A_3288 = arith.select %ge3A_3282, %slice3A_3286, %slice3A_3287 : vector<8x8x128xi1>, vector<8x8x128xf32>
    %slice3A_3289 = vector.extract_strided_slice %select_n3A_3273 {offsets = [0, 0, 0], sizes = [8, 8, 128], strides = [1, 1, 1]} : vector<16x8x128xf32> to vector<8x8x128xf32>
    %slice3A_3290 = vector.extract_strided_slice %select_n3A_3273 {offsets = [8, 0, 0], sizes = [8, 8, 128], strides = [1, 1, 1]} : vector<16x8x128xf32> to vector<8x8x128xf32>
    %select_n3A_3291 = arith.select %ge3A_3282, %slice3A_3289, %slice3A_3290 : vector<8x8x128xi1>, vector<8x8x128xf32>
    %slice3A_3292 = vector.extract_strided_slice %select_n3A_3276 {offsets = [0, 0, 0], sizes = [8, 8, 128], strides = [1, 1, 1]} : vector<16x8x128xf32> to vector<8x8x128xf32>
    %slice3A_3293 = vector.extract_strided_slice %select_n3A_3276 {offsets = [8, 0, 0], sizes = [8, 8, 128], strides = [1, 1, 1]} : vector<16x8x128xf32> to vector<8x8x128xf32>
    %select_n3A_3294 = arith.select %ge3A_3282, %slice3A_3292, %slice3A_3293 : vector<8x8x128xi1>, vector<8x8x128xf32>
    %slice3A_3295 = vector.extract_strided_slice %select_n3A_3279 {offsets = [0, 0, 0], sizes = [8, 8, 128], strides = [1, 1, 1]} : vector<16x8x128xf32> to vector<8x8x128xf32>
    %slice3A_3296 = vector.extract_strided_slice %select_n3A_3279 {offsets = [8, 0, 0], sizes = [8, 8, 128], strides = [1, 1, 1]} : vector<16x8x128xf32> to vector<8x8x128xf32>
    %select_n3A_3297 = arith.select %ge3A_3282, %slice3A_3295, %slice3A_3296 : vector<8x8x128xi1>, vector<8x8x128xf32>
    %slice3A_3298 = vector.extract_strided_slice %select_n3A_3285 {offsets = [0, 0, 0], sizes = [4, 8, 128], strides = [1, 1, 1]} : vector<8x8x128xf32> to vector<4x8x128xf32>
    %slice3A_3299 = vector.extract_strided_slice %select_n3A_3285 {offsets = [4, 0, 0], sizes = [4, 8, 128], strides = [1, 1, 1]} : vector<8x8x128xf32> to vector<4x8x128xf32>
    %ge3A_3300 = arith.cmpf oge, %slice3A_3298, %slice3A_3299 : vector<4x8x128xf32>
    %slice3A_3301 = vector.extract_strided_slice %select_n3A_3285 {offsets = [0, 0, 0], sizes = [4, 8, 128], strides = [1, 1, 1]} : vector<8x8x128xf32> to vector<4x8x128xf32>
    %slice3A_3302 = vector.extract_strided_slice %select_n3A_3285 {offsets = [4, 0, 0], sizes = [4, 8, 128], strides = [1, 1, 1]} : vector<8x8x128xf32> to vector<4x8x128xf32>
    %select_n3A_3303 = arith.select %ge3A_3300, %slice3A_3301, %slice3A_3302 : vector<4x8x128xi1>, vector<4x8x128xf32>
    %slice3A_3304 = vector.extract_strided_slice %select_n3A_3288 {offsets = [0, 0, 0], sizes = [4, 8, 128], strides = [1, 1, 1]} : vector<8x8x128xf32> to vector<4x8x128xf32>
    %slice3A_3305 = vector.extract_strided_slice %select_n3A_3288 {offsets = [4, 0, 0], sizes = [4, 8, 128], strides = [1, 1, 1]} : vector<8x8x128xf32> to vector<4x8x128xf32>
    %select_n3A_3306 = arith.select %ge3A_3300, %slice3A_3304, %slice3A_3305 : vector<4x8x128xi1>, vector<4x8x128xf32>
    %slice3A_3307 = vector.extract_strided_slice %select_n3A_3291 {offsets = [0, 0, 0], sizes = [4, 8, 128], strides = [1, 1, 1]} : vector<8x8x128xf32> to vector<4x8x128xf32>
    %slice3A_3308 = vector.extract_strided_slice %select_n3A_3291 {offsets = [4, 0, 0], sizes = [4, 8, 128], strides = [1, 1, 1]} : vector<8x8x128xf32> to vector<4x8x128xf32>
    %select_n3A_3309 = arith.select %ge3A_3300, %slice3A_3307, %slice3A_3308 : vector<4x8x128xi1>, vector<4x8x128xf32>
    %slice3A_3310 = vector.extract_strided_slice %select_n3A_3294 {offsets = [0, 0, 0], sizes = [4, 8, 128], strides = [1, 1, 1]} : vector<8x8x128xf32> to vector<4x8x128xf32>
    %slice3A_3311 = vector.extract_strided_slice %select_n3A_3294 {offsets = [4, 0, 0], sizes = [4, 8, 128], strides = [1, 1, 1]} : vector<8x8x128xf32> to vector<4x8x128xf32>
    %select_n3A_3312 = arith.select %ge3A_3300, %slice3A_3310, %slice3A_3311 : vector<4x8x128xi1>, vector<4x8x128xf32>
    %slice3A_3313 = vector.extract_strided_slice %select_n3A_3297 {offsets = [0, 0, 0], sizes = [4, 8, 128], strides = [1, 1, 1]} : vector<8x8x128xf32> to vector<4x8x128xf32>
    %slice3A_3314 = vector.extract_strided_slice %select_n3A_3297 {offsets = [4, 0, 0], sizes = [4, 8, 128], strides = [1, 1, 1]} : vector<8x8x128xf32> to vector<4x8x128xf32>
    %select_n3A_3315 = arith.select %ge3A_3300, %slice3A_3313, %slice3A_3314 : vector<4x8x128xi1>, vector<4x8x128xf32>
    %slice3A_3316 = vector.extract_strided_slice %select_n3A_3303 {offsets = [0, 0, 0], sizes = [2, 8, 128], strides = [1, 1, 1]} : vector<4x8x128xf32> to vector<2x8x128xf32>
    %slice3A_3317 = vector.extract_strided_slice %select_n3A_3303 {offsets = [2, 0, 0], sizes = [2, 8, 128], strides = [1, 1, 1]} : vector<4x8x128xf32> to vector<2x8x128xf32>
    %ge3A_3318 = arith.cmpf oge, %slice3A_3316, %slice3A_3317 : vector<2x8x128xf32>
    %slice3A_3319 = vector.extract_strided_slice %select_n3A_3303 {offsets = [0, 0, 0], sizes = [2, 8, 128], strides = [1, 1, 1]} : vector<4x8x128xf32> to vector<2x8x128xf32>
    %slice3A_3320 = vector.extract_strided_slice %select_n3A_3303 {offsets = [2, 0, 0], sizes = [2, 8, 128], strides = [1, 1, 1]} : vector<4x8x128xf32> to vector<2x8x128xf32>
    %select_n3A_3321 = arith.select %ge3A_3318, %slice3A_3319, %slice3A_3320 : vector<2x8x128xi1>, vector<2x8x128xf32>
    %slice3A_3322 = vector.extract_strided_slice %select_n3A_3306 {offsets = [0, 0, 0], sizes = [2, 8, 128], strides = [1, 1, 1]} : vector<4x8x128xf32> to vector<2x8x128xf32>
    %slice3A_3323 = vector.extract_strided_slice %select_n3A_3306 {offsets = [2, 0, 0], sizes = [2, 8, 128], strides = [1, 1, 1]} : vector<4x8x128xf32> to vector<2x8x128xf32>
    %select_n3A_3324 = arith.select %ge3A_3318, %slice3A_3322, %slice3A_3323 : vector<2x8x128xi1>, vector<2x8x128xf32>
    %slice3A_3325 = vector.extract_strided_slice %select_n3A_3309 {offsets = [0, 0, 0], sizes = [2, 8, 128], strides = [1, 1, 1]} : vector<4x8x128xf32> to vector<2x8x128xf32>
    %slice3A_3326 = vector.extract_strided_slice %select_n3A_3309 {offsets = [2, 0, 0], sizes = [2, 8, 128], strides = [1, 1, 1]} : vector<4x8x128xf32> to vector<2x8x128xf32>
    %select_n3A_3327 = arith.select %ge3A_3318, %slice3A_3325, %slice3A_3326 : vector<2x8x128xi1>, vector<2x8x128xf32>
    %slice3A_3328 = vector.extract_strided_slice %select_n3A_3312 {offsets = [0, 0, 0], sizes = [2, 8, 128], strides = [1, 1, 1]} : vector<4x8x128xf32> to vector<2x8x128xf32>
    %slice3A_3329 = vector.extract_strided_slice %select_n3A_3312 {offsets = [2, 0, 0], sizes = [2, 8, 128], strides = [1, 1, 1]} : vector<4x8x128xf32> to vector<2x8x128xf32>
    %select_n3A_3330 = arith.select %ge3A_3318, %slice3A_3328, %slice3A_3329 : vector<2x8x128xi1>, vector<2x8x128xf32>
    %slice3A_3331 = vector.extract_strided_slice %select_n3A_3315 {offsets = [0, 0, 0], sizes = [2, 8, 128], strides = [1, 1, 1]} : vector<4x8x128xf32> to vector<2x8x128xf32>
    %slice3A_3332 = vector.extract_strided_slice %select_n3A_3315 {offsets = [2, 0, 0], sizes = [2, 8, 128], strides = [1, 1, 1]} : vector<4x8x128xf32> to vector<2x8x128xf32>
    %select_n3A_3333 = arith.select %ge3A_3318, %slice3A_3331, %slice3A_3332 : vector<2x8x128xi1>, vector<2x8x128xf32>
    %slice3A_3334 = vector.extract_strided_slice %select_n3A_3321 {offsets = [0, 0, 0], sizes = [1, 8, 128], strides = [1, 1, 1]} : vector<2x8x128xf32> to vector<1x8x128xf32>
    %slice3A_3335 = vector.extract_strided_slice %select_n3A_3321 {offsets = [1, 0, 0], sizes = [1, 8, 128], strides = [1, 1, 1]} : vector<2x8x128xf32> to vector<1x8x128xf32>
    %ge3A_3336 = arith.cmpf oge, %slice3A_3334, %slice3A_3335 : vector<1x8x128xf32>
    %slice3A_3337 = vector.extract_strided_slice %select_n3A_3321 {offsets = [0, 0, 0], sizes = [1, 8, 128], strides = [1, 1, 1]} : vector<2x8x128xf32> to vector<1x8x128xf32>
    %slice3A_3338 = vector.extract_strided_slice %select_n3A_3321 {offsets = [1, 0, 0], sizes = [1, 8, 128], strides = [1, 1, 1]} : vector<2x8x128xf32> to vector<1x8x128xf32>
    %select_n3A_3339 = arith.select %ge3A_3336, %slice3A_3337, %slice3A_3338 : vector<1x8x128xi1>, vector<1x8x128xf32>
    %slice3A_3340 = vector.extract_strided_slice %select_n3A_3324 {offsets = [0, 0, 0], sizes = [1, 8, 128], strides = [1, 1, 1]} : vector<2x8x128xf32> to vector<1x8x128xf32>
    %slice3A_3341 = vector.extract_strided_slice %select_n3A_3324 {offsets = [1, 0, 0], sizes = [1, 8, 128], strides = [1, 1, 1]} : vector<2x8x128xf32> to vector<1x8x128xf32>
    %select_n3A_3342 = arith.select %ge3A_3336, %slice3A_3340, %slice3A_3341 : vector<1x8x128xi1>, vector<1x8x128xf32>
    %slice3A_3343 = vector.extract_strided_slice %select_n3A_3327 {offsets = [0, 0, 0], sizes = [1, 8, 128], strides = [1, 1, 1]} : vector<2x8x128xf32> to vector<1x8x128xf32>
    %slice3A_3344 = vector.extract_strided_slice %select_n3A_3327 {offsets = [1, 0, 0], sizes = [1, 8, 128], strides = [1, 1, 1]} : vector<2x8x128xf32> to vector<1x8x128xf32>
    %select_n3A_3345 = arith.select %ge3A_3336, %slice3A_3343, %slice3A_3344 : vector<1x8x128xi1>, vector<1x8x128xf32>
    %slice3A_3346 = vector.extract_strided_slice %select_n3A_3330 {offsets = [0, 0, 0], sizes = [1, 8, 128], strides = [1, 1, 1]} : vector<2x8x128xf32> to vector<1x8x128xf32>
    %slice3A_3347 = vector.extract_strided_slice %select_n3A_3330 {offsets = [1, 0, 0], sizes = [1, 8, 128], strides = [1, 1, 1]} : vector<2x8x128xf32> to vector<1x8x128xf32>
    %select_n3A_3348 = arith.select %ge3A_3336, %slice3A_3346, %slice3A_3347 : vector<1x8x128xi1>, vector<1x8x128xf32>
    %slice3A_3349 = vector.extract_strided_slice %select_n3A_3333 {offsets = [0, 0, 0], sizes = [1, 8, 128], strides = [1, 1, 1]} : vector<2x8x128xf32> to vector<1x8x128xf32>
    %slice3A_3350 = vector.extract_strided_slice %select_n3A_3333 {offsets = [1, 0, 0], sizes = [1, 8, 128], strides = [1, 1, 1]} : vector<2x8x128xf32> to vector<1x8x128xf32>
    %select_n3A_3351 = arith.select %ge3A_3336, %slice3A_3349, %slice3A_3350 : vector<1x8x128xi1>, vector<1x8x128xf32>
    %reduce_max3A_3352 = arith.constant dense<0xFF800000> : vector<1x8xf32>
    %reduce_max3A_3353 = vector.multi_reduction <maximumf>, %select_n3A_3339, %reduce_max3A_3352 [2] : vector<1x8x128xf32> to vector<1x8xf32>
    %broadcast_in_dim3A_3354 = vector.shape_cast %reduce_max3A_3353 : vector<1x8xf32> to vector<1x8x1xf32>
    %eq3A_3355 = vector.broadcast %broadcast_in_dim3A_3354 : vector<1x8x1xf32> to vector<1x8x128xf32>
    %eq3A_3356 = arith.cmpf oeq, %select_n3A_3339, %eq3A_3355 : vector<1x8x128xf32>
    %jit3A_3357 = arith.constant 3.000000e+38 : f32
    %broadcast_in_dim3A_3358 = vector.broadcast %jit3A_3357 : f32 to vector<1x8x128xf32>
    %select_n3A_3359 = arith.select %eq3A_3356, %select_n3A_3351, %broadcast_in_dim3A_3358 : vector<1x8x128xi1>, vector<1x8x128xf32>
    %reduce_min3A_3360 = arith.constant dense<0x7F800000> : vector<1x8xf32>
    %reduce_min3A_3361 = vector.multi_reduction <minimumf>, %select_n3A_3359, %reduce_min3A_3360 [2] : vector<1x8x128xf32> to vector<1x8xf32>
    %broadcast_in_dim3A_3362 = vector.shape_cast %reduce_min3A_3361 : vector<1x8xf32> to vector<1x8x1xf32>
    %eq3A_3363 = vector.broadcast %broadcast_in_dim3A_3362 : vector<1x8x1xf32> to vector<1x8x128xf32>
    %eq3A_3364 = arith.cmpf oeq, %select_n3A_3351, %eq3A_3363 : vector<1x8x128xf32>
    %jit3A_3365 = arith.constant 0.000000e+00 : f32
    %broadcast_in_dim3A_3366 = vector.broadcast %jit3A_3365 : f32 to vector<1x8x128xf32>
    %select_n3A_3367 = arith.select %eq3A_3364, %select_n3A_3342, %broadcast_in_dim3A_3366 : vector<1x8x128xi1>, vector<1x8x128xf32>
    %reduce_sum3A_3368 = arith.constant dense<0.000000e+00> : vector<1x8xf32>
    %reduce_sum3A_3369 = vector.multi_reduction <add>, %select_n3A_3367, %reduce_sum3A_3368 [2] : vector<1x8x128xf32> to vector<1x8xf32>
    %broadcast_in_dim3A_3370 = vector.shape_cast %reduce_sum3A_3369 : vector<1x8xf32> to vector<1x8x1xf32>
    %jit3A_3371 = arith.constant 0.000000e+00 : f32
    %broadcast_in_dim3A_3372 = vector.broadcast %jit3A_3371 : f32 to vector<1x8x128xf32>
    %select_n3A_3373 = arith.select %eq3A_3364, %select_n3A_3345, %broadcast_in_dim3A_3372 : vector<1x8x128xi1>, vector<1x8x128xf32>
    %reduce_sum3A_3374 = arith.constant dense<0.000000e+00> : vector<1x8xf32>
    %reduce_sum3A_3375 = vector.multi_reduction <add>, %select_n3A_3373, %reduce_sum3A_3374 [2] : vector<1x8x128xf32> to vector<1x8xf32>
    %broadcast_in_dim3A_3376 = vector.shape_cast %reduce_sum3A_3375 : vector<1x8xf32> to vector<1x8x1xf32>
    %jit3A_3377 = arith.constant 0.000000e+00 : f32
    %broadcast_in_dim3A_3378 = vector.broadcast %jit3A_3377 : f32 to vector<1x8x128xf32>
    %select_n3A_3379 = arith.select %eq3A_3364, %select_n3A_3348, %broadcast_in_dim3A_3378 : vector<1x8x128xi1>, vector<1x8x128xf32>
    %reduce_sum3A_3380 = arith.constant dense<0.000000e+00> : vector<1x8xf32>
    %reduce_sum3A_3381 = vector.multi_reduction <add>, %select_n3A_3379, %reduce_sum3A_3380 [2] : vector<1x8x128xf32> to vector<1x8xf32>
    %broadcast_in_dim3A_3382 = vector.shape_cast %reduce_sum3A_3381 : vector<1x8xf32> to vector<1x8x1xf32>
    %sub3A_3383 = vector.broadcast %broadcast_in_dim3A_3370 : vector<1x8x1xf32> to vector<32x8x128xf32>
    %sub3A_3384 = arith.subf %get3A_4, %sub3A_3383 : vector<32x8x128xf32>
    %sub3A_3385 = vector.broadcast %broadcast_in_dim3A_3376 : vector<1x8x1xf32> to vector<32x8x128xf32>
    %sub3A_3386 = arith.subf %get3A_10, %sub3A_3385 : vector<32x8x128xf32>
    %sub3A_3387 = vector.broadcast %broadcast_in_dim3A_3382 : vector<1x8x1xf32> to vector<32x8x128xf32>
    %sub3A_3388 = arith.subf %get3A_16, %sub3A_3387 : vector<32x8x128xf32>
    %mul3A_3389 = arith.mulf %sub3A_3384, %sub3A_3384 : vector<32x8x128xf32>
    %mul3A_3390 = arith.mulf %sub3A_3386, %sub3A_3386 : vector<32x8x128xf32>
    %add3A_3391 = arith.addf %mul3A_3389, %mul3A_3390 : vector<32x8x128xf32>
    %mul3A_3392 = arith.mulf %sub3A_3388, %sub3A_3388 : vector<32x8x128xf32>
    %add3A_3393 = arith.addf %add3A_3391, %mul3A_3392 : vector<32x8x128xf32>
    %min3A_3394 = arith.minimumf %min3A_3253, %add3A_3393 : vector<32x8x128xf32>
    %swap3A_3395 = arith.index_cast %rem3A_25 : i32 to index
    %swap3A_3396 = arith.constant 7 : index
    %swap3A_3397 = arith.constant 0 : index
    %swap3A_3398 = arith.constant 0 : index
    %swap3A_3399 = arith.constant 0 : index
    %swap3A_3400 = vector.load %arg5[%swap3A_3395, %swap3A_3396, %swap3A_3397, %swap3A_3398, %swap3A_3399] : memref<2x8x32x8x128xf32, #tpu.memory_space<vmem>>, vector<1x1x32x8x128xf32>
    %swap3A_3401 = vector.shape_cast %swap3A_3400 : vector<1x1x32x8x128xf32> to vector<32x8x128xf32>
    %swap3A_3402 = vector.shape_cast %add3A_3393 : vector<32x8x128xf32> to vector<1x1x32x8x128xf32>
    tpu.vector_store %arg5[%swap3A_3395, %swap3A_3396, %swap3A_3397, %swap3A_3398, %swap3A_3399], %swap3A_3402 {strides = array<i32>} : memref<2x8x32x8x128xf32, #tpu.memory_space<vmem>>, vector<1x1x32x8x128xf32>,
    %slice3A_3403 = vector.extract_strided_slice %min3A_3394 {offsets = [0, 0, 0], sizes = [16, 8, 128], strides = [1, 1, 1]} : vector<32x8x128xf32> to vector<16x8x128xf32>
    %slice3A_3404 = vector.extract_strided_slice %min3A_3394 {offsets = [16, 0, 0], sizes = [16, 8, 128], strides = [1, 1, 1]} : vector<32x8x128xf32> to vector<16x8x128xf32>
    %ge3A_3405 = arith.cmpf oge, %slice3A_3403, %slice3A_3404 : vector<16x8x128xf32>
    %slice3A_3406 = vector.extract_strided_slice %min3A_3394 {offsets = [0, 0, 0], sizes = [16, 8, 128], strides = [1, 1, 1]} : vector<32x8x128xf32> to vector<16x8x128xf32>
    %slice3A_3407 = vector.extract_strided_slice %min3A_3394 {offsets = [16, 0, 0], sizes = [16, 8, 128], strides = [1, 1, 1]} : vector<32x8x128xf32> to vector<16x8x128xf32>
    %select_n3A_3408 = arith.select %ge3A_3405, %slice3A_3406, %slice3A_3407 : vector<16x8x128xi1>, vector<16x8x128xf32>
    %slice3A_3409 = vector.extract_strided_slice %get3A_4 {offsets = [0, 0, 0], sizes = [16, 8, 128], strides = [1, 1, 1]} : vector<32x8x128xf32> to vector<16x8x128xf32>
    %slice3A_3410 = vector.extract_strided_slice %get3A_4 {offsets = [16, 0, 0], sizes = [16, 8, 128], strides = [1, 1, 1]} : vector<32x8x128xf32> to vector<16x8x128xf32>
    %select_n3A_3411 = arith.select %ge3A_3405, %slice3A_3409, %slice3A_3410 : vector<16x8x128xi1>, vector<16x8x128xf32>
    %slice3A_3412 = vector.extract_strided_slice %get3A_10 {offsets = [0, 0, 0], sizes = [16, 8, 128], strides = [1, 1, 1]} : vector<32x8x128xf32> to vector<16x8x128xf32>
    %slice3A_3413 = vector.extract_strided_slice %get3A_10 {offsets = [16, 0, 0], sizes = [16, 8, 128], strides = [1, 1, 1]} : vector<32x8x128xf32> to vector<16x8x128xf32>
    %select_n3A_3414 = arith.select %ge3A_3405, %slice3A_3412, %slice3A_3413 : vector<16x8x128xi1>, vector<16x8x128xf32>
    %slice3A_3415 = vector.extract_strided_slice %get3A_16 {offsets = [0, 0, 0], sizes = [16, 8, 128], strides = [1, 1, 1]} : vector<32x8x128xf32> to vector<16x8x128xf32>
    %slice3A_3416 = vector.extract_strided_slice %get3A_16 {offsets = [16, 0, 0], sizes = [16, 8, 128], strides = [1, 1, 1]} : vector<32x8x128xf32> to vector<16x8x128xf32>
    %select_n3A_3417 = arith.select %ge3A_3405, %slice3A_3415, %slice3A_3416 : vector<16x8x128xi1>, vector<16x8x128xf32>
    %slice3A_3418 = vector.extract_strided_slice %get3A_22 {offsets = [0, 0, 0], sizes = [16, 8, 128], strides = [1, 1, 1]} : vector<32x8x128xf32> to vector<16x8x128xf32>
    %slice3A_3419 = vector.extract_strided_slice %get3A_22 {offsets = [16, 0, 0], sizes = [16, 8, 128], strides = [1, 1, 1]} : vector<32x8x128xf32> to vector<16x8x128xf32>
    %select_n3A_3420 = arith.select %ge3A_3405, %slice3A_3418, %slice3A_3419 : vector<16x8x128xi1>, vector<16x8x128xf32>
    %slice3A_3421 = vector.extract_strided_slice %select_n3A_3408 {offsets = [0, 0, 0], sizes = [8, 8, 128], strides = [1, 1, 1]} : vector<16x8x128xf32> to vector<8x8x128xf32>
    %slice3A_3422 = vector.extract_strided_slice %select_n3A_3408 {offsets = [8, 0, 0], sizes = [8, 8, 128], strides = [1, 1, 1]} : vector<16x8x128xf32> to vector<8x8x128xf32>
    %ge3A_3423 = arith.cmpf oge, %slice3A_3421, %slice3A_3422 : vector<8x8x128xf32>
    %slice3A_3424 = vector.extract_strided_slice %select_n3A_3408 {offsets = [0, 0, 0], sizes = [8, 8, 128], strides = [1, 1, 1]} : vector<16x8x128xf32> to vector<8x8x128xf32>
    %slice3A_3425 = vector.extract_strided_slice %select_n3A_3408 {offsets = [8, 0, 0], sizes = [8, 8, 128], strides = [1, 1, 1]} : vector<16x8x128xf32> to vector<8x8x128xf32>
    %select_n3A_3426 = arith.select %ge3A_3423, %slice3A_3424, %slice3A_3425 : vector<8x8x128xi1>, vector<8x8x128xf32>
    %slice3A_3427 = vector.extract_strided_slice %select_n3A_3411 {offsets = [0, 0, 0], sizes = [8, 8, 128], strides = [1, 1, 1]} : vector<16x8x128xf32> to vector<8x8x128xf32>
    %slice3A_3428 = vector.extract_strided_slice %select_n3A_3411 {offsets = [8, 0, 0], sizes = [8, 8, 128], strides = [1, 1, 1]} : vector<16x8x128xf32> to vector<8x8x128xf32>
    %select_n3A_3429 = arith.select %ge3A_3423, %slice3A_3427, %slice3A_3428 : vector<8x8x128xi1>, vector<8x8x128xf32>
    %slice3A_3430 = vector.extract_strided_slice %select_n3A_3414 {offsets = [0, 0, 0], sizes = [8, 8, 128], strides = [1, 1, 1]} : vector<16x8x128xf32> to vector<8x8x128xf32>
    %slice3A_3431 = vector.extract_strided_slice %select_n3A_3414 {offsets = [8, 0, 0], sizes = [8, 8, 128], strides = [1, 1, 1]} : vector<16x8x128xf32> to vector<8x8x128xf32>
    %select_n3A_3432 = arith.select %ge3A_3423, %slice3A_3430, %slice3A_3431 : vector<8x8x128xi1>, vector<8x8x128xf32>
    %slice3A_3433 = vector.extract_strided_slice %select_n3A_3417 {offsets = [0, 0, 0], sizes = [8, 8, 128], strides = [1, 1, 1]} : vector<16x8x128xf32> to vector<8x8x128xf32>
    %slice3A_3434 = vector.extract_strided_slice %select_n3A_3417 {offsets = [8, 0, 0], sizes = [8, 8, 128], strides = [1, 1, 1]} : vector<16x8x128xf32> to vector<8x8x128xf32>
    %select_n3A_3435 = arith.select %ge3A_3423, %slice3A_3433, %slice3A_3434 : vector<8x8x128xi1>, vector<8x8x128xf32>
    %slice3A_3436 = vector.extract_strided_slice %select_n3A_3420 {offsets = [0, 0, 0], sizes = [8, 8, 128], strides = [1, 1, 1]} : vector<16x8x128xf32> to vector<8x8x128xf32>
    %slice3A_3437 = vector.extract_strided_slice %select_n3A_3420 {offsets = [8, 0, 0], sizes = [8, 8, 128], strides = [1, 1, 1]} : vector<16x8x128xf32> to vector<8x8x128xf32>
    %select_n3A_3438 = arith.select %ge3A_3423, %slice3A_3436, %slice3A_3437 : vector<8x8x128xi1>, vector<8x8x128xf32>
    %slice3A_3439 = vector.extract_strided_slice %select_n3A_3426 {offsets = [0, 0, 0], sizes = [4, 8, 128], strides = [1, 1, 1]} : vector<8x8x128xf32> to vector<4x8x128xf32>
    %slice3A_3440 = vector.extract_strided_slice %select_n3A_3426 {offsets = [4, 0, 0], sizes = [4, 8, 128], strides = [1, 1, 1]} : vector<8x8x128xf32> to vector<4x8x128xf32>
    %ge3A_3441 = arith.cmpf oge, %slice3A_3439, %slice3A_3440 : vector<4x8x128xf32>
    %slice3A_3442 = vector.extract_strided_slice %select_n3A_3426 {offsets = [0, 0, 0], sizes = [4, 8, 128], strides = [1, 1, 1]} : vector<8x8x128xf32> to vector<4x8x128xf32>
    %slice3A_3443 = vector.extract_strided_slice %select_n3A_3426 {offsets = [4, 0, 0], sizes = [4, 8, 128], strides = [1, 1, 1]} : vector<8x8x128xf32> to vector<4x8x128xf32>
    %select_n3A_3444 = arith.select %ge3A_3441, %slice3A_3442, %slice3A_3443 : vector<4x8x128xi1>, vector<4x8x128xf32>
    %slice3A_3445 = vector.extract_strided_slice %select_n3A_3429 {offsets = [0, 0, 0], sizes = [4, 8, 128], strides = [1, 1, 1]} : vector<8x8x128xf32> to vector<4x8x128xf32>
    %slice3A_3446 = vector.extract_strided_slice %select_n3A_3429 {offsets = [4, 0, 0], sizes = [4, 8, 128], strides = [1, 1, 1]} : vector<8x8x128xf32> to vector<4x8x128xf32>
    %select_n3A_3447 = arith.select %ge3A_3441, %slice3A_3445, %slice3A_3446 : vector<4x8x128xi1>, vector<4x8x128xf32>
    %slice3A_3448 = vector.extract_strided_slice %select_n3A_3432 {offsets = [0, 0, 0], sizes = [4, 8, 128], strides = [1, 1, 1]} : vector<8x8x128xf32> to vector<4x8x128xf32>
    %slice3A_3449 = vector.extract_strided_slice %select_n3A_3432 {offsets = [4, 0, 0], sizes = [4, 8, 128], strides = [1, 1, 1]} : vector<8x8x128xf32> to vector<4x8x128xf32>
    %select_n3A_3450 = arith.select %ge3A_3441, %slice3A_3448, %slice3A_3449 : vector<4x8x128xi1>, vector<4x8x128xf32>
    %slice3A_3451 = vector.extract_strided_slice %select_n3A_3435 {offsets = [0, 0, 0], sizes = [4, 8, 128], strides = [1, 1, 1]} : vector<8x8x128xf32> to vector<4x8x128xf32>
    %slice3A_3452 = vector.extract_strided_slice %select_n3A_3435 {offsets = [4, 0, 0], sizes = [4, 8, 128], strides = [1, 1, 1]} : vector<8x8x128xf32> to vector<4x8x128xf32>
    %select_n3A_3453 = arith.select %ge3A_3441, %slice3A_3451, %slice3A_3452 : vector<4x8x128xi1>, vector<4x8x128xf32>
    %slice3A_3454 = vector.extract_strided_slice %select_n3A_3438 {offsets = [0, 0, 0], sizes = [4, 8, 128], strides = [1, 1, 1]} : vector<8x8x128xf32> to vector<4x8x128xf32>
    %slice3A_3455 = vector.extract_strided_slice %select_n3A_3438 {offsets = [4, 0, 0], sizes = [4, 8, 128], strides = [1, 1, 1]} : vector<8x8x128xf32> to vector<4x8x128xf32>
    %select_n3A_3456 = arith.select %ge3A_3441, %slice3A_3454, %slice3A_3455 : vector<4x8x128xi1>, vector<4x8x128xf32>
    %slice3A_3457 = vector.extract_strided_slice %select_n3A_3444 {offsets = [0, 0, 0], sizes = [2, 8, 128], strides = [1, 1, 1]} : vector<4x8x128xf32> to vector<2x8x128xf32>
    %slice3A_3458 = vector.extract_strided_slice %select_n3A_3444 {offsets = [2, 0, 0], sizes = [2, 8, 128], strides = [1, 1, 1]} : vector<4x8x128xf32> to vector<2x8x128xf32>
    %ge3A_3459 = arith.cmpf oge, %slice3A_3457, %slice3A_3458 : vector<2x8x128xf32>
    %slice3A_3460 = vector.extract_strided_slice %select_n3A_3444 {offsets = [0, 0, 0], sizes = [2, 8, 128], strides = [1, 1, 1]} : vector<4x8x128xf32> to vector<2x8x128xf32>
    %slice3A_3461 = vector.extract_strided_slice %select_n3A_3444 {offsets = [2, 0, 0], sizes = [2, 8, 128], strides = [1, 1, 1]} : vector<4x8x128xf32> to vector<2x8x128xf32>
    %select_n3A_3462 = arith.select %ge3A_3459, %slice3A_3460, %slice3A_3461 : vector<2x8x128xi1>, vector<2x8x128xf32>
    %slice3A_3463 = vector.extract_strided_slice %select_n3A_3447 {offsets = [0, 0, 0], sizes = [2, 8, 128], strides = [1, 1, 1]} : vector<4x8x128xf32> to vector<2x8x128xf32>
    %slice3A_3464 = vector.extract_strided_slice %select_n3A_3447 {offsets = [2, 0, 0], sizes = [2, 8, 128], strides = [1, 1, 1]} : vector<4x8x128xf32> to vector<2x8x128xf32>
    %select_n3A_3465 = arith.select %ge3A_3459, %slice3A_3463, %slice3A_3464 : vector<2x8x128xi1>, vector<2x8x128xf32>
    %slice3A_3466 = vector.extract_strided_slice %select_n3A_3450 {offsets = [0, 0, 0], sizes = [2, 8, 128], strides = [1, 1, 1]} : vector<4x8x128xf32> to vector<2x8x128xf32>
    %slice3A_3467 = vector.extract_strided_slice %select_n3A_3450 {offsets = [2, 0, 0], sizes = [2, 8, 128], strides = [1, 1, 1]} : vector<4x8x128xf32> to vector<2x8x128xf32>
    %select_n3A_3468 = arith.select %ge3A_3459, %slice3A_3466, %slice3A_3467 : vector<2x8x128xi1>, vector<2x8x128xf32>
    %slice3A_3469 = vector.extract_strided_slice %select_n3A_3453 {offsets = [0, 0, 0], sizes = [2, 8, 128], strides = [1, 1, 1]} : vector<4x8x128xf32> to vector<2x8x128xf32>
    %slice3A_3470 = vector.extract_strided_slice %select_n3A_3453 {offsets = [2, 0, 0], sizes = [2, 8, 128], strides = [1, 1, 1]} : vector<4x8x128xf32> to vector<2x8x128xf32>
    %select_n3A_3471 = arith.select %ge3A_3459, %slice3A_3469, %slice3A_3470 : vector<2x8x128xi1>, vector<2x8x128xf32>
    %slice3A_3472 = vector.extract_strided_slice %select_n3A_3456 {offsets = [0, 0, 0], sizes = [2, 8, 128], strides = [1, 1, 1]} : vector<4x8x128xf32> to vector<2x8x128xf32>
    %slice3A_3473 = vector.extract_strided_slice %select_n3A_3456 {offsets = [2, 0, 0], sizes = [2, 8, 128], strides = [1, 1, 1]} : vector<4x8x128xf32> to vector<2x8x128xf32>
    %select_n3A_3474 = arith.select %ge3A_3459, %slice3A_3472, %slice3A_3473 : vector<2x8x128xi1>, vector<2x8x128xf32>
    %slice3A_3475 = vector.extract_strided_slice %select_n3A_3462 {offsets = [0, 0, 0], sizes = [1, 8, 128], strides = [1, 1, 1]} : vector<2x8x128xf32> to vector<1x8x128xf32>
    %slice3A_3476 = vector.extract_strided_slice %select_n3A_3462 {offsets = [1, 0, 0], sizes = [1, 8, 128], strides = [1, 1, 1]} : vector<2x8x128xf32> to vector<1x8x128xf32>
    %ge3A_3477 = arith.cmpf oge, %slice3A_3475, %slice3A_3476 : vector<1x8x128xf32>
    %slice3A_3478 = vector.extract_strided_slice %select_n3A_3462 {offsets = [0, 0, 0], sizes = [1, 8, 128], strides = [1, 1, 1]} : vector<2x8x128xf32> to vector<1x8x128xf32>
    %slice3A_3479 = vector.extract_strided_slice %select_n3A_3462 {offsets = [1, 0, 0], sizes = [1, 8, 128], strides = [1, 1, 1]} : vector<2x8x128xf32> to vector<1x8x128xf32>
    %select_n3A_3480 = arith.select %ge3A_3477, %slice3A_3478, %slice3A_3479 : vector<1x8x128xi1>, vector<1x8x128xf32>
    %slice3A_3481 = vector.extract_strided_slice %select_n3A_3465 {offsets = [0, 0, 0], sizes = [1, 8, 128], strides = [1, 1, 1]} : vector<2x8x128xf32> to vector<1x8x128xf32>
    %slice3A_3482 = vector.extract_strided_slice %select_n3A_3465 {offsets = [1, 0, 0], sizes = [1, 8, 128], strides = [1, 1, 1]} : vector<2x8x128xf32> to vector<1x8x128xf32>
    %select_n3A_3483 = arith.select %ge3A_3477, %slice3A_3481, %slice3A_3482 : vector<1x8x128xi1>, vector<1x8x128xf32>
    %slice3A_3484 = vector.extract_strided_slice %select_n3A_3468 {offsets = [0, 0, 0], sizes = [1, 8, 128], strides = [1, 1, 1]} : vector<2x8x128xf32> to vector<1x8x128xf32>
    %slice3A_3485 = vector.extract_strided_slice %select_n3A_3468 {offsets = [1, 0, 0], sizes = [1, 8, 128], strides = [1, 1, 1]} : vector<2x8x128xf32> to vector<1x8x128xf32>
    %select_n3A_3486 = arith.select %ge3A_3477, %slice3A_3484, %slice3A_3485 : vector<1x8x128xi1>, vector<1x8x128xf32>
    %slice3A_3487 = vector.extract_strided_slice %select_n3A_3471 {offsets = [0, 0, 0], sizes = [1, 8, 128], strides = [1, 1, 1]} : vector<2x8x128xf32> to vector<1x8x128xf32>
    %slice3A_3488 = vector.extract_strided_slice %select_n3A_3471 {offsets = [1, 0, 0], sizes = [1, 8, 128], strides = [1, 1, 1]} : vector<2x8x128xf32> to vector<1x8x128xf32>
    %select_n3A_3489 = arith.select %ge3A_3477, %slice3A_3487, %slice3A_3488 : vector<1x8x128xi1>, vector<1x8x128xf32>
    %slice3A_3490 = vector.extract_strided_slice %select_n3A_3474 {offsets = [0, 0, 0], sizes = [1, 8, 128], strides = [1, 1, 1]} : vector<2x8x128xf32> to vector<1x8x128xf32>
    %slice3A_3491 = vector.extract_strided_slice %select_n3A_3474 {offsets = [1, 0, 0], sizes = [1, 8, 128], strides = [1, 1, 1]} : vector<2x8x128xf32> to vector<1x8x128xf32>
    %select_n3A_3492 = arith.select %ge3A_3477, %slice3A_3490, %slice3A_3491 : vector<1x8x128xi1>, vector<1x8x128xf32>
    %reduce_max3A_3493 = arith.constant dense<0xFF800000> : vector<1x8xf32>
    %reduce_max3A_3494 = vector.multi_reduction <maximumf>, %select_n3A_3480, %reduce_max3A_3493 [2] : vector<1x8x128xf32> to vector<1x8xf32>
    %broadcast_in_dim3A_3495 = vector.shape_cast %reduce_max3A_3494 : vector<1x8xf32> to vector<1x8x1xf32>
    %eq3A_3496 = vector.broadcast %broadcast_in_dim3A_3495 : vector<1x8x1xf32> to vector<1x8x128xf32>
    %eq3A_3497 = arith.cmpf oeq, %select_n3A_3480, %eq3A_3496 : vector<1x8x128xf32>
    %jit3A_3498 = arith.constant 3.000000e+38 : f32
    %broadcast_in_dim3A_3499 = vector.broadcast %jit3A_3498 : f32 to vector<1x8x128xf32>
    %select_n3A_3500 = arith.select %eq3A_3497, %select_n3A_3492, %broadcast_in_dim3A_3499 : vector<1x8x128xi1>, vector<1x8x128xf32>
    %reduce_min3A_3501 = arith.constant dense<0x7F800000> : vector<1x8xf32>
    %reduce_min3A_3502 = vector.multi_reduction <minimumf>, %select_n3A_3500, %reduce_min3A_3501 [2] : vector<1x8x128xf32> to vector<1x8xf32>
    %broadcast_in_dim3A_3503 = vector.shape_cast %reduce_min3A_3502 : vector<1x8xf32> to vector<1x8x1xf32>
    %eq3A_3504 = vector.broadcast %broadcast_in_dim3A_3503 : vector<1x8x1xf32> to vector<1x8x128xf32>
    %eq3A_3505 = arith.cmpf oeq, %select_n3A_3492, %eq3A_3504 : vector<1x8x128xf32>
    %jit3A_3506 = arith.constant 0.000000e+00 : f32
    %broadcast_in_dim3A_3507 = vector.broadcast %jit3A_3506 : f32 to vector<1x8x128xf32>
    %select_n3A_3508 = arith.select %eq3A_3505, %select_n3A_3483, %broadcast_in_dim3A_3507 : vector<1x8x128xi1>, vector<1x8x128xf32>
    %reduce_sum3A_3509 = arith.constant dense<0.000000e+00> : vector<1x8xf32>
    %reduce_sum3A_3510 = vector.multi_reduction <add>, %select_n3A_3508, %reduce_sum3A_3509 [2] : vector<1x8x128xf32> to vector<1x8xf32>
    %broadcast_in_dim3A_3511 = vector.shape_cast %reduce_sum3A_3510 : vector<1x8xf32> to vector<1x8x1xf32>
    %jit3A_3512 = arith.constant 0.000000e+00 : f32
    %broadcast_in_dim3A_3513 = vector.broadcast %jit3A_3512 : f32 to vector<1x8x128xf32>
    %select_n3A_3514 = arith.select %eq3A_3505, %select_n3A_3486, %broadcast_in_dim3A_3513 : vector<1x8x128xi1>, vector<1x8x128xf32>
    %reduce_sum3A_3515 = arith.constant dense<0.000000e+00> : vector<1x8xf32>
    %reduce_sum3A_3516 = vector.multi_reduction <add>, %select_n3A_3514, %reduce_sum3A_3515 [2] : vector<1x8x128xf32> to vector<1x8xf32>
    %broadcast_in_dim3A_3517 = vector.shape_cast %reduce_sum3A_3516 : vector<1x8xf32> to vector<1x8x1xf32>
    %jit3A_3518 = arith.constant 0.000000e+00 : f32
    %broadcast_in_dim3A_3519 = vector.broadcast %jit3A_3518 : f32 to vector<1x8x128xf32>
    %select_n3A_3520 = arith.select %eq3A_3505, %select_n3A_3489, %broadcast_in_dim3A_3519 : vector<1x8x128xi1>, vector<1x8x128xf32>
    %reduce_sum3A_3521 = arith.constant dense<0.000000e+00> : vector<1x8xf32>
    %reduce_sum3A_3522 = vector.multi_reduction <add>, %select_n3A_3520, %reduce_sum3A_3521 [2] : vector<1x8x128xf32> to vector<1x8xf32>
    %broadcast_in_dim3A_3523 = vector.shape_cast %reduce_sum3A_3522 : vector<1x8xf32> to vector<1x8x1xf32>
    %swap3A_3524 = arith.constant 0 : index
    %swap3A_3525 = arith.constant 0 : index
    %swap3A_3526 = arith.constant 0 : index
    %swap3A_3527 = vector.load %arg3[%swap3A_3524, %swap3A_3525, %swap3A_3526] : memref<32x8x128xf32, #tpu.memory_space<vmem>>, vector<32x8x128xf32>
    tpu.vector_store %arg3[%swap3A_3524, %swap3A_3525, %swap3A_3526], %min3A_3394 {strides = array<i32>} : memref<32x8x128xf32, #tpu.memory_space<vmem>>, vector<32x8x128xf32>,
    %swap3A_3528 = arith.constant 0 : index
    %swap3A_3529 = arith.constant 0 : index
    %swap3A_3530 = arith.constant 0 : index
    %swap3A_3531 = vector.load %arg4[%swap3A_3528, %swap3A_3529, %swap3A_3530] : memref<3x8x1xf32, #tpu.memory_space<vmem>>, vector<1x8x1xf32>
    tpu.vector_store %arg4[%swap3A_3528, %swap3A_3529, %swap3A_3530], %broadcast_in_dim3A_3511 {strides = array<i32>} : memref<3x8x1xf32, #tpu.memory_space<vmem>>, vector<1x8x1xf32>,
    %swap3A_3532 = arith.constant 1 : index
    %swap3A_3533 = arith.constant 0 : index
    %swap3A_3534 = arith.constant 0 : index
    %swap3A_3535 = vector.load %arg4[%swap3A_3532, %swap3A_3533, %swap3A_3534] : memref<3x8x1xf32, #tpu.memory_space<vmem>>, vector<1x8x1xf32>
    tpu.vector_store %arg4[%swap3A_3532, %swap3A_3533, %swap3A_3534], %broadcast_in_dim3A_3517 {strides = array<i32>} : memref<3x8x1xf32, #tpu.memory_space<vmem>>, vector<1x8x1xf32>,
    %swap3A_3536 = arith.constant 2 : index
    %swap3A_3537 = arith.constant 0 : index
    %swap3A_3538 = arith.constant 0 : index
    %swap3A_3539 = vector.load %arg4[%swap3A_3536, %swap3A_3537, %swap3A_3538] : memref<3x8x1xf32, #tpu.memory_space<vmem>>, vector<1x8x1xf32>
    tpu.vector_store %arg4[%swap3A_3536, %swap3A_3537, %swap3A_3538], %broadcast_in_dim3A_3523 {strides = array<i32>} : memref<3x8x1xf32, #tpu.memory_space<vmem>>, vector<1x8x1xf32>,
    return
  }
  func.func @transform_0(%arg0: i32) -> (i32, i32, i32, i32) {
    %c0_i32 = arith.constant 0 : i32
    %c0_i32_0 = arith.constant 0 : i32
    %c0_i32_1 = arith.constant 0 : i32
    %c0_i32_2 = arith.constant 0 : i32
    %c0_i32_3 = arith.constant 0 : i32
    return %c0_i32, %c0_i32_0, %c0_i32_1, %c0_i32_2 : i32, i32, i32, i32
  }
  func.func @transform_1(%arg0: i32) -> (i32, i32, i32) {
    %sub3A = arith.constant 1 : i32
    %sub3A_0 = arith.subi %arg0, %sub3A : i32
    %max3A = arith.constant 0 : i32
    %max3A_1 = arith.maxsi %sub3A_0, %max3A : i32
    %c0_i32 = arith.constant 0 : i32
    %c0_i32_2 = arith.constant 0 : i32
    %c0_i32_3 = arith.constant 0 : i32
    return %max3A_1, %c0_i32, %c0_i32_2 : i32, i32, i32
  }
}

</mosaic_0001>

<sc_bundles>
// kernel: kernel.4.cloned.1.call-start
scs
__scs_entry_jumppad:
0x0: {  	(pc) =	sbr.rel $0x88, $3  }
0x1: {  	(tag) =	ssettag $0x0;
	lr =	simm.s32 $0x1  }
0x2: {  	[smem:$0x3FA0] =	sst lr;
	_ =	strace $0xD0000000  }
0x3: {  	_ = 	snop  }
0x4: {  	_ = 	snop  }
0x5: {  	_ = 	snop  }
0x6: {  	_ = 	snop  }
0x7: {  	_ = 	snop  }
__scs_overlays_trampoline_lowered:
0x8: {  	[smem:$0x3FAF] =	sst s0  }
0x9: {  	[smem:$0x3FB0] =	sst s1  }
0xa: {  	[smem:$0x3FB1] =	sst s2  }
0xb: {  	[smem:$0x3FB2] =	sst s3  }
0xc: {  	[smem:$0x3FB3] =	sst s4  }
0xd: {  	[smem:$0x3FB4] =	sst s5  }
0xe: {  	[smem:$0x3FB5] =	sst s6  }
0xf: {  	[smem:$0x3FB6] =	sst s7  }
0x10: {  	[smem:$0x3FB7] =	sst s8  }
0x11: {  	[smem:$0x3FB8] =	sst s9;
	s0 =	simm.s32 @!p0 $0x0  }
0x12: {  	s1 =	sld [smem:$0x3F9E];
	s0 =	simm.s32 @p0 $0x1  }
0x13: {  	[smem:$0x3FB9] =	sst s0;
	s0 =	simm.s32 @!p1 $0x0  }
0x14: {  	s2 =	sld [smem:$0x3F9D];
	s0 =	simm.s32 @p1 $0x1  }
0x15: {  	[smem:$0x3FBA] =	sst s0;
	s0 =	simm.s32 @!p2 $0x0  }
0x16: {  	s3 =	sld [smem:$0x3FDB];
	s0 =	simm.s32 @p2 $0x1  }
0x17: {  	s4 =	simm.s32 $0x1BF5;
	[smem:$0x3FBC] =	sst s0  }
0x18: {  	s0 =	sld [smem:$0x3F9F];
	_ =	swait.ge [sflag:s4], $0x0  }
0x19: {  	s7 =	sld [smem:$0x3FA0]  }
0x1a: {  	s8 =	sadd.s32 $0xFFFFE003, lr  }
0x1b: {  	s9 =	sadd.s32 $0xFFFFFEF7, lr;
	s5 =	simm.s32 $0xFFFFFFFF;
	p2 =	slt.u32 s8, $0xFFFFF086  }
0x1c: {  	p1 =	slt.u32 s9, $0xF7A;
	s5 =	simm.s32 @!p2 $0x0  }
0x1d: {  	s5 =	simm.s32 @p1 $0x1;
	p0 =	seq.s32 s7, s2  }
0x1e: {  	s7 =	smul.u32 @!p0 $0xF7A, s2;
	p2 =	seq.s32 @!p0 s5, $0x0  }
0x1f: {  	s9 =	smul.u32 $0xF7A, s1;
	s8 =	simm.s32 @!p0 $0x1BF5;
	p2 =	por !p2, p0  }
0x20: {  	[sflag:s8] =	ssyncset.s32 @!p0 $0xFFFFF086;
	s6 =	sadd.s32 @!p0 s3, s7;
	s7 =	simm.s32 @!p0 $0x108  }
0x21: {  	s3 =	sadd.s32 s3, s9;
	s6 =	sadd.s32 @!p0 $0x88, s6;
	s7 =	simm.s32 @p2 $0x1082  }
0x22: {  	[simem:s7], [sflag:s8] =	dma.local @!p0 [hbm:s6], $0xF7A  }
0x23: {  	s9 =	sor.u32 $0xD0000000, s2;
	s6 =	simm.s32 $0x108;
	_ =	swait.ge @!p0 [sflag:s8], $0x0  }
0x24: {  	s3 =	sadd.s32 $0x88, s3;
	s6 =	simm.s32 @!p1 $0x1082;
	[sflag:s4] =	ssyncset.s32 $0xFFFFF086  }
0x25: {  	[simem:s6], [sflag:s4] =	dma.local [hbm:s3], $0xF7A  }
0x26: {  	[smem:$0x3FA0] =	sst s1;
	(tag) =	ssettag s2;
	_ =	strace s9  }
0x27: {  	s1 =	sld [smem:$0x3FB0]  }
0x28: {  	s2 =	sld [smem:$0x3FB1]  }
0x29: {  	s4 =	sld [smem:$0x3FB3]  }
0x2a: {  	p0 =	seq.s32 s5, $0x0;
	s5 =	sld [smem:$0x3FB4]  }
0x2b: {  	s6 =	sld [smem:$0x3FB5]  }
0x2c: {  	s7 =	sld [smem:$0x3FB6]  }
0x2d: {  	s3 =	simm.s32 $0x108;
	s8 =	sld [smem:$0x3FB7]  }
0x2e: {  	s3 =	simm.s32 @!p0 $0x1082;
	s9 =	sld [smem:$0x3FB8]  }
0x2f: {  	lr =	sadd.s32 s0, s3;
	s0 =	sld [smem:$0x3FAF]  }
0x30: {  	s3 =	sld [smem:$0x3FB2]  }
0x31: {  	[smem:$0x3FBB] =	sst s10  }
0x32: {  	s10 =	sld [smem:$0x3FB9];
	_ =	sdelay $0x3  }
0x33: {  	p0 =	seq.s32 s10, $0x1;
	s10 =	sld [smem:$0x3FBB];
	_ =	sdelay $0x3  }
0x34: {  	[smem:$0x3FBB] =	sst s10  }
0x35: {  	s10 =	sld [smem:$0x3FBA];
	_ =	sdelay $0x3  }
0x36: {  	p1 =	seq.s32 s10, $0x1;
	s10 =	sld [smem:$0x3FBB];
	_ =	sdelay $0x3  }
0x37: {  	[smem:$0x3FBB] =	sst s10  }
0x38: {  	s10 =	sld [smem:$0x3FBC]  }
0x39: {  	_ = 	snop;
	(pc) =	sbr.ind lr, $3  }
0x3a: {  	_ = 	snop  }
0x3b: {  	_ = 	snop  }
0x3c: {  	p2 =	seq.s32 s10, $0x1;
	s10 =	sld [smem:$0x3FBB]  }
0x3d: {  	_ =	shalt  }
0x3e: {  	_ =	shalt  }
0x3f: {  	_ =	shalt  }
0x40: {  	_ =	shalt  }
0x41: {  	_ =	shalt  }
0x42: {  	_ =	shalt  }
0x43: {  	_ =	shalt  }
0x44: {  	_ =	shalt  }
0x45: {  	_ =	shalt  }
0x46: {  	_ =	shalt  }
0x47: {  	_ =	shalt  }
0x48: {  	_ =	shalt  }
0x49: {  	_ =	shalt  }
0x4a: {  	_ =	shalt  }
0x4b: {  	_ =	shalt  }
0x4c: {  	_ =	shalt  }
0x4d: {  	_ =	shalt  }
0x4e: {  	_ =	shalt  }
0x4f: {  	_ =	shalt  }
0x50: {  	_ =	shalt  }
0x51: {  	_ =	shalt  }
0x52: {  	_ =	shalt  }
0x53: {  	_ =	shalt  }
0x54: {  	_ =	shalt  }
0x55: {  	_ =	shalt  }
0x56: {  	_ =	shalt  }
0x57: {  	_ =	shalt  }
0x58: {  	_ =	shalt  }
0x59: {  	_ =	shalt  }
0x5a: {  	_ =	shalt  }
0x5b: {  	_ =	shalt  }
0x5c: {  	_ =	shalt  }
0x5d: {  	_ =	shalt  }
0x5e: {  	_ =	shalt  }
0x5f: {  	_ =	shalt  }
0x60: {  	_ =	shalt  }
0x61: {  	_ =	shalt  }
0x62: {  	_ =	shalt  }
0x63: {  	_ =	shalt  }
0x64: {  	_ =	shalt  }
0x65: {  	_ =	shalt  }
0x66: {  	_ =	shalt  }
0x67: {  	_ =	shalt  }
0x68: {  	_ =	shalt  }
0x69: {  	_ =	shalt  }
0x6a: {  	_ =	shalt  }
0x6b: {  	_ =	shalt  }
0x6c: {  	_ =	shalt  }
0x6d: {  	_ =	shalt  }
0x6e: {  	_ =	shalt  }
0x6f: {  	_ =	shalt  }
0x70: {  	_ =	shalt  }
0x71: {  	_ =	shalt  }
0x72: {  	_ =	shalt  }
0x73: {  	_ =	shalt  }
0x74: {  	_ =	shalt  }
0x75: {  	_ =	shalt  }
0x76: {  	_ =	shalt  }
0x77: {  	_ =	shalt  }
0x78: {  	_ =	shalt  }
0x79: {  	_ =	shalt  }
0x7a: {  	_ =	shalt  }
0x7b: {  	_ =	shalt  }
0x7c: {  	_ =	shalt  }
0x7d: {  	_ =	shalt  }
0x7e: {  	_ =	shalt  }
0x7f: {  	_ =	shalt  }
0x80: {  	_ =	shalt  }
0x81: {  	_ =	shalt  }
0x82: {  	_ =	shalt  }
0x83: {  	_ =	shalt  }
0x84: {  	_ =	shalt  }
0x85: {  	_ =	shalt  }
0x86: {  	_ =	shalt  }
0x87: {  	_ =	shalt  }
.Lfunc_end0:
.L_simem_size_0:
called_computation_lowered:
.L_overlay_start_0:
0x88: {  	s2 =	sld [smem:$0x3FD9]  }
0x89: {  	s3 =	sld [smem:$0x3FFE];
	_ =	sdelay $0x1  }
0x8a: {  	s1 =	srdreg.scid  }
0x8b: {  	s0 =	sand.u32 $0x1, s1  }
0x8c: {  	s17 =	sshll.u32 s0, $0xA;
	s2 =	sadd.s32 s3, s2  }
0x8d: {  	s2 =	sadd.s32 s2, s17  }
0x8e: {  	[smem:$0x3FC7] =	sst s2  }
0x8f: {  	_ = 	snop  }
0x90: {  	s2 =	sld [smem:$0x3FD0];
	(tm) =	ssettm $0x1  }
0x91: {  	s18 =	sld [smem:$0x3FFB];
	_ =	sdelay $0x3  }
0x92: {  	_ =	strace s18  }
0x93: {  	s3 =	sld [smem:$0x3FFC];
	_ =	sdelay $0x3  }
0x94: {  	_ =	strace s3  }
0x95: {  	s3 =	sld [smem:$0x3FFD];
	_ =	sdelay $0x3  }
0x96: {  	_ =	strace s3  }
0x97: {  	_ =	strace $0x8FFFFFFF  }
0x98: {  	s19 =	sld [smem:$0x3FDB];
	_ =	sdelay $0x1  }
0x99: {  	s4 =	simm.s32 $_scs_section_size  }
0x9a: {  	s5 =	simm.s32 $_size__tile_overlayer_lowered;
	s6 =	simm.s32 $_tile_overlayer_lowered  }
0x9b: {  	s22 =	simm.s32 $0x1BFF;
	s21 =	sshll.u32 s6, $0x1;
	s3 =	sadd.s32 s4, s19  }
0x9c: {  	s7 =	simm.s32 $0x0;
	s20 =	sshll.u32 s5, $0x1;
	s5 =	sadd.s32 s21, s3  }
0x9d: {  	[timem:s7], [sflag:s22] =	dma.local [hbm:s5], s20  }
0x9e: {  	_ =	swait.ge [sflag:s22], s20  }
0x9f: {  	s4 =	ssub.s32 $0x0, s20;
	[sflag:s22] =	ssyncset.done $0x0  }
0xa0: {  	[sflag:s22] =	ssyncadd.s32 s4;
	_ =	sdelay $0x1  }
0xa1: {  	s23 =	simm.s32 $0x1B8B  }
0xa2: {  	_ =	swait.ge [sflag:s23], $0x1  }
0xa3: {  	[sflag:s23] =	ssyncset.done $0x0  }
0xa4: {  	s25 =	simm.s32 $0x1B8E;
	s24 =	sld [smem:$0x3FFE];
	[sflag:s23] =	ssyncadd.s32 $0xFFFFFFFF  }
0xa5: {  	s26 =	simm.s32 $execute0_lowered;
	[smem:$0x3FD2] =	sst s25  }
0xa6: {  	s5 =	sshll.u32 s26, $0x1;
	_ =	strace $0x80000046;
	[dreg:$0x1] =	wrdreg $0xFFFFFFFF  }
0xa7: {  	s28 =	simm.s32 $_size_execute0_lowered;
	s3 =	sadd.s32 s3, s5;
	[dreg:$0x0] =	wrdreg $0x0  }
0xa8: {  	s5 =	sshll.u32 s28, $0x1;
	[dreg:$0x2] =	wrdreg s3  }
0xa9: {  	[dreg:$0x3] =	wrdreg s5  }
0xaa: {  	[dreg:$0x4] =	wrdreg $0xC0  }
0xab: {  	_ =	task [dreg:s7], $0x5FFFF  }
0xac: {  	[dreg:$0x1] =	wrdreg $0xFFFFFFFF  }
0xad: {  	[dreg:$0x0] =	wrdreg $0x60  }
0xae: {  	[dreg:$0x2] =	wrdreg s2  }
0xaf: {  	[dreg:$0x3] =	wrdreg s24  }
0xb0: {  	[dreg:$0x4] =	wrdreg $0x9  }
0xb1: {  	_ =	task.clear_ibuf [dreg:s7], $0x5FFFF;
	_ =	strace $0x90000046  }
0xb2: {  	s29 =	simm.s32 $0x9;
	_ =	strace $0x80000048  }
0xb3: {  	_ =	swait.ge [sflag:s29], $0x1  }
0xb4: {  	[sflag:s29] =	ssyncadd.s32 $0xFFFFFFFF  }
0xb5: {  	_ =	strace $0x90000048  }
0xb6: {  	_ =	sfence  }
0xb7: {  	s30 =	sld [smem:$0x0];
	_ =	sdelay $0x2  }
0xb8: {  	s31 =	sshll.u32 s1, $0xD;
	s1 =	sshrl.u32 s1, $0x2  }
0xb9: {  	s3 =	sand.u32 $0x4000, s31;
	s1 =	sadd.s32 s1, s30  }
0xba: {  	s0 =	sor.u32 s3, s0;
	s1 =	sshll.u32 s1, $0x11  }
0xbb: {  	s0 =	sor.u32 s1, s0  }
0xbc: {  	s0 =	sadd.s32 $0x8F2B, s0  }
0xbd: {  	[sflag:s0] =	ssyncadd.remote.s32 $0x1  }
0xbe: {  	_ =	sfence.sel $0xFFFF  }
0xbf: {  	[dreg:$0x0] =	wrdreg $0xFFFFFFFF;
	(pc) =	sbr.abs _section_cstart, $3  }
0xc0: {  	[dreg:$0x1] =	wrdreg $0xFFFFFFFF  }
0xc1: {  	_ =	task.clear_ibuf [dreg:s7], $0x2FFFF;
	_ =	strace $0x9FFFFFFF  }
0xc2: {  	(tm) =	ssettm $0x7FFFFFFF  }
0xc3: {  	_ =	shalt  }
tec
execute0_lowered:
.L_overlay_start_1:
0x0: {  	(tag) =	ssettag $0x1  }
0x1: {  	s1 =	srdreg.scid;
	s5 =	rddreg [dreg:$0x0]  }
0x2: {  	s0 =	stileid.u32;
	s3 =	rddreg [dreg:$0x1];
	s20 =	simm.s32 $0xC00  }
0x3: {  	s21 =	simm.s32 $0x100;
	s23 =	simm.s32 $0x1000;
	s24 =	simm.s32 $0x180  }
0x4: {  	s25 =	simm.s32 $0x1400;
	s26 =	simm.s32 $0x200;
	s7 =	simm.s32 $0x80  }
0x5: {  	s11 =	simm.s32 $0x300;
	s12 =	simm.s32 $0x2000;
	s13 =	simm.s32 $0x380  }
0x6: {  	s14 =	simm.s32 $0x2400;
	s15 =	simm.s32 $0x400;
	s16 =	simm.s32 $0x2800  }
0x7: {  	s17 =	simm.s32 $0x480;
	s18 =	simm.s32 $0x2C00;
	p0 =	por $0x0, $0x0  }
0x8: {  	s28 =	simm.s32 $0x700;
	s1 =	sand.u32 $0x1, s1;
	s2 =	sshll.u32 s0, $0x1  }
0x9: {  	s29 =	simm.s32 $0x4000;
	s4 =	sor.u32 s1, s2;
	s2 =	simm.s32 $0x0  }
0xa: {  	s30 =	simm.s32 $0x780;
	s31 =	simm.s32 $0x4400;
	[smem:$0x7FF] =	sst s2  }
0xb: {  	s1 =	ssub.s32 $0x2, s1;
	_ =	strace $0x80000047;
	[dreg:$0x5] =	wrdreg s20  }
0xc: {  	s6 =	sshll.u32 s4, $0x8;
	s4 =	sshll.u32 s4, $0xB;
	[dreg:$0x6] =	wrdreg s21  }
0xd: {  	s22 =	sshrl.u32 s1, $0x1;
	s6 =	sadd.s32 s6, s3;
	[dreg:$0x7] =	wrdreg s23  }
0xe: {  	s3 =	sadd.s32 s4, s3;
	s1 =	ssub.s32 s1, s22;
	[dreg:$0x8] =	wrdreg s24  }
0xf: {  	[dreg:$0x9] =	wrdreg s25;
	s4 =	simm.s32 $0x800;
	s1 =	smax.u32 s1, $0x1  }
0x10: {  	[dreg:$0xa] =	wrdreg s26;
	s20 =	simm.s32 $0x3000;
	p1 =	sne.s32 s1, $0x1  }
.Ltmp0:
0x11: {  	s21 =	simm.s32 $0x580;
	s22 =	simm.s32 $0x3400;
	(pc) =	sbr.rel @!p1 .LBB2_3-.Ltmp0, $4  }
0x12: {  	s23 =	simm.s32 $0x600;
	s24 =	simm.s32 $0x3800;
	s19 =	sadd.s32 $0x400, s6  }
0x13: {  	s25 =	simm.s32 $0x680;
	s3 =	sadd.s32 $0x2400, s3;
	[dreg:$0x3] =	wrdreg s19  }
0x14: {  	s26 =	simm.s32 $0x3C00;
	s6 =	simm.s32 $0x1;
	[dreg:$0x4] =	wrdreg s3  }
0x15: {  	s3 =	simm.s32 $0x2;
	s19 =	simm.s32 $0x500;
	s8 =	sadd.s32 $0xFFFFFFFF, s1  }
0x16: {  	s0 =	rddreg [dreg:$0x3]  }
0x17: {  	[tilespmem:s2], [sflag:$0x2] =	stream.linear.gather [hbm4b:s0+s2], $0x800, $0x38;
	[tilespmem:$0x4800] =	vst v63  }
0x18: {  	_ =	swait.ge [sflag:s3], $0x800  }
0x19: {  	s10 =	rddreg [dreg:$0x6]  }
0x1a: {  	s1 =	rddreg [dreg:$0x5]  }
0x1b: {  	s0 =	rddreg [dreg:$0x7]  }
0x1c: {  	[sflag:s3] =	ssyncset.done $0x0;
	[dreg:$0xb] =	wrdreg s10  }
0x1d: {  	[sflag:s3] =	ssyncadd.s32 $0xFFFFF800;
	s10 =	rddreg [dreg:$0x9]  }
0x1e: {  	[tilespmem:s4], [sflag:$0x1] =	stream.indirect.gather [hbm4b:s5+s7], $0x8, s2, s7, $0xb8;
	[tilespmem:$0x4800] =	vst v63  }
0x1f: {  	[dreg:$0xc] =	wrdreg s10  }
0x20: {  	s10 =	rddreg [dreg:$0xb]  }
0x21: {  	[tilespmem:s1], [sflag:$0x1] =	stream.indirect.gather [hbm4b:s5+s7], $0x8, s7, s7, $0xb8;
	[tilespmem:$0x4800] =	vst v63  }
0x22: {  	s1 =	rddreg [dreg:$0x8]  }
0x23: {  	[tilespmem:s0], [sflag:$0x1] =	stream.indirect.gather [hbm4b:s5+s7], $0x8, s10, s7, $0xb8;
	[tilespmem:$0x4800] =	vst v63  }
0x24: {  	s10 =	rddreg [dreg:$0xc]  }
0x25: {  	[tilespmem:s10], [sflag:$0x1] =	stream.indirect.gather [hbm4b:s5+s7], $0x8, s1, s7, $0xb8;
	[tilespmem:$0x4800] =	vst v63  }
0x26: {  	s9 =	simm.s32 $0x1800;
	s0 =	rddreg [dreg:$0xa]  }
0x27: {  	[tilespmem:s9], [sflag:$0x1] =	stream.indirect.gather [hbm4b:s5+s7], $0x8, s0, s7, $0xb8;
	[tilespmem:$0x4800] =	vst v63  }
0x28: {  	s1 =	simm.s32 $0x280;
	s9 =	simm.s32 $0x1C00  }
0x29: {  	[tilespmem:s9], [sflag:$0x1] =	stream.indirect.gather [hbm4b:s5+s7], $0x8, s1, s7, $0xb8;
	[tilespmem:$0x4800] =	vst v63  }
0x2a: {  	_ = 	snop  }
0x2b: {  	[tilespmem:s12], [sflag:$0x1] =	stream.indirect.gather [hbm4b:s5+s7], $0x8, s11, s7, $0xb8;
	[tilespmem:$0x4800] =	vst v63  }
0x2c: {  	_ = 	snop  }
0x2d: {  	[tilespmem:s14], [sflag:$0x1] =	stream.indirect.gather [hbm4b:s5+s7], $0x8, s13, s7, $0xb8;
	[tilespmem:$0x4800] =	vst v63  }
0x2e: {  	_ = 	snop  }
0x2f: {  	[tilespmem:s16], [sflag:$0x1] =	stream.indirect.gather [hbm4b:s5+s7], $0x8, s15, s7, $0xb8;
	[tilespmem:$0x4800] =	vst v63  }
0x30: {  	_ = 	snop  }
0x31: {  	[tilespmem:s18], [sflag:$0x1] =	stream.indirect.gather [hbm4b:s5+s7], $0x8, s17, s7, $0xb8;
	[tilespmem:$0x4800] =	vst v63  }
0x32: {  	_ = 	snop  }
0x33: {  	[tilespmem:s20], [sflag:$0x1] =	stream.indirect.gather [hbm4b:s5+s7], $0x8, s19, s7, $0xb8;
	[tilespmem:$0x4800] =	vst v63  }
0x34: {  	_ = 	snop  }
0x35: {  	[tilespmem:s22], [sflag:$0x1] =	stream.indirect.gather [hbm4b:s5+s7], $0x8, s21, s7, $0xb8;
	[tilespmem:$0x4800] =	vst v63  }
0x36: {  	_ = 	snop  }
0x37: {  	[tilespmem:s24], [sflag:$0x1] =	stream.indirect.gather [hbm4b:s5+s7], $0x8, s23, s7, $0xb8;
	[tilespmem:$0x4800] =	vst v63  }
0x38: {  	_ = 	snop  }
0x39: {  	[tilespmem:s26], [sflag:$0x1] =	stream.indirect.gather [hbm4b:s5+s7], $0x8, s25, s7, $0xb8;
	[tilespmem:$0x4800] =	vst v63  }
0x3a: {  	_ = 	snop  }
0x3b: {  	[tilespmem:s29], [sflag:$0x1] =	stream.indirect.gather [hbm4b:s5+s7], $0x8, s28, s7, $0xb8;
	[tilespmem:$0x4800] =	vst v63  }
0x3c: {  	_ = 	snop  }
0x3d: {  	[tilespmem:s31], [sflag:$0x1] =	stream.indirect.gather [hbm4b:s5+s7], $0x8, s30, s7, $0xb8;
	[tilespmem:$0x4800] =	vst v63  }
0x3e: {  	_ =	swait.ge [sflag:s6], $0x400  }
0x3f: {  	[sflag:s6] =	ssyncset.done $0x0  }
0x40: {  	[sflag:s6] =	ssyncadd.s32 $0xFFFFFC00  }
0x41: {  	_ =	swait.ge [sflag:s6], $0x400  }
0x42: {  	[sflag:s6] =	ssyncset.done $0x0  }
0x43: {  	[sflag:s6] =	ssyncadd.s32 $0xFFFFFC00  }
0x44: {  	_ =	swait.ge [sflag:s6], $0x400  }
0x45: {  	[sflag:s6] =	ssyncset.done $0x0  }
0x46: {  	[sflag:s6] =	ssyncadd.s32 $0xFFFFFC00  }
0x47: {  	_ =	swait.ge [sflag:s6], $0x400  }
0x48: {  	[sflag:s6] =	ssyncset.done $0x0  }
0x49: {  	[sflag:s6] =	ssyncadd.s32 $0xFFFFFC00  }
0x4a: {  	_ =	swait.ge [sflag:s6], $0x400  }
0x4b: {  	[sflag:s6] =	ssyncset.done $0x0  }
0x4c: {  	[sflag:s6] =	ssyncadd.s32 $0xFFFFFC00  }
0x4d: {  	_ =	swait.ge [sflag:s6], $0x400  }
0x4e: {  	[sflag:s6] =	ssyncset.done $0x0  }
0x4f: {  	[sflag:s6] =	ssyncadd.s32 $0xFFFFFC00  }
0x50: {  	_ =	swait.ge [sflag:s6], $0x400  }
0x51: {  	[sflag:s6] =	ssyncset.done $0x0  }
0x52: {  	[sflag:s6] =	ssyncadd.s32 $0xFFFFFC00  }
0x53: {  	_ =	swait.ge [sflag:s6], $0x400  }
0x54: {  	[sflag:s6] =	ssyncset.done $0x0  }
0x55: {  	[sflag:s6] =	ssyncadd.s32 $0xFFFFFC00  }
0x56: {  	_ =	swait.ge [sflag:s6], $0x400  }
0x57: {  	[sflag:s6] =	ssyncset.done $0x0  }
0x58: {  	[sflag:s6] =	ssyncadd.s32 $0xFFFFFC00  }
0x59: {  	_ =	swait.ge [sflag:s6], $0x400  }
0x5a: {  	[sflag:s6] =	ssyncset.done $0x0  }
0x5b: {  	[sflag:s6] =	ssyncadd.s32 $0xFFFFFC00  }
0x5c: {  	_ =	swait.ge [sflag:s6], $0x400  }
0x5d: {  	[sflag:s6] =	ssyncset.done $0x0  }
0x5e: {  	[sflag:s6] =	ssyncadd.s32 $0xFFFFFC00  }
0x5f: {  	_ =	swait.ge [sflag:s6], $0x400  }
0x60: {  	[sflag:s6] =	ssyncset.done $0x0  }
0x61: {  	[sflag:s6] =	ssyncadd.s32 $0xFFFFFC00  }
0x62: {  	_ =	swait.ge [sflag:s6], $0x400  }
0x63: {  	[sflag:s6] =	ssyncset.done $0x0  }
0x64: {  	[sflag:s6] =	ssyncadd.s32 $0xFFFFFC00  }
0x65: {  	_ =	swait.ge [sflag:s6], $0x400  }
0x66: {  	[sflag:s6] =	ssyncset.done $0x0  }
0x67: {  	[sflag:s6] =	ssyncadd.s32 $0xFFFFFC00  }
0x68: {  	_ =	swait.ge [sflag:s6], $0x400  }
0x69: {  	p1 =	sne.s32 s8, $0x1;
	[sflag:s6] =	ssyncset.done $0x0  }
.Ltmp1:
0x6a: {  	[sflag:s6] =	ssyncadd.s32 $0xFFFFFC00;
	(pc) =	sbr.rel @!p1 .LBB2_3-.Ltmp1, $4  }
0x6b: {  	_ =	swait.ge [sflag:s6], $0x400  }
0x6c: {  	p0 =	por $0x1, $0x1;
	[sflag:s6] =	ssyncset.done $0x0  }
0x6d: {  	s1 =	sadd.s32 $0xFFFFFFFF, s8;
	s10 =	rddreg [dreg:$0x4];
	[sflag:s6] =	ssyncadd.s32 $0xFFFFFC00  }
0x6e: {  	[hbm4b:s10+s2] =	stream.linear.scatter [tilespmem:s4], [sflag:$0x2], $0x4000, $0x38;
	[tilespmem:$0x4800] =	vst v63  }
.LBB2_2:
0x6f: {  	_ =	swait.ge [sflag:s3], $0x4000  }
0x70: {  	[sflag:s3] =	ssyncset.done $0x0  }
0x71: {  	s0 =	rddreg [dreg:$0x3];
	[sflag:s3] =	ssyncadd.s32 $0xFFFFC000  }
0x72: {  	[tilespmem:s2], [sflag:$0x2] =	stream.linear.gather [hbm4b:s0+s2], $0x800, $0x38;
	[tilespmem:$0x4800] =	vst v63  }
0x73: {  	_ =	swait.ge [sflag:s3], $0x800  }
0x74: {  	s0 =	rddreg [dreg:$0x6];
	[sflag:s3] =	ssyncset.done $0x0  }
0x75: {  	s8 =	rddreg [dreg:$0x5];
	[sflag:s3] =	ssyncadd.s32 $0xFFFFF800  }
0x76: {  	[tilespmem:s4], [sflag:$0x1] =	stream.indirect.gather [hbm4b:s5+s7], $0x8, s2, s7, $0xb8;
	[tilespmem:$0x4800] =	vst v63  }
0x77: {  	s9 =	rddreg [dreg:$0x7]  }
0x78: {  	[tilespmem:s8], [sflag:$0x1] =	stream.indirect.gather [hbm4b:s5+s7], $0x8, s7, s7, $0xb8;
	[tilespmem:$0x4800] =	vst v63  }
0x79: {  	s10 =	rddreg [dreg:$0x9]  }
0x7a: {  	[tilespmem:s9], [sflag:$0x1] =	stream.indirect.gather [hbm4b:s5+s7], $0x8, s0, s7, $0xb8;
	[tilespmem:$0x4800] =	vst v63  }
0x7b: {  	s8 =	rddreg [dreg:$0x8]  }
0x7c: {  	[tilespmem:s10], [sflag:$0x1] =	stream.indirect.gather [hbm4b:s5+s7], $0x8, s8, s7, $0xb8;
	[tilespmem:$0x4800] =	vst v63  }
0x7d: {  	s0 =	rddreg [dreg:$0xa];
	s8 =	simm.s32 $0x1800  }
0x7e: {  	[tilespmem:s8], [sflag:$0x1] =	stream.indirect.gather [hbm4b:s5+s7], $0x8, s0, s7, $0xb8;
	[tilespmem:$0x4800] =	vst v63  }
0x7f: {  	s9 =	simm.s32 $0x280;
	s10 =	simm.s32 $0x1C00  }
0x80: {  	[tilespmem:s10], [sflag:$0x1] =	stream.indirect.gather [hbm4b:s5+s7], $0x8, s9, s7, $0xb8;
	[tilespmem:$0x4800] =	vst v63  }
0x81: {  	_ = 	snop  }
0x82: {  	[tilespmem:s12], [sflag:$0x1] =	stream.indirect.gather [hbm4b:s5+s7], $0x8, s11, s7, $0xb8;
	[tilespmem:$0x4800] =	vst v63  }
0x83: {  	_ = 	snop  }
0x84: {  	[tilespmem:s14], [sflag:$0x1] =	stream.indirect.gather [hbm4b:s5+s7], $0x8, s13, s7, $0xb8;
	[tilespmem:$0x4800] =	vst v63  }
0x85: {  	_ = 	snop  }
0x86: {  	[tilespmem:s16], [sflag:$0x1] =	stream.indirect.gather [hbm4b:s5+s7], $0x8, s15, s7, $0xb8;
	[tilespmem:$0x4800] =	vst v63  }
0x87: {  	_ = 	snop  }
0x88: {  	[tilespmem:s18], [sflag:$0x1] =	stream.indirect.gather [hbm4b:s5+s7], $0x8, s17, s7, $0xb8;
	[tilespmem:$0x4800] =	vst v63  }
0x89: {  	_ = 	snop  }
0x8a: {  	[tilespmem:s20], [sflag:$0x1] =	stream.indirect.gather [hbm4b:s5+s7], $0x8, s19, s7, $0xb8;
	[tilespmem:$0x4800] =	vst v63  }
0x8b: {  	_ = 	snop  }
0x8c: {  	[tilespmem:s22], [sflag:$0x1] =	stream.indirect.gather [hbm4b:s5+s7], $0x8, s21, s7, $0xb8;
	[tilespmem:$0x4800] =	vst v63  }
0x8d: {  	_ = 	snop  }
0x8e: {  	[tilespmem:s24], [sflag:$0x1] =	stream.indirect.gather [hbm4b:s5+s7], $0x8, s23, s7, $0xb8;
	[tilespmem:$0x4800] =	vst v63  }
0x8f: {  	_ = 	snop  }
0x90: {  	[tilespmem:s26], [sflag:$0x1] =	stream.indirect.gather [hbm4b:s5+s7], $0x8, s25, s7, $0xb8;
	[tilespmem:$0x4800] =	vst v63  }
0x91: {  	_ = 	snop  }
0x92: {  	[tilespmem:s29], [sflag:$0x1] =	stream.indirect.gather [hbm4b:s5+s7], $0x8, s28, s7, $0xb8;
	[tilespmem:$0x4800] =	vst v63  }
0x93: {  	_ = 	snop  }
0x94: {  	[tilespmem:s31], [sflag:$0x1] =	stream.indirect.gather [hbm4b:s5+s7], $0x8, s30, s7, $0xb8;
	[tilespmem:$0x4800] =	vst v63  }
0x95: {  	_ =	swait.ge [sflag:s6], $0x400  }
0x96: {  	[sflag:s6] =	ssyncset.done $0x0  }
0x97: {  	[sflag:s6] =	ssyncadd.s32 $0xFFFFFC00  }
0x98: {  	_ =	swait.ge [sflag:s6], $0x400  }
0x99: {  	[sflag:s6] =	ssyncset.done $0x0  }
0x9a: {  	[sflag:s6] =	ssyncadd.s32 $0xFFFFFC00  }
0x9b: {  	_ =	swait.ge [sflag:s6], $0x400  }
0x9c: {  	[sflag:s6] =	ssyncset.done $0x0  }
0x9d: {  	[sflag:s6] =	ssyncadd.s32 $0xFFFFFC00  }
0x9e: {  	_ =	swait.ge [sflag:s6], $0x400  }
0x9f: {  	[sflag:s6] =	ssyncset.done $0x0  }
0xa0: {  	[sflag:s6] =	ssyncadd.s32 $0xFFFFFC00  }
0xa1: {  	_ =	swait.ge [sflag:s6], $0x400  }
0xa2: {  	[sflag:s6] =	ssyncset.done $0x0  }
0xa3: {  	[sflag:s6] =	ssyncadd.s32 $0xFFFFFC00  }
0xa4: {  	_ =	swait.ge [sflag:s6], $0x400  }
0xa5: {  	[sflag:s6] =	ssyncset.done $0x0  }
0xa6: {  	[sflag:s6] =	ssyncadd.s32 $0xFFFFFC00  }
0xa7: {  	_ =	swait.ge [sflag:s6], $0x400  }
0xa8: {  	[sflag:s6] =	ssyncset.done $0x0  }
0xa9: {  	[sflag:s6] =	ssyncadd.s32 $0xFFFFFC00  }
0xaa: {  	_ =	swait.ge [sflag:s6], $0x400  }
0xab: {  	[sflag:s6] =	ssyncset.done $0x0  }
0xac: {  	[sflag:s6] =	ssyncadd.s32 $0xFFFFFC00  }
0xad: {  	_ =	swait.ge [sflag:s6], $0x400  }
0xae: {  	[sflag:s6] =	ssyncset.done $0x0  }
0xaf: {  	[sflag:s6] =	ssyncadd.s32 $0xFFFFFC00  }
0xb0: {  	_ =	swait.ge [sflag:s6], $0x400  }
0xb1: {  	[sflag:s6] =	ssyncset.done $0x0  }
0xb2: {  	[sflag:s6] =	ssyncadd.s32 $0xFFFFFC00  }
0xb3: {  	_ =	swait.ge [sflag:s6], $0x400  }
0xb4: {  	[sflag:s6] =	ssyncset.done $0x0  }
0xb5: {  	[sflag:s6] =	ssyncadd.s32 $0xFFFFFC00  }
0xb6: {  	_ =	swait.ge [sflag:s6], $0x400  }
0xb7: {  	[sflag:s6] =	ssyncset.done $0x0  }
0xb8: {  	[sflag:s6] =	ssyncadd.s32 $0xFFFFFC00  }
0xb9: {  	_ =	swait.ge [sflag:s6], $0x400  }
0xba: {  	[sflag:s6] =	ssyncset.done $0x0  }
0xbb: {  	[sflag:s6] =	ssyncadd.s32 $0xFFFFFC00  }
0xbc: {  	_ =	swait.ge [sflag:s6], $0x400  }
0xbd: {  	[sflag:s6] =	ssyncset.done $0x0  }
0xbe: {  	[sflag:s6] =	ssyncadd.s32 $0xFFFFFC00  }
0xbf: {  	_ =	swait.ge [sflag:s6], $0x400  }
0xc0: {  	p1 =	sne.s32 s1, $0x1;
	[sflag:s6] =	ssyncset.done $0x0  }
.Ltmp2:
0xc1: {  	[sflag:s6] =	ssyncadd.s32 $0xFFFFFC00;
	(pc) =	sbr.rel @p1 .LBB2_2-.Ltmp2, $4  }
0xc2: {  	_ =	swait.ge [sflag:s6], $0x400  }
0xc3: {  	[sflag:s6] =	ssyncset.done $0x0  }
0xc4: {  	s1 =	sadd.s32 $0xFFFFFFFF, s1;
	s10 =	rddreg [dreg:$0x4];
	[sflag:s6] =	ssyncadd.s32 $0xFFFFFC00  }
0xc5: {  	[hbm4b:s10+s2] =	stream.linear.scatter [tilespmem:s4], [sflag:$0x2], $0x4000, $0x38;
	[tilespmem:$0x4800] =	vst v63  }
.LBB2_3:
0xc6: {  	_ =	swait.ge @p0 [sflag:s3], $0x4000  }
0xc7: {  	[sflag:s3] =	ssyncset.done @p0 $0x0  }
0xc8: {  	s0 =	rddreg [dreg:$0x3];
	[sflag:s3] =	ssyncadd.s32 @p0 $0xFFFFC000  }
0xc9: {  	[tilespmem:s2], [sflag:$0x2] =	stream.linear.gather [hbm4b:s0+s2], $0x800, $0x38;
	[tilespmem:$0x4800] =	vst v63  }
0xca: {  	_ =	swait.ge [sflag:s3], $0x800  }
0xcb: {  	[sflag:s3] =	ssyncset.done $0x0;
	s10 =	rddreg [dreg:$0x5]  }
0xcc: {  	s0 =	rddreg [dreg:$0x6];
	[sflag:s3] =	ssyncadd.s32 $0xFFFFF800  }
0xcd: {  	[tilespmem:s4], [sflag:$0x1] =	stream.indirect.gather [hbm4b:s5+s7], $0x8, s2, s7, $0xb8;
	[tilespmem:$0x4800] =	vst v63  }
0xce: {  	s1 =	rddreg [dreg:$0x7]  }
0xcf: {  	[tilespmem:s10], [sflag:$0x1] =	stream.indirect.gather [hbm4b:s5+s7], $0x8, s7, s7, $0xb8;
	[tilespmem:$0x4800] =	vst v63  }
0xd0: {  	s8 =	rddreg [dreg:$0x9]  }
0xd1: {  	[tilespmem:s1], [sflag:$0x1] =	stream.indirect.gather [hbm4b:s5+s7], $0x8, s0, s7, $0xb8;
	[tilespmem:$0x4800] =	vst v63  }
0xd2: {  	s9 =	rddreg [dreg:$0x8]  }
0xd3: {  	[tilespmem:s8], [sflag:$0x1] =	stream.indirect.gather [hbm4b:s5+s7], $0x8, s9, s7, $0xb8;
	[tilespmem:$0x4800] =	vst v63  }
0xd4: {  	s10 =	simm.s32 $0x1800;
	s1 =	rddreg [dreg:$0xa]  }
0xd5: {  	[tilespmem:s10], [sflag:$0x1] =	stream.indirect.gather [hbm4b:s5+s7], $0x8, s1, s7, $0xb8;
	[tilespmem:$0x4800] =	vst v63  }
0xd6: {  	s9 =	simm.s32 $0x1C00;
	s10 =	simm.s32 $0x280  }
0xd7: {  	[tilespmem:s9], [sflag:$0x1] =	stream.indirect.gather [hbm4b:s5+s7], $0x8, s10, s7, $0xb8;
	[tilespmem:$0x4800] =	vst v63  }
0xd8: {  	_ = 	snop  }
0xd9: {  	[tilespmem:s12], [sflag:$0x1] =	stream.indirect.gather [hbm4b:s5+s7], $0x8, s11, s7, $0xb8;
	[tilespmem:$0x4800] =	vst v63  }
0xda: {  	_ = 	snop  }
0xdb: {  	[tilespmem:s14], [sflag:$0x1] =	stream.indirect.gather [hbm4b:s5+s7], $0x8, s13, s7, $0xb8;
	[tilespmem:$0x4800] =	vst v63  }
0xdc: {  	_ = 	snop  }
0xdd: {  	[tilespmem:s16], [sflag:$0x1] =	stream.indirect.gather [hbm4b:s5+s7], $0x8, s15, s7, $0xb8;
	[tilespmem:$0x4800] =	vst v63  }
0xde: {  	_ = 	snop  }
0xdf: {  	[tilespmem:s18], [sflag:$0x1] =	stream.indirect.gather [hbm4b:s5+s7], $0x8, s17, s7, $0xb8;
	[tilespmem:$0x4800] =	vst v63  }
0xe0: {  	_ = 	snop  }
0xe1: {  	[tilespmem:s20], [sflag:$0x1] =	stream.indirect.gather [hbm4b:s5+s7], $0x8, s19, s7, $0xb8;
	[tilespmem:$0x4800] =	vst v63  }
0xe2: {  	_ = 	snop  }
0xe3: {  	[tilespmem:s22], [sflag:$0x1] =	stream.indirect.gather [hbm4b:s5+s7], $0x8, s21, s7, $0xb8;
	[tilespmem:$0x4800] =	vst v63  }
0xe4: {  	_ = 	snop  }
0xe5: {  	[tilespmem:s24], [sflag:$0x1] =	stream.indirect.gather [hbm4b:s5+s7], $0x8, s23, s7, $0xb8;
	[tilespmem:$0x4800] =	vst v63  }
0xe6: {  	_ = 	snop  }
0xe7: {  	[tilespmem:s26], [sflag:$0x1] =	stream.indirect.gather [hbm4b:s5+s7], $0x8, s25, s7, $0xb8;
	[tilespmem:$0x4800] =	vst v63  }
0xe8: {  	_ = 	snop  }
0xe9: {  	[tilespmem:s29], [sflag:$0x1] =	stream.indirect.gather [hbm4b:s5+s7], $0x8, s28, s7, $0xb8;
	[tilespmem:$0x4800] =	vst v63  }
0xea: {  	_ = 	snop  }
0xeb: {  	[tilespmem:s31], [sflag:$0x1] =	stream.indirect.gather [hbm4b:s5+s7], $0x8, s30, s7, $0xb8;
	[tilespmem:$0x4800] =	vst v63  }
0xec: {  	_ =	swait.ge [sflag:s6], $0x400  }
0xed: {  	[sflag:s6] =	ssyncset.done $0x0  }
0xee: {  	[sflag:s6] =	ssyncadd.s32 $0xFFFFFC00  }
0xef: {  	_ =	swait.ge [sflag:s6], $0x400  }
0xf0: {  	[sflag:s6] =	ssyncset.done $0x0  }
0xf1: {  	[sflag:s6] =	ssyncadd.s32 $0xFFFFFC00  }
0xf2: {  	_ =	swait.ge [sflag:s6], $0x400  }
0xf3: {  	[sflag:s6] =	ssyncset.done $0x0  }
0xf4: {  	[sflag:s6] =	ssyncadd.s32 $0xFFFFFC00  }
0xf5: {  	_ =	swait.ge [sflag:s6], $0x400  }
0xf6: {  	[sflag:s6] =	ssyncset.done $0x0  }
0xf7: {  	[sflag:s6] =	ssyncadd.s32 $0xFFFFFC00  }
0xf8: {  	_ =	swait.ge [sflag:s6], $0x400  }
0xf9: {  	[sflag:s6] =	ssyncset.done $0x0  }
0xfa: {  	[sflag:s6] =	ssyncadd.s32 $0xFFFFFC00  }
0xfb: {  	_ =	swait.ge [sflag:s6], $0x400  }
0xfc: {  	[sflag:s6] =	ssyncset.done $0x0  }
0xfd: {  	[sflag:s6] =	ssyncadd.s32 $0xFFFFFC00  }
0xfe: {  	_ =	swait.ge [sflag:s6], $0x400  }
0xff: {  	[sflag:s6] =	ssyncset.done $0x0  }
0x100: {  	[sflag:s6] =	ssyncadd.s32 $0xFFFFFC00  }
0x101: {  	_ =	swait.ge [sflag:s6], $0x400  }
0x102: {  	[sflag:s6] =	ssyncset.done $0x0  }
0x103: {  	[sflag:s6] =	ssyncadd.s32 $0xFFFFFC00  }
0x104: {  	_ =	swait.ge [sflag:s6], $0x400  }
0x105: {  	[sflag:s6] =	ssyncset.done $0x0  }
0x106: {  	[sflag:s6] =	ssyncadd.s32 $0xFFFFFC00  }
0x107: {  	_ =	swait.ge [sflag:s6], $0x400  }
0x108: {  	[sflag:s6] =	ssyncset.done $0x0  }
0x109: {  	[sflag:s6] =	ssyncadd.s32 $0xFFFFFC00  }
0x10a: {  	_ =	swait.ge [sflag:s6], $0x400  }
0x10b: {  	[sflag:s6] =	ssyncset.done $0x0  }
0x10c: {  	[sflag:s6] =	ssyncadd.s32 $0xFFFFFC00  }
0x10d: {  	_ =	swait.ge [sflag:s6], $0x400  }
0x10e: {  	[sflag:s6] =	ssyncset.done $0x0  }
0x10f: {  	[sflag:s6] =	ssyncadd.s32 $0xFFFFFC00  }
0x110: {  	_ =	swait.ge [sflag:s6], $0x400  }
0x111: {  	[sflag:s6] =	ssyncset.done $0x0  }
0x112: {  	[sflag:s6] =	ssyncadd.s32 $0xFFFFFC00  }
0x113: {  	_ =	swait.ge [sflag:s6], $0x400  }
0x114: {  	[sflag:s6] =	ssyncset.done $0x0  }
0x115: {  	[sflag:s6] =	ssyncadd.s32 $0xFFFFFC00  }
0x116: {  	_ =	swait.ge [sflag:s6], $0x400  }
0x117: {  	[sflag:s6] =	ssyncset.done $0x0  }
0x118: {  	[sflag:s6] =	ssyncadd.s32 $0xFFFFFC00  }
0x119: {  	_ =	swait.ge [sflag:s6], $0x400  }
0x11a: {  	[sflag:s6] =	ssyncset.done $0x0  }
0x11b: {  	s30 =	rddreg [dreg:$0x4];
	[sflag:s6] =	ssyncadd.s32 $0xFFFFFC00  }
0x11c: {  	[hbm4b:s30+s2] =	stream.linear.scatter [tilespmem:s4], [sflag:$0x2], $0x4000, $0x38;
	[tilespmem:$0x4800] =	vst v63  }
0x11d: {  	_ =	swait.ge [sflag:s3], $0x4000  }
0x11e: {  	[sflag:s3] =	ssyncset.done $0x0  }
0x11f: {  	[sflag:s3] =	ssyncadd.s32 $0xFFFFC000  }
0x120: {  	_ =	sfence.sel $0x180000  }
0x121: {  	[bflag:$0x0] =	sbarrier.arrive $0xFFFF  }
0x122: {  	_ =	strace $0x90000047  }
0x123: {  	s31 =	stileid.u32;
	[bflag:$0x2] =	sbarrier.arrive $0xFFFF  }
0x124: {  	p0 =	sne.s32 s31, $0x0;
	s0 =	rddreg [dreg:$0x2]  }
0x125: {  	s0 =	sadd.s32 @!p0 $0x100000, s0  }
0x126: {  	[sflag:s0] =	ssyncadd.tile.s32 @!p0 $0x1;
	_ =	shalt  }
.Lfunc_end2:
_tile_overlayer_lowered:
.L_overlay_start_2:
0x127: {  	(tag) =	ssettag $0x2  }
0x128: {  	s0 =	rddreg [dreg:$0x0];
	s2 =	stileid.u32  }
0x129: {  	s1 =	rddreg [dreg:$0x1];
	p0 =	sne.s32 s2, $0x0  }
0x12a: {  	s3 =	rddreg [dreg:$0x2];
	[bflag:$0x3] =	sbarrier.arrive $0xFFFF;
	s2 =	simm.s32 @!p0 $0x1C02  }
0x12b: {  	[timem:s3], [sflag:s2] =	dma.local @!p0 [hbm:s0], s1  }
0x12c: {  	s0 =	simm.s32 @!p0 $0x2  }
0x12d: {  	_ =	swait.ge @!p0 [sflag:s0], s1  }
0x12e: {  	s1 =	ssub.s32 @!p0 $0x0, s1;
	[sflag:s0] =	ssyncset.done @!p0 $0x0  }
0x12f: {  	[sflag:s0] =	ssyncadd.s32 @!p0 s1  }
0x130: {  	[bflag:$0x3] =	sbarrier.arrive $0xFFFF  }
0x131: {  	_ =	shalt  }

</sc_bundles>
